<compile_context>
chip_gen: v7x
topology: tpu7x:2x2x1
jax: 0.10.2.dev20260603
libtpu: 0.0.44.dev20260713+nightly
codegen_flags: <defaults>
</compile_context>

<pallas_src>
import functools

import jax
import jax.numpy as jnp
from jax import lax
from jax.experimental import pallas as pl
from jax.experimental.pallas import tpu as pltpu
from jax.experimental.pallas import tpu_sc as plsc

N = 10000
E = 320000
G = 32
NC = 2
NS = 16
RB = 1000
NB = N // RB
CH = 128
PER_W = E // (NC * NS)
ITERS = 80
NSINK = 8
CHP = 80
ITERSP = PER_W // CHP
RS_SMALL = 624
RS_BIG = N - RS_SMALL * (NS - 1)


def _row_split(s, fn):
    @pl.when(s < NS - 1)
    def _():
        fn(s * RS_SMALL, RS_SMALL)

    @pl.when(s == NS - 1)
    def _():
        fn(RS_SMALL * (NS - 1), RS_BIG)

_f32 = jnp.float32


def _sc_mesh():
    return plsc.VectorSubcoreMesh(
        core_axis_name="c", subcore_axis_name="s",
        num_cores=NC, num_subcores=NS)




@functools.lru_cache(maxsize=None)
def _make_degree():
    @functools.partial(
        pl.kernel,
        out_type=jax.ShapeDtypeStruct((NC, N, 128), _f32),
        mesh=_sc_mesh(),
        scratch_types=[
            pltpu.VMEM((ITERS, CH), jnp.int32),
            pltpu.VMEM((CH, 128), _f32),
            pltpu.VMEM_SHARED((N + NSINK, 128), _f32),
            pltpu.SemaphoreType.DMA,
        ],
    )
    def deg_kernel(dstr_hbm, ones_hbm, zeros_hbm, out_hbm,
                   dst_all, ones_v, acc_sh, ssem):
        c = lax.axis_index("c")
        s = lax.axis_index("s")
        wid = c * NS + s
        pltpu.sync_copy(ones_hbm, ones_v)
        pltpu.sync_copy(dstr_hbm.at[wid], dst_all)
        _row_split(s, lambda r0, nr: pltpu.sync_copy(
            zeros_hbm.at[pl.ds(0, nr)], acc_sh.at[pl.ds(r0, nr)]))
        plsc.subcore_barrier()

        def body(i, carry):
            pltpu.async_copy(ones_v, acc_sh.at[dst_all.at[i]],
                             ssem, add=True)
            return carry

        lax.fori_loop(0, ITERS, body, 0)

        def drain(i, carry):
            pltpu.make_async_copy(
                zeros_hbm.at[pl.ds(0, CH)], ones_v, ssem).wait()
            return carry

        lax.fori_loop(0, ITERS, drain, 0)
        plsc.subcore_barrier()
        _row_split(s, lambda r0, nr: pltpu.sync_copy(
            acc_sh.at[pl.ds(r0, nr)], out_hbm.at[c, pl.ds(r0, nr)]))

    return deg_kernel


@functools.lru_cache(maxsize=None)
def _make_prop(num_blocks):
    scratch = [
        pltpu.VMEM((CHP,), jnp.int32),
        pltpu.VMEM((CHP,), jnp.int32),
        pltpu.VMEM((CHP, 128), _f32),
        pltpu.VMEM_SHARED((N, 128), _f32),
        pltpu.SemaphoreType.DMA,
    ]
    out_type = [jax.ShapeDtypeStruct((NC, N, 128), _f32)
                for _ in range(num_blocks)]

    @functools.partial(pl.kernel, out_type=out_type, mesh=_sc_mesh(),
                       scratch_types=scratch)
    def prop_kernel(src_hbm, dst_hbm, zeros_hbm, *rest):
        pieces = rest[:num_blocks]
        outs = rest[num_blocks:2 * num_blocks]
        src_v, dst_v, rows_v, acc_sh, sem = rest[2 * num_blocks:]
        c = lax.axis_index("c")
        s = lax.axis_index("s")
        ebase = (c * NS + s) * PER_W
        for b in range(num_blocks):
            _row_split(s, lambda r0, nr: pltpu.sync_copy(
                zeros_hbm.at[pl.ds(0, nr)], acc_sh.at[pl.ds(r0, nr)]))
            plsc.subcore_barrier()

            def body(i, carry, b=b):
                base = ebase + i * CHP
                pltpu.sync_copy(src_hbm.at[pl.ds(base, CHP)], src_v)
                pltpu.sync_copy(dst_hbm.at[pl.ds(base, CHP)], dst_v)
                pltpu.async_copy(pieces[b].at[src_v], rows_v, sem).wait()
                pltpu.sync_copy(rows_v, acc_sh.at[dst_v], add=True)
                return carry

            lax.fori_loop(0, ITERSP, body, 0)
            plsc.subcore_barrier()
            _row_split(s, lambda r0, nr, b=b: pltpu.sync_copy(
                acc_sh.at[pl.ds(r0, nr)], outs[b].at[c, pl.ds(r0, nr)]))
            plsc.subcore_barrier()

    return prop_kernel


def _sc_degree(dst, ones128, zeros128):
    dstr = _pad_idx(dst, N)
    return _make_degree()(dstr, ones128, zeros128)


def _pad_idx(idx, fill):
    per_w = idx.reshape(NC * NS, PER_W)
    padded = jnp.pad(per_w, ((0, 0), (0, ITERS * CH - PER_W)),
                     constant_values=fill)
    return padded.reshape(NC * NS, ITERS, CH)


def _sc_prop(src, dst, zeros128, pieces):
    outs = _make_prop(len(pieces))(src, dst, zeros128, *pieces)
    return list(outs)




def _finalize_deg(degparts, x):
    def body(dp_ref, x_ref, dinv_ref, y0_ref):
        deg = dp_ref[0, :, 0:1] + dp_ref[1, :, 0:1] + 1.0
        dinv = lax.rsqrt(deg)
        dinv_ref[...] = jnp.broadcast_to(dinv, (RB, 8))
        y0_ref[...] = x_ref[...] * dinv

    return pl.pallas_call(
        body,
        grid=(NB,),
        in_specs=[
            pl.BlockSpec((NC, RB, 128), lambda b: (0, b, 0)),
            pl.BlockSpec((RB, 128), lambda b: (b, 0)),
        ],
        out_specs=[
            pl.BlockSpec((RB, 8), lambda b: (b, 0)),
            pl.BlockSpec((RB, 128), lambda b: (b, 0)),
        ],
        out_shape=[
            jax.ShapeDtypeStruct((N, 8), _f32),
            jax.ShapeDtypeStruct((N, 128), _f32),
        ],
    )(degparts, x)


def _combine(parts, y, dinv8):
    def body(p_ref, y_ref, dinv_ref, o_ref):
        o_ref[...] = ((p_ref[0] + p_ref[1] + y_ref[...])
                      * dinv_ref[:, 0:1])

    return pl.pallas_call(
        body,
        grid=(NB,),
        in_specs=[
            pl.BlockSpec((NC, RB, 128), lambda b: (0, b, 0)),
            pl.BlockSpec((RB, 128), lambda b: (b, 0)),
            pl.BlockSpec((RB, 8), lambda b: (b, 0)),
        ],
        out_specs=pl.BlockSpec((RB, 128), lambda b: (b, 0)),
        out_shape=jax.ShapeDtypeStruct((N, 128), _f32),
    )(parts, y, dinv8)


def _matmul_stats(pieces, w):
    npc = len(pieces)
    wo = w.shape[1]

    def body(*refs):
        piece_refs = refs[:npc]
        w_ref = refs[npc]
        t_ref, st_ref = refs[npc + 1:]
        b = pl.program_id(0)
        acc = jnp.zeros((RB, wo), _f32)
        for j in range(npc):
            acc = acc + jnp.dot(piece_refs[j][...],
                                w_ref[j * 128:(j + 1) * 128, :],
                                preferred_element_type=_f32,
                                precision=lax.Precision.HIGHEST)
        t_ref[...] = acc

        @pl.when(b == 0)
        def _():
            st_ref[...] = jnp.zeros((8, wo), _f32)

        st_ref[0:1, :] = st_ref[0:1, :] + jnp.sum(acc, 0, keepdims=True)
        st_ref[1:2, :] = st_ref[1:2, :] + jnp.sum(acc * acc, 0, keepdims=True)

    return pl.pallas_call(
        body,
        grid=(NB,),
        in_specs=[pl.BlockSpec((RB, 128), lambda b: (b, 0))
                  for _ in range(npc)]
                 + [pl.BlockSpec((128 * npc, wo), lambda b: (0, 0))],
        out_specs=[
            pl.BlockSpec((RB, wo), lambda b: (b, 0)),
            pl.BlockSpec((8, wo), lambda b: (0, 0)),
        ],
        out_shape=[
            jax.ShapeDtypeStruct((N, wo), _f32),
            jax.ShapeDtypeStruct((8, wo), _f32),
        ],
    )(*pieces, w)


def _bn_apply(t, stats, gb, dinv8, batchf, nys):
    wo = t.shape[1]

    def body(*refs):
        t_ref, st_ref, gb_ref, dinv_ref, bf_ref, pool_ref = refs[:6]
        ys_refs = refs[6:]
        b = pl.program_id(0)
        m = st_ref[0:1, :] * (1.0 / N)
        var = st_ref[1:2, :] * (1.0 / N) - m * m
        t_blk = t_ref[...]
        h = gb_ref[0:1, :] * (t_blk - m) * lax.rsqrt(var + 1e-5) + gb_ref[1:2, :]
        h = jnp.maximum(h, 0.0)
        for j in range(nys):
            ys_refs[j][...] = h[:, j * 128:(j + 1) * 128] * dinv_ref[:, 0:1]

        @pl.when(b == 0)
        def _():
            pool_ref[...] = jnp.full((G, wo), -jnp.inf, _f32)

        bf = bf_ref[...]
        for g in range(G):
            hm = jnp.where(bf == float(g), h, -jnp.inf)
            mx = jnp.max(hm, axis=0, keepdims=True)
            pool_ref[g:g + 1, :] = jnp.maximum(pool_ref[g:g + 1, :], mx)

    outs = pl.pallas_call(
        body,
        grid=(NB,),
        in_specs=[
            pl.BlockSpec((RB, wo), lambda b: (b, 0)),
            pl.BlockSpec((8, wo), lambda b: (0, 0)),
            pl.BlockSpec((8, wo), lambda b: (0, 0)),
            pl.BlockSpec((RB, 8), lambda b: (b, 0)),
            pl.BlockSpec((RB, 1), lambda b: (b, 0)),
        ],
        out_specs=[pl.BlockSpec((G, wo), lambda b: (0, 0))]
                  + [pl.BlockSpec((RB, 128), lambda b: (b, 0))
                     for _ in range(nys)],
        out_shape=[jax.ShapeDtypeStruct((G, wo), _f32)]
                  + [jax.ShapeDtypeStruct((N, 128), _f32)
                     for _ in range(nys)],
    )(t, stats, gb, dinv8, batchf)
    return outs[0], list(outs[1:])


def _segmax(x, batchf):
    wo = x.shape[1]

    def body(x_ref, bf_ref, pool_ref):
        b = pl.program_id(0)

        @pl.when(b == 0)
        def _():
            pool_ref[...] = jnp.full((G, wo), -jnp.inf, _f32)

        h = x_ref[...]
        bf = bf_ref[...]
        for g in range(G):
            hm = jnp.where(bf == float(g), h, -jnp.inf)
            mx = jnp.max(hm, axis=0, keepdims=True)
            pool_ref[g:g + 1, :] = jnp.maximum(pool_ref[g:g + 1, :], mx)

    return pl.pallas_call(
        body,
        grid=(NB,),
        in_specs=[
            pl.BlockSpec((RB, wo), lambda b: (b, 0)),
            pl.BlockSpec((RB, 1), lambda b: (b, 0)),
        ],
        out_specs=pl.BlockSpec((G, wo), lambda b: (0, 0)),
        out_shape=jax.ShapeDtypeStruct((G, wo), _f32),
    )(x, batchf)


def _head(pooled, wf0, gb0, wf1, gb1, wout, bout2):
    def body(p_ref, w0_ref, g0_ref, w1_ref, g1_ref, wo_ref, bo_ref, o_ref):
        p = p_ref[...]
        p = jnp.where(jnp.isneginf(p), 0.0, p)
        h = jnp.dot(p, w0_ref[...], preferred_element_type=_f32, precision=lax.Precision.HIGHEST)
        m = jnp.mean(h, 0, keepdims=True)
        v = jnp.mean(h * h, 0, keepdims=True) - m * m
        h = jnp.maximum(
            g0_ref[0:1, :] * (h - m) * lax.rsqrt(v + 1e-5) + g0_ref[1:2, :],
            0.0)
        h2 = jnp.dot(h, w1_ref[...], preferred_element_type=_f32, precision=lax.Precision.HIGHEST)
        m2 = jnp.mean(h2, 0, keepdims=True)
        v2 = jnp.mean(h2 * h2, 0, keepdims=True) - m2 * m2
        h2 = jnp.maximum(
            g1_ref[0:1, :] * (h2 - m2) * lax.rsqrt(v2 + 1e-5) + g1_ref[1:2, :],
            0.0)
        lg = jnp.dot(h2, wo_ref[...], preferred_element_type=_f32, precision=lax.Precision.HIGHEST) + bo_ref[...]
        mx = jnp.max(lg, axis=1, keepdims=True)
        lse = jnp.log(jnp.sum(jnp.exp(lg - mx), axis=1, keepdims=True)) + mx
        o_ref[...] = lg - lse

    return pl.pallas_call(
        body,
        out_shape=jax.ShapeDtypeStruct((G, 10), _f32),
    )(pooled, wf0, gb0, wf1, gb1, wout, bout2)


def _gb(gamma, beta):
    wo = gamma.shape[0]
    return jnp.concatenate(
        [gamma[None, :], beta[None, :], jnp.zeros((6, wo), _f32)], axis=0)




def kernel(x, edge_index, batch,
           Wg0, bg0, gamma0, beta0, Wg1, bg1, gamma1, beta1,
           Wg2, bg2, gamma2, beta2, Wg3, bg3, gamma3, beta3,
           Wf0, bf0, gf0, betf0, Wf1, bf1, gf1, betf1, Wout, bout):
    src = edge_index[0]
    dst = edge_index[1]
    zeros128 = jnp.zeros((RS_BIG, 128), _f32)
    ones128 = jnp.ones((CH, 128), _f32)
    batchf = batch.astype(_f32)[:, None]

    degparts = _sc_degree(dst, ones128, zeros128)
    dinv8, y0 = _finalize_deg(degparts, x)

    (pxr,) = _sc_prop(src, dst, zeros128, [y0])
    px = _combine(pxr, y0, dinv8)

    t0, st0 = _matmul_stats([px], Wg0)
    pool0, ys0 = _bn_apply(t0, st0, _gb(gamma0, beta0), dinv8, batchf, nys=1)
    (p0r,) = _sc_prop(src, dst, zeros128, ys0)
    ph0 = _combine(p0r, ys0[0], dinv8)

    t1, st1 = _matmul_stats([px, ph0], Wg1)
    pool1, ys1 = _bn_apply(t1, st1, _gb(gamma1, beta1), dinv8, batchf, nys=1)
    (p1r,) = _sc_prop(src, dst, zeros128, ys1)
    ph1 = _combine(p1r, ys1[0], dinv8)

    t2, st2 = _matmul_stats([px, ph0, ph1], Wg2)
    pool2, ys2 = _bn_apply(t2, st2, _gb(gamma2, beta2), dinv8, batchf, nys=4)
    p2rs = _sc_prop(src, dst, zeros128, ys2)
    ph2s = [_combine(p2rs[j], ys2[j], dinv8) for j in range(4)]

    t3, st3 = _matmul_stats([px, ph0, ph1] + ph2s, Wg3)
    pool3, _ = _bn_apply(t3, st3, _gb(gamma3, beta3), dinv8, batchf, nys=0)

    poolx = _segmax(x, batchf)
    pooled = jnp.concatenate([poolx, pool0, pool1, pool2, pool3], axis=1)
    return _head(pooled, Wf0, _gb(gf0, betf0), Wf1, _gb(gf1, betf1),
                 Wout, bout[None, :])

# --- scband reference (transcript-rebuilt; emitter-appended) ---
"""Pipeline reference for scband-dense-gcnclassifier-30124900614169 (READ-ONLY COPY).

The authoritative reference and input builder live on the scoring server;
editing this copy changes nothing except your own understanding.
"""

import jax, jax.numpy as jnp
import numpy as np

N = 10000
E = 320000
G = 32
CLASSES = 10
SIZES = [(128, 128), (256, 128), (384, 512), (896, 1024)]
FCS = [(1920, 512), (512, 128)]


def setup_inputs(seed: int = 0):
    key = jax.random.key(seed)
    ks = iter(jax.random.split(key, 64))
    inp = {}
    inp['x'] = jax.random.normal(next(ks), (N, 128), dtype=jnp.float32)
    inp['edge_index'] = jax.random.randint(next(ks), (2, E), 0, N, dtype=jnp.int32)
    inp['batch'] = jnp.sort(jax.random.randint(next(ks), (N,), 0, G, dtype=jnp.int32))
    for i, (fi, fo) in enumerate(SIZES):
        inp['Wg%d' % i] = jax.random.normal(next(ks), (fi, fo), dtype=jnp.float32) * (1.0 / np.sqrt(fi))
        inp['bg%d' % i] = jnp.zeros((fo,), dtype=jnp.float32)
        inp['gamma%d' % i] = jnp.ones((fo,), dtype=jnp.float32)
        inp['beta%d' % i] = jnp.zeros((fo,), dtype=jnp.float32)
    for i, (fi, fo) in enumerate(FCS):
        inp['Wf%d' % i] = jax.random.normal(next(ks), (fi, fo), dtype=jnp.float32) * (1.0 / np.sqrt(fi))
        inp['bf%d' % i] = jnp.zeros((fo,), dtype=jnp.float32)
        inp['gf%d' % i] = jnp.ones((fo,), dtype=jnp.float32)
        inp['betf%d' % i] = jnp.zeros((fo,), dtype=jnp.float32)
    inp['Wout'] = jax.random.normal(next(ks), (128, CLASSES), dtype=jnp.float32) * (1.0 / np.sqrt(128))
    inp['bout'] = jnp.zeros((CLASSES,), dtype=jnp.float32)
    return inp


def _bn(h, g, b):
    m = h.mean(axis=0)
    v = h.var(axis=0)
    return g * (h - m) / jnp.sqrt(v + 1e-5) + b


def _gcn(x, src, dst, W, b, n):
    xw = x @ W
    si = jnp.arange(n, dtype=src.dtype)
    s = jnp.concatenate([src, si])
    d = jnp.concatenate([dst, si])
    deg = jnp.zeros((n,), xw.dtype).at[d].add(1.0)
    dinv = jnp.where(deg > 0, jax.lax.rsqrt(jnp.maximum(deg, 1e-12)), 0.0)
    norm = dinv[s] * dinv[d]
    msg = xw[s] * norm[:, None]
    return jnp.zeros((n, W.shape[1]), xw.dtype).at[d].add(msg) + b


def reference(x, edge_index, batch, Wg0, bg0, gamma0, beta0, Wg1, bg1, gamma1, beta1, Wg2, bg2, gamma2, beta2, Wg3, bg3, gamma3, beta3, Wf0, bf0, gf0, betf0, Wf1, bf1, gf1, betf1, Wout, bout):
    src = edge_index[0]
    dst = edge_index[1]
    n = x.shape[0]
    out = x
    gparams = [(Wg0, bg0, gamma0, beta0), (Wg1, bg1, gamma1, beta1), (Wg2, bg2, gamma2, beta2), (Wg3, bg3, gamma3, beta3)]
    for W, b, g, bb in gparams:
        h = _gcn(out, src, dst, W, b, n)
        h = jax.nn.relu(_bn(h, g, bb))
        out = jnp.concatenate([out, h], axis=1)
    pooled = jax.ops.segment_max(out, batch, num_segments=G)
    pooled = jnp.where(jnp.isneginf(pooled), 0.0, pooled)
    h = jax.nn.relu(_bn(pooled @ Wf0 + bf0, gf0, betf0))
    h = jax.nn.relu(_bn(h @ Wf1 + bf1, gf1, betf1))
    logits = h @ Wout + bout
    return jax.nn.log_softmax(logits, axis=1)

if __name__ == "__main__":
    import jax
    _d = setup_inputs()
    print(jax.jit(kernel)(*tuple(_d.values())))

</pallas_src>

<mosaic_0001>
#map = affine_map<(d0, d1) -> (0)>
#map1 = affine_map<(d0, d1) -> (0, 0)>
#map2 = affine_map<(d0, d1) -> (0, 0, 0)>
module attributes {stable_mosaic.version = 14 : i64} {
  func.func @prop_kernel(%arg0: i32, %arg1: i32, %arg2: memref<320000xi32, #tpu.memory_space<hbm>>, %arg3: memref<320000xi32, #tpu.memory_space<hbm>>, %arg4: memref<640x128xf32, #tpu.memory_space<hbm>>, %arg5: memref<10000x128xf32, #tpu.memory_space<hbm>>, %arg6: memref<2x10000x128xf32, #tpu.memory_space<hbm>>, %arg7: memref<80xi32, #tpu.memory_space<vmem>>, %arg8: memref<80xi32, #tpu.memory_space<vmem>>, %arg9: memref<80x128xf32, #tpu.memory_space<vmem>>, %arg10: memref<10000x128xf32, #tpu.memory_space<vmem_shared>>, %arg11: memref<!tpu.dma_semaphore, #tpu.memory_space<semaphore_mem>>) attributes {dimension_semantics = [#tpu.dimension_semantics<core_parallel>, #tpu.dimension_semantics<subcore_parallel>], iteration_bounds = array<i64: 2, 16>, scalar_prefetch = 0 : i64, scratch_operands = 5 : i64, tpu.core_type = #tpu.core_type<sc_vector_subcore>, window_params = [{transform_indices = #map}, {transform_indices = #map}, {transform_indices = #map1}, {transform_indices = #map1}, {transform_indices = #map2}]} {
    %mul3A = arith.constant 16 : i32
    %mul3A_0 = arith.muli %arg0, %mul3A : i32
    %add3A = arith.addi %mul3A_0, %arg1 : i32
    %mul3A_1 = arith.constant 10000 : i32
    %mul3A_2 = arith.muli %add3A, %mul3A_1 : i32
    %lt3A = arith.constant 15 : i32
    %lt3A_3 = arith.cmpi slt, %arg1, %lt3A : i32
    %convert_element_type3A = arith.extui %lt3A_3 : i1 to i32
    %cond3A = arith.constant 0 : i32
    %cond3A_4 = arith.cmpi ne, %convert_element_type3A, %cond3A : i32
    scf.if %cond3A_4 {
      %mul3A_26 = arith.constant 624 : i32
      %mul3A_27 = arith.muli %arg1, %mul3A_26 : i32
      "tpu.region"() ({
        %run_scoped3A = tpu.sem_alloc : memref<!tpu.dma_semaphore, #tpu.memory_space<semaphore_mem>>
        %dma_start3A = arith.constant 0 : i32
        %dma_start3A_28 = tpu.memref_slice %arg10[%mul3A_27, %dma_start3A] : memref<10000x128xf32, #tpu.memory_space<vmem_shared>> -> memref<624x128xf32, #tpu.memory_space<vmem_shared>>
        %dma_start3A_29 = arith.constant 0 : i32
        %dma_start3A_30 = arith.constant 0 : i32
        %dma_start3A_31 = tpu.memref_slice %arg4[%dma_start3A_29, %dma_start3A_30] : memref<640x128xf32, #tpu.memory_space<hbm>> -> memref<624x128xf32, #tpu.memory_space<hbm>>
        tpu.enqueue_dma source(%dma_start3A_31 : memref<624x128xf32, #tpu.memory_space<hbm>>) target(%dma_start3A_28 : memref<624x128xf32, #tpu.memory_space<vmem_shared>>) target_semaphore(%run_scoped3A : memref<!tpu.dma_semaphore, #tpu.memory_space<semaphore_mem>>)
        %dma_wait3A = arith.constant 0 : i32
        %dma_wait3A_32 = tpu.memref_slice %arg10[%mul3A_27, %dma_wait3A] : memref<10000x128xf32, #tpu.memory_space<vmem_shared>> -> memref<624x128xf32, #tpu.memory_space<vmem_shared>>
        %dma_wait3A_33 = arith.constant 0 : i32
        %dma_wait3A_34 = arith.constant 0 : i32
        %dma_wait3A_35 = tpu.memref_slice %arg4[%dma_wait3A_33, %dma_wait3A_34] : memref<640x128xf32, #tpu.memory_space<hbm>> -> memref<624x128xf32, #tpu.memory_space<hbm>>
        tpu.wait_dma2 semaphore(%run_scoped3A : memref<!tpu.dma_semaphore, #tpu.memory_space<semaphore_mem>>) src(%dma_wait3A_35 : memref<624x128xf32, #tpu.memory_space<hbm>>) dst(%dma_wait3A_32 : memref<624x128xf32, #tpu.memory_space<vmem_shared>>)
        tpu.yield
      }) : () -> ()
    } else {
    }
    %eq3A = arith.constant 15 : i32
    %eq3A_5 = arith.cmpi eq, %arg1, %eq3A : i32
    %convert_element_type3A_6 = arith.extui %eq3A_5 : i1 to i32
    %cond3A_7 = arith.constant 0 : i32
    %cond3A_8 = arith.cmpi ne, %convert_element_type3A_6, %cond3A_7 : i32
    scf.if %cond3A_8 {
      "tpu.region"() ({
        %run_scoped3A = tpu.sem_alloc : memref<!tpu.dma_semaphore, #tpu.memory_space<semaphore_mem>>
        %dma_start3A = arith.constant 9360 : i32
        %dma_start3A_26 = arith.constant 0 : i32
        %dma_start3A_27 = tpu.memref_slice %arg10[%dma_start3A, %dma_start3A_26] : memref<10000x128xf32, #tpu.memory_space<vmem_shared>> -> memref<640x128xf32, #tpu.memory_space<vmem_shared>>
        %dma_start3A_28 = arith.constant 0 : i32
        %dma_start3A_29 = arith.constant 0 : i32
        %dma_start3A_30 = tpu.memref_slice %arg4[%dma_start3A_28, %dma_start3A_29] : memref<640x128xf32, #tpu.memory_space<hbm>> -> memref<640x128xf32, #tpu.memory_space<hbm>>
        tpu.enqueue_dma source(%dma_start3A_30 : memref<640x128xf32, #tpu.memory_space<hbm>>) target(%dma_start3A_27 : memref<640x128xf32, #tpu.memory_space<vmem_shared>>) target_semaphore(%run_scoped3A : memref<!tpu.dma_semaphore, #tpu.memory_space<semaphore_mem>>)
        %dma_wait3A = arith.constant 9360 : i32
        %dma_wait3A_31 = arith.constant 0 : i32
        %dma_wait3A_32 = tpu.memref_slice %arg10[%dma_wait3A, %dma_wait3A_31] : memref<10000x128xf32, #tpu.memory_space<vmem_shared>> -> memref<640x128xf32, #tpu.memory_space<vmem_shared>>
        %dma_wait3A_33 = arith.constant 0 : i32
        %dma_wait3A_34 = arith.constant 0 : i32
        %dma_wait3A_35 = tpu.memref_slice %arg4[%dma_wait3A_33, %dma_wait3A_34] : memref<640x128xf32, #tpu.memory_space<hbm>> -> memref<640x128xf32, #tpu.memory_space<hbm>>
        tpu.wait_dma2 semaphore(%run_scoped3A : memref<!tpu.dma_semaphore, #tpu.memory_space<semaphore_mem>>) src(%dma_wait3A_35 : memref<640x128xf32, #tpu.memory_space<hbm>>) dst(%dma_wait3A_32 : memref<640x128xf32, #tpu.memory_space<vmem_shared>>)
        tpu.yield
      }) : () -> ()
    } else {
    }
    %barrier3A = arith.constant 0 : index
    tpu.barrier barrier_id(%barrier3A)
    %scan3A = arith.constant 0 : i32
    %scan3A_9 = arith.constant 0 : i32
    %scan3A_10 = arith.constant 125 : i32
    %scan3A_11 = arith.addi %scan3A_9, %scan3A_10 : i32
    %scan3A_12 = arith.constant 1 : i32
    scf.for %scan3A_26 = %scan3A_9 to %scan3A_11 step %scan3A_12  : i32 {
      %mul3A_27 = arith.constant 80 : i32
      %mul3A_28 = arith.muli %scan3A_26, %mul3A_27 : i32
      %add3A_29 = arith.addi %mul3A_2, %mul3A_28 : i32
      "tpu.region"() ({
        %run_scoped3A = tpu.sem_alloc : memref<!tpu.dma_semaphore, #tpu.memory_space<semaphore_mem>>
        %dma_start3A_34 = tpu.memref_slice %arg2[%add3A_29] : memref<320000xi32, #tpu.memory_space<hbm>> -> memref<80xi32, #tpu.memory_space<hbm>>
        %dma_start3A_35 = tpu.memref_slice %arg2[%add3A_29] : memref<320000xi32, #tpu.memory_space<hbm>> -> memref<80xi32, #tpu.memory_space<hbm>>
        tpu.enqueue_dma source(%dma_start3A_35 : memref<80xi32, #tpu.memory_space<hbm>>) target(%arg7 : memref<80xi32, #tpu.memory_space<vmem>>) target_semaphore(%run_scoped3A : memref<!tpu.dma_semaphore, #tpu.memory_space<semaphore_mem>>)
        %dma_wait3A_36 = tpu.memref_slice %arg2[%add3A_29] : memref<320000xi32, #tpu.memory_space<hbm>> -> memref<80xi32, #tpu.memory_space<hbm>>
        %dma_wait3A_37 = tpu.memref_slice %arg2[%add3A_29] : memref<320000xi32, #tpu.memory_space<hbm>> -> memref<80xi32, #tpu.memory_space<hbm>>
        tpu.wait_dma2 semaphore(%run_scoped3A : memref<!tpu.dma_semaphore, #tpu.memory_space<semaphore_mem>>) src(%dma_wait3A_37 : memref<80xi32, #tpu.memory_space<hbm>>) dst(%arg7 : memref<80xi32, #tpu.memory_space<vmem>>)
        tpu.yield
      }) : () -> ()
      "tpu.region"() ({
        %run_scoped3A = tpu.sem_alloc : memref<!tpu.dma_semaphore, #tpu.memory_space<semaphore_mem>>
        %dma_start3A_34 = tpu.memref_slice %arg3[%add3A_29] : memref<320000xi32, #tpu.memory_space<hbm>> -> memref<80xi32, #tpu.memory_space<hbm>>
        %dma_start3A_35 = tpu.memref_slice %arg3[%add3A_29] : memref<320000xi32, #tpu.memory_space<hbm>> -> memref<80xi32, #tpu.memory_space<hbm>>
        tpu.enqueue_dma source(%dma_start3A_35 : memref<80xi32, #tpu.memory_space<hbm>>) target(%arg8 : memref<80xi32, #tpu.memory_space<vmem>>) target_semaphore(%run_scoped3A : memref<!tpu.dma_semaphore, #tpu.memory_space<semaphore_mem>>)
        %dma_wait3A_36 = tpu.memref_slice %arg3[%add3A_29] : memref<320000xi32, #tpu.memory_space<hbm>> -> memref<80xi32, #tpu.memory_space<hbm>>
        %dma_wait3A_37 = tpu.memref_slice %arg3[%add3A_29] : memref<320000xi32, #tpu.memory_space<hbm>> -> memref<80xi32, #tpu.memory_space<hbm>>
        tpu.wait_dma2 semaphore(%run_scoped3A : memref<!tpu.dma_semaphore, #tpu.memory_space<semaphore_mem>>) src(%dma_wait3A_37 : memref<80xi32, #tpu.memory_space<hbm>>) dst(%arg8 : memref<80xi32, #tpu.memory_space<vmem>>)
        tpu.yield
      }) : () -> ()
      %dma_start3A = arith.constant 0 : i32
      %dma_start3A_30 = arith.constant 0 : i32
      %dma_start3A_31 = tpu.memref_slice %arg5[%dma_start3A, %dma_start3A_30] : memref<10000x128xf32, #tpu.memory_space<hbm>> -> memref<10000x128xf32, #tpu.memory_space<hbm>>
      tpu.enqueue_indirect_dma source(%dma_start3A_31 : memref<10000x128xf32, #tpu.memory_space<hbm>>) target(%arg9 : memref<80x128xf32, #tpu.memory_space<vmem>>) offsets(%arg7 : memref<80xi32, #tpu.memory_space<vmem>>) semaphore(%arg11 : memref<!tpu.dma_semaphore, #tpu.memory_space<semaphore_mem>>)
      %dma_wait3A = arith.constant 0 : i32
      %dma_wait3A_32 = arith.constant 0 : i32
      %dma_wait3A_33 = tpu.memref_slice %arg5[%dma_wait3A, %dma_wait3A_32] : memref<10000x128xf32, #tpu.memory_space<hbm>> -> memref<10000x128xf32, #tpu.memory_space<hbm>>
      tpu.wait_indirect_dma semaphore(%arg11 : memref<!tpu.dma_semaphore, #tpu.memory_space<semaphore_mem>>) src(%dma_wait3A_33 : memref<10000x128xf32, #tpu.memory_space<hbm>>) dst(%arg9 : memref<80x128xf32, #tpu.memory_space<vmem>>)
      "tpu.region"() ({
        %run_scoped3A = tpu.sem_alloc : memref<!tpu.dma_semaphore, #tpu.memory_space<semaphore_mem>>
        %dma_start3A_34 = arith.constant 0 : i32
        %dma_start3A_35 = arith.constant 0 : i32
        %dma_start3A_36 = tpu.memref_slice %arg10[%dma_start3A_34, %dma_start3A_35] : memref<10000x128xf32, #tpu.memory_space<vmem_shared>> -> memref<10000x128xf32, #tpu.memory_space<vmem_shared>>
        tpu.enqueue_indirect_dma source(%arg9 : memref<80x128xf32, #tpu.memory_space<vmem>>) target(%dma_start3A_36 : memref<10000x128xf32, #tpu.memory_space<vmem_shared>>) offsets(%arg8 : memref<80xi32, #tpu.memory_space<vmem>>) semaphore(%run_scoped3A : memref<!tpu.dma_semaphore, #tpu.memory_space<semaphore_mem>>) {add = true}
        %dma_wait3A_37 = arith.constant 0 : i32
        %dma_wait3A_38 = arith.constant 0 : i32
        %dma_wait3A_39 = tpu.memref_slice %arg10[%dma_wait3A_37, %dma_wait3A_38] : memref<10000x128xf32, #tpu.memory_space<vmem_shared>> -> memref<10000x128xf32, #tpu.memory_space<vmem_shared>>
        tpu.wait_indirect_dma semaphore(%run_scoped3A : memref<!tpu.dma_semaphore, #tpu.memory_space<semaphore_mem>>) src(%arg9 : memref<80x128xf32, #tpu.memory_space<vmem>>) dst(%dma_wait3A_39 : memref<10000x128xf32, #tpu.memory_space<vmem_shared>>)
        tpu.yield
      }) : () -> ()
    }
    %scan3A_13 = arith.constant 125 : i32
    %barrier3A_14 = arith.constant 0 : index
    tpu.barrier barrier_id(%barrier3A_14)
    %lt3A_15 = arith.constant 15 : i32
    %lt3A_16 = arith.cmpi slt, %arg1, %lt3A_15 : i32
    %convert_element_type3A_17 = arith.extui %lt3A_16 : i1 to i32
    %cond3A_18 = arith.constant 0 : i32
    %cond3A_19 = arith.cmpi ne, %convert_element_type3A_17, %cond3A_18 : i32
    scf.if %cond3A_19 {
      %mul3A_26 = arith.constant 624 : i32
      %mul3A_27 = arith.muli %arg1, %mul3A_26 : i32
      "tpu.region"() ({
        %run_scoped3A = tpu.sem_alloc : memref<!tpu.dma_semaphore, #tpu.memory_space<semaphore_mem>>
        %dma_start3A = arith.constant 0 : i32
        %dma_start3A_28 = tpu.memref_slice %arg6[%arg0, %mul3A_27, %dma_start3A] : memref<2x10000x128xf32, #tpu.memory_space<hbm>> -> memref<1x624x128xf32, #tpu.memory_space<hbm>>
        %dma_start3A_29 = tpu.memref_squeeze %dma_start3A_28 : memref<1x624x128xf32, #tpu.memory_space<hbm>> -> memref<624x128xf32, #tpu.memory_space<hbm>>
        %dma_start3A_30 = arith.constant 0 : i32
        %dma_start3A_31 = tpu.memref_slice %arg10[%mul3A_27, %dma_start3A_30] : memref<10000x128xf32, #tpu.memory_space<vmem_shared>> -> memref<624x128xf32, #tpu.memory_space<vmem_shared>>
        tpu.enqueue_dma source(%dma_start3A_31 : memref<624x128xf32, #tpu.memory_space<vmem_shared>>) target(%dma_start3A_29 : memref<624x128xf32, #tpu.memory_space<hbm>>) target_semaphore(%run_scoped3A : memref<!tpu.dma_semaphore, #tpu.memory_space<semaphore_mem>>)
        %dma_wait3A = arith.constant 0 : i32
        %dma_wait3A_32 = tpu.memref_slice %arg6[%arg0, %mul3A_27, %dma_wait3A] : memref<2x10000x128xf32, #tpu.memory_space<hbm>> -> memref<1x624x128xf32, #tpu.memory_space<hbm>>
        %dma_wait3A_33 = tpu.memref_squeeze %dma_wait3A_32 : memref<1x624x128xf32, #tpu.memory_space<hbm>> -> memref<624x128xf32, #tpu.memory_space<hbm>>
        %dma_wait3A_34 = arith.constant 0 : i32
        %dma_wait3A_35 = tpu.memref_slice %arg10[%mul3A_27, %dma_wait3A_34] : memref<10000x128xf32, #tpu.memory_space<vmem_shared>> -> memref<624x128xf32, #tpu.memory_space<vmem_shared>>
        tpu.wait_dma2 semaphore(%run_scoped3A : memref<!tpu.dma_semaphore, #tpu.memory_space<semaphore_mem>>) src(%dma_wait3A_35 : memref<624x128xf32, #tpu.memory_space<vmem_shared>>) dst(%dma_wait3A_33 : memref<624x128xf32, #tpu.memory_space<hbm>>)
        tpu.yield
      }) : () -> ()
    } else {
    }
    %eq3A_20 = arith.constant 15 : i32
    %eq3A_21 = arith.cmpi eq, %arg1, %eq3A_20 : i32
    %convert_element_type3A_22 = arith.extui %eq3A_21 : i1 to i32
    %cond3A_23 = arith.constant 0 : i32
    %cond3A_24 = arith.cmpi ne, %convert_element_type3A_22, %cond3A_23 : i32
    scf.if %cond3A_24 {
      "tpu.region"() ({
        %run_scoped3A = tpu.sem_alloc : memref<!tpu.dma_semaphore, #tpu.memory_space<semaphore_mem>>
        %dma_start3A = arith.constant 9360 : i32
        %dma_start3A_26 = arith.constant 0 : i32
        %dma_start3A_27 = tpu.memref_slice %arg6[%arg0, %dma_start3A, %dma_start3A_26] : memref<2x10000x128xf32, #tpu.memory_space<hbm>> -> memref<1x640x128xf32, #tpu.memory_space<hbm>>
        %dma_start3A_28 = tpu.memref_squeeze %dma_start3A_27 : memref<1x640x128xf32, #tpu.memory_space<hbm>> -> memref<640x128xf32, #tpu.memory_space<hbm>>
        %dma_start3A_29 = arith.constant 9360 : i32
        %dma_start3A_30 = arith.constant 0 : i32
        %dma_start3A_31 = tpu.memref_slice %arg10[%dma_start3A_29, %dma_start3A_30] : memref<10000x128xf32, #tpu.memory_space<vmem_shared>> -> memref<640x128xf32, #tpu.memory_space<vmem_shared>>
        tpu.enqueue_dma source(%dma_start3A_31 : memref<640x128xf32, #tpu.memory_space<vmem_shared>>) target(%dma_start3A_28 : memref<640x128xf32, #tpu.memory_space<hbm>>) target_semaphore(%run_scoped3A : memref<!tpu.dma_semaphore, #tpu.memory_space<semaphore_mem>>)
        %dma_wait3A = arith.constant 9360 : i32
        %dma_wait3A_32 = arith.constant 0 : i32
        %dma_wait3A_33 = tpu.memref_slice %arg6[%arg0, %dma_wait3A, %dma_wait3A_32] : memref<2x10000x128xf32, #tpu.memory_space<hbm>> -> memref<1x640x128xf32, #tpu.memory_space<hbm>>
        %dma_wait3A_34 = tpu.memref_squeeze %dma_wait3A_33 : memref<1x640x128xf32, #tpu.memory_space<hbm>> -> memref<640x128xf32, #tpu.memory_space<hbm>>
        %dma_wait3A_35 = arith.constant 9360 : i32
        %dma_wait3A_36 = arith.constant 0 : i32
        %dma_wait3A_37 = tpu.memref_slice %arg10[%dma_wait3A_35, %dma_wait3A_36] : memref<10000x128xf32, #tpu.memory_space<vmem_shared>> -> memref<640x128xf32, #tpu.memory_space<vmem_shared>>
        tpu.wait_dma2 semaphore(%run_scoped3A : memref<!tpu.dma_semaphore, #tpu.memory_space<semaphore_mem>>) src(%dma_wait3A_37 : memref<640x128xf32, #tpu.memory_space<vmem_shared>>) dst(%dma_wait3A_34 : memref<640x128xf32, #tpu.memory_space<hbm>>)
        tpu.yield
      }) : () -> ()
    } else {
    }
    %barrier3A_25 = arith.constant 0 : index
    tpu.barrier barrier_id(%barrier3A_25)
    return
  }
}

#map = affine_map<(d0, d1) -> (0, 0, 0)>
#map1 = affine_map<(d0, d1) -> (0, 0)>
module attributes {stable_mosaic.version = 14 : i64} {
  func.func @deg_kernel(%arg0: i32, %arg1: i32, %arg2: memref<32x80x128xi32, #tpu.memory_space<hbm>>, %arg3: memref<128x128xf32, #tpu.memory_space<hbm>>, %arg4: memref<640x128xf32, #tpu.memory_space<hbm>>, %arg5: memref<2x10000x128xf32, #tpu.memory_space<hbm>>, %arg6: memref<80x128xi32, #tpu.memory_space<vmem>>, %arg7: memref<128x128xf32, #tpu.memory_space<vmem>>, %arg8: memref<10008x128xf32, #tpu.memory_space<vmem_shared>>, %arg9: memref<!tpu.dma_semaphore, #tpu.memory_space<semaphore_mem>>) attributes {dimension_semantics = [#tpu.dimension_semantics<core_parallel>, #tpu.dimension_semantics<subcore_parallel>], iteration_bounds = array<i64: 2, 16>, scalar_prefetch = 0 : i64, scratch_operands = 4 : i64, tpu.core_type = #tpu.core_type<sc_vector_subcore>, window_params = [{transform_indices = #map}, {transform_indices = #map1}, {transform_indices = #map1}, {transform_indices = #map}]} {
    %mul3A = arith.constant 16 : i32
    %mul3A_0 = arith.muli %arg0, %mul3A : i32
    %add3A = arith.addi %mul3A_0, %arg1 : i32
    "tpu.region"() ({
      %run_scoped3A = tpu.sem_alloc : memref<!tpu.dma_semaphore, #tpu.memory_space<semaphore_mem>>
      tpu.enqueue_dma source(%arg3 : memref<128x128xf32, #tpu.memory_space<hbm>>) target(%arg7 : memref<128x128xf32, #tpu.memory_space<vmem>>) target_semaphore(%run_scoped3A : memref<!tpu.dma_semaphore, #tpu.memory_space<semaphore_mem>>)
      tpu.wait_dma2 semaphore(%run_scoped3A : memref<!tpu.dma_semaphore, #tpu.memory_space<semaphore_mem>>) src(%arg3 : memref<128x128xf32, #tpu.memory_space<hbm>>) dst(%arg7 : memref<128x128xf32, #tpu.memory_space<vmem>>)
      tpu.yield
    }) : () -> ()
    "tpu.region"() ({
      %run_scoped3A = tpu.sem_alloc : memref<!tpu.dma_semaphore, #tpu.memory_space<semaphore_mem>>
      %dma_start3A = arith.constant 0 : i32
      %dma_start3A_29 = arith.constant 0 : i32
      %dma_start3A_30 = tpu.memref_slice %arg2[%add3A, %dma_start3A, %dma_start3A_29] : memref<32x80x128xi32, #tpu.memory_space<hbm>> -> memref<1x80x128xi32, #tpu.memory_space<hbm>>
      %dma_start3A_31 = tpu.memref_squeeze %dma_start3A_30 : memref<1x80x128xi32, #tpu.memory_space<hbm>> -> memref<80x128xi32, #tpu.memory_space<hbm>>
      %dma_start3A_32 = arith.constant 0 : i32
      %dma_start3A_33 = arith.constant 0 : i32
      %dma_start3A_34 = tpu.memref_slice %arg2[%add3A, %dma_start3A_32, %dma_start3A_33] : memref<32x80x128xi32, #tpu.memory_space<hbm>> -> memref<1x80x128xi32, #tpu.memory_space<hbm>>
      %dma_start3A_35 = tpu.memref_squeeze %dma_start3A_34 : memref<1x80x128xi32, #tpu.memory_space<hbm>> -> memref<80x128xi32, #tpu.memory_space<hbm>>
      tpu.enqueue_dma source(%dma_start3A_35 : memref<80x128xi32, #tpu.memory_space<hbm>>) target(%arg6 : memref<80x128xi32, #tpu.memory_space<vmem>>) target_semaphore(%run_scoped3A : memref<!tpu.dma_semaphore, #tpu.memory_space<semaphore_mem>>)
      %dma_wait3A = arith.constant 0 : i32
      %dma_wait3A_36 = arith.constant 0 : i32
      %dma_wait3A_37 = tpu.memref_slice %arg2[%add3A, %dma_wait3A, %dma_wait3A_36] : memref<32x80x128xi32, #tpu.memory_space<hbm>> -> memref<1x80x128xi32, #tpu.memory_space<hbm>>
      %dma_wait3A_38 = tpu.memref_squeeze %dma_wait3A_37 : memref<1x80x128xi32, #tpu.memory_space<hbm>> -> memref<80x128xi32, #tpu.memory_space<hbm>>
      %dma_wait3A_39 = arith.constant 0 : i32
      %dma_wait3A_40 = arith.constant 0 : i32
      %dma_wait3A_41 = tpu.memref_slice %arg2[%add3A, %dma_wait3A_39, %dma_wait3A_40] : memref<32x80x128xi32, #tpu.memory_space<hbm>> -> memref<1x80x128xi32, #tpu.memory_space<hbm>>
      %dma_wait3A_42 = tpu.memref_squeeze %dma_wait3A_41 : memref<1x80x128xi32, #tpu.memory_space<hbm>> -> memref<80x128xi32, #tpu.memory_space<hbm>>
      tpu.wait_dma2 semaphore(%run_scoped3A : memref<!tpu.dma_semaphore, #tpu.memory_space<semaphore_mem>>) src(%dma_wait3A_42 : memref<80x128xi32, #tpu.memory_space<hbm>>) dst(%arg6 : memref<80x128xi32, #tpu.memory_space<vmem>>)
      tpu.yield
    }) : () -> ()
    %lt3A = arith.constant 15 : i32
    %lt3A_1 = arith.cmpi slt, %arg1, %lt3A : i32
    %convert_element_type3A = arith.extui %lt3A_1 : i1 to i32
    %cond3A = arith.constant 0 : i32
    %cond3A_2 = arith.cmpi ne, %convert_element_type3A, %cond3A : i32
    scf.if %cond3A_2 {
      %mul3A_29 = arith.constant 624 : i32
      %mul3A_30 = arith.muli %arg1, %mul3A_29 : i32
      "tpu.region"() ({
        %run_scoped3A = tpu.sem_alloc : memref<!tpu.dma_semaphore, #tpu.memory_space<semaphore_mem>>
        %dma_start3A = arith.constant 0 : i32
        %dma_start3A_31 = tpu.memref_slice %arg8[%mul3A_30, %dma_start3A] : memref<10008x128xf32, #tpu.memory_space<vmem_shared>> -> memref<624x128xf32, #tpu.memory_space<vmem_shared>>
        %dma_start3A_32 = arith.constant 0 : i32
        %dma_start3A_33 = arith.constant 0 : i32
        %dma_start3A_34 = tpu.memref_slice %arg4[%dma_start3A_32, %dma_start3A_33] : memref<640x128xf32, #tpu.memory_space<hbm>> -> memref<624x128xf32, #tpu.memory_space<hbm>>
        tpu.enqueue_dma source(%dma_start3A_34 : memref<624x128xf32, #tpu.memory_space<hbm>>) target(%dma_start3A_31 : memref<624x128xf32, #tpu.memory_space<vmem_shared>>) target_semaphore(%run_scoped3A : memref<!tpu.dma_semaphore, #tpu.memory_space<semaphore_mem>>)
        %dma_wait3A = arith.constant 0 : i32
        %dma_wait3A_35 = tpu.memref_slice %arg8[%mul3A_30, %dma_wait3A] : memref<10008x128xf32, #tpu.memory_space<vmem_shared>> -> memref<624x128xf32, #tpu.memory_space<vmem_shared>>
        %dma_wait3A_36 = arith.constant 0 : i32
        %dma_wait3A_37 = arith.constant 0 : i32
        %dma_wait3A_38 = tpu.memref_slice %arg4[%dma_wait3A_36, %dma_wait3A_37] : memref<640x128xf32, #tpu.memory_space<hbm>> -> memref<624x128xf32, #tpu.memory_space<hbm>>
        tpu.wait_dma2 semaphore(%run_scoped3A : memref<!tpu.dma_semaphore, #tpu.memory_space<semaphore_mem>>) src(%dma_wait3A_38 : memref<624x128xf32, #tpu.memory_space<hbm>>) dst(%dma_wait3A_35 : memref<624x128xf32, #tpu.memory_space<vmem_shared>>)
        tpu.yield
      }) : () -> ()
    } else {
    }
    %eq3A = arith.constant 15 : i32
    %eq3A_3 = arith.cmpi eq, %arg1, %eq3A : i32
    %convert_element_type3A_4 = arith.extui %eq3A_3 : i1 to i32
    %cond3A_5 = arith.constant 0 : i32
    %cond3A_6 = arith.cmpi ne, %convert_element_type3A_4, %cond3A_5 : i32
    scf.if %cond3A_6 {
      "tpu.region"() ({
        %run_scoped3A = tpu.sem_alloc : memref<!tpu.dma_semaphore, #tpu.memory_space<semaphore_mem>>
        %dma_start3A = arith.constant 9360 : i32
        %dma_start3A_29 = arith.constant 0 : i32
        %dma_start3A_30 = tpu.memref_slice %arg8[%dma_start3A, %dma_start3A_29] : memref<10008x128xf32, #tpu.memory_space<vmem_shared>> -> memref<640x128xf32, #tpu.memory_space<vmem_shared>>
        %dma_start3A_31 = arith.constant 0 : i32
        %dma_start3A_32 = arith.constant 0 : i32
        %dma_start3A_33 = tpu.memref_slice %arg4[%dma_start3A_31, %dma_start3A_32] : memref<640x128xf32, #tpu.memory_space<hbm>> -> memref<640x128xf32, #tpu.memory_space<hbm>>
        tpu.enqueue_dma source(%dma_start3A_33 : memref<640x128xf32, #tpu.memory_space<hbm>>) target(%dma_start3A_30 : memref<640x128xf32, #tpu.memory_space<vmem_shared>>) target_semaphore(%run_scoped3A : memref<!tpu.dma_semaphore, #tpu.memory_space<semaphore_mem>>)
        %dma_wait3A = arith.constant 9360 : i32
        %dma_wait3A_34 = arith.constant 0 : i32
        %dma_wait3A_35 = tpu.memref_slice %arg8[%dma_wait3A, %dma_wait3A_34] : memref<10008x128xf32, #tpu.memory_space<vmem_shared>> -> memref<640x128xf32, #tpu.memory_space<vmem_shared>>
        %dma_wait3A_36 = arith.constant 0 : i32
        %dma_wait3A_37 = arith.constant 0 : i32
        %dma_wait3A_38 = tpu.memref_slice %arg4[%dma_wait3A_36, %dma_wait3A_37] : memref<640x128xf32, #tpu.memory_space<hbm>> -> memref<640x128xf32, #tpu.memory_space<hbm>>
        tpu.wait_dma2 semaphore(%run_scoped3A : memref<!tpu.dma_semaphore, #tpu.memory_space<semaphore_mem>>) src(%dma_wait3A_38 : memref<640x128xf32, #tpu.memory_space<hbm>>) dst(%dma_wait3A_35 : memref<640x128xf32, #tpu.memory_space<vmem_shared>>)
        tpu.yield
      }) : () -> ()
    } else {
    }
    %barrier3A = arith.constant 0 : index
    tpu.barrier barrier_id(%barrier3A)
    %scan3A = arith.constant 0 : i32
    %scan3A_7 = arith.constant 0 : i32
    %scan3A_8 = arith.constant 80 : i32
    %scan3A_9 = arith.addi %scan3A_7, %scan3A_8 : i32
    %scan3A_10 = arith.constant 1 : i32
    scf.for %scan3A_29 = %scan3A_7 to %scan3A_9 step %scan3A_10  : i32 {
      %dma_start3A = arith.constant 0 : i32
      %dma_start3A_30 = tpu.memref_slice %arg6[%scan3A_29, %dma_start3A] : memref<80x128xi32, #tpu.memory_space<vmem>> -> memref<1x128xi32, #tpu.memory_space<vmem>>
      %dma_start3A_31 = tpu.memref_squeeze %dma_start3A_30 : memref<1x128xi32, #tpu.memory_space<vmem>> -> memref<128xi32, #tpu.memory_space<vmem>>
      %dma_start3A_32 = arith.constant 0 : i32
      %dma_start3A_33 = arith.constant 0 : i32
      %dma_start3A_34 = tpu.memref_slice %arg8[%dma_start3A_32, %dma_start3A_33] : memref<10008x128xf32, #tpu.memory_space<vmem_shared>> -> memref<10008x128xf32, #tpu.memory_space<vmem_shared>>
      tpu.enqueue_indirect_dma source(%arg7 : memref<128x128xf32, #tpu.memory_space<vmem>>) target(%dma_start3A_34 : memref<10008x128xf32, #tpu.memory_space<vmem_shared>>) offsets(%dma_start3A_31 : memref<128xi32, #tpu.memory_space<vmem>>) semaphore(%arg9 : memref<!tpu.dma_semaphore, #tpu.memory_space<semaphore_mem>>) {add = true}
    }
    %scan3A_11 = arith.constant 80 : i32
    %scan3A_12 = arith.constant 0 : i32
    %scan3A_13 = arith.constant 0 : i32
    %scan3A_14 = arith.constant 80 : i32
    %scan3A_15 = arith.addi %scan3A_13, %scan3A_14 : i32
    %scan3A_16 = arith.constant 1 : i32
    scf.for %scan3A_29 = %scan3A_13 to %scan3A_15 step %scan3A_16  : i32 {
      %dma_wait3A = arith.constant 0 : i32
      %dma_wait3A_30 = arith.constant 0 : i32
      %dma_wait3A_31 = tpu.memref_slice %arg4[%dma_wait3A, %dma_wait3A_30] : memref<640x128xf32, #tpu.memory_space<hbm>> -> memref<128x128xf32, #tpu.memory_space<hbm>>
      %dma_wait3A_32 = arith.constant 0 : i32
      %dma_wait3A_33 = arith.constant 0 : i32
      %dma_wait3A_34 = tpu.memref_slice %arg4[%dma_wait3A_32, %dma_wait3A_33] : memref<640x128xf32, #tpu.memory_space<hbm>> -> memref<128x128xf32, #tpu.memory_space<hbm>>
      tpu.wait_dma2 semaphore(%arg9 : memref<!tpu.dma_semaphore, #tpu.memory_space<semaphore_mem>>) src(%dma_wait3A_34 : memref<128x128xf32, #tpu.memory_space<hbm>>) dst(%arg7 : memref<128x128xf32, #tpu.memory_space<vmem>>)
    }
    %scan3A_17 = arith.constant 80 : i32
    %barrier3A_18 = arith.constant 0 : index
    tpu.barrier barrier_id(%barrier3A_18)
    %lt3A_19 = arith.constant 15 : i32
    %lt3A_20 = arith.cmpi slt, %arg1, %lt3A_19 : i32
    %convert_element_type3A_21 = arith.extui %lt3A_20 : i1 to i32
    %cond3A_22 = arith.constant 0 : i32
    %cond3A_23 = arith.cmpi ne, %convert_element_type3A_21, %cond3A_22 : i32
    scf.if %cond3A_23 {
      %mul3A_29 = arith.constant 624 : i32
      %mul3A_30 = arith.muli %arg1, %mul3A_29 : i32
      "tpu.region"() ({
        %run_scoped3A = tpu.sem_alloc : memref<!tpu.dma_semaphore, #tpu.memory_space<semaphore_mem>>
        %dma_start3A = arith.constant 0 : i32
        %dma_start3A_31 = tpu.memref_slice %arg5[%arg0, %mul3A_30, %dma_start3A] : memref<2x10000x128xf32, #tpu.memory_space<hbm>> -> memref<1x624x128xf32, #tpu.memory_space<hbm>>
        %dma_start3A_32 = tpu.memref_squeeze %dma_start3A_31 : memref<1x624x128xf32, #tpu.memory_space<hbm>> -> memref<624x128xf32, #tpu.memory_space<hbm>>
        %dma_start3A_33 = arith.constant 0 : i32
        %dma_start3A_34 = tpu.memref_slice %arg8[%mul3A_30, %dma_start3A_33] : memref<10008x128xf32, #tpu.memory_space<vmem_shared>> -> memref<624x128xf32, #tpu.memory_space<vmem_shared>>
        tpu.enqueue_dma source(%dma_start3A_34 : memref<624x128xf32, #tpu.memory_space<vmem_shared>>) target(%dma_start3A_32 : memref<624x128xf32, #tpu.memory_space<hbm>>) target_semaphore(%run_scoped3A : memref<!tpu.dma_semaphore, #tpu.memory_space<semaphore_mem>>)
        %dma_wait3A = arith.constant 0 : i32
        %dma_wait3A_35 = tpu.memref_slice %arg5[%arg0, %mul3A_30, %dma_wait3A] : memref<2x10000x128xf32, #tpu.memory_space<hbm>> -> memref<1x624x128xf32, #tpu.memory_space<hbm>>
        %dma_wait3A_36 = tpu.memref_squeeze %dma_wait3A_35 : memref<1x624x128xf32, #tpu.memory_space<hbm>> -> memref<624x128xf32, #tpu.memory_space<hbm>>
        %dma_wait3A_37 = arith.constant 0 : i32
        %dma_wait3A_38 = tpu.memref_slice %arg8[%mul3A_30, %dma_wait3A_37] : memref<10008x128xf32, #tpu.memory_space<vmem_shared>> -> memref<624x128xf32, #tpu.memory_space<vmem_shared>>
        tpu.wait_dma2 semaphore(%run_scoped3A : memref<!tpu.dma_semaphore, #tpu.memory_space<semaphore_mem>>) src(%dma_wait3A_38 : memref<624x128xf32, #tpu.memory_space<vmem_shared>>) dst(%dma_wait3A_36 : memref<624x128xf32, #tpu.memory_space<hbm>>)
        tpu.yield
      }) : () -> ()
    } else {
    }
    %eq3A_24 = arith.constant 15 : i32
    %eq3A_25 = arith.cmpi eq, %arg1, %eq3A_24 : i32
    %convert_element_type3A_26 = arith.extui %eq3A_25 : i1 to i32
    %cond3A_27 = arith.constant 0 : i32
    %cond3A_28 = arith.cmpi ne, %convert_element_type3A_26, %cond3A_27 : i32
    scf.if %cond3A_28 {
      "tpu.region"() ({
        %run_scoped3A = tpu.sem_alloc : memref<!tpu.dma_semaphore, #tpu.memory_space<semaphore_mem>>
        %dma_start3A = arith.constant 9360 : i32
        %dma_start3A_29 = arith.constant 0 : i32
        %dma_start3A_30 = tpu.memref_slice %arg5[%arg0, %dma_start3A, %dma_start3A_29] : memref<2x10000x128xf32, #tpu.memory_space<hbm>> -> memref<1x640x128xf32, #tpu.memory_space<hbm>>
        %dma_start3A_31 = tpu.memref_squeeze %dma_start3A_30 : memref<1x640x128xf32, #tpu.memory_space<hbm>> -> memref<640x128xf32, #tpu.memory_space<hbm>>
        %dma_start3A_32 = arith.constant 9360 : i32
        %dma_start3A_33 = arith.constant 0 : i32
        %dma_start3A_34 = tpu.memref_slice %arg8[%dma_start3A_32, %dma_start3A_33] : memref<10008x128xf32, #tpu.memory_space<vmem_shared>> -> memref<640x128xf32, #tpu.memory_space<vmem_shared>>
        tpu.enqueue_dma source(%dma_start3A_34 : memref<640x128xf32, #tpu.memory_space<vmem_shared>>) target(%dma_start3A_31 : memref<640x128xf32, #tpu.memory_space<hbm>>) target_semaphore(%run_scoped3A : memref<!tpu.dma_semaphore, #tpu.memory_space<semaphore_mem>>)
        %dma_wait3A = arith.constant 9360 : i32
        %dma_wait3A_35 = arith.constant 0 : i32
        %dma_wait3A_36 = tpu.memref_slice %arg5[%arg0, %dma_wait3A, %dma_wait3A_35] : memref<2x10000x128xf32, #tpu.memory_space<hbm>> -> memref<1x640x128xf32, #tpu.memory_space<hbm>>
        %dma_wait3A_37 = tpu.memref_squeeze %dma_wait3A_36 : memref<1x640x128xf32, #tpu.memory_space<hbm>> -> memref<640x128xf32, #tpu.memory_space<hbm>>
        %dma_wait3A_38 = arith.constant 9360 : i32
        %dma_wait3A_39 = arith.constant 0 : i32
        %dma_wait3A_40 = tpu.memref_slice %arg8[%dma_wait3A_38, %dma_wait3A_39] : memref<10008x128xf32, #tpu.memory_space<vmem_shared>> -> memref<640x128xf32, #tpu.memory_space<vmem_shared>>
        tpu.wait_dma2 semaphore(%run_scoped3A : memref<!tpu.dma_semaphore, #tpu.memory_space<semaphore_mem>>) src(%dma_wait3A_40 : memref<640x128xf32, #tpu.memory_space<vmem_shared>>) dst(%dma_wait3A_37 : memref<640x128xf32, #tpu.memory_space<hbm>>)
        tpu.yield
      }) : () -> ()
    } else {
    }
    return
  }
}

#map = affine_map<(d0, d1) -> (0)>
#map1 = affine_map<(d0, d1) -> (0, 0)>
#map2 = affine_map<(d0, d1) -> (0, 0, 0)>
module attributes {stable_mosaic.version = 14 : i64} {
  func.func @prop_kernel(%arg0: i32, %arg1: i32, %arg2: memref<320000xi32, #tpu.memory_space<hbm>>, %arg3: memref<320000xi32, #tpu.memory_space<hbm>>, %arg4: memref<640x128xf32, #tpu.memory_space<hbm>>, %arg5: memref<10000x128xf32, #tpu.memory_space<hbm>>, %arg6: memref<2x10000x128xf32, #tpu.memory_space<hbm>>, %arg7: memref<80xi32, #tpu.memory_space<vmem>>, %arg8: memref<80xi32, #tpu.memory_space<vmem>>, %arg9: memref<80x128xf32, #tpu.memory_space<vmem>>, %arg10: memref<10000x128xf32, #tpu.memory_space<vmem_shared>>, %arg11: memref<!tpu.dma_semaphore, #tpu.memory_space<semaphore_mem>>) attributes {dimension_semantics = [#tpu.dimension_semantics<core_parallel>, #tpu.dimension_semantics<subcore_parallel>], iteration_bounds = array<i64: 2, 16>, scalar_prefetch = 0 : i64, scratch_operands = 5 : i64, tpu.core_type = #tpu.core_type<sc_vector_subcore>, window_params = [{transform_indices = #map}, {transform_indices = #map}, {transform_indices = #map1}, {transform_indices = #map1}, {transform_indices = #map2}]} {
    %mul3A = arith.constant 16 : i32
    %mul3A_0 = arith.muli %arg0, %mul3A : i32
    %add3A = arith.addi %mul3A_0, %arg1 : i32
    %mul3A_1 = arith.constant 10000 : i32
    %mul3A_2 = arith.muli %add3A, %mul3A_1 : i32
    %lt3A = arith.constant 15 : i32
    %lt3A_3 = arith.cmpi slt, %arg1, %lt3A : i32
    %convert_element_type3A = arith.extui %lt3A_3 : i1 to i32
    %cond3A = arith.constant 0 : i32
    %cond3A_4 = arith.cmpi ne, %convert_element_type3A, %cond3A : i32
    scf.if %cond3A_4 {
      %mul3A_26 = arith.constant 624 : i32
      %mul3A_27 = arith.muli %arg1, %mul3A_26 : i32
      "tpu.region"() ({
        %run_scoped3A = tpu.sem_alloc : memref<!tpu.dma_semaphore, #tpu.memory_space<semaphore_mem>>
        %dma_start3A = arith.constant 0 : i32
        %dma_start3A_28 = tpu.memref_slice %arg10[%mul3A_27, %dma_start3A] : memref<10000x128xf32, #tpu.memory_space<vmem_shared>> -> memref<624x128xf32, #tpu.memory_space<vmem_shared>>
        %dma_start3A_29 = arith.constant 0 : i32
        %dma_start3A_30 = arith.constant 0 : i32
        %dma_start3A_31 = tpu.memref_slice %arg4[%dma_start3A_29, %dma_start3A_30] : memref<640x128xf32, #tpu.memory_space<hbm>> -> memref<624x128xf32, #tpu.memory_space<hbm>>
        tpu.enqueue_dma source(%dma_start3A_31 : memref<624x128xf32, #tpu.memory_space<hbm>>) target(%dma_start3A_28 : memref<624x128xf32, #tpu.memory_space<vmem_shared>>) target_semaphore(%run_scoped3A : memref<!tpu.dma_semaphore, #tpu.memory_space<semaphore_mem>>)
        %dma_wait3A = arith.constant 0 : i32
        %dma_wait3A_32 = tpu.memref_slice %arg10[%mul3A_27, %dma_wait3A] : memref<10000x128xf32, #tpu.memory_space<vmem_shared>> -> memref<624x128xf32, #tpu.memory_space<vmem_shared>>
        %dma_wait3A_33 = arith.constant 0 : i32
        %dma_wait3A_34 = arith.constant 0 : i32
        %dma_wait3A_35 = tpu.memref_slice %arg4[%dma_wait3A_33, %dma_wait3A_34] : memref<640x128xf32, #tpu.memory_space<hbm>> -> memref<624x128xf32, #tpu.memory_space<hbm>>
        tpu.wait_dma2 semaphore(%run_scoped3A : memref<!tpu.dma_semaphore, #tpu.memory_space<semaphore_mem>>) src(%dma_wait3A_35 : memref<624x128xf32, #tpu.memory_space<hbm>>) dst(%dma_wait3A_32 : memref<624x128xf32, #tpu.memory_space<vmem_shared>>)
        tpu.yield
      }) : () -> ()
    } else {
    }
    %eq3A = arith.constant 15 : i32
    %eq3A_5 = arith.cmpi eq, %arg1, %eq3A : i32
    %convert_element_type3A_6 = arith.extui %eq3A_5 : i1 to i32
    %cond3A_7 = arith.constant 0 : i32
    %cond3A_8 = arith.cmpi ne, %convert_element_type3A_6, %cond3A_7 : i32
    scf.if %cond3A_8 {
      "tpu.region"() ({
        %run_scoped3A = tpu.sem_alloc : memref<!tpu.dma_semaphore, #tpu.memory_space<semaphore_mem>>
        %dma_start3A = arith.constant 9360 : i32
        %dma_start3A_26 = arith.constant 0 : i32
        %dma_start3A_27 = tpu.memref_slice %arg10[%dma_start3A, %dma_start3A_26] : memref<10000x128xf32, #tpu.memory_space<vmem_shared>> -> memref<640x128xf32, #tpu.memory_space<vmem_shared>>
        %dma_start3A_28 = arith.constant 0 : i32
        %dma_start3A_29 = arith.constant 0 : i32
        %dma_start3A_30 = tpu.memref_slice %arg4[%dma_start3A_28, %dma_start3A_29] : memref<640x128xf32, #tpu.memory_space<hbm>> -> memref<640x128xf32, #tpu.memory_space<hbm>>
        tpu.enqueue_dma source(%dma_start3A_30 : memref<640x128xf32, #tpu.memory_space<hbm>>) target(%dma_start3A_27 : memref<640x128xf32, #tpu.memory_space<vmem_shared>>) target_semaphore(%run_scoped3A : memref<!tpu.dma_semaphore, #tpu.memory_space<semaphore_mem>>)
        %dma_wait3A = arith.constant 9360 : i32
        %dma_wait3A_31 = arith.constant 0 : i32
        %dma_wait3A_32 = tpu.memref_slice %arg10[%dma_wait3A, %dma_wait3A_31] : memref<10000x128xf32, #tpu.memory_space<vmem_shared>> -> memref<640x128xf32, #tpu.memory_space<vmem_shared>>
        %dma_wait3A_33 = arith.constant 0 : i32
        %dma_wait3A_34 = arith.constant 0 : i32
        %dma_wait3A_35 = tpu.memref_slice %arg4[%dma_wait3A_33, %dma_wait3A_34] : memref<640x128xf32, #tpu.memory_space<hbm>> -> memref<640x128xf32, #tpu.memory_space<hbm>>
        tpu.wait_dma2 semaphore(%run_scoped3A : memref<!tpu.dma_semaphore, #tpu.memory_space<semaphore_mem>>) src(%dma_wait3A_35 : memref<640x128xf32, #tpu.memory_space<hbm>>) dst(%dma_wait3A_32 : memref<640x128xf32, #tpu.memory_space<vmem_shared>>)
        tpu.yield
      }) : () -> ()
    } else {
    }
    %barrier3A = arith.constant 0 : index
    tpu.barrier barrier_id(%barrier3A)
    %scan3A = arith.constant 0 : i32
    %scan3A_9 = arith.constant 0 : i32
    %scan3A_10 = arith.constant 125 : i32
    %scan3A_11 = arith.addi %scan3A_9, %scan3A_10 : i32
    %scan3A_12 = arith.constant 1 : i32
    scf.for %scan3A_26 = %scan3A_9 to %scan3A_11 step %scan3A_12  : i32 {
      %mul3A_27 = arith.constant 80 : i32
      %mul3A_28 = arith.muli %scan3A_26, %mul3A_27 : i32
      %add3A_29 = arith.addi %mul3A_2, %mul3A_28 : i32
      "tpu.region"() ({
        %run_scoped3A = tpu.sem_alloc : memref<!tpu.dma_semaphore, #tpu.memory_space<semaphore_mem>>
        %dma_start3A_34 = tpu.memref_slice %arg2[%add3A_29] : memref<320000xi32, #tpu.memory_space<hbm>> -> memref<80xi32, #tpu.memory_space<hbm>>
        %dma_start3A_35 = tpu.memref_slice %arg2[%add3A_29] : memref<320000xi32, #tpu.memory_space<hbm>> -> memref<80xi32, #tpu.memory_space<hbm>>
        tpu.enqueue_dma source(%dma_start3A_35 : memref<80xi32, #tpu.memory_space<hbm>>) target(%arg7 : memref<80xi32, #tpu.memory_space<vmem>>) target_semaphore(%run_scoped3A : memref<!tpu.dma_semaphore, #tpu.memory_space<semaphore_mem>>)
        %dma_wait3A_36 = tpu.memref_slice %arg2[%add3A_29] : memref<320000xi32, #tpu.memory_space<hbm>> -> memref<80xi32, #tpu.memory_space<hbm>>
        %dma_wait3A_37 = tpu.memref_slice %arg2[%add3A_29] : memref<320000xi32, #tpu.memory_space<hbm>> -> memref<80xi32, #tpu.memory_space<hbm>>
        tpu.wait_dma2 semaphore(%run_scoped3A : memref<!tpu.dma_semaphore, #tpu.memory_space<semaphore_mem>>) src(%dma_wait3A_37 : memref<80xi32, #tpu.memory_space<hbm>>) dst(%arg7 : memref<80xi32, #tpu.memory_space<vmem>>)
        tpu.yield
      }) : () -> ()
      "tpu.region"() ({
        %run_scoped3A = tpu.sem_alloc : memref<!tpu.dma_semaphore, #tpu.memory_space<semaphore_mem>>
        %dma_start3A_34 = tpu.memref_slice %arg3[%add3A_29] : memref<320000xi32, #tpu.memory_space<hbm>> -> memref<80xi32, #tpu.memory_space<hbm>>
        %dma_start3A_35 = tpu.memref_slice %arg3[%add3A_29] : memref<320000xi32, #tpu.memory_space<hbm>> -> memref<80xi32, #tpu.memory_space<hbm>>
        tpu.enqueue_dma source(%dma_start3A_35 : memref<80xi32, #tpu.memory_space<hbm>>) target(%arg8 : memref<80xi32, #tpu.memory_space<vmem>>) target_semaphore(%run_scoped3A : memref<!tpu.dma_semaphore, #tpu.memory_space<semaphore_mem>>)
        %dma_wait3A_36 = tpu.memref_slice %arg3[%add3A_29] : memref<320000xi32, #tpu.memory_space<hbm>> -> memref<80xi32, #tpu.memory_space<hbm>>
        %dma_wait3A_37 = tpu.memref_slice %arg3[%add3A_29] : memref<320000xi32, #tpu.memory_space<hbm>> -> memref<80xi32, #tpu.memory_space<hbm>>
        tpu.wait_dma2 semaphore(%run_scoped3A : memref<!tpu.dma_semaphore, #tpu.memory_space<semaphore_mem>>) src(%dma_wait3A_37 : memref<80xi32, #tpu.memory_space<hbm>>) dst(%arg8 : memref<80xi32, #tpu.memory_space<vmem>>)
        tpu.yield
      }) : () -> ()
      %dma_start3A = arith.constant 0 : i32
      %dma_start3A_30 = arith.constant 0 : i32
      %dma_start3A_31 = tpu.memref_slice %arg5[%dma_start3A, %dma_start3A_30] : memref<10000x128xf32, #tpu.memory_space<hbm>> -> memref<10000x128xf32, #tpu.memory_space<hbm>>
      tpu.enqueue_indirect_dma source(%dma_start3A_31 : memref<10000x128xf32, #tpu.memory_space<hbm>>) target(%arg9 : memref<80x128xf32, #tpu.memory_space<vmem>>) offsets(%arg7 : memref<80xi32, #tpu.memory_space<vmem>>) semaphore(%arg11 : memref<!tpu.dma_semaphore, #tpu.memory_space<semaphore_mem>>)
      %dma_wait3A = arith.constant 0 : i32
      %dma_wait3A_32 = arith.constant 0 : i32
      %dma_wait3A_33 = tpu.memref_slice %arg5[%dma_wait3A, %dma_wait3A_32] : memref<10000x128xf32, #tpu.memory_space<hbm>> -> memref<10000x128xf32, #tpu.memory_space<hbm>>
      tpu.wait_indirect_dma semaphore(%arg11 : memref<!tpu.dma_semaphore, #tpu.memory_space<semaphore_mem>>) src(%dma_wait3A_33 : memref<10000x128xf32, #tpu.memory_space<hbm>>) dst(%arg9 : memref<80x128xf32, #tpu.memory_space<vmem>>)
      "tpu.region"() ({
        %run_scoped3A = tpu.sem_alloc : memref<!tpu.dma_semaphore, #tpu.memory_space<semaphore_mem>>
        %dma_start3A_34 = arith.constant 0 : i32
        %dma_start3A_35 = arith.constant 0 : i32
        %dma_start3A_36 = tpu.memref_slice %arg10[%dma_start3A_34, %dma_start3A_35] : memref<10000x128xf32, #tpu.memory_space<vmem_shared>> -> memref<10000x128xf32, #tpu.memory_space<vmem_shared>>
        tpu.enqueue_indirect_dma source(%arg9 : memref<80x128xf32, #tpu.memory_space<vmem>>) target(%dma_start3A_36 : memref<10000x128xf32, #tpu.memory_space<vmem_shared>>) offsets(%arg8 : memref<80xi32, #tpu.memory_space<vmem>>) semaphore(%run_scoped3A : memref<!tpu.dma_semaphore, #tpu.memory_space<semaphore_mem>>) {add = true}
        %dma_wait3A_37 = arith.constant 0 : i32
        %dma_wait3A_38 = arith.constant 0 : i32
        %dma_wait3A_39 = tpu.memref_slice %arg10[%dma_wait3A_37, %dma_wait3A_38] : memref<10000x128xf32, #tpu.memory_space<vmem_shared>> -> memref<10000x128xf32, #tpu.memory_space<vmem_shared>>
        tpu.wait_indirect_dma semaphore(%run_scoped3A : memref<!tpu.dma_semaphore, #tpu.memory_space<semaphore_mem>>) src(%arg9 : memref<80x128xf32, #tpu.memory_space<vmem>>) dst(%dma_wait3A_39 : memref<10000x128xf32, #tpu.memory_space<vmem_shared>>)
        tpu.yield
      }) : () -> ()
    }
    %scan3A_13 = arith.constant 125 : i32
    %barrier3A_14 = arith.constant 0 : index
    tpu.barrier barrier_id(%barrier3A_14)
    %lt3A_15 = arith.constant 15 : i32
    %lt3A_16 = arith.cmpi slt, %arg1, %lt3A_15 : i32
    %convert_element_type3A_17 = arith.extui %lt3A_16 : i1 to i32
    %cond3A_18 = arith.constant 0 : i32
    %cond3A_19 = arith.cmpi ne, %convert_element_type3A_17, %cond3A_18 : i32
    scf.if %cond3A_19 {
      %mul3A_26 = arith.constant 624 : i32
      %mul3A_27 = arith.muli %arg1, %mul3A_26 : i32
      "tpu.region"() ({
        %run_scoped3A = tpu.sem_alloc : memref<!tpu.dma_semaphore, #tpu.memory_space<semaphore_mem>>
        %dma_start3A = arith.constant 0 : i32
        %dma_start3A_28 = tpu.memref_slice %arg6[%arg0, %mul3A_27, %dma_start3A] : memref<2x10000x128xf32, #tpu.memory_space<hbm>> -> memref<1x624x128xf32, #tpu.memory_space<hbm>>
        %dma_start3A_29 = tpu.memref_squeeze %dma_start3A_28 : memref<1x624x128xf32, #tpu.memory_space<hbm>> -> memref<624x128xf32, #tpu.memory_space<hbm>>
        %dma_start3A_30 = arith.constant 0 : i32
        %dma_start3A_31 = tpu.memref_slice %arg10[%mul3A_27, %dma_start3A_30] : memref<10000x128xf32, #tpu.memory_space<vmem_shared>> -> memref<624x128xf32, #tpu.memory_space<vmem_shared>>
        tpu.enqueue_dma source(%dma_start3A_31 : memref<624x128xf32, #tpu.memory_space<vmem_shared>>) target(%dma_start3A_29 : memref<624x128xf32, #tpu.memory_space<hbm>>) target_semaphore(%run_scoped3A : memref<!tpu.dma_semaphore, #tpu.memory_space<semaphore_mem>>)
        %dma_wait3A = arith.constant 0 : i32
        %dma_wait3A_32 = tpu.memref_slice %arg6[%arg0, %mul3A_27, %dma_wait3A] : memref<2x10000x128xf32, #tpu.memory_space<hbm>> -> memref<1x624x128xf32, #tpu.memory_space<hbm>>
        %dma_wait3A_33 = tpu.memref_squeeze %dma_wait3A_32 : memref<1x624x128xf32, #tpu.memory_space<hbm>> -> memref<624x128xf32, #tpu.memory_space<hbm>>
        %dma_wait3A_34 = arith.constant 0 : i32
        %dma_wait3A_35 = tpu.memref_slice %arg10[%mul3A_27, %dma_wait3A_34] : memref<10000x128xf32, #tpu.memory_space<vmem_shared>> -> memref<624x128xf32, #tpu.memory_space<vmem_shared>>
        tpu.wait_dma2 semaphore(%run_scoped3A : memref<!tpu.dma_semaphore, #tpu.memory_space<semaphore_mem>>) src(%dma_wait3A_35 : memref<624x128xf32, #tpu.memory_space<vmem_shared>>) dst(%dma_wait3A_33 : memref<624x128xf32, #tpu.memory_space<hbm>>)
        tpu.yield
      }) : () -> ()
    } else {
    }
    %eq3A_20 = arith.constant 15 : i32
    %eq3A_21 = arith.cmpi eq, %arg1, %eq3A_20 : i32
    %convert_element_type3A_22 = arith.extui %eq3A_21 : i1 to i32
    %cond3A_23 = arith.constant 0 : i32
    %cond3A_24 = arith.cmpi ne, %convert_element_type3A_22, %cond3A_23 : i32
    scf.if %cond3A_24 {
      "tpu.region"() ({
        %run_scoped3A = tpu.sem_alloc : memref<!tpu.dma_semaphore, #tpu.memory_space<semaphore_mem>>
        %dma_start3A = arith.constant 9360 : i32
        %dma_start3A_26 = arith.constant 0 : i32
        %dma_start3A_27 = tpu.memref_slice %arg6[%arg0, %dma_start3A, %dma_start3A_26] : memref<2x10000x128xf32, #tpu.memory_space<hbm>> -> memref<1x640x128xf32, #tpu.memory_space<hbm>>
        %dma_start3A_28 = tpu.memref_squeeze %dma_start3A_27 : memref<1x640x128xf32, #tpu.memory_space<hbm>> -> memref<640x128xf32, #tpu.memory_space<hbm>>
        %dma_start3A_29 = arith.constant 9360 : i32
        %dma_start3A_30 = arith.constant 0 : i32
        %dma_start3A_31 = tpu.memref_slice %arg10[%dma_start3A_29, %dma_start3A_30] : memref<10000x128xf32, #tpu.memory_space<vmem_shared>> -> memref<640x128xf32, #tpu.memory_space<vmem_shared>>
        tpu.enqueue_dma source(%dma_start3A_31 : memref<640x128xf32, #tpu.memory_space<vmem_shared>>) target(%dma_start3A_28 : memref<640x128xf32, #tpu.memory_space<hbm>>) target_semaphore(%run_scoped3A : memref<!tpu.dma_semaphore, #tpu.memory_space<semaphore_mem>>)
        %dma_wait3A = arith.constant 9360 : i32
        %dma_wait3A_32 = arith.constant 0 : i32
        %dma_wait3A_33 = tpu.memref_slice %arg6[%arg0, %dma_wait3A, %dma_wait3A_32] : memref<2x10000x128xf32, #tpu.memory_space<hbm>> -> memref<1x640x128xf32, #tpu.memory_space<hbm>>
        %dma_wait3A_34 = tpu.memref_squeeze %dma_wait3A_33 : memref<1x640x128xf32, #tpu.memory_space<hbm>> -> memref<640x128xf32, #tpu.memory_space<hbm>>
        %dma_wait3A_35 = arith.constant 9360 : i32
        %dma_wait3A_36 = arith.constant 0 : i32
        %dma_wait3A_37 = tpu.memref_slice %arg10[%dma_wait3A_35, %dma_wait3A_36] : memref<10000x128xf32, #tpu.memory_space<vmem_shared>> -> memref<640x128xf32, #tpu.memory_space<vmem_shared>>
        tpu.wait_dma2 semaphore(%run_scoped3A : memref<!tpu.dma_semaphore, #tpu.memory_space<semaphore_mem>>) src(%dma_wait3A_37 : memref<640x128xf32, #tpu.memory_space<vmem_shared>>) dst(%dma_wait3A_34 : memref<640x128xf32, #tpu.memory_space<hbm>>)
        tpu.yield
      }) : () -> ()
    } else {
    }
    %barrier3A_25 = arith.constant 0 : index
    tpu.barrier barrier_id(%barrier3A_25)
    return
  }
}

#map = affine_map<(d0, d1) -> (0)>
#map1 = affine_map<(d0, d1) -> (0, 0)>
#map2 = affine_map<(d0, d1) -> (0, 0, 0)>
module attributes {stable_mosaic.version = 14 : i64} {
  func.func @prop_kernel(%arg0: i32, %arg1: i32, %arg2: memref<320000xi32, #tpu.memory_space<hbm>>, %arg3: memref<320000xi32, #tpu.memory_space<hbm>>, %arg4: memref<640x128xf32, #tpu.memory_space<hbm>>, %arg5: memref<10000x128xf32, #tpu.memory_space<hbm>>, %arg6: memref<2x10000x128xf32, #tpu.memory_space<hbm>>, %arg7: memref<80xi32, #tpu.memory_space<vmem>>, %arg8: memref<80xi32, #tpu.memory_space<vmem>>, %arg9: memref<80x128xf32, #tpu.memory_space<vmem>>, %arg10: memref<10000x128xf32, #tpu.memory_space<vmem_shared>>, %arg11: memref<!tpu.dma_semaphore, #tpu.memory_space<semaphore_mem>>) attributes {dimension_semantics = [#tpu.dimension_semantics<core_parallel>, #tpu.dimension_semantics<subcore_parallel>], iteration_bounds = array<i64: 2, 16>, scalar_prefetch = 0 : i64, scratch_operands = 5 : i64, tpu.core_type = #tpu.core_type<sc_vector_subcore>, window_params = [{transform_indices = #map}, {transform_indices = #map}, {transform_indices = #map1}, {transform_indices = #map1}, {transform_indices = #map2}]} {
    %mul3A = arith.constant 16 : i32
    %mul3A_0 = arith.muli %arg0, %mul3A : i32
    %add3A = arith.addi %mul3A_0, %arg1 : i32
    %mul3A_1 = arith.constant 10000 : i32
    %mul3A_2 = arith.muli %add3A, %mul3A_1 : i32
    %lt3A = arith.constant 15 : i32
    %lt3A_3 = arith.cmpi slt, %arg1, %lt3A : i32
    %convert_element_type3A = arith.extui %lt3A_3 : i1 to i32
    %cond3A = arith.constant 0 : i32
    %cond3A_4 = arith.cmpi ne, %convert_element_type3A, %cond3A : i32
    scf.if %cond3A_4 {
      %mul3A_26 = arith.constant 624 : i32
      %mul3A_27 = arith.muli %arg1, %mul3A_26 : i32
      "tpu.region"() ({
        %run_scoped3A = tpu.sem_alloc : memref<!tpu.dma_semaphore, #tpu.memory_space<semaphore_mem>>
        %dma_start3A = arith.constant 0 : i32
        %dma_start3A_28 = tpu.memref_slice %arg10[%mul3A_27, %dma_start3A] : memref<10000x128xf32, #tpu.memory_space<vmem_shared>> -> memref<624x128xf32, #tpu.memory_space<vmem_shared>>
        %dma_start3A_29 = arith.constant 0 : i32
        %dma_start3A_30 = arith.constant 0 : i32
        %dma_start3A_31 = tpu.memref_slice %arg4[%dma_start3A_29, %dma_start3A_30] : memref<640x128xf32, #tpu.memory_space<hbm>> -> memref<624x128xf32, #tpu.memory_space<hbm>>
        tpu.enqueue_dma source(%dma_start3A_31 : memref<624x128xf32, #tpu.memory_space<hbm>>) target(%dma_start3A_28 : memref<624x128xf32, #tpu.memory_space<vmem_shared>>) target_semaphore(%run_scoped3A : memref<!tpu.dma_semaphore, #tpu.memory_space<semaphore_mem>>)
        %dma_wait3A = arith.constant 0 : i32
        %dma_wait3A_32 = tpu.memref_slice %arg10[%mul3A_27, %dma_wait3A] : memref<10000x128xf32, #tpu.memory_space<vmem_shared>> -> memref<624x128xf32, #tpu.memory_space<vmem_shared>>
        %dma_wait3A_33 = arith.constant 0 : i32
        %dma_wait3A_34 = arith.constant 0 : i32
        %dma_wait3A_35 = tpu.memref_slice %arg4[%dma_wait3A_33, %dma_wait3A_34] : memref<640x128xf32, #tpu.memory_space<hbm>> -> memref<624x128xf32, #tpu.memory_space<hbm>>
        tpu.wait_dma2 semaphore(%run_scoped3A : memref<!tpu.dma_semaphore, #tpu.memory_space<semaphore_mem>>) src(%dma_wait3A_35 : memref<624x128xf32, #tpu.memory_space<hbm>>) dst(%dma_wait3A_32 : memref<624x128xf32, #tpu.memory_space<vmem_shared>>)
        tpu.yield
      }) : () -> ()
    } else {
    }
    %eq3A = arith.constant 15 : i32
    %eq3A_5 = arith.cmpi eq, %arg1, %eq3A : i32
    %convert_element_type3A_6 = arith.extui %eq3A_5 : i1 to i32
    %cond3A_7 = arith.constant 0 : i32
    %cond3A_8 = arith.cmpi ne, %convert_element_type3A_6, %cond3A_7 : i32
    scf.if %cond3A_8 {
      "tpu.region"() ({
        %run_scoped3A = tpu.sem_alloc : memref<!tpu.dma_semaphore, #tpu.memory_space<semaphore_mem>>
        %dma_start3A = arith.constant 9360 : i32
        %dma_start3A_26 = arith.constant 0 : i32
        %dma_start3A_27 = tpu.memref_slice %arg10[%dma_start3A, %dma_start3A_26] : memref<10000x128xf32, #tpu.memory_space<vmem_shared>> -> memref<640x128xf32, #tpu.memory_space<vmem_shared>>
        %dma_start3A_28 = arith.constant 0 : i32
        %dma_start3A_29 = arith.constant 0 : i32
        %dma_start3A_30 = tpu.memref_slice %arg4[%dma_start3A_28, %dma_start3A_29] : memref<640x128xf32, #tpu.memory_space<hbm>> -> memref<640x128xf32, #tpu.memory_space<hbm>>
        tpu.enqueue_dma source(%dma_start3A_30 : memref<640x128xf32, #tpu.memory_space<hbm>>) target(%dma_start3A_27 : memref<640x128xf32, #tpu.memory_space<vmem_shared>>) target_semaphore(%run_scoped3A : memref<!tpu.dma_semaphore, #tpu.memory_space<semaphore_mem>>)
        %dma_wait3A = arith.constant 9360 : i32
        %dma_wait3A_31 = arith.constant 0 : i32
        %dma_wait3A_32 = tpu.memref_slice %arg10[%dma_wait3A, %dma_wait3A_31] : memref<10000x128xf32, #tpu.memory_space<vmem_shared>> -> memref<640x128xf32, #tpu.memory_space<vmem_shared>>
        %dma_wait3A_33 = arith.constant 0 : i32
        %dma_wait3A_34 = arith.constant 0 : i32
        %dma_wait3A_35 = tpu.memref_slice %arg4[%dma_wait3A_33, %dma_wait3A_34] : memref<640x128xf32, #tpu.memory_space<hbm>> -> memref<640x128xf32, #tpu.memory_space<hbm>>
        tpu.wait_dma2 semaphore(%run_scoped3A : memref<!tpu.dma_semaphore, #tpu.memory_space<semaphore_mem>>) src(%dma_wait3A_35 : memref<640x128xf32, #tpu.memory_space<hbm>>) dst(%dma_wait3A_32 : memref<640x128xf32, #tpu.memory_space<vmem_shared>>)
        tpu.yield
      }) : () -> ()
    } else {
    }
    %barrier3A = arith.constant 0 : index
    tpu.barrier barrier_id(%barrier3A)
    %scan3A = arith.constant 0 : i32
    %scan3A_9 = arith.constant 0 : i32
    %scan3A_10 = arith.constant 125 : i32
    %scan3A_11 = arith.addi %scan3A_9, %scan3A_10 : i32
    %scan3A_12 = arith.constant 1 : i32
    scf.for %scan3A_26 = %scan3A_9 to %scan3A_11 step %scan3A_12  : i32 {
      %mul3A_27 = arith.constant 80 : i32
      %mul3A_28 = arith.muli %scan3A_26, %mul3A_27 : i32
      %add3A_29 = arith.addi %mul3A_2, %mul3A_28 : i32
      "tpu.region"() ({
        %run_scoped3A = tpu.sem_alloc : memref<!tpu.dma_semaphore, #tpu.memory_space<semaphore_mem>>
        %dma_start3A_34 = tpu.memref_slice %arg2[%add3A_29] : memref<320000xi32, #tpu.memory_space<hbm>> -> memref<80xi32, #tpu.memory_space<hbm>>
        %dma_start3A_35 = tpu.memref_slice %arg2[%add3A_29] : memref<320000xi32, #tpu.memory_space<hbm>> -> memref<80xi32, #tpu.memory_space<hbm>>
        tpu.enqueue_dma source(%dma_start3A_35 : memref<80xi32, #tpu.memory_space<hbm>>) target(%arg7 : memref<80xi32, #tpu.memory_space<vmem>>) target_semaphore(%run_scoped3A : memref<!tpu.dma_semaphore, #tpu.memory_space<semaphore_mem>>)
        %dma_wait3A_36 = tpu.memref_slice %arg2[%add3A_29] : memref<320000xi32, #tpu.memory_space<hbm>> -> memref<80xi32, #tpu.memory_space<hbm>>
        %dma_wait3A_37 = tpu.memref_slice %arg2[%add3A_29] : memref<320000xi32, #tpu.memory_space<hbm>> -> memref<80xi32, #tpu.memory_space<hbm>>
        tpu.wait_dma2 semaphore(%run_scoped3A : memref<!tpu.dma_semaphore, #tpu.memory_space<semaphore_mem>>) src(%dma_wait3A_37 : memref<80xi32, #tpu.memory_space<hbm>>) dst(%arg7 : memref<80xi32, #tpu.memory_space<vmem>>)
        tpu.yield
      }) : () -> ()
      "tpu.region"() ({
        %run_scoped3A = tpu.sem_alloc : memref<!tpu.dma_semaphore, #tpu.memory_space<semaphore_mem>>
        %dma_start3A_34 = tpu.memref_slice %arg3[%add3A_29] : memref<320000xi32, #tpu.memory_space<hbm>> -> memref<80xi32, #tpu.memory_space<hbm>>
        %dma_start3A_35 = tpu.memref_slice %arg3[%add3A_29] : memref<320000xi32, #tpu.memory_space<hbm>> -> memref<80xi32, #tpu.memory_space<hbm>>
        tpu.enqueue_dma source(%dma_start3A_35 : memref<80xi32, #tpu.memory_space<hbm>>) target(%arg8 : memref<80xi32, #tpu.memory_space<vmem>>) target_semaphore(%run_scoped3A : memref<!tpu.dma_semaphore, #tpu.memory_space<semaphore_mem>>)
        %dma_wait3A_36 = tpu.memref_slice %arg3[%add3A_29] : memref<320000xi32, #tpu.memory_space<hbm>> -> memref<80xi32, #tpu.memory_space<hbm>>
        %dma_wait3A_37 = tpu.memref_slice %arg3[%add3A_29] : memref<320000xi32, #tpu.memory_space<hbm>> -> memref<80xi32, #tpu.memory_space<hbm>>
        tpu.wait_dma2 semaphore(%run_scoped3A : memref<!tpu.dma_semaphore, #tpu.memory_space<semaphore_mem>>) src(%dma_wait3A_37 : memref<80xi32, #tpu.memory_space<hbm>>) dst(%arg8 : memref<80xi32, #tpu.memory_space<vmem>>)
        tpu.yield
      }) : () -> ()
      %dma_start3A = arith.constant 0 : i32
      %dma_start3A_30 = arith.constant 0 : i32
      %dma_start3A_31 = tpu.memref_slice %arg5[%dma_start3A, %dma_start3A_30] : memref<10000x128xf32, #tpu.memory_space<hbm>> -> memref<10000x128xf32, #tpu.memory_space<hbm>>
      tpu.enqueue_indirect_dma source(%dma_start3A_31 : memref<10000x128xf32, #tpu.memory_space<hbm>>) target(%arg9 : memref<80x128xf32, #tpu.memory_space<vmem>>) offsets(%arg7 : memref<80xi32, #tpu.memory_space<vmem>>) semaphore(%arg11 : memref<!tpu.dma_semaphore, #tpu.memory_space<semaphore_mem>>)
      %dma_wait3A = arith.constant 0 : i32
      %dma_wait3A_32 = arith.constant 0 : i32
      %dma_wait3A_33 = tpu.memref_slice %arg5[%dma_wait3A, %dma_wait3A_32] : memref<10000x128xf32, #tpu.memory_space<hbm>> -> memref<10000x128xf32, #tpu.memory_space<hbm>>
      tpu.wait_indirect_dma semaphore(%arg11 : memref<!tpu.dma_semaphore, #tpu.memory_space<semaphore_mem>>) src(%dma_wait3A_33 : memref<10000x128xf32, #tpu.memory_space<hbm>>) dst(%arg9 : memref<80x128xf32, #tpu.memory_space<vmem>>)
      "tpu.region"() ({
        %run_scoped3A = tpu.sem_alloc : memref<!tpu.dma_semaphore, #tpu.memory_space<semaphore_mem>>
        %dma_start3A_34 = arith.constant 0 : i32
        %dma_start3A_35 = arith.constant 0 : i32
        %dma_start3A_36 = tpu.memref_slice %arg10[%dma_start3A_34, %dma_start3A_35] : memref<10000x128xf32, #tpu.memory_space<vmem_shared>> -> memref<10000x128xf32, #tpu.memory_space<vmem_shared>>
        tpu.enqueue_indirect_dma source(%arg9 : memref<80x128xf32, #tpu.memory_space<vmem>>) target(%dma_start3A_36 : memref<10000x128xf32, #tpu.memory_space<vmem_shared>>) offsets(%arg8 : memref<80xi32, #tpu.memory_space<vmem>>) semaphore(%run_scoped3A : memref<!tpu.dma_semaphore, #tpu.memory_space<semaphore_mem>>) {add = true}
        %dma_wait3A_37 = arith.constant 0 : i32
        %dma_wait3A_38 = arith.constant 0 : i32
        %dma_wait3A_39 = tpu.memref_slice %arg10[%dma_wait3A_37, %dma_wait3A_38] : memref<10000x128xf32, #tpu.memory_space<vmem_shared>> -> memref<10000x128xf32, #tpu.memory_space<vmem_shared>>
        tpu.wait_indirect_dma semaphore(%run_scoped3A : memref<!tpu.dma_semaphore, #tpu.memory_space<semaphore_mem>>) src(%arg9 : memref<80x128xf32, #tpu.memory_space<vmem>>) dst(%dma_wait3A_39 : memref<10000x128xf32, #tpu.memory_space<vmem_shared>>)
        tpu.yield
      }) : () -> ()
    }
    %scan3A_13 = arith.constant 125 : i32
    %barrier3A_14 = arith.constant 0 : index
    tpu.barrier barrier_id(%barrier3A_14)
    %lt3A_15 = arith.constant 15 : i32
    %lt3A_16 = arith.cmpi slt, %arg1, %lt3A_15 : i32
    %convert_element_type3A_17 = arith.extui %lt3A_16 : i1 to i32
    %cond3A_18 = arith.constant 0 : i32
    %cond3A_19 = arith.cmpi ne, %convert_element_type3A_17, %cond3A_18 : i32
    scf.if %cond3A_19 {
      %mul3A_26 = arith.constant 624 : i32
      %mul3A_27 = arith.muli %arg1, %mul3A_26 : i32
      "tpu.region"() ({
        %run_scoped3A = tpu.sem_alloc : memref<!tpu.dma_semaphore, #tpu.memory_space<semaphore_mem>>
        %dma_start3A = arith.constant 0 : i32
        %dma_start3A_28 = tpu.memref_slice %arg6[%arg0, %mul3A_27, %dma_start3A] : memref<2x10000x128xf32, #tpu.memory_space<hbm>> -> memref<1x624x128xf32, #tpu.memory_space<hbm>>
        %dma_start3A_29 = tpu.memref_squeeze %dma_start3A_28 : memref<1x624x128xf32, #tpu.memory_space<hbm>> -> memref<624x128xf32, #tpu.memory_space<hbm>>
        %dma_start3A_30 = arith.constant 0 : i32
        %dma_start3A_31 = tpu.memref_slice %arg10[%mul3A_27, %dma_start3A_30] : memref<10000x128xf32, #tpu.memory_space<vmem_shared>> -> memref<624x128xf32, #tpu.memory_space<vmem_shared>>
        tpu.enqueue_dma source(%dma_start3A_31 : memref<624x128xf32, #tpu.memory_space<vmem_shared>>) target(%dma_start3A_29 : memref<624x128xf32, #tpu.memory_space<hbm>>) target_semaphore(%run_scoped3A : memref<!tpu.dma_semaphore, #tpu.memory_space<semaphore_mem>>)
        %dma_wait3A = arith.constant 0 : i32
        %dma_wait3A_32 = tpu.memref_slice %arg6[%arg0, %mul3A_27, %dma_wait3A] : memref<2x10000x128xf32, #tpu.memory_space<hbm>> -> memref<1x624x128xf32, #tpu.memory_space<hbm>>
        %dma_wait3A_33 = tpu.memref_squeeze %dma_wait3A_32 : memref<1x624x128xf32, #tpu.memory_space<hbm>> -> memref<624x128xf32, #tpu.memory_space<hbm>>
        %dma_wait3A_34 = arith.constant 0 : i32
        %dma_wait3A_35 = tpu.memref_slice %arg10[%mul3A_27, %dma_wait3A_34] : memref<10000x128xf32, #tpu.memory_space<vmem_shared>> -> memref<624x128xf32, #tpu.memory_space<vmem_shared>>
        tpu.wait_dma2 semaphore(%run_scoped3A : memref<!tpu.dma_semaphore, #tpu.memory_space<semaphore_mem>>) src(%dma_wait3A_35 : memref<624x128xf32, #tpu.memory_space<vmem_shared>>) dst(%dma_wait3A_33 : memref<624x128xf32, #tpu.memory_space<hbm>>)
        tpu.yield
      }) : () -> ()
    } else {
    }
    %eq3A_20 = arith.constant 15 : i32
    %eq3A_21 = arith.cmpi eq, %arg1, %eq3A_20 : i32
    %convert_element_type3A_22 = arith.extui %eq3A_21 : i1 to i32
    %cond3A_23 = arith.constant 0 : i32
    %cond3A_24 = arith.cmpi ne, %convert_element_type3A_22, %cond3A_23 : i32
    scf.if %cond3A_24 {
      "tpu.region"() ({
        %run_scoped3A = tpu.sem_alloc : memref<!tpu.dma_semaphore, #tpu.memory_space<semaphore_mem>>
        %dma_start3A = arith.constant 9360 : i32
        %dma_start3A_26 = arith.constant 0 : i32
        %dma_start3A_27 = tpu.memref_slice %arg6[%arg0, %dma_start3A, %dma_start3A_26] : memref<2x10000x128xf32, #tpu.memory_space<hbm>> -> memref<1x640x128xf32, #tpu.memory_space<hbm>>
        %dma_start3A_28 = tpu.memref_squeeze %dma_start3A_27 : memref<1x640x128xf32, #tpu.memory_space<hbm>> -> memref<640x128xf32, #tpu.memory_space<hbm>>
        %dma_start3A_29 = arith.constant 9360 : i32
        %dma_start3A_30 = arith.constant 0 : i32
        %dma_start3A_31 = tpu.memref_slice %arg10[%dma_start3A_29, %dma_start3A_30] : memref<10000x128xf32, #tpu.memory_space<vmem_shared>> -> memref<640x128xf32, #tpu.memory_space<vmem_shared>>
        tpu.enqueue_dma source(%dma_start3A_31 : memref<640x128xf32, #tpu.memory_space<vmem_shared>>) target(%dma_start3A_28 : memref<640x128xf32, #tpu.memory_space<hbm>>) target_semaphore(%run_scoped3A : memref<!tpu.dma_semaphore, #tpu.memory_space<semaphore_mem>>)
        %dma_wait3A = arith.constant 9360 : i32
        %dma_wait3A_32 = arith.constant 0 : i32
        %dma_wait3A_33 = tpu.memref_slice %arg6[%arg0, %dma_wait3A, %dma_wait3A_32] : memref<2x10000x128xf32, #tpu.memory_space<hbm>> -> memref<1x640x128xf32, #tpu.memory_space<hbm>>
        %dma_wait3A_34 = tpu.memref_squeeze %dma_wait3A_33 : memref<1x640x128xf32, #tpu.memory_space<hbm>> -> memref<640x128xf32, #tpu.memory_space<hbm>>
        %dma_wait3A_35 = arith.constant 9360 : i32
        %dma_wait3A_36 = arith.constant 0 : i32
        %dma_wait3A_37 = tpu.memref_slice %arg10[%dma_wait3A_35, %dma_wait3A_36] : memref<10000x128xf32, #tpu.memory_space<vmem_shared>> -> memref<640x128xf32, #tpu.memory_space<vmem_shared>>
        tpu.wait_dma2 semaphore(%run_scoped3A : memref<!tpu.dma_semaphore, #tpu.memory_space<semaphore_mem>>) src(%dma_wait3A_37 : memref<640x128xf32, #tpu.memory_space<vmem_shared>>) dst(%dma_wait3A_34 : memref<640x128xf32, #tpu.memory_space<hbm>>)
        tpu.yield
      }) : () -> ()
    } else {
    }
    %barrier3A_25 = arith.constant 0 : index
    tpu.barrier barrier_id(%barrier3A_25)
    return
  }
}

#map = affine_map<(d0, d1) -> (0)>
#map1 = affine_map<(d0, d1) -> (0, 0)>
#map2 = affine_map<(d0, d1) -> (0, 0, 0)>
module attributes {stable_mosaic.version = 14 : i64} {
  func.func @prop_kernel(%arg0: i32, %arg1: i32, %arg2: memref<320000xi32, #tpu.memory_space<hbm>>, %arg3: memref<320000xi32, #tpu.memory_space<hbm>>, %arg4: memref<640x128xf32, #tpu.memory_space<hbm>>, %arg5: memref<10000x128xf32, #tpu.memory_space<hbm>>, %arg6: memref<10000x128xf32, #tpu.memory_space<hbm>>, %arg7: memref<10000x128xf32, #tpu.memory_space<hbm>>, %arg8: memref<10000x128xf32, #tpu.memory_space<hbm>>, %arg9: memref<2x10000x128xf32, #tpu.memory_space<hbm>>, %arg10: memref<2x10000x128xf32, #tpu.memory_space<hbm>>, %arg11: memref<2x10000x128xf32, #tpu.memory_space<hbm>>, %arg12: memref<2x10000x128xf32, #tpu.memory_space<hbm>>, %arg13: memref<80xi32, #tpu.memory_space<vmem>>, %arg14: memref<80xi32, #tpu.memory_space<vmem>>, %arg15: memref<80x128xf32, #tpu.memory_space<vmem>>, %arg16: memref<10000x128xf32, #tpu.memory_space<vmem_shared>>, %arg17: memref<!tpu.dma_semaphore, #tpu.memory_space<semaphore_mem>>) attributes {dimension_semantics = [#tpu.dimension_semantics<core_parallel>, #tpu.dimension_semantics<subcore_parallel>], iteration_bounds = array<i64: 2, 16>, scalar_prefetch = 0 : i64, scratch_operands = 5 : i64, tpu.core_type = #tpu.core_type<sc_vector_subcore>, window_params = [{transform_indices = #map}, {transform_indices = #map}, {transform_indices = #map1}, {transform_indices = #map1}, {transform_indices = #map1}, {transform_indices = #map1}, {transform_indices = #map1}, {transform_indices = #map2}, {transform_indices = #map2}, {transform_indices = #map2}, {transform_indices = #map2}]} {
    %mul3A = arith.constant 16 : i32
    %mul3A_0 = arith.muli %arg0, %mul3A : i32
    %add3A = arith.addi %mul3A_0, %arg1 : i32
    %mul3A_1 = arith.constant 10000 : i32
    %mul3A_2 = arith.muli %add3A, %mul3A_1 : i32
    %lt3A = arith.constant 15 : i32
    %lt3A_3 = arith.cmpi slt, %arg1, %lt3A : i32
    %convert_element_type3A = arith.extui %lt3A_3 : i1 to i32
    %cond3A = arith.constant 0 : i32
    %cond3A_4 = arith.cmpi ne, %convert_element_type3A, %cond3A : i32
    scf.if %cond3A_4 {
      %mul3A_113 = arith.constant 624 : i32
      %mul3A_114 = arith.muli %arg1, %mul3A_113 : i32
      "tpu.region"() ({
        %run_scoped3A = tpu.sem_alloc : memref<!tpu.dma_semaphore, #tpu.memory_space<semaphore_mem>>
        %dma_start3A = arith.constant 0 : i32
        %dma_start3A_115 = tpu.memref_slice %arg16[%mul3A_114, %dma_start3A] : memref<10000x128xf32, #tpu.memory_space<vmem_shared>> -> memref<624x128xf32, #tpu.memory_space<vmem_shared>>
        %dma_start3A_116 = arith.constant 0 : i32
        %dma_start3A_117 = arith.constant 0 : i32
        %dma_start3A_118 = tpu.memref_slice %arg4[%dma_start3A_116, %dma_start3A_117] : memref<640x128xf32, #tpu.memory_space<hbm>> -> memref<624x128xf32, #tpu.memory_space<hbm>>
        tpu.enqueue_dma source(%dma_start3A_118 : memref<624x128xf32, #tpu.memory_space<hbm>>) target(%dma_start3A_115 : memref<624x128xf32, #tpu.memory_space<vmem_shared>>) target_semaphore(%run_scoped3A : memref<!tpu.dma_semaphore, #tpu.memory_space<semaphore_mem>>)
        %dma_wait3A = arith.constant 0 : i32
        %dma_wait3A_119 = tpu.memref_slice %arg16[%mul3A_114, %dma_wait3A] : memref<10000x128xf32, #tpu.memory_space<vmem_shared>> -> memref<624x128xf32, #tpu.memory_space<vmem_shared>>
        %dma_wait3A_120 = arith.constant 0 : i32
        %dma_wait3A_121 = arith.constant 0 : i32
        %dma_wait3A_122 = tpu.memref_slice %arg4[%dma_wait3A_120, %dma_wait3A_121] : memref<640x128xf32, #tpu.memory_space<hbm>> -> memref<624x128xf32, #tpu.memory_space<hbm>>
        tpu.wait_dma2 semaphore(%run_scoped3A : memref<!tpu.dma_semaphore, #tpu.memory_space<semaphore_mem>>) src(%dma_wait3A_122 : memref<624x128xf32, #tpu.memory_space<hbm>>) dst(%dma_wait3A_119 : memref<624x128xf32, #tpu.memory_space<vmem_shared>>)
        tpu.yield
      }) : () -> ()
    } else {
    }
    %eq3A = arith.constant 15 : i32
    %eq3A_5 = arith.cmpi eq, %arg1, %eq3A : i32
    %convert_element_type3A_6 = arith.extui %eq3A_5 : i1 to i32
    %cond3A_7 = arith.constant 0 : i32
    %cond3A_8 = arith.cmpi ne, %convert_element_type3A_6, %cond3A_7 : i32
    scf.if %cond3A_8 {
      "tpu.region"() ({
        %run_scoped3A = tpu.sem_alloc : memref<!tpu.dma_semaphore, #tpu.memory_space<semaphore_mem>>
        %dma_start3A = arith.constant 9360 : i32
        %dma_start3A_113 = arith.constant 0 : i32
        %dma_start3A_114 = tpu.memref_slice %arg16[%dma_start3A, %dma_start3A_113] : memref<10000x128xf32, #tpu.memory_space<vmem_shared>> -> memref<640x128xf32, #tpu.memory_space<vmem_shared>>
        %dma_start3A_115 = arith.constant 0 : i32
        %dma_start3A_116 = arith.constant 0 : i32
        %dma_start3A_117 = tpu.memref_slice %arg4[%dma_start3A_115, %dma_start3A_116] : memref<640x128xf32, #tpu.memory_space<hbm>> -> memref<640x128xf32, #tpu.memory_space<hbm>>
        tpu.enqueue_dma source(%dma_start3A_117 : memref<640x128xf32, #tpu.memory_space<hbm>>) target(%dma_start3A_114 : memref<640x128xf32, #tpu.memory_space<vmem_shared>>) target_semaphore(%run_scoped3A : memref<!tpu.dma_semaphore, #tpu.memory_space<semaphore_mem>>)
        %dma_wait3A = arith.constant 9360 : i32
        %dma_wait3A_118 = arith.constant 0 : i32
        %dma_wait3A_119 = tpu.memref_slice %arg16[%dma_wait3A, %dma_wait3A_118] : memref<10000x128xf32, #tpu.memory_space<vmem_shared>> -> memref<640x128xf32, #tpu.memory_space<vmem_shared>>
        %dma_wait3A_120 = arith.constant 0 : i32
        %dma_wait3A_121 = arith.constant 0 : i32
        %dma_wait3A_122 = tpu.memref_slice %arg4[%dma_wait3A_120, %dma_wait3A_121] : memref<640x128xf32, #tpu.memory_space<hbm>> -> memref<640x128xf32, #tpu.memory_space<hbm>>
        tpu.wait_dma2 semaphore(%run_scoped3A : memref<!tpu.dma_semaphore, #tpu.memory_space<semaphore_mem>>) src(%dma_wait3A_122 : memref<640x128xf32, #tpu.memory_space<hbm>>) dst(%dma_wait3A_119 : memref<640x128xf32, #tpu.memory_space<vmem_shared>>)
        tpu.yield
      }) : () -> ()
    } else {
    }
    %barrier3A = arith.constant 0 : index
    tpu.barrier barrier_id(%barrier3A)
    %scan3A = arith.constant 0 : i32
    %scan3A_9 = arith.constant 0 : i32
    %scan3A_10 = arith.constant 125 : i32
    %scan3A_11 = arith.addi %scan3A_9, %scan3A_10 : i32
    %scan3A_12 = arith.constant 1 : i32
    scf.for %scan3A_113 = %scan3A_9 to %scan3A_11 step %scan3A_12  : i32 {
      %mul3A_114 = arith.constant 80 : i32
      %mul3A_115 = arith.muli %scan3A_113, %mul3A_114 : i32
      %add3A_116 = arith.addi %mul3A_2, %mul3A_115 : i32
      "tpu.region"() ({
        %run_scoped3A = tpu.sem_alloc : memref<!tpu.dma_semaphore, #tpu.memory_space<semaphore_mem>>
        %dma_start3A_121 = tpu.memref_slice %arg2[%add3A_116] : memref<320000xi32, #tpu.memory_space<hbm>> -> memref<80xi32, #tpu.memory_space<hbm>>
        %dma_start3A_122 = tpu.memref_slice %arg2[%add3A_116] : memref<320000xi32, #tpu.memory_space<hbm>> -> memref<80xi32, #tpu.memory_space<hbm>>
        tpu.enqueue_dma source(%dma_start3A_122 : memref<80xi32, #tpu.memory_space<hbm>>) target(%arg13 : memref<80xi32, #tpu.memory_space<vmem>>) target_semaphore(%run_scoped3A : memref<!tpu.dma_semaphore, #tpu.memory_space<semaphore_mem>>)
        %dma_wait3A_123 = tpu.memref_slice %arg2[%add3A_116] : memref<320000xi32, #tpu.memory_space<hbm>> -> memref<80xi32, #tpu.memory_space<hbm>>
        %dma_wait3A_124 = tpu.memref_slice %arg2[%add3A_116] : memref<320000xi32, #tpu.memory_space<hbm>> -> memref<80xi32, #tpu.memory_space<hbm>>
        tpu.wait_dma2 semaphore(%run_scoped3A : memref<!tpu.dma_semaphore, #tpu.memory_space<semaphore_mem>>) src(%dma_wait3A_124 : memref<80xi32, #tpu.memory_space<hbm>>) dst(%arg13 : memref<80xi32, #tpu.memory_space<vmem>>)
        tpu.yield
      }) : () -> ()
      "tpu.region"() ({
        %run_scoped3A = tpu.sem_alloc : memref<!tpu.dma_semaphore, #tpu.memory_space<semaphore_mem>>
        %dma_start3A_121 = tpu.memref_slice %arg3[%add3A_116] : memref<320000xi32, #tpu.memory_space<hbm>> -> memref<80xi32, #tpu.memory_space<hbm>>
        %dma_start3A_122 = tpu.memref_slice %arg3[%add3A_116] : memref<320000xi32, #tpu.memory_space<hbm>> -> memref<80xi32, #tpu.memory_space<hbm>>
        tpu.enqueue_dma source(%dma_start3A_122 : memref<80xi32, #tpu.memory_space<hbm>>) target(%arg14 : memref<80xi32, #tpu.memory_space<vmem>>) target_semaphore(%run_scoped3A : memref<!tpu.dma_semaphore, #tpu.memory_space<semaphore_mem>>)
        %dma_wait3A_123 = tpu.memref_slice %arg3[%add3A_116] : memref<320000xi32, #tpu.memory_space<hbm>> -> memref<80xi32, #tpu.memory_space<hbm>>
        %dma_wait3A_124 = tpu.memref_slice %arg3[%add3A_116] : memref<320000xi32, #tpu.memory_space<hbm>> -> memref<80xi32, #tpu.memory_space<hbm>>
        tpu.wait_dma2 semaphore(%run_scoped3A : memref<!tpu.dma_semaphore, #tpu.memory_space<semaphore_mem>>) src(%dma_wait3A_124 : memref<80xi32, #tpu.memory_space<hbm>>) dst(%arg14 : memref<80xi32, #tpu.memory_space<vmem>>)
        tpu.yield
      }) : () -> ()
      %dma_start3A = arith.constant 0 : i32
      %dma_start3A_117 = arith.constant 0 : i32
      %dma_start3A_118 = tpu.memref_slice %arg5[%dma_start3A, %dma_start3A_117] : memref<10000x128xf32, #tpu.memory_space<hbm>> -> memref<10000x128xf32, #tpu.memory_space<hbm>>
      tpu.enqueue_indirect_dma source(%dma_start3A_118 : memref<10000x128xf32, #tpu.memory_space<hbm>>) target(%arg15 : memref<80x128xf32, #tpu.memory_space<vmem>>) offsets(%arg13 : memref<80xi32, #tpu.memory_space<vmem>>) semaphore(%arg17 : memref<!tpu.dma_semaphore, #tpu.memory_space<semaphore_mem>>)
      %dma_wait3A = arith.constant 0 : i32
      %dma_wait3A_119 = arith.constant 0 : i32
      %dma_wait3A_120 = tpu.memref_slice %arg5[%dma_wait3A, %dma_wait3A_119] : memref<10000x128xf32, #tpu.memory_space<hbm>> -> memref<10000x128xf32, #tpu.memory_space<hbm>>
      tpu.wait_indirect_dma semaphore(%arg17 : memref<!tpu.dma_semaphore, #tpu.memory_space<semaphore_mem>>) src(%dma_wait3A_120 : memref<10000x128xf32, #tpu.memory_space<hbm>>) dst(%arg15 : memref<80x128xf32, #tpu.memory_space<vmem>>)
      "tpu.region"() ({
        %run_scoped3A = tpu.sem_alloc : memref<!tpu.dma_semaphore, #tpu.memory_space<semaphore_mem>>
        %dma_start3A_121 = arith.constant 0 : i32
        %dma_start3A_122 = arith.constant 0 : i32
        %dma_start3A_123 = tpu.memref_slice %arg16[%dma_start3A_121, %dma_start3A_122] : memref<10000x128xf32, #tpu.memory_space<vmem_shared>> -> memref<10000x128xf32, #tpu.memory_space<vmem_shared>>
        tpu.enqueue_indirect_dma source(%arg15 : memref<80x128xf32, #tpu.memory_space<vmem>>) target(%dma_start3A_123 : memref<10000x128xf32, #tpu.memory_space<vmem_shared>>) offsets(%arg14 : memref<80xi32, #tpu.memory_space<vmem>>) semaphore(%run_scoped3A : memref<!tpu.dma_semaphore, #tpu.memory_space<semaphore_mem>>) {add = true}
        %dma_wait3A_124 = arith.constant 0 : i32
        %dma_wait3A_125 = arith.constant 0 : i32
        %dma_wait3A_126 = tpu.memref_slice %arg16[%dma_wait3A_124, %dma_wait3A_125] : memref<10000x128xf32, #tpu.memory_space<vmem_shared>> -> memref<10000x128xf32, #tpu.memory_space<vmem_shared>>
        tpu.wait_indirect_dma semaphore(%run_scoped3A : memref<!tpu.dma_semaphore, #tpu.memory_space<semaphore_mem>>) src(%arg15 : memref<80x128xf32, #tpu.memory_space<vmem>>) dst(%dma_wait3A_126 : memref<10000x128xf32, #tpu.memory_space<vmem_shared>>)
        tpu.yield
      }) : () -> ()
    }
    %scan3A_13 = arith.constant 125 : i32
    %barrier3A_14 = arith.constant 0 : index
    tpu.barrier barrier_id(%barrier3A_14)
    %lt3A_15 = arith.constant 15 : i32
    %lt3A_16 = arith.cmpi slt, %arg1, %lt3A_15 : i32
    %convert_element_type3A_17 = arith.extui %lt3A_16 : i1 to i32
    %cond3A_18 = arith.constant 0 : i32
    %cond3A_19 = arith.cmpi ne, %convert_element_type3A_17, %cond3A_18 : i32
    scf.if %cond3A_19 {
      %mul3A_113 = arith.constant 624 : i32
      %mul3A_114 = arith.muli %arg1, %mul3A_113 : i32
      "tpu.region"() ({
        %run_scoped3A = tpu.sem_alloc : memref<!tpu.dma_semaphore, #tpu.memory_space<semaphore_mem>>
        %dma_start3A = arith.constant 0 : i32
        %dma_start3A_115 = tpu.memref_slice %arg9[%arg0, %mul3A_114, %dma_start3A] : memref<2x10000x128xf32, #tpu.memory_space<hbm>> -> memref<1x624x128xf32, #tpu.memory_space<hbm>>
        %dma_start3A_116 = tpu.memref_squeeze %dma_start3A_115 : memref<1x624x128xf32, #tpu.memory_space<hbm>> -> memref<624x128xf32, #tpu.memory_space<hbm>>
        %dma_start3A_117 = arith.constant 0 : i32
        %dma_start3A_118 = tpu.memref_slice %arg16[%mul3A_114, %dma_start3A_117] : memref<10000x128xf32, #tpu.memory_space<vmem_shared>> -> memref<624x128xf32, #tpu.memory_space<vmem_shared>>
        tpu.enqueue_dma source(%dma_start3A_118 : memref<624x128xf32, #tpu.memory_space<vmem_shared>>) target(%dma_start3A_116 : memref<624x128xf32, #tpu.memory_space<hbm>>) target_semaphore(%run_scoped3A : memref<!tpu.dma_semaphore, #tpu.memory_space<semaphore_mem>>)
        %dma_wait3A = arith.constant 0 : i32
        %dma_wait3A_119 = tpu.memref_slice %arg9[%arg0, %mul3A_114, %dma_wait3A] : memref<2x10000x128xf32, #tpu.memory_space<hbm>> -> memref<1x624x128xf32, #tpu.memory_space<hbm>>
        %dma_wait3A_120 = tpu.memref_squeeze %dma_wait3A_119 : memref<1x624x128xf32, #tpu.memory_space<hbm>> -> memref<624x128xf32, #tpu.memory_space<hbm>>
        %dma_wait3A_121 = arith.constant 0 : i32
        %dma_wait3A_122 = tpu.memref_slice %arg16[%mul3A_114, %dma_wait3A_121] : memref<10000x128xf32, #tpu.memory_space<vmem_shared>> -> memref<624x128xf32, #tpu.memory_space<vmem_shared>>
        tpu.wait_dma2 semaphore(%run_scoped3A : memref<!tpu.dma_semaphore, #tpu.memory_space<semaphore_mem>>) src(%dma_wait3A_122 : memref<624x128xf32, #tpu.memory_space<vmem_shared>>) dst(%dma_wait3A_120 : memref<624x128xf32, #tpu.memory_space<hbm>>)
        tpu.yield
      }) : () -> ()
    } else {
    }
    %eq3A_20 = arith.constant 15 : i32
    %eq3A_21 = arith.cmpi eq, %arg1, %eq3A_20 : i32
    %convert_element_type3A_22 = arith.extui %eq3A_21 : i1 to i32
    %cond3A_23 = arith.constant 0 : i32
    %cond3A_24 = arith.cmpi ne, %convert_element_type3A_22, %cond3A_23 : i32
    scf.if %cond3A_24 {
      "tpu.region"() ({
        %run_scoped3A = tpu.sem_alloc : memref<!tpu.dma_semaphore, #tpu.memory_space<semaphore_mem>>
        %dma_start3A = arith.constant 9360 : i32
        %dma_start3A_113 = arith.constant 0 : i32
        %dma_start3A_114 = tpu.memref_slice %arg9[%arg0, %dma_start3A, %dma_start3A_113] : memref<2x10000x128xf32, #tpu.memory_space<hbm>> -> memref<1x640x128xf32, #tpu.memory_space<hbm>>
        %dma_start3A_115 = tpu.memref_squeeze %dma_start3A_114 : memref<1x640x128xf32, #tpu.memory_space<hbm>> -> memref<640x128xf32, #tpu.memory_space<hbm>>
        %dma_start3A_116 = arith.constant 9360 : i32
        %dma_start3A_117 = arith.constant 0 : i32
        %dma_start3A_118 = tpu.memref_slice %arg16[%dma_start3A_116, %dma_start3A_117] : memref<10000x128xf32, #tpu.memory_space<vmem_shared>> -> memref<640x128xf32, #tpu.memory_space<vmem_shared>>
        tpu.enqueue_dma source(%dma_start3A_118 : memref<640x128xf32, #tpu.memory_space<vmem_shared>>) target(%dma_start3A_115 : memref<640x128xf32, #tpu.memory_space<hbm>>) target_semaphore(%run_scoped3A : memref<!tpu.dma_semaphore, #tpu.memory_space<semaphore_mem>>)
        %dma_wait3A = arith.constant 9360 : i32
        %dma_wait3A_119 = arith.constant 0 : i32
        %dma_wait3A_120 = tpu.memref_slice %arg9[%arg0, %dma_wait3A, %dma_wait3A_119] : memref<2x10000x128xf32, #tpu.memory_space<hbm>> -> memref<1x640x128xf32, #tpu.memory_space<hbm>>
        %dma_wait3A_121 = tpu.memref_squeeze %dma_wait3A_120 : memref<1x640x128xf32, #tpu.memory_space<hbm>> -> memref<640x128xf32, #tpu.memory_space<hbm>>
        %dma_wait3A_122 = arith.constant 9360 : i32
        %dma_wait3A_123 = arith.constant 0 : i32
        %dma_wait3A_124 = tpu.memref_slice %arg16[%dma_wait3A_122, %dma_wait3A_123] : memref<10000x128xf32, #tpu.memory_space<vmem_shared>> -> memref<640x128xf32, #tpu.memory_space<vmem_shared>>
        tpu.wait_dma2 semaphore(%run_scoped3A : memref<!tpu.dma_semaphore, #tpu.memory_space<semaphore_mem>>) src(%dma_wait3A_124 : memref<640x128xf32, #tpu.memory_space<vmem_shared>>) dst(%dma_wait3A_121 : memref<640x128xf32, #tpu.memory_space<hbm>>)
        tpu.yield
      }) : () -> ()
    } else {
    }
    %barrier3A_25 = arith.constant 0 : index
    tpu.barrier barrier_id(%barrier3A_25)
    %lt3A_26 = arith.constant 15 : i32
    %lt3A_27 = arith.cmpi slt, %arg1, %lt3A_26 : i32
    %convert_element_type3A_28 = arith.extui %lt3A_27 : i1 to i32
    %cond3A_29 = arith.constant 0 : i32
    %cond3A_30 = arith.cmpi ne, %convert_element_type3A_28, %cond3A_29 : i32
    scf.if %cond3A_30 {
      %mul3A_113 = arith.constant 624 : i32
      %mul3A_114 = arith.muli %arg1, %mul3A_113 : i32
      "tpu.region"() ({
        %run_scoped3A = tpu.sem_alloc : memref<!tpu.dma_semaphore, #tpu.memory_space<semaphore_mem>>
        %dma_start3A = arith.constant 0 : i32
        %dma_start3A_115 = tpu.memref_slice %arg16[%mul3A_114, %dma_start3A] : memref<10000x128xf32, #tpu.memory_space<vmem_shared>> -> memref<624x128xf32, #tpu.memory_space<vmem_shared>>
        %dma_start3A_116 = arith.constant 0 : i32
        %dma_start3A_117 = arith.constant 0 : i32
        %dma_start3A_118 = tpu.memref_slice %arg4[%dma_start3A_116, %dma_start3A_117] : memref<640x128xf32, #tpu.memory_space<hbm>> -> memref<624x128xf32, #tpu.memory_space<hbm>>
        tpu.enqueue_dma source(%dma_start3A_118 : memref<624x128xf32, #tpu.memory_space<hbm>>) target(%dma_start3A_115 : memref<624x128xf32, #tpu.memory_space<vmem_shared>>) target_semaphore(%run_scoped3A : memref<!tpu.dma_semaphore, #tpu.memory_space<semaphore_mem>>)
        %dma_wait3A = arith.constant 0 : i32
        %dma_wait3A_119 = tpu.memref_slice %arg16[%mul3A_114, %dma_wait3A] : memref<10000x128xf32, #tpu.memory_space<vmem_shared>> -> memref<624x128xf32, #tpu.memory_space<vmem_shared>>
        %dma_wait3A_120 = arith.constant 0 : i32
        %dma_wait3A_121 = arith.constant 0 : i32
        %dma_wait3A_122 = tpu.memref_slice %arg4[%dma_wait3A_120, %dma_wait3A_121] : memref<640x128xf32, #tpu.memory_space<hbm>> -> memref<624x128xf32, #tpu.memory_space<hbm>>
        tpu.wait_dma2 semaphore(%run_scoped3A : memref<!tpu.dma_semaphore, #tpu.memory_space<semaphore_mem>>) src(%dma_wait3A_122 : memref<624x128xf32, #tpu.memory_space<hbm>>) dst(%dma_wait3A_119 : memref<624x128xf32, #tpu.memory_space<vmem_shared>>)
        tpu.yield
      }) : () -> ()
    } else {
    }
    %eq3A_31 = arith.constant 15 : i32
    %eq3A_32 = arith.cmpi eq, %arg1, %eq3A_31 : i32
    %convert_element_type3A_33 = arith.extui %eq3A_32 : i1 to i32
    %cond3A_34 = arith.constant 0 : i32
    %cond3A_35 = arith.cmpi ne, %convert_element_type3A_33, %cond3A_34 : i32
    scf.if %cond3A_35 {
      "tpu.region"() ({
        %run_scoped3A = tpu.sem_alloc : memref<!tpu.dma_semaphore, #tpu.memory_space<semaphore_mem>>
        %dma_start3A = arith.constant 9360 : i32
        %dma_start3A_113 = arith.constant 0 : i32
        %dma_start3A_114 = tpu.memref_slice %arg16[%dma_start3A, %dma_start3A_113] : memref<10000x128xf32, #tpu.memory_space<vmem_shared>> -> memref<640x128xf32, #tpu.memory_space<vmem_shared>>
        %dma_start3A_115 = arith.constant 0 : i32
        %dma_start3A_116 = arith.constant 0 : i32
        %dma_start3A_117 = tpu.memref_slice %arg4[%dma_start3A_115, %dma_start3A_116] : memref<640x128xf32, #tpu.memory_space<hbm>> -> memref<640x128xf32, #tpu.memory_space<hbm>>
        tpu.enqueue_dma source(%dma_start3A_117 : memref<640x128xf32, #tpu.memory_space<hbm>>) target(%dma_start3A_114 : memref<640x128xf32, #tpu.memory_space<vmem_shared>>) target_semaphore(%run_scoped3A : memref<!tpu.dma_semaphore, #tpu.memory_space<semaphore_mem>>)
        %dma_wait3A = arith.constant 9360 : i32
        %dma_wait3A_118 = arith.constant 0 : i32
        %dma_wait3A_119 = tpu.memref_slice %arg16[%dma_wait3A, %dma_wait3A_118] : memref<10000x128xf32, #tpu.memory_space<vmem_shared>> -> memref<640x128xf32, #tpu.memory_space<vmem_shared>>
        %dma_wait3A_120 = arith.constant 0 : i32
        %dma_wait3A_121 = arith.constant 0 : i32
        %dma_wait3A_122 = tpu.memref_slice %arg4[%dma_wait3A_120, %dma_wait3A_121] : memref<640x128xf32, #tpu.memory_space<hbm>> -> memref<640x128xf32, #tpu.memory_space<hbm>>
        tpu.wait_dma2 semaphore(%run_scoped3A : memref<!tpu.dma_semaphore, #tpu.memory_space<semaphore_mem>>) src(%dma_wait3A_122 : memref<640x128xf32, #tpu.memory_space<hbm>>) dst(%dma_wait3A_119 : memref<640x128xf32, #tpu.memory_space<vmem_shared>>)
        tpu.yield
      }) : () -> ()
    } else {
    }
    %barrier3A_36 = arith.constant 0 : index
    tpu.barrier barrier_id(%barrier3A_36)
    %scan3A_37 = arith.constant 0 : i32
    %scan3A_38 = arith.constant 0 : i32
    %scan3A_39 = arith.constant 125 : i32
    %scan3A_40 = arith.addi %scan3A_38, %scan3A_39 : i32
    %scan3A_41 = arith.constant 1 : i32
    scf.for %scan3A_113 = %scan3A_38 to %scan3A_40 step %scan3A_41  : i32 {
      %mul3A_114 = arith.constant 80 : i32
      %mul3A_115 = arith.muli %scan3A_113, %mul3A_114 : i32
      %add3A_116 = arith.addi %mul3A_2, %mul3A_115 : i32
      "tpu.region"() ({
        %run_scoped3A = tpu.sem_alloc : memref<!tpu.dma_semaphore, #tpu.memory_space<semaphore_mem>>
        %dma_start3A_121 = tpu.memref_slice %arg2[%add3A_116] : memref<320000xi32, #tpu.memory_space<hbm>> -> memref<80xi32, #tpu.memory_space<hbm>>
        %dma_start3A_122 = tpu.memref_slice %arg2[%add3A_116] : memref<320000xi32, #tpu.memory_space<hbm>> -> memref<80xi32, #tpu.memory_space<hbm>>
        tpu.enqueue_dma source(%dma_start3A_122 : memref<80xi32, #tpu.memory_space<hbm>>) target(%arg13 : memref<80xi32, #tpu.memory_space<vmem>>) target_semaphore(%run_scoped3A : memref<!tpu.dma_semaphore, #tpu.memory_space<semaphore_mem>>)
        %dma_wait3A_123 = tpu.memref_slice %arg2[%add3A_116] : memref<320000xi32, #tpu.memory_space<hbm>> -> memref<80xi32, #tpu.memory_space<hbm>>
        %dma_wait3A_124 = tpu.memref_slice %arg2[%add3A_116] : memref<320000xi32, #tpu.memory_space<hbm>> -> memref<80xi32, #tpu.memory_space<hbm>>
        tpu.wait_dma2 semaphore(%run_scoped3A : memref<!tpu.dma_semaphore, #tpu.memory_space<semaphore_mem>>) src(%dma_wait3A_124 : memref<80xi32, #tpu.memory_space<hbm>>) dst(%arg13 : memref<80xi32, #tpu.memory_space<vmem>>)
        tpu.yield
      }) : () -> ()
      "tpu.region"() ({
        %run_scoped3A = tpu.sem_alloc : memref<!tpu.dma_semaphore, #tpu.memory_space<semaphore_mem>>
        %dma_start3A_121 = tpu.memref_slice %arg3[%add3A_116] : memref<320000xi32, #tpu.memory_space<hbm>> -> memref<80xi32, #tpu.memory_space<hbm>>
        %dma_start3A_122 = tpu.memref_slice %arg3[%add3A_116] : memref<320000xi32, #tpu.memory_space<hbm>> -> memref<80xi32, #tpu.memory_space<hbm>>
        tpu.enqueue_dma source(%dma_start3A_122 : memref<80xi32, #tpu.memory_space<hbm>>) target(%arg14 : memref<80xi32, #tpu.memory_space<vmem>>) target_semaphore(%run_scoped3A : memref<!tpu.dma_semaphore, #tpu.memory_space<semaphore_mem>>)
        %dma_wait3A_123 = tpu.memref_slice %arg3[%add3A_116] : memref<320000xi32, #tpu.memory_space<hbm>> -> memref<80xi32, #tpu.memory_space<hbm>>
        %dma_wait3A_124 = tpu.memref_slice %arg3[%add3A_116] : memref<320000xi32, #tpu.memory_space<hbm>> -> memref<80xi32, #tpu.memory_space<hbm>>
        tpu.wait_dma2 semaphore(%run_scoped3A : memref<!tpu.dma_semaphore, #tpu.memory_space<semaphore_mem>>) src(%dma_wait3A_124 : memref<80xi32, #tpu.memory_space<hbm>>) dst(%arg14 : memref<80xi32, #tpu.memory_space<vmem>>)
        tpu.yield
      }) : () -> ()
      %dma_start3A = arith.constant 0 : i32
      %dma_start3A_117 = arith.constant 0 : i32
      %dma_start3A_118 = tpu.memref_slice %arg6[%dma_start3A, %dma_start3A_117] : memref<10000x128xf32, #tpu.memory_space<hbm>> -> memref<10000x128xf32, #tpu.memory_space<hbm>>
      tpu.enqueue_indirect_dma source(%dma_start3A_118 : memref<10000x128xf32, #tpu.memory_space<hbm>>) target(%arg15 : memref<80x128xf32, #tpu.memory_space<vmem>>) offsets(%arg13 : memref<80xi32, #tpu.memory_space<vmem>>) semaphore(%arg17 : memref<!tpu.dma_semaphore, #tpu.memory_space<semaphore_mem>>)
      %dma_wait3A = arith.constant 0 : i32
      %dma_wait3A_119 = arith.constant 0 : i32
      %dma_wait3A_120 = tpu.memref_slice %arg6[%dma_wait3A, %dma_wait3A_119] : memref<10000x128xf32, #tpu.memory_space<hbm>> -> memref<10000x128xf32, #tpu.memory_space<hbm>>
      tpu.wait_indirect_dma semaphore(%arg17 : memref<!tpu.dma_semaphore, #tpu.memory_space<semaphore_mem>>) src(%dma_wait3A_120 : memref<10000x128xf32, #tpu.memory_space<hbm>>) dst(%arg15 : memref<80x128xf32, #tpu.memory_space<vmem>>)
      "tpu.region"() ({
        %run_scoped3A = tpu.sem_alloc : memref<!tpu.dma_semaphore, #tpu.memory_space<semaphore_mem>>
        %dma_start3A_121 = arith.constant 0 : i32
        %dma_start3A_122 = arith.constant 0 : i32
        %dma_start3A_123 = tpu.memref_slice %arg16[%dma_start3A_121, %dma_start3A_122] : memref<10000x128xf32, #tpu.memory_space<vmem_shared>> -> memref<10000x128xf32, #tpu.memory_space<vmem_shared>>
        tpu.enqueue_indirect_dma source(%arg15 : memref<80x128xf32, #tpu.memory_space<vmem>>) target(%dma_start3A_123 : memref<10000x128xf32, #tpu.memory_space<vmem_shared>>) offsets(%arg14 : memref<80xi32, #tpu.memory_space<vmem>>) semaphore(%run_scoped3A : memref<!tpu.dma_semaphore, #tpu.memory_space<semaphore_mem>>) {add = true}
        %dma_wait3A_124 = arith.constant 0 : i32
        %dma_wait3A_125 = arith.constant 0 : i32
        %dma_wait3A_126 = tpu.memref_slice %arg16[%dma_wait3A_124, %dma_wait3A_125] : memref<10000x128xf32, #tpu.memory_space<vmem_shared>> -> memref<10000x128xf32, #tpu.memory_space<vmem_shared>>
        tpu.wait_indirect_dma semaphore(%run_scoped3A : memref<!tpu.dma_semaphore, #tpu.memory_space<semaphore_mem>>) src(%arg15 : memref<80x128xf32, #tpu.memory_space<vmem>>) dst(%dma_wait3A_126 : memref<10000x128xf32, #tpu.memory_space<vmem_shared>>)
        tpu.yield
      }) : () -> ()
    }
    %scan3A_42 = arith.constant 125 : i32
    %barrier3A_43 = arith.constant 0 : index
    tpu.barrier barrier_id(%barrier3A_43)
    %lt3A_44 = arith.constant 15 : i32
    %lt3A_45 = arith.cmpi slt, %arg1, %lt3A_44 : i32
    %convert_element_type3A_46 = arith.extui %lt3A_45 : i1 to i32
    %cond3A_47 = arith.constant 0 : i32
    %cond3A_48 = arith.cmpi ne, %convert_element_type3A_46, %cond3A_47 : i32
    scf.if %cond3A_48 {
      %mul3A_113 = arith.constant 624 : i32
      %mul3A_114 = arith.muli %arg1, %mul3A_113 : i32
      "tpu.region"() ({
        %run_scoped3A = tpu.sem_alloc : memref<!tpu.dma_semaphore, #tpu.memory_space<semaphore_mem>>
        %dma_start3A = arith.constant 0 : i32
        %dma_start3A_115 = tpu.memref_slice %arg10[%arg0, %mul3A_114, %dma_start3A] : memref<2x10000x128xf32, #tpu.memory_space<hbm>> -> memref<1x624x128xf32, #tpu.memory_space<hbm>>
        %dma_start3A_116 = tpu.memref_squeeze %dma_start3A_115 : memref<1x624x128xf32, #tpu.memory_space<hbm>> -> memref<624x128xf32, #tpu.memory_space<hbm>>
        %dma_start3A_117 = arith.constant 0 : i32
        %dma_start3A_118 = tpu.memref_slice %arg16[%mul3A_114, %dma_start3A_117] : memref<10000x128xf32, #tpu.memory_space<vmem_shared>> -> memref<624x128xf32, #tpu.memory_space<vmem_shared>>
        tpu.enqueue_dma source(%dma_start3A_118 : memref<624x128xf32, #tpu.memory_space<vmem_shared>>) target(%dma_start3A_116 : memref<624x128xf32, #tpu.memory_space<hbm>>) target_semaphore(%run_scoped3A : memref<!tpu.dma_semaphore, #tpu.memory_space<semaphore_mem>>)
        %dma_wait3A = arith.constant 0 : i32
        %dma_wait3A_119 = tpu.memref_slice %arg10[%arg0, %mul3A_114, %dma_wait3A] : memref<2x10000x128xf32, #tpu.memory_space<hbm>> -> memref<1x624x128xf32, #tpu.memory_space<hbm>>
        %dma_wait3A_120 = tpu.memref_squeeze %dma_wait3A_119 : memref<1x624x128xf32, #tpu.memory_space<hbm>> -> memref<624x128xf32, #tpu.memory_space<hbm>>
        %dma_wait3A_121 = arith.constant 0 : i32
        %dma_wait3A_122 = tpu.memref_slice %arg16[%mul3A_114, %dma_wait3A_121] : memref<10000x128xf32, #tpu.memory_space<vmem_shared>> -> memref<624x128xf32, #tpu.memory_space<vmem_shared>>
        tpu.wait_dma2 semaphore(%run_scoped3A : memref<!tpu.dma_semaphore, #tpu.memory_space<semaphore_mem>>) src(%dma_wait3A_122 : memref<624x128xf32, #tpu.memory_space<vmem_shared>>) dst(%dma_wait3A_120 : memref<624x128xf32, #tpu.memory_space<hbm>>)
        tpu.yield
      }) : () -> ()
    } else {
    }
    %eq3A_49 = arith.constant 15 : i32
    %eq3A_50 = arith.cmpi eq, %arg1, %eq3A_49 : i32
    %convert_element_type3A_51 = arith.extui %eq3A_50 : i1 to i32
    %cond3A_52 = arith.constant 0 : i32
    %cond3A_53 = arith.cmpi ne, %convert_element_type3A_51, %cond3A_52 : i32
    scf.if %cond3A_53 {
      "tpu.region"() ({
        %run_scoped3A = tpu.sem_alloc : memref<!tpu.dma_semaphore, #tpu.memory_space<semaphore_mem>>
        %dma_start3A = arith.constant 9360 : i32
        %dma_start3A_113 = arith.constant 0 : i32
        %dma_start3A_114 = tpu.memref_slice %arg10[%arg0, %dma_start3A, %dma_start3A_113] : memref<2x10000x128xf32, #tpu.memory_space<hbm>> -> memref<1x640x128xf32, #tpu.memory_space<hbm>>
        %dma_start3A_115 = tpu.memref_squeeze %dma_start3A_114 : memref<1x640x128xf32, #tpu.memory_space<hbm>> -> memref<640x128xf32, #tpu.memory_space<hbm>>
        %dma_start3A_116 = arith.constant 9360 : i32
        %dma_start3A_117 = arith.constant 0 : i32
        %dma_start3A_118 = tpu.memref_slice %arg16[%dma_start3A_116, %dma_start3A_117] : memref<10000x128xf32, #tpu.memory_space<vmem_shared>> -> memref<640x128xf32, #tpu.memory_space<vmem_shared>>
        tpu.enqueue_dma source(%dma_start3A_118 : memref<640x128xf32, #tpu.memory_space<vmem_shared>>) target(%dma_start3A_115 : memref<640x128xf32, #tpu.memory_space<hbm>>) target_semaphore(%run_scoped3A : memref<!tpu.dma_semaphore, #tpu.memory_space<semaphore_mem>>)
        %dma_wait3A = arith.constant 9360 : i32
        %dma_wait3A_119 = arith.constant 0 : i32
        %dma_wait3A_120 = tpu.memref_slice %arg10[%arg0, %dma_wait3A, %dma_wait3A_119] : memref<2x10000x128xf32, #tpu.memory_space<hbm>> -> memref<1x640x128xf32, #tpu.memory_space<hbm>>
        %dma_wait3A_121 = tpu.memref_squeeze %dma_wait3A_120 : memref<1x640x128xf32, #tpu.memory_space<hbm>> -> memref<640x128xf32, #tpu.memory_space<hbm>>
        %dma_wait3A_122 = arith.constant 9360 : i32
        %dma_wait3A_123 = arith.constant 0 : i32
        %dma_wait3A_124 = tpu.memref_slice %arg16[%dma_wait3A_122, %dma_wait3A_123] : memref<10000x128xf32, #tpu.memory_space<vmem_shared>> -> memref<640x128xf32, #tpu.memory_space<vmem_shared>>
        tpu.wait_dma2 semaphore(%run_scoped3A : memref<!tpu.dma_semaphore, #tpu.memory_space<semaphore_mem>>) src(%dma_wait3A_124 : memref<640x128xf32, #tpu.memory_space<vmem_shared>>) dst(%dma_wait3A_121 : memref<640x128xf32, #tpu.memory_space<hbm>>)
        tpu.yield
      }) : () -> ()
    } else {
    }
    %barrier3A_54 = arith.constant 0 : index
    tpu.barrier barrier_id(%barrier3A_54)
    %lt3A_55 = arith.constant 15 : i32
    %lt3A_56 = arith.cmpi slt, %arg1, %lt3A_55 : i32
    %convert_element_type3A_57 = arith.extui %lt3A_56 : i1 to i32
    %cond3A_58 = arith.constant 0 : i32
    %cond3A_59 = arith.cmpi ne, %convert_element_type3A_57, %cond3A_58 : i32
    scf.if %cond3A_59 {
      %mul3A_113 = arith.constant 624 : i32
      %mul3A_114 = arith.muli %arg1, %mul3A_113 : i32
      "tpu.region"() ({
        %run_scoped3A = tpu.sem_alloc : memref<!tpu.dma_semaphore, #tpu.memory_space<semaphore_mem>>
        %dma_start3A = arith.constant 0 : i32
        %dma_start3A_115 = tpu.memref_slice %arg16[%mul3A_114, %dma_start3A] : memref<10000x128xf32, #tpu.memory_space<vmem_shared>> -> memref<624x128xf32, #tpu.memory_space<vmem_shared>>
        %dma_start3A_116 = arith.constant 0 : i32
        %dma_start3A_117 = arith.constant 0 : i32
        %dma_start3A_118 = tpu.memref_slice %arg4[%dma_start3A_116, %dma_start3A_117] : memref<640x128xf32, #tpu.memory_space<hbm>> -> memref<624x128xf32, #tpu.memory_space<hbm>>
        tpu.enqueue_dma source(%dma_start3A_118 : memref<624x128xf32, #tpu.memory_space<hbm>>) target(%dma_start3A_115 : memref<624x128xf32, #tpu.memory_space<vmem_shared>>) target_semaphore(%run_scoped3A : memref<!tpu.dma_semaphore, #tpu.memory_space<semaphore_mem>>)
        %dma_wait3A = arith.constant 0 : i32
        %dma_wait3A_119 = tpu.memref_slice %arg16[%mul3A_114, %dma_wait3A] : memref<10000x128xf32, #tpu.memory_space<vmem_shared>> -> memref<624x128xf32, #tpu.memory_space<vmem_shared>>
        %dma_wait3A_120 = arith.constant 0 : i32
        %dma_wait3A_121 = arith.constant 0 : i32
        %dma_wait3A_122 = tpu.memref_slice %arg4[%dma_wait3A_120, %dma_wait3A_121] : memref<640x128xf32, #tpu.memory_space<hbm>> -> memref<624x128xf32, #tpu.memory_space<hbm>>
        tpu.wait_dma2 semaphore(%run_scoped3A : memref<!tpu.dma_semaphore, #tpu.memory_space<semaphore_mem>>) src(%dma_wait3A_122 : memref<624x128xf32, #tpu.memory_space<hbm>>) dst(%dma_wait3A_119 : memref<624x128xf32, #tpu.memory_space<vmem_shared>>)
        tpu.yield
      }) : () -> ()
    } else {
    }
    %eq3A_60 = arith.constant 15 : i32
    %eq3A_61 = arith.cmpi eq, %arg1, %eq3A_60 : i32
    %convert_element_type3A_62 = arith.extui %eq3A_61 : i1 to i32
    %cond3A_63 = arith.constant 0 : i32
    %cond3A_64 = arith.cmpi ne, %convert_element_type3A_62, %cond3A_63 : i32
    scf.if %cond3A_64 {
      "tpu.region"() ({
        %run_scoped3A = tpu.sem_alloc : memref<!tpu.dma_semaphore, #tpu.memory_space<semaphore_mem>>
        %dma_start3A = arith.constant 9360 : i32
        %dma_start3A_113 = arith.constant 0 : i32
        %dma_start3A_114 = tpu.memref_slice %arg16[%dma_start3A, %dma_start3A_113] : memref<10000x128xf32, #tpu.memory_space<vmem_shared>> -> memref<640x128xf32, #tpu.memory_space<vmem_shared>>
        %dma_start3A_115 = arith.constant 0 : i32
        %dma_start3A_116 = arith.constant 0 : i32
        %dma_start3A_117 = tpu.memref_slice %arg4[%dma_start3A_115, %dma_start3A_116] : memref<640x128xf32, #tpu.memory_space<hbm>> -> memref<640x128xf32, #tpu.memory_space<hbm>>
        tpu.enqueue_dma source(%dma_start3A_117 : memref<640x128xf32, #tpu.memory_space<hbm>>) target(%dma_start3A_114 : memref<640x128xf32, #tpu.memory_space<vmem_shared>>) target_semaphore(%run_scoped3A : memref<!tpu.dma_semaphore, #tpu.memory_space<semaphore_mem>>)
        %dma_wait3A = arith.constant 9360 : i32
        %dma_wait3A_118 = arith.constant 0 : i32
        %dma_wait3A_119 = tpu.memref_slice %arg16[%dma_wait3A, %dma_wait3A_118] : memref<10000x128xf32, #tpu.memory_space<vmem_shared>> -> memref<640x128xf32, #tpu.memory_space<vmem_shared>>
        %dma_wait3A_120 = arith.constant 0 : i32
        %dma_wait3A_121 = arith.constant 0 : i32
        %dma_wait3A_122 = tpu.memref_slice %arg4[%dma_wait3A_120, %dma_wait3A_121] : memref<640x128xf32, #tpu.memory_space<hbm>> -> memref<640x128xf32, #tpu.memory_space<hbm>>
        tpu.wait_dma2 semaphore(%run_scoped3A : memref<!tpu.dma_semaphore, #tpu.memory_space<semaphore_mem>>) src(%dma_wait3A_122 : memref<640x128xf32, #tpu.memory_space<hbm>>) dst(%dma_wait3A_119 : memref<640x128xf32, #tpu.memory_space<vmem_shared>>)
        tpu.yield
      }) : () -> ()
    } else {
    }
    %barrier3A_65 = arith.constant 0 : index
    tpu.barrier barrier_id(%barrier3A_65)
    %scan3A_66 = arith.constant 0 : i32
    %scan3A_67 = arith.constant 0 : i32
    %scan3A_68 = arith.constant 125 : i32
    %scan3A_69 = arith.addi %scan3A_67, %scan3A_68 : i32
    %scan3A_70 = arith.constant 1 : i32
    scf.for %scan3A_113 = %scan3A_67 to %scan3A_69 step %scan3A_70  : i32 {
      %mul3A_114 = arith.constant 80 : i32
      %mul3A_115 = arith.muli %scan3A_113, %mul3A_114 : i32
      %add3A_116 = arith.addi %mul3A_2, %mul3A_115 : i32
      "tpu.region"() ({
        %run_scoped3A = tpu.sem_alloc : memref<!tpu.dma_semaphore, #tpu.memory_space<semaphore_mem>>
        %dma_start3A_121 = tpu.memref_slice %arg2[%add3A_116] : memref<320000xi32, #tpu.memory_space<hbm>> -> memref<80xi32, #tpu.memory_space<hbm>>
        %dma_start3A_122 = tpu.memref_slice %arg2[%add3A_116] : memref<320000xi32, #tpu.memory_space<hbm>> -> memref<80xi32, #tpu.memory_space<hbm>>
        tpu.enqueue_dma source(%dma_start3A_122 : memref<80xi32, #tpu.memory_space<hbm>>) target(%arg13 : memref<80xi32, #tpu.memory_space<vmem>>) target_semaphore(%run_scoped3A : memref<!tpu.dma_semaphore, #tpu.memory_space<semaphore_mem>>)
        %dma_wait3A_123 = tpu.memref_slice %arg2[%add3A_116] : memref<320000xi32, #tpu.memory_space<hbm>> -> memref<80xi32, #tpu.memory_space<hbm>>
        %dma_wait3A_124 = tpu.memref_slice %arg2[%add3A_116] : memref<320000xi32, #tpu.memory_space<hbm>> -> memref<80xi32, #tpu.memory_space<hbm>>
        tpu.wait_dma2 semaphore(%run_scoped3A : memref<!tpu.dma_semaphore, #tpu.memory_space<semaphore_mem>>) src(%dma_wait3A_124 : memref<80xi32, #tpu.memory_space<hbm>>) dst(%arg13 : memref<80xi32, #tpu.memory_space<vmem>>)
        tpu.yield
      }) : () -> ()
      "tpu.region"() ({
        %run_scoped3A = tpu.sem_alloc : memref<!tpu.dma_semaphore, #tpu.memory_space<semaphore_mem>>
        %dma_start3A_121 = tpu.memref_slice %arg3[%add3A_116] : memref<320000xi32, #tpu.memory_space<hbm>> -> memref<80xi32, #tpu.memory_space<hbm>>
        %dma_start3A_122 = tpu.memref_slice %arg3[%add3A_116] : memref<320000xi32, #tpu.memory_space<hbm>> -> memref<80xi32, #tpu.memory_space<hbm>>
        tpu.enqueue_dma source(%dma_start3A_122 : memref<80xi32, #tpu.memory_space<hbm>>) target(%arg14 : memref<80xi32, #tpu.memory_space<vmem>>) target_semaphore(%run_scoped3A : memref<!tpu.dma_semaphore, #tpu.memory_space<semaphore_mem>>)
        %dma_wait3A_123 = tpu.memref_slice %arg3[%add3A_116] : memref<320000xi32, #tpu.memory_space<hbm>> -> memref<80xi32, #tpu.memory_space<hbm>>
        %dma_wait3A_124 = tpu.memref_slice %arg3[%add3A_116] : memref<320000xi32, #tpu.memory_space<hbm>> -> memref<80xi32, #tpu.memory_space<hbm>>
        tpu.wait_dma2 semaphore(%run_scoped3A : memref<!tpu.dma_semaphore, #tpu.memory_space<semaphore_mem>>) src(%dma_wait3A_124 : memref<80xi32, #tpu.memory_space<hbm>>) dst(%arg14 : memref<80xi32, #tpu.memory_space<vmem>>)
        tpu.yield
      }) : () -> ()
      %dma_start3A = arith.constant 0 : i32
      %dma_start3A_117 = arith.constant 0 : i32
      %dma_start3A_118 = tpu.memref_slice %arg7[%dma_start3A, %dma_start3A_117] : memref<10000x128xf32, #tpu.memory_space<hbm>> -> memref<10000x128xf32, #tpu.memory_space<hbm>>
      tpu.enqueue_indirect_dma source(%dma_start3A_118 : memref<10000x128xf32, #tpu.memory_space<hbm>>) target(%arg15 : memref<80x128xf32, #tpu.memory_space<vmem>>) offsets(%arg13 : memref<80xi32, #tpu.memory_space<vmem>>) semaphore(%arg17 : memref<!tpu.dma_semaphore, #tpu.memory_space<semaphore_mem>>)
      %dma_wait3A = arith.constant 0 : i32
      %dma_wait3A_119 = arith.constant 0 : i32
      %dma_wait3A_120 = tpu.memref_slice %arg7[%dma_wait3A, %dma_wait3A_119] : memref<10000x128xf32, #tpu.memory_space<hbm>> -> memref<10000x128xf32, #tpu.memory_space<hbm>>
      tpu.wait_indirect_dma semaphore(%arg17 : memref<!tpu.dma_semaphore, #tpu.memory_space<semaphore_mem>>) src(%dma_wait3A_120 : memref<10000x128xf32, #tpu.memory_space<hbm>>) dst(%arg15 : memref<80x128xf32, #tpu.memory_space<vmem>>)
      "tpu.region"() ({
        %run_scoped3A = tpu.sem_alloc : memref<!tpu.dma_semaphore, #tpu.memory_space<semaphore_mem>>
        %dma_start3A_121 = arith.constant 0 : i32
        %dma_start3A_122 = arith.constant 0 : i32
        %dma_start3A_123 = tpu.memref_slice %arg16[%dma_start3A_121, %dma_start3A_122] : memref<10000x128xf32, #tpu.memory_space<vmem_shared>> -> memref<10000x128xf32, #tpu.memory_space<vmem_shared>>
        tpu.enqueue_indirect_dma source(%arg15 : memref<80x128xf32, #tpu.memory_space<vmem>>) target(%dma_start3A_123 : memref<10000x128xf32, #tpu.memory_space<vmem_shared>>) offsets(%arg14 : memref<80xi32, #tpu.memory_space<vmem>>) semaphore(%run_scoped3A : memref<!tpu.dma_semaphore, #tpu.memory_space<semaphore_mem>>) {add = true}
        %dma_wait3A_124 = arith.constant 0 : i32
        %dma_wait3A_125 = arith.constant 0 : i32
        %dma_wait3A_126 = tpu.memref_slice %arg16[%dma_wait3A_124, %dma_wait3A_125] : memref<10000x128xf32, #tpu.memory_space<vmem_shared>> -> memref<10000x128xf32, #tpu.memory_space<vmem_shared>>
        tpu.wait_indirect_dma semaphore(%run_scoped3A : memref<!tpu.dma_semaphore, #tpu.memory_space<semaphore_mem>>) src(%arg15 : memref<80x128xf32, #tpu.memory_space<vmem>>) dst(%dma_wait3A_126 : memref<10000x128xf32, #tpu.memory_space<vmem_shared>>)
        tpu.yield
      }) : () -> ()
    }
    %scan3A_71 = arith.constant 125 : i32
    %barrier3A_72 = arith.constant 0 : index
    tpu.barrier barrier_id(%barrier3A_72)
    %lt3A_73 = arith.constant 15 : i32
    %lt3A_74 = arith.cmpi slt, %arg1, %lt3A_73 : i32
    %convert_element_type3A_75 = arith.extui %lt3A_74 : i1 to i32
    %cond3A_76 = arith.constant 0 : i32
    %cond3A_77 = arith.cmpi ne, %convert_element_type3A_75, %cond3A_76 : i32
    scf.if %cond3A_77 {
      %mul3A_113 = arith.constant 624 : i32
      %mul3A_114 = arith.muli %arg1, %mul3A_113 : i32
      "tpu.region"() ({
        %run_scoped3A = tpu.sem_alloc : memref<!tpu.dma_semaphore, #tpu.memory_space<semaphore_mem>>
        %dma_start3A = arith.constant 0 : i32
        %dma_start3A_115 = tpu.memref_slice %arg11[%arg0, %mul3A_114, %dma_start3A] : memref<2x10000x128xf32, #tpu.memory_space<hbm>> -> memref<1x624x128xf32, #tpu.memory_space<hbm>>
        %dma_start3A_116 = tpu.memref_squeeze %dma_start3A_115 : memref<1x624x128xf32, #tpu.memory_space<hbm>> -> memref<624x128xf32, #tpu.memory_space<hbm>>
        %dma_start3A_117 = arith.constant 0 : i32
        %dma_start3A_118 = tpu.memref_slice %arg16[%mul3A_114, %dma_start3A_117] : memref<10000x128xf32, #tpu.memory_space<vmem_shared>> -> memref<624x128xf32, #tpu.memory_space<vmem_shared>>
        tpu.enqueue_dma source(%dma_start3A_118 : memref<624x128xf32, #tpu.memory_space<vmem_shared>>) target(%dma_start3A_116 : memref<624x128xf32, #tpu.memory_space<hbm>>) target_semaphore(%run_scoped3A : memref<!tpu.dma_semaphore, #tpu.memory_space<semaphore_mem>>)
        %dma_wait3A = arith.constant 0 : i32
        %dma_wait3A_119 = tpu.memref_slice %arg11[%arg0, %mul3A_114, %dma_wait3A] : memref<2x10000x128xf32, #tpu.memory_space<hbm>> -> memref<1x624x128xf32, #tpu.memory_space<hbm>>
        %dma_wait3A_120 = tpu.memref_squeeze %dma_wait3A_119 : memref<1x624x128xf32, #tpu.memory_space<hbm>> -> memref<624x128xf32, #tpu.memory_space<hbm>>
        %dma_wait3A_121 = arith.constant 0 : i32
        %dma_wait3A_122 = tpu.memref_slice %arg16[%mul3A_114, %dma_wait3A_121] : memref<10000x128xf32, #tpu.memory_space<vmem_shared>> -> memref<624x128xf32, #tpu.memory_space<vmem_shared>>
        tpu.wait_dma2 semaphore(%run_scoped3A : memref<!tpu.dma_semaphore, #tpu.memory_space<semaphore_mem>>) src(%dma_wait3A_122 : memref<624x128xf32, #tpu.memory_space<vmem_shared>>) dst(%dma_wait3A_120 : memref<624x128xf32, #tpu.memory_space<hbm>>)
        tpu.yield
      }) : () -> ()
    } else {
    }
    %eq3A_78 = arith.constant 15 : i32
    %eq3A_79 = arith.cmpi eq, %arg1, %eq3A_78 : i32
    %convert_element_type3A_80 = arith.extui %eq3A_79 : i1 to i32
    %cond3A_81 = arith.constant 0 : i32
    %cond3A_82 = arith.cmpi ne, %convert_element_type3A_80, %cond3A_81 : i32
    scf.if %cond3A_82 {
      "tpu.region"() ({
        %run_scoped3A = tpu.sem_alloc : memref<!tpu.dma_semaphore, #tpu.memory_space<semaphore_mem>>
        %dma_start3A = arith.constant 9360 : i32
        %dma_start3A_113 = arith.constant 0 : i32
        %dma_start3A_114 = tpu.memref_slice %arg11[%arg0, %dma_start3A, %dma_start3A_113] : memref<2x10000x128xf32, #tpu.memory_space<hbm>> -> memref<1x640x128xf32, #tpu.memory_space<hbm>>
        %dma_start3A_115 = tpu.memref_squeeze %dma_start3A_114 : memref<1x640x128xf32, #tpu.memory_space<hbm>> -> memref<640x128xf32, #tpu.memory_space<hbm>>
        %dma_start3A_116 = arith.constant 9360 : i32
        %dma_start3A_117 = arith.constant 0 : i32
        %dma_start3A_118 = tpu.memref_slice %arg16[%dma_start3A_116, %dma_start3A_117] : memref<10000x128xf32, #tpu.memory_space<vmem_shared>> -> memref<640x128xf32, #tpu.memory_space<vmem_shared>>
        tpu.enqueue_dma source(%dma_start3A_118 : memref<640x128xf32, #tpu.memory_space<vmem_shared>>) target(%dma_start3A_115 : memref<640x128xf32, #tpu.memory_space<hbm>>) target_semaphore(%run_scoped3A : memref<!tpu.dma_semaphore, #tpu.memory_space<semaphore_mem>>)
        %dma_wait3A = arith.constant 9360 : i32
        %dma_wait3A_119 = arith.constant 0 : i32
        %dma_wait3A_120 = tpu.memref_slice %arg11[%arg0, %dma_wait3A, %dma_wait3A_119] : memref<2x10000x128xf32, #tpu.memory_space<hbm>> -> memref<1x640x128xf32, #tpu.memory_space<hbm>>
        %dma_wait3A_121 = tpu.memref_squeeze %dma_wait3A_120 : memref<1x640x128xf32, #tpu.memory_space<hbm>> -> memref<640x128xf32, #tpu.memory_space<hbm>>
        %dma_wait3A_122 = arith.constant 9360 : i32
        %dma_wait3A_123 = arith.constant 0 : i32
        %dma_wait3A_124 = tpu.memref_slice %arg16[%dma_wait3A_122, %dma_wait3A_123] : memref<10000x128xf32, #tpu.memory_space<vmem_shared>> -> memref<640x128xf32, #tpu.memory_space<vmem_shared>>
        tpu.wait_dma2 semaphore(%run_scoped3A : memref<!tpu.dma_semaphore, #tpu.memory_space<semaphore_mem>>) src(%dma_wait3A_124 : memref<640x128xf32, #tpu.memory_space<vmem_shared>>) dst(%dma_wait3A_121 : memref<640x128xf32, #tpu.memory_space<hbm>>)
        tpu.yield
      }) : () -> ()
    } else {
    }
    %barrier3A_83 = arith.constant 0 : index
    tpu.barrier barrier_id(%barrier3A_83)
    %lt3A_84 = arith.constant 15 : i32
    %lt3A_85 = arith.cmpi slt, %arg1, %lt3A_84 : i32
    %convert_element_type3A_86 = arith.extui %lt3A_85 : i1 to i32
    %cond3A_87 = arith.constant 0 : i32
    %cond3A_88 = arith.cmpi ne, %convert_element_type3A_86, %cond3A_87 : i32
    scf.if %cond3A_88 {
      %mul3A_113 = arith.constant 624 : i32
      %mul3A_114 = arith.muli %arg1, %mul3A_113 : i32
      "tpu.region"() ({
        %run_scoped3A = tpu.sem_alloc : memref<!tpu.dma_semaphore, #tpu.memory_space<semaphore_mem>>
        %dma_start3A = arith.constant 0 : i32
        %dma_start3A_115 = tpu.memref_slice %arg16[%mul3A_114, %dma_start3A] : memref<10000x128xf32, #tpu.memory_space<vmem_shared>> -> memref<624x128xf32, #tpu.memory_space<vmem_shared>>
        %dma_start3A_116 = arith.constant 0 : i32
        %dma_start3A_117 = arith.constant 0 : i32
        %dma_start3A_118 = tpu.memref_slice %arg4[%dma_start3A_116, %dma_start3A_117] : memref<640x128xf32, #tpu.memory_space<hbm>> -> memref<624x128xf32, #tpu.memory_space<hbm>>
        tpu.enqueue_dma source(%dma_start3A_118 : memref<624x128xf32, #tpu.memory_space<hbm>>) target(%dma_start3A_115 : memref<624x128xf32, #tpu.memory_space<vmem_shared>>) target_semaphore(%run_scoped3A : memref<!tpu.dma_semaphore, #tpu.memory_space<semaphore_mem>>)
        %dma_wait3A = arith.constant 0 : i32
        %dma_wait3A_119 = tpu.memref_slice %arg16[%mul3A_114, %dma_wait3A] : memref<10000x128xf32, #tpu.memory_space<vmem_shared>> -> memref<624x128xf32, #tpu.memory_space<vmem_shared>>
        %dma_wait3A_120 = arith.constant 0 : i32
        %dma_wait3A_121 = arith.constant 0 : i32
        %dma_wait3A_122 = tpu.memref_slice %arg4[%dma_wait3A_120, %dma_wait3A_121] : memref<640x128xf32, #tpu.memory_space<hbm>> -> memref<624x128xf32, #tpu.memory_space<hbm>>
        tpu.wait_dma2 semaphore(%run_scoped3A : memref<!tpu.dma_semaphore, #tpu.memory_space<semaphore_mem>>) src(%dma_wait3A_122 : memref<624x128xf32, #tpu.memory_space<hbm>>) dst(%dma_wait3A_119 : memref<624x128xf32, #tpu.memory_space<vmem_shared>>)
        tpu.yield
      }) : () -> ()
    } else {
    }
    %eq3A_89 = arith.constant 15 : i32
    %eq3A_90 = arith.cmpi eq, %arg1, %eq3A_89 : i32
    %convert_element_type3A_91 = arith.extui %eq3A_90 : i1 to i32
    %cond3A_92 = arith.constant 0 : i32
    %cond3A_93 = arith.cmpi ne, %convert_element_type3A_91, %cond3A_92 : i32
    scf.if %cond3A_93 {
      "tpu.region"() ({
        %run_scoped3A = tpu.sem_alloc : memref<!tpu.dma_semaphore, #tpu.memory_space<semaphore_mem>>
        %dma_start3A = arith.constant 9360 : i32
        %dma_start3A_113 = arith.constant 0 : i32
        %dma_start3A_114 = tpu.memref_slice %arg16[%dma_start3A, %dma_start3A_113] : memref<10000x128xf32, #tpu.memory_space<vmem_shared>> -> memref<640x128xf32, #tpu.memory_space<vmem_shared>>
        %dma_start3A_115 = arith.constant 0 : i32
        %dma_start3A_116 = arith.constant 0 : i32
        %dma_start3A_117 = tpu.memref_slice %arg4[%dma_start3A_115, %dma_start3A_116] : memref<640x128xf32, #tpu.memory_space<hbm>> -> memref<640x128xf32, #tpu.memory_space<hbm>>
        tpu.enqueue_dma source(%dma_start3A_117 : memref<640x128xf32, #tpu.memory_space<hbm>>) target(%dma_start3A_114 : memref<640x128xf32, #tpu.memory_space<vmem_shared>>) target_semaphore(%run_scoped3A : memref<!tpu.dma_semaphore, #tpu.memory_space<semaphore_mem>>)
        %dma_wait3A = arith.constant 9360 : i32
        %dma_wait3A_118 = arith.constant 0 : i32
        %dma_wait3A_119 = tpu.memref_slice %arg16[%dma_wait3A, %dma_wait3A_118] : memref<10000x128xf32, #tpu.memory_space<vmem_shared>> -> memref<640x128xf32, #tpu.memory_space<vmem_shared>>
        %dma_wait3A_120 = arith.constant 0 : i32
        %dma_wait3A_121 = arith.constant 0 : i32
        %dma_wait3A_122 = tpu.memref_slice %arg4[%dma_wait3A_120, %dma_wait3A_121] : memref<640x128xf32, #tpu.memory_space<hbm>> -> memref<640x128xf32, #tpu.memory_space<hbm>>
        tpu.wait_dma2 semaphore(%run_scoped3A : memref<!tpu.dma_semaphore, #tpu.memory_space<semaphore_mem>>) src(%dma_wait3A_122 : memref<640x128xf32, #tpu.memory_space<hbm>>) dst(%dma_wait3A_119 : memref<640x128xf32, #tpu.memory_space<vmem_shared>>)
        tpu.yield
      }) : () -> ()
    } else {
    }
    %barrier3A_94 = arith.constant 0 : index
    tpu.barrier barrier_id(%barrier3A_94)
    %scan3A_95 = arith.constant 0 : i32
    %scan3A_96 = arith.constant 0 : i32
    %scan3A_97 = arith.constant 125 : i32
    %scan3A_98 = arith.addi %scan3A_96, %scan3A_97 : i32
    %scan3A_99 = arith.constant 1 : i32
    scf.for %scan3A_113 = %scan3A_96 to %scan3A_98 step %scan3A_99  : i32 {
      %mul3A_114 = arith.constant 80 : i32
      %mul3A_115 = arith.muli %scan3A_113, %mul3A_114 : i32
      %add3A_116 = arith.addi %mul3A_2, %mul3A_115 : i32
      "tpu.region"() ({
        %run_scoped3A = tpu.sem_alloc : memref<!tpu.dma_semaphore, #tpu.memory_space<semaphore_mem>>
        %dma_start3A_121 = tpu.memref_slice %arg2[%add3A_116] : memref<320000xi32, #tpu.memory_space<hbm>> -> memref<80xi32, #tpu.memory_space<hbm>>
        %dma_start3A_122 = tpu.memref_slice %arg2[%add3A_116] : memref<320000xi32, #tpu.memory_space<hbm>> -> memref<80xi32, #tpu.memory_space<hbm>>
        tpu.enqueue_dma source(%dma_start3A_122 : memref<80xi32, #tpu.memory_space<hbm>>) target(%arg13 : memref<80xi32, #tpu.memory_space<vmem>>) target_semaphore(%run_scoped3A : memref<!tpu.dma_semaphore, #tpu.memory_space<semaphore_mem>>)
        %dma_wait3A_123 = tpu.memref_slice %arg2[%add3A_116] : memref<320000xi32, #tpu.memory_space<hbm>> -> memref<80xi32, #tpu.memory_space<hbm>>
        %dma_wait3A_124 = tpu.memref_slice %arg2[%add3A_116] : memref<320000xi32, #tpu.memory_space<hbm>> -> memref<80xi32, #tpu.memory_space<hbm>>
        tpu.wait_dma2 semaphore(%run_scoped3A : memref<!tpu.dma_semaphore, #tpu.memory_space<semaphore_mem>>) src(%dma_wait3A_124 : memref<80xi32, #tpu.memory_space<hbm>>) dst(%arg13 : memref<80xi32, #tpu.memory_space<vmem>>)
        tpu.yield
      }) : () -> ()
      "tpu.region"() ({
        %run_scoped3A = tpu.sem_alloc : memref<!tpu.dma_semaphore, #tpu.memory_space<semaphore_mem>>
        %dma_start3A_121 = tpu.memref_slice %arg3[%add3A_116] : memref<320000xi32, #tpu.memory_space<hbm>> -> memref<80xi32, #tpu.memory_space<hbm>>
        %dma_start3A_122 = tpu.memref_slice %arg3[%add3A_116] : memref<320000xi32, #tpu.memory_space<hbm>> -> memref<80xi32, #tpu.memory_space<hbm>>
        tpu.enqueue_dma source(%dma_start3A_122 : memref<80xi32, #tpu.memory_space<hbm>>) target(%arg14 : memref<80xi32, #tpu.memory_space<vmem>>) target_semaphore(%run_scoped3A : memref<!tpu.dma_semaphore, #tpu.memory_space<semaphore_mem>>)
        %dma_wait3A_123 = tpu.memref_slice %arg3[%add3A_116] : memref<320000xi32, #tpu.memory_space<hbm>> -> memref<80xi32, #tpu.memory_space<hbm>>
        %dma_wait3A_124 = tpu.memref_slice %arg3[%add3A_116] : memref<320000xi32, #tpu.memory_space<hbm>> -> memref<80xi32, #tpu.memory_space<hbm>>
        tpu.wait_dma2 semaphore(%run_scoped3A : memref<!tpu.dma_semaphore, #tpu.memory_space<semaphore_mem>>) src(%dma_wait3A_124 : memref<80xi32, #tpu.memory_space<hbm>>) dst(%arg14 : memref<80xi32, #tpu.memory_space<vmem>>)
        tpu.yield
      }) : () -> ()
      %dma_start3A = arith.constant 0 : i32
      %dma_start3A_117 = arith.constant 0 : i32
      %dma_start3A_118 = tpu.memref_slice %arg8[%dma_start3A, %dma_start3A_117] : memref<10000x128xf32, #tpu.memory_space<hbm>> -> memref<10000x128xf32, #tpu.memory_space<hbm>>
      tpu.enqueue_indirect_dma source(%dma_start3A_118 : memref<10000x128xf32, #tpu.memory_space<hbm>>) target(%arg15 : memref<80x128xf32, #tpu.memory_space<vmem>>) offsets(%arg13 : memref<80xi32, #tpu.memory_space<vmem>>) semaphore(%arg17 : memref<!tpu.dma_semaphore, #tpu.memory_space<semaphore_mem>>)
      %dma_wait3A = arith.constant 0 : i32
      %dma_wait3A_119 = arith.constant 0 : i32
      %dma_wait3A_120 = tpu.memref_slice %arg8[%dma_wait3A, %dma_wait3A_119] : memref<10000x128xf32, #tpu.memory_space<hbm>> -> memref<10000x128xf32, #tpu.memory_space<hbm>>
      tpu.wait_indirect_dma semaphore(%arg17 : memref<!tpu.dma_semaphore, #tpu.memory_space<semaphore_mem>>) src(%dma_wait3A_120 : memref<10000x128xf32, #tpu.memory_space<hbm>>) dst(%arg15 : memref<80x128xf32, #tpu.memory_space<vmem>>)
      "tpu.region"() ({
        %run_scoped3A = tpu.sem_alloc : memref<!tpu.dma_semaphore, #tpu.memory_space<semaphore_mem>>
        %dma_start3A_121 = arith.constant 0 : i32
        %dma_start3A_122 = arith.constant 0 : i32
        %dma_start3A_123 = tpu.memref_slice %arg16[%dma_start3A_121, %dma_start3A_122] : memref<10000x128xf32, #tpu.memory_space<vmem_shared>> -> memref<10000x128xf32, #tpu.memory_space<vmem_shared>>
        tpu.enqueue_indirect_dma source(%arg15 : memref<80x128xf32, #tpu.memory_space<vmem>>) target(%dma_start3A_123 : memref<10000x128xf32, #tpu.memory_space<vmem_shared>>) offsets(%arg14 : memref<80xi32, #tpu.memory_space<vmem>>) semaphore(%run_scoped3A : memref<!tpu.dma_semaphore, #tpu.memory_space<semaphore_mem>>) {add = true}
        %dma_wait3A_124 = arith.constant 0 : i32
        %dma_wait3A_125 = arith.constant 0 : i32
        %dma_wait3A_126 = tpu.memref_slice %arg16[%dma_wait3A_124, %dma_wait3A_125] : memref<10000x128xf32, #tpu.memory_space<vmem_shared>> -> memref<10000x128xf32, #tpu.memory_space<vmem_shared>>
        tpu.wait_indirect_dma semaphore(%run_scoped3A : memref<!tpu.dma_semaphore, #tpu.memory_space<semaphore_mem>>) src(%arg15 : memref<80x128xf32, #tpu.memory_space<vmem>>) dst(%dma_wait3A_126 : memref<10000x128xf32, #tpu.memory_space<vmem_shared>>)
        tpu.yield
      }) : () -> ()
    }
    %scan3A_100 = arith.constant 125 : i32
    %barrier3A_101 = arith.constant 0 : index
    tpu.barrier barrier_id(%barrier3A_101)
    %lt3A_102 = arith.constant 15 : i32
    %lt3A_103 = arith.cmpi slt, %arg1, %lt3A_102 : i32
    %convert_element_type3A_104 = arith.extui %lt3A_103 : i1 to i32
    %cond3A_105 = arith.constant 0 : i32
    %cond3A_106 = arith.cmpi ne, %convert_element_type3A_104, %cond3A_105 : i32
    scf.if %cond3A_106 {
      %mul3A_113 = arith.constant 624 : i32
      %mul3A_114 = arith.muli %arg1, %mul3A_113 : i32
      "tpu.region"() ({
        %run_scoped3A = tpu.sem_alloc : memref<!tpu.dma_semaphore, #tpu.memory_space<semaphore_mem>>
        %dma_start3A = arith.constant 0 : i32
        %dma_start3A_115 = tpu.memref_slice %arg12[%arg0, %mul3A_114, %dma_start3A] : memref<2x10000x128xf32, #tpu.memory_space<hbm>> -> memref<1x624x128xf32, #tpu.memory_space<hbm>>
        %dma_start3A_116 = tpu.memref_squeeze %dma_start3A_115 : memref<1x624x128xf32, #tpu.memory_space<hbm>> -> memref<624x128xf32, #tpu.memory_space<hbm>>
        %dma_start3A_117 = arith.constant 0 : i32
        %dma_start3A_118 = tpu.memref_slice %arg16[%mul3A_114, %dma_start3A_117] : memref<10000x128xf32, #tpu.memory_space<vmem_shared>> -> memref<624x128xf32, #tpu.memory_space<vmem_shared>>
        tpu.enqueue_dma source(%dma_start3A_118 : memref<624x128xf32, #tpu.memory_space<vmem_shared>>) target(%dma_start3A_116 : memref<624x128xf32, #tpu.memory_space<hbm>>) target_semaphore(%run_scoped3A : memref<!tpu.dma_semaphore, #tpu.memory_space<semaphore_mem>>)
        %dma_wait3A = arith.constant 0 : i32
        %dma_wait3A_119 = tpu.memref_slice %arg12[%arg0, %mul3A_114, %dma_wait3A] : memref<2x10000x128xf32, #tpu.memory_space<hbm>> -> memref<1x624x128xf32, #tpu.memory_space<hbm>>
        %dma_wait3A_120 = tpu.memref_squeeze %dma_wait3A_119 : memref<1x624x128xf32, #tpu.memory_space<hbm>> -> memref<624x128xf32, #tpu.memory_space<hbm>>
        %dma_wait3A_121 = arith.constant 0 : i32
        %dma_wait3A_122 = tpu.memref_slice %arg16[%mul3A_114, %dma_wait3A_121] : memref<10000x128xf32, #tpu.memory_space<vmem_shared>> -> memref<624x128xf32, #tpu.memory_space<vmem_shared>>
        tpu.wait_dma2 semaphore(%run_scoped3A : memref<!tpu.dma_semaphore, #tpu.memory_space<semaphore_mem>>) src(%dma_wait3A_122 : memref<624x128xf32, #tpu.memory_space<vmem_shared>>) dst(%dma_wait3A_120 : memref<624x128xf32, #tpu.memory_space<hbm>>)
        tpu.yield
      }) : () -> ()
    } else {
    }
    %eq3A_107 = arith.constant 15 : i32
    %eq3A_108 = arith.cmpi eq, %arg1, %eq3A_107 : i32
    %convert_element_type3A_109 = arith.extui %eq3A_108 : i1 to i32
    %cond3A_110 = arith.constant 0 : i32
    %cond3A_111 = arith.cmpi ne, %convert_element_type3A_109, %cond3A_110 : i32
    scf.if %cond3A_111 {
      "tpu.region"() ({
        %run_scoped3A = tpu.sem_alloc : memref<!tpu.dma_semaphore, #tpu.memory_space<semaphore_mem>>
        %dma_start3A = arith.constant 9360 : i32
        %dma_start3A_113 = arith.constant 0 : i32
        %dma_start3A_114 = tpu.memref_slice %arg12[%arg0, %dma_start3A, %dma_start3A_113] : memref<2x10000x128xf32, #tpu.memory_space<hbm>> -> memref<1x640x128xf32, #tpu.memory_space<hbm>>
        %dma_start3A_115 = tpu.memref_squeeze %dma_start3A_114 : memref<1x640x128xf32, #tpu.memory_space<hbm>> -> memref<640x128xf32, #tpu.memory_space<hbm>>
        %dma_start3A_116 = arith.constant 9360 : i32
        %dma_start3A_117 = arith.constant 0 : i32
        %dma_start3A_118 = tpu.memref_slice %arg16[%dma_start3A_116, %dma_start3A_117] : memref<10000x128xf32, #tpu.memory_space<vmem_shared>> -> memref<640x128xf32, #tpu.memory_space<vmem_shared>>
        tpu.enqueue_dma source(%dma_start3A_118 : memref<640x128xf32, #tpu.memory_space<vmem_shared>>) target(%dma_start3A_115 : memref<640x128xf32, #tpu.memory_space<hbm>>) target_semaphore(%run_scoped3A : memref<!tpu.dma_semaphore, #tpu.memory_space<semaphore_mem>>)
        %dma_wait3A = arith.constant 9360 : i32
        %dma_wait3A_119 = arith.constant 0 : i32
        %dma_wait3A_120 = tpu.memref_slice %arg12[%arg0, %dma_wait3A, %dma_wait3A_119] : memref<2x10000x128xf32, #tpu.memory_space<hbm>> -> memref<1x640x128xf32, #tpu.memory_space<hbm>>
        %dma_wait3A_121 = tpu.memref_squeeze %dma_wait3A_120 : memref<1x640x128xf32, #tpu.memory_space<hbm>> -> memref<640x128xf32, #tpu.memory_space<hbm>>
        %dma_wait3A_122 = arith.constant 9360 : i32
        %dma_wait3A_123 = arith.constant 0 : i32
        %dma_wait3A_124 = tpu.memref_slice %arg16[%dma_wait3A_122, %dma_wait3A_123] : memref<10000x128xf32, #tpu.memory_space<vmem_shared>> -> memref<640x128xf32, #tpu.memory_space<vmem_shared>>
        tpu.wait_dma2 semaphore(%run_scoped3A : memref<!tpu.dma_semaphore, #tpu.memory_space<semaphore_mem>>) src(%dma_wait3A_124 : memref<640x128xf32, #tpu.memory_space<vmem_shared>>) dst(%dma_wait3A_121 : memref<640x128xf32, #tpu.memory_space<hbm>>)
        tpu.yield
      }) : () -> ()
    } else {
    }
    %barrier3A_112 = arith.constant 0 : index
    tpu.barrier barrier_id(%barrier3A_112)
    return
  }
}

module attributes {stable_mosaic.version = 14 : i64} {
  func.func @body(%arg0: i32, %arg1: memref<2x1000x128xf32, #tpu.memory_space<vmem>>, %arg2: memref<1000x128xf32, #tpu.memory_space<vmem>>, %arg3: memref<1000x8xf32, #tpu.memory_space<vmem>>, %arg4: memref<1000x128xf32, #tpu.memory_space<vmem>>) attributes {dimension_semantics = [#tpu.dimension_semantics<arbitrary>], iteration_bounds = array<i64: 10>, scalar_prefetch = 0 : i64, scratch_operands = 0 : i64, tpu.core_type = #tpu.core_type<tc>, window_params = [{transform_indices = @transform_0, window_bounds = array<i64: 2, 1000, 128>}, {transform_indices = @transform_1, window_bounds = array<i64: 1000, 128>}, {transform_indices = @transform_2, window_bounds = array<i64: 1000, 8>}, {transform_indices = @transform_3, window_bounds = array<i64: 1000, 128>}]} {
    %get3A = arith.constant 0 : index
    %get3A_0 = arith.constant 0 : index
    %get3A_1 = arith.constant 0 : index
    %get3A_2 = vector.load %arg1[%get3A, %get3A_0, %get3A_1] : memref<2x1000x128xf32, #tpu.memory_space<vmem>>, vector<1x1000x1xf32>
    %get3A_3 = vector.shape_cast %get3A_2 : vector<1x1000x1xf32> to vector<1000x1xf32>
    %get3A_4 = arith.constant 1 : index
    %get3A_5 = arith.constant 0 : index
    %get3A_6 = arith.constant 0 : index
    %get3A_7 = vector.load %arg1[%get3A_4, %get3A_5, %get3A_6] : memref<2x1000x128xf32, #tpu.memory_space<vmem>>, vector<1x1000x1xf32>
    %get3A_8 = vector.shape_cast %get3A_7 : vector<1x1000x1xf32> to vector<1000x1xf32>
    %add3A = arith.addf %get3A_3, %get3A_8 : vector<1000x1xf32>
    %add3A_9 = arith.constant 1.000000e+00 : f32
    %add3A_10 = vector.broadcast %add3A_9 : f32 to vector<1000x1xf32>
    %add3A_11 = arith.addf %add3A, %add3A_10 : vector<1000x1xf32>
    %rsqrt3A = math.rsqrt %add3A_11 : vector<1000x1xf32>
    %broadcast_in_dim3A = vector.shape_cast %rsqrt3A : vector<1000x1xf32> to vector<1000x1xf32>
    %broadcast_in_dim3A_12 = vector.broadcast %broadcast_in_dim3A : vector<1000x1xf32> to vector<1000x8xf32>
    %swap3A = arith.constant 0 : index
    %swap3A_13 = arith.constant 0 : index
    %swap3A_14 = vector.load %arg3[%swap3A, %swap3A_13] : memref<1000x8xf32, #tpu.memory_space<vmem>>, vector<1000x8xf32>
    tpu.vector_store %arg3[%swap3A, %swap3A_13], %broadcast_in_dim3A_12 {strides = array<i32>} : memref<1000x8xf32, #tpu.memory_space<vmem>>, vector<1000x8xf32>,
    %get3A_15 = arith.constant 0 : index
    %get3A_16 = arith.constant 0 : index
    %get3A_17 = vector.load %arg2[%get3A_15, %get3A_16] : memref<1000x128xf32, #tpu.memory_space<vmem>>, vector<1000x128xf32>
    %mul3A = vector.broadcast %rsqrt3A : vector<1000x1xf32> to vector<1000x128xf32>
    %mul3A_18 = arith.mulf %get3A_17, %mul3A : vector<1000x128xf32>
    %swap3A_19 = arith.constant 0 : index
    %swap3A_20 = arith.constant 0 : index
    %swap3A_21 = vector.load %arg4[%swap3A_19, %swap3A_20] : memref<1000x128xf32, #tpu.memory_space<vmem>>, vector<1000x128xf32>
    tpu.vector_store %arg4[%swap3A_19, %swap3A_20], %mul3A_18 {strides = array<i32>} : memref<1000x128xf32, #tpu.memory_space<vmem>>, vector<1000x128xf32>,
    return
  }
  func.func @transform_0(%arg0: i32) -> (i32, i32, i32) {
    %c0_i32 = arith.constant 0 : i32
    %c0_i32_0 = arith.constant 0 : i32
    %c0_i32_1 = arith.constant 0 : i32
    return %c0_i32, %arg0, %c0_i32_0 : i32, i32, i32
  }
  func.func @transform_1(%arg0: i32) -> (i32, i32) {
    %c0_i32 = arith.constant 0 : i32
    %c0_i32_0 = arith.constant 0 : i32
    return %arg0, %c0_i32 : i32, i32
  }
  func.func @transform_2(%arg0: i32) -> (i32, i32) {
    %c0_i32 = arith.constant 0 : i32
    %c0_i32_0 = arith.constant 0 : i32
    return %arg0, %c0_i32 : i32, i32
  }
  func.func @transform_3(%arg0: i32) -> (i32, i32) {
    %c0_i32 = arith.constant 0 : i32
    %c0_i32_0 = arith.constant 0 : i32
    return %arg0, %c0_i32 : i32, i32
  }
}

module attributes {stable_mosaic.version = 14 : i64} {
  func.func @body(%arg0: i32, %arg1: memref<2x1000x128xf32, #tpu.memory_space<vmem>>, %arg2: memref<1000x128xf32, #tpu.memory_space<vmem>>, %arg3: memref<1000x8xf32, #tpu.memory_space<vmem>>, %arg4: memref<1000x128xf32, #tpu.memory_space<vmem>>) attributes {dimension_semantics = [#tpu.dimension_semantics<arbitrary>], iteration_bounds = array<i64: 10>, scalar_prefetch = 0 : i64, scratch_operands = 0 : i64, tpu.core_type = #tpu.core_type<tc>, window_params = [{transform_indices = @transform_0, window_bounds = array<i64: 2, 1000, 128>}, {transform_indices = @transform_1, window_bounds = array<i64: 1000, 128>}, {transform_indices = @transform_2, window_bounds = array<i64: 1000, 8>}, {transform_indices = @transform_3, window_bounds = array<i64: 1000, 128>}]} {
    %get3A = arith.constant 0 : index
    %get3A_0 = arith.constant 0 : index
    %get3A_1 = arith.constant 0 : index
    %get3A_2 = vector.load %arg1[%get3A, %get3A_0, %get3A_1] : memref<2x1000x128xf32, #tpu.memory_space<vmem>>, vector<1x1000x128xf32>
    %get3A_3 = vector.shape_cast %get3A_2 : vector<1x1000x128xf32> to vector<1000x128xf32>
    %get3A_4 = arith.constant 1 : index
    %get3A_5 = arith.constant 0 : index
    %get3A_6 = arith.constant 0 : index
    %get3A_7 = vector.load %arg1[%get3A_4, %get3A_5, %get3A_6] : memref<2x1000x128xf32, #tpu.memory_space<vmem>>, vector<1x1000x128xf32>
    %get3A_8 = vector.shape_cast %get3A_7 : vector<1x1000x128xf32> to vector<1000x128xf32>
    %add3A = arith.addf %get3A_3, %get3A_8 : vector<1000x128xf32>
    %get3A_9 = arith.constant 0 : index
    %get3A_10 = arith.constant 0 : index
    %get3A_11 = vector.load %arg2[%get3A_9, %get3A_10] : memref<1000x128xf32, #tpu.memory_space<vmem>>, vector<1000x128xf32>
    %add3A_12 = arith.addf %add3A, %get3A_11 : vector<1000x128xf32>
    %get3A_13 = arith.constant 0 : index
    %get3A_14 = arith.constant 0 : index
    %get3A_15 = vector.load %arg3[%get3A_13, %get3A_14] : memref<1000x8xf32, #tpu.memory_space<vmem>>, vector<1000x1xf32>
    %mul3A = vector.broadcast %get3A_15 : vector<1000x1xf32> to vector<1000x128xf32>
    %mul3A_16 = arith.mulf %add3A_12, %mul3A : vector<1000x128xf32>
    %swap3A = arith.constant 0 : index
    %swap3A_17 = arith.constant 0 : index
    %swap3A_18 = vector.load %arg4[%swap3A, %swap3A_17] : memref<1000x128xf32, #tpu.memory_space<vmem>>, vector<1000x128xf32>
    tpu.vector_store %arg4[%swap3A, %swap3A_17], %mul3A_16 {strides = array<i32>} : memref<1000x128xf32, #tpu.memory_space<vmem>>, vector<1000x128xf32>,
    return
  }
  func.func @transform_0(%arg0: i32) -> (i32, i32, i32) {
    %c0_i32 = arith.constant 0 : i32
    %c0_i32_0 = arith.constant 0 : i32
    %c0_i32_1 = arith.constant 0 : i32
    return %c0_i32, %arg0, %c0_i32_0 : i32, i32, i32
  }
  func.func @transform_1(%arg0: i32) -> (i32, i32) {
    %c0_i32 = arith.constant 0 : i32
    %c0_i32_0 = arith.constant 0 : i32
    return %arg0, %c0_i32 : i32, i32
  }
  func.func @transform_2(%arg0: i32) -> (i32, i32) {
    %c0_i32 = arith.constant 0 : i32
    %c0_i32_0 = arith.constant 0 : i32
    return %arg0, %c0_i32 : i32, i32
  }
  func.func @transform_3(%arg0: i32) -> (i32, i32) {
    %c0_i32 = arith.constant 0 : i32
    %c0_i32_0 = arith.constant 0 : i32
    return %arg0, %c0_i32 : i32, i32
  }
}

module attributes {stable_mosaic.version = 14 : i64} {
  func.func @body(%arg0: i32, %arg1: memref<1000x128xf32, #tpu.memory_space<vmem>>, %arg2: memref<8x128xf32, #tpu.memory_space<vmem>>, %arg3: memref<8x128xf32, #tpu.memory_space<vmem>>, %arg4: memref<1000x8xf32, #tpu.memory_space<vmem>>, %arg5: memref<1000x1xf32, #tpu.memory_space<vmem>>, %arg6: memref<32x128xf32, #tpu.memory_space<vmem>>, %arg7: memref<1000x128xf32, #tpu.memory_space<vmem>>) attributes {dimension_semantics = [#tpu.dimension_semantics<arbitrary>], iteration_bounds = array<i64: 10>, scalar_prefetch = 0 : i64, scratch_operands = 0 : i64, tpu.core_type = #tpu.core_type<tc>, window_params = [{transform_indices = @transform_0, window_bounds = array<i64: 1000, 128>}, {pipeline_mode = #tpu.pipeline_mode<synchronous>, transform_indices = @transform_1, window_bounds = array<i64: 8, 128>}, {pipeline_mode = #tpu.pipeline_mode<synchronous>, transform_indices = @transform_2, window_bounds = array<i64: 8, 128>}, {transform_indices = @transform_3, window_bounds = array<i64: 1000, 8>}, {transform_indices = @transform_4, window_bounds = array<i64: 1000, 1>}, {pipeline_mode = #tpu.pipeline_mode<synchronous>, transform_indices = @transform_5, window_bounds = array<i64: 32, 128>}, {transform_indices = @transform_6, window_bounds = array<i64: 1000, 128>}]} {
    %get3A = arith.constant 0 : index
    %get3A_0 = arith.constant 0 : index
    %get3A_1 = vector.load %arg2[%get3A, %get3A_0] : memref<8x128xf32, #tpu.memory_space<vmem>>, vector<1x128xf32>
    %mul3A = arith.constant 9.99999974E-5 : f32
    %mul3A_2 = vector.broadcast %mul3A : f32 to vector<1x128xf32>
    %mul3A_3 = arith.mulf %get3A_1, %mul3A_2 : vector<1x128xf32>
    %get3A_4 = arith.constant 1 : index
    %get3A_5 = arith.constant 0 : index
    %get3A_6 = vector.load %arg2[%get3A_4, %get3A_5] : memref<8x128xf32, #tpu.memory_space<vmem>>, vector<1x128xf32>
    %mul3A_7 = arith.constant 9.99999974E-5 : f32
    %mul3A_8 = vector.broadcast %mul3A_7 : f32 to vector<1x128xf32>
    %mul3A_9 = arith.mulf %get3A_6, %mul3A_8 : vector<1x128xf32>
    %mul3A_10 = arith.mulf %mul3A_3, %mul3A_3 : vector<1x128xf32>
    %sub3A = arith.subf %mul3A_9, %mul3A_10 : vector<1x128xf32>
    %get3A_11 = arith.constant 0 : index
    %get3A_12 = arith.constant 0 : index
    %get3A_13 = vector.load %arg1[%get3A_11, %get3A_12] : memref<1000x128xf32, #tpu.memory_space<vmem>>, vector<1000x128xf32>
    %get3A_14 = arith.constant 0 : index
    %get3A_15 = arith.constant 0 : index
    %get3A_16 = vector.load %arg3[%get3A_14, %get3A_15] : memref<8x128xf32, #tpu.memory_space<vmem>>, vector<1x128xf32>
    %sub3A_17 = vector.broadcast %mul3A_3 : vector<1x128xf32> to vector<1000x128xf32>
    %sub3A_18 = arith.subf %get3A_13, %sub3A_17 : vector<1000x128xf32>
    %mul3A_19 = vector.broadcast %get3A_16 : vector<1x128xf32> to vector<1000x128xf32>
    %mul3A_20 = arith.mulf %mul3A_19, %sub3A_18 : vector<1000x128xf32>
    %add3A = arith.constant 9.99999974E-6 : f32
    %add3A_21 = vector.broadcast %add3A : f32 to vector<1x128xf32>
    %add3A_22 = arith.addf %sub3A, %add3A_21 : vector<1x128xf32>
    %rsqrt3A = math.rsqrt %add3A_22 : vector<1x128xf32>
    %mul3A_23 = vector.broadcast %rsqrt3A : vector<1x128xf32> to vector<1000x128xf32>
    %mul3A_24 = arith.mulf %mul3A_20, %mul3A_23 : vector<1000x128xf32>
    %get3A_25 = arith.constant 1 : index
    %get3A_26 = arith.constant 0 : index
    %get3A_27 = vector.load %arg3[%get3A_25, %get3A_26] : memref<8x128xf32, #tpu.memory_space<vmem>>, vector<1x128xf32>
    %add3A_28 = vector.broadcast %get3A_27 : vector<1x128xf32> to vector<1000x128xf32>
    %add3A_29 = arith.addf %mul3A_24, %add3A_28 : vector<1000x128xf32>
    %max3A = arith.constant 0.000000e+00 : f32
    %max3A_30 = vector.broadcast %max3A : f32 to vector<1000x128xf32>
    %max3A_31 = arith.maximumf %add3A_29, %max3A_30 : vector<1000x128xf32>
    %get3A_32 = arith.constant 0 : index
    %get3A_33 = arith.constant 0 : index
    %get3A_34 = vector.load %arg4[%get3A_32, %get3A_33] : memref<1000x8xf32, #tpu.memory_space<vmem>>, vector<1000x1xf32>
    %mul3A_35 = vector.broadcast %get3A_34 : vector<1000x1xf32> to vector<1000x128xf32>
    %mul3A_36 = arith.mulf %max3A_31, %mul3A_35 : vector<1000x128xf32>
    %swap3A = arith.constant 0 : index
    %swap3A_37 = arith.constant 0 : index
    %swap3A_38 = vector.load %arg7[%swap3A, %swap3A_37] : memref<1000x128xf32, #tpu.memory_space<vmem>>, vector<1000x128xf32>
    tpu.vector_store %arg7[%swap3A, %swap3A_37], %mul3A_36 {strides = array<i32>} : memref<1000x128xf32, #tpu.memory_space<vmem>>, vector<1000x128xf32>,
    %eq3A = arith.constant 0 : i32
    %eq3A_39 = arith.cmpi eq, %arg0, %eq3A : i32
    %convert_element_type3A = arith.extui %eq3A_39 : i1 to i32
    %cond3A = arith.constant 0 : i32
    %cond3A_40 = arith.cmpi ne, %convert_element_type3A, %cond3A : i32
    scf.if %cond3A_40 {
      %broadcast_in_dim3A_616 = arith.constant 0xFF800000 : f32
      %broadcast_in_dim3A_617 = vector.broadcast %broadcast_in_dim3A_616 : f32 to vector<32x128xf32>
      %swap3A_618 = arith.constant 0 : index
      %swap3A_619 = arith.constant 0 : index
      %swap3A_620 = vector.load %arg6[%swap3A_618, %swap3A_619] : memref<32x128xf32, #tpu.memory_space<vmem>>, vector<32x128xf32>
      tpu.vector_store %arg6[%swap3A_618, %swap3A_619], %broadcast_in_dim3A_617 {strides = array<i32>} : memref<32x128xf32, #tpu.memory_space<vmem>>, vector<32x128xf32>,
    } else {
    }
    %get3A_41 = arith.constant 0 : index
    %get3A_42 = arith.constant 0 : index
    %get3A_43 = vector.load %arg5[%get3A_41, %get3A_42] : memref<1000x1xf32, #tpu.memory_space<vmem>>, vector<1000x1xf32>
    %eq3A_44 = arith.constant 0.000000e+00 : f32
    %eq3A_45 = vector.broadcast %eq3A_44 : f32 to vector<1000x1xf32>
    %eq3A_46 = arith.cmpf oeq, %get3A_43, %eq3A_45 : vector<1000x1xf32>
    %jit3A = arith.constant 0xFF800000 : f32
    %broadcast_in_dim3A = vector.shape_cast %eq3A_46 : vector<1000x1xi1> to vector<1000x1xi1>
    %broadcast_in_dim3A_47 = vector.broadcast %broadcast_in_dim3A : vector<1000x1xi1> to vector<1000x128xi1>
    %broadcast_in_dim3A_48 = vector.broadcast %jit3A : f32 to vector<1000x128xf32>
    %select_n3A = arith.select %broadcast_in_dim3A_47, %max3A_31, %broadcast_in_dim3A_48 : vector<1000x128xi1>, vector<1000x128xf32>
    %reduce_max3A = arith.constant dense<0xFF800000> : vector<128xf32>
    %reduce_max3A_49 = vector.multi_reduction <maximumf>, %select_n3A, %reduce_max3A [0] : vector<1000x128xf32> to vector<128xf32>
    %broadcast_in_dim3A_50 = vector.shape_cast %reduce_max3A_49 : vector<128xf32> to vector<1x128xf32>
    %get3A_51 = arith.constant 0 : index
    %get3A_52 = arith.constant 0 : index
    %get3A_53 = vector.load %arg6[%get3A_51, %get3A_52] : memref<32x128xf32, #tpu.memory_space<vmem>>, vector<1x128xf32>
    %max3A_54 = arith.maximumf %get3A_53, %broadcast_in_dim3A_50 : vector<1x128xf32>
    %swap3A_55 = arith.constant 0 : index
    %swap3A_56 = arith.constant 0 : index
    %swap3A_57 = vector.load %arg6[%swap3A_55, %swap3A_56] : memref<32x128xf32, #tpu.memory_space<vmem>>, vector<1x128xf32>
    tpu.vector_store %arg6[%swap3A_55, %swap3A_56], %max3A_54 {strides = array<i32>} : memref<32x128xf32, #tpu.memory_space<vmem>>, vector<1x128xf32>,
    %eq3A_58 = arith.constant 1.000000e+00 : f32
    %eq3A_59 = vector.broadcast %eq3A_58 : f32 to vector<1000x1xf32>
    %eq3A_60 = arith.cmpf oeq, %get3A_43, %eq3A_59 : vector<1000x1xf32>
    %jit3A_61 = arith.constant 0xFF800000 : f32
    %broadcast_in_dim3A_62 = vector.shape_cast %eq3A_60 : vector<1000x1xi1> to vector<1000x1xi1>
    %broadcast_in_dim3A_63 = vector.broadcast %broadcast_in_dim3A_62 : vector<1000x1xi1> to vector<1000x128xi1>
    %broadcast_in_dim3A_64 = vector.broadcast %jit3A_61 : f32 to vector<1000x128xf32>
    %select_n3A_65 = arith.select %broadcast_in_dim3A_63, %max3A_31, %broadcast_in_dim3A_64 : vector<1000x128xi1>, vector<1000x128xf32>
    %reduce_max3A_66 = arith.constant dense<0xFF800000> : vector<128xf32>
    %reduce_max3A_67 = vector.multi_reduction <maximumf>, %select_n3A_65, %reduce_max3A_66 [0] : vector<1000x128xf32> to vector<128xf32>
    %broadcast_in_dim3A_68 = vector.shape_cast %reduce_max3A_67 : vector<128xf32> to vector<1x128xf32>
    %get3A_69 = arith.constant 1 : index
    %get3A_70 = arith.constant 0 : index
    %get3A_71 = vector.load %arg6[%get3A_69, %get3A_70] : memref<32x128xf32, #tpu.memory_space<vmem>>, vector<1x128xf32>
    %max3A_72 = arith.maximumf %get3A_71, %broadcast_in_dim3A_68 : vector<1x128xf32>
    %swap3A_73 = arith.constant 1 : index
    %swap3A_74 = arith.constant 0 : index
    %swap3A_75 = vector.load %arg6[%swap3A_73, %swap3A_74] : memref<32x128xf32, #tpu.memory_space<vmem>>, vector<1x128xf32>
    tpu.vector_store %arg6[%swap3A_73, %swap3A_74], %max3A_72 {strides = array<i32>} : memref<32x128xf32, #tpu.memory_space<vmem>>, vector<1x128xf32>,
    %eq3A_76 = arith.constant 2.000000e+00 : f32
    %eq3A_77 = vector.broadcast %eq3A_76 : f32 to vector<1000x1xf32>
    %eq3A_78 = arith.cmpf oeq, %get3A_43, %eq3A_77 : vector<1000x1xf32>
    %jit3A_79 = arith.constant 0xFF800000 : f32
    %broadcast_in_dim3A_80 = vector.shape_cast %eq3A_78 : vector<1000x1xi1> to vector<1000x1xi1>
    %broadcast_in_dim3A_81 = vector.broadcast %broadcast_in_dim3A_80 : vector<1000x1xi1> to vector<1000x128xi1>
    %broadcast_in_dim3A_82 = vector.broadcast %jit3A_79 : f32 to vector<1000x128xf32>
    %select_n3A_83 = arith.select %broadcast_in_dim3A_81, %max3A_31, %broadcast_in_dim3A_82 : vector<1000x128xi1>, vector<1000x128xf32>
    %reduce_max3A_84 = arith.constant dense<0xFF800000> : vector<128xf32>
    %reduce_max3A_85 = vector.multi_reduction <maximumf>, %select_n3A_83, %reduce_max3A_84 [0] : vector<1000x128xf32> to vector<128xf32>
    %broadcast_in_dim3A_86 = vector.shape_cast %reduce_max3A_85 : vector<128xf32> to vector<1x128xf32>
    %get3A_87 = arith.constant 2 : index
    %get3A_88 = arith.constant 0 : index
    %get3A_89 = vector.load %arg6[%get3A_87, %get3A_88] : memref<32x128xf32, #tpu.memory_space<vmem>>, vector<1x128xf32>
    %max3A_90 = arith.maximumf %get3A_89, %broadcast_in_dim3A_86 : vector<1x128xf32>
    %swap3A_91 = arith.constant 2 : index
    %swap3A_92 = arith.constant 0 : index
    %swap3A_93 = vector.load %arg6[%swap3A_91, %swap3A_92] : memref<32x128xf32, #tpu.memory_space<vmem>>, vector<1x128xf32>
    tpu.vector_store %arg6[%swap3A_91, %swap3A_92], %max3A_90 {strides = array<i32>} : memref<32x128xf32, #tpu.memory_space<vmem>>, vector<1x128xf32>,
    %eq3A_94 = arith.constant 3.000000e+00 : f32
    %eq3A_95 = vector.broadcast %eq3A_94 : f32 to vector<1000x1xf32>
    %eq3A_96 = arith.cmpf oeq, %get3A_43, %eq3A_95 : vector<1000x1xf32>
    %jit3A_97 = arith.constant 0xFF800000 : f32
    %broadcast_in_dim3A_98 = vector.shape_cast %eq3A_96 : vector<1000x1xi1> to vector<1000x1xi1>
    %broadcast_in_dim3A_99 = vector.broadcast %broadcast_in_dim3A_98 : vector<1000x1xi1> to vector<1000x128xi1>
    %broadcast_in_dim3A_100 = vector.broadcast %jit3A_97 : f32 to vector<1000x128xf32>
    %select_n3A_101 = arith.select %broadcast_in_dim3A_99, %max3A_31, %broadcast_in_dim3A_100 : vector<1000x128xi1>, vector<1000x128xf32>
    %reduce_max3A_102 = arith.constant dense<0xFF800000> : vector<128xf32>
    %reduce_max3A_103 = vector.multi_reduction <maximumf>, %select_n3A_101, %reduce_max3A_102 [0] : vector<1000x128xf32> to vector<128xf32>
    %broadcast_in_dim3A_104 = vector.shape_cast %reduce_max3A_103 : vector<128xf32> to vector<1x128xf32>
    %get3A_105 = arith.constant 3 : index
    %get3A_106 = arith.constant 0 : index
    %get3A_107 = vector.load %arg6[%get3A_105, %get3A_106] : memref<32x128xf32, #tpu.memory_space<vmem>>, vector<1x128xf32>
    %max3A_108 = arith.maximumf %get3A_107, %broadcast_in_dim3A_104 : vector<1x128xf32>
    %swap3A_109 = arith.constant 3 : index
    %swap3A_110 = arith.constant 0 : index
    %swap3A_111 = vector.load %arg6[%swap3A_109, %swap3A_110] : memref<32x128xf32, #tpu.memory_space<vmem>>, vector<1x128xf32>
    tpu.vector_store %arg6[%swap3A_109, %swap3A_110], %max3A_108 {strides = array<i32>} : memref<32x128xf32, #tpu.memory_space<vmem>>, vector<1x128xf32>,
    %eq3A_112 = arith.constant 4.000000e+00 : f32
    %eq3A_113 = vector.broadcast %eq3A_112 : f32 to vector<1000x1xf32>
    %eq3A_114 = arith.cmpf oeq, %get3A_43, %eq3A_113 : vector<1000x1xf32>
    %jit3A_115 = arith.constant 0xFF800000 : f32
    %broadcast_in_dim3A_116 = vector.shape_cast %eq3A_114 : vector<1000x1xi1> to vector<1000x1xi1>
    %broadcast_in_dim3A_117 = vector.broadcast %broadcast_in_dim3A_116 : vector<1000x1xi1> to vector<1000x128xi1>
    %broadcast_in_dim3A_118 = vector.broadcast %jit3A_115 : f32 to vector<1000x128xf32>
    %select_n3A_119 = arith.select %broadcast_in_dim3A_117, %max3A_31, %broadcast_in_dim3A_118 : vector<1000x128xi1>, vector<1000x128xf32>
    %reduce_max3A_120 = arith.constant dense<0xFF800000> : vector<128xf32>
    %reduce_max3A_121 = vector.multi_reduction <maximumf>, %select_n3A_119, %reduce_max3A_120 [0] : vector<1000x128xf32> to vector<128xf32>
    %broadcast_in_dim3A_122 = vector.shape_cast %reduce_max3A_121 : vector<128xf32> to vector<1x128xf32>
    %get3A_123 = arith.constant 4 : index
    %get3A_124 = arith.constant 0 : index
    %get3A_125 = vector.load %arg6[%get3A_123, %get3A_124] : memref<32x128xf32, #tpu.memory_space<vmem>>, vector<1x128xf32>
    %max3A_126 = arith.maximumf %get3A_125, %broadcast_in_dim3A_122 : vector<1x128xf32>
    %swap3A_127 = arith.constant 4 : index
    %swap3A_128 = arith.constant 0 : index
    %swap3A_129 = vector.load %arg6[%swap3A_127, %swap3A_128] : memref<32x128xf32, #tpu.memory_space<vmem>>, vector<1x128xf32>
    tpu.vector_store %arg6[%swap3A_127, %swap3A_128], %max3A_126 {strides = array<i32>} : memref<32x128xf32, #tpu.memory_space<vmem>>, vector<1x128xf32>,
    %eq3A_130 = arith.constant 5.000000e+00 : f32
    %eq3A_131 = vector.broadcast %eq3A_130 : f32 to vector<1000x1xf32>
    %eq3A_132 = arith.cmpf oeq, %get3A_43, %eq3A_131 : vector<1000x1xf32>
    %jit3A_133 = arith.constant 0xFF800000 : f32
    %broadcast_in_dim3A_134 = vector.shape_cast %eq3A_132 : vector<1000x1xi1> to vector<1000x1xi1>
    %broadcast_in_dim3A_135 = vector.broadcast %broadcast_in_dim3A_134 : vector<1000x1xi1> to vector<1000x128xi1>
    %broadcast_in_dim3A_136 = vector.broadcast %jit3A_133 : f32 to vector<1000x128xf32>
    %select_n3A_137 = arith.select %broadcast_in_dim3A_135, %max3A_31, %broadcast_in_dim3A_136 : vector<1000x128xi1>, vector<1000x128xf32>
    %reduce_max3A_138 = arith.constant dense<0xFF800000> : vector<128xf32>
    %reduce_max3A_139 = vector.multi_reduction <maximumf>, %select_n3A_137, %reduce_max3A_138 [0] : vector<1000x128xf32> to vector<128xf32>
    %broadcast_in_dim3A_140 = vector.shape_cast %reduce_max3A_139 : vector<128xf32> to vector<1x128xf32>
    %get3A_141 = arith.constant 5 : index
    %get3A_142 = arith.constant 0 : index
    %get3A_143 = vector.load %arg6[%get3A_141, %get3A_142] : memref<32x128xf32, #tpu.memory_space<vmem>>, vector<1x128xf32>
    %max3A_144 = arith.maximumf %get3A_143, %broadcast_in_dim3A_140 : vector<1x128xf32>
    %swap3A_145 = arith.constant 5 : index
    %swap3A_146 = arith.constant 0 : index
    %swap3A_147 = vector.load %arg6[%swap3A_145, %swap3A_146] : memref<32x128xf32, #tpu.memory_space<vmem>>, vector<1x128xf32>
    tpu.vector_store %arg6[%swap3A_145, %swap3A_146], %max3A_144 {strides = array<i32>} : memref<32x128xf32, #tpu.memory_space<vmem>>, vector<1x128xf32>,
    %eq3A_148 = arith.constant 6.000000e+00 : f32
    %eq3A_149 = vector.broadcast %eq3A_148 : f32 to vector<1000x1xf32>
    %eq3A_150 = arith.cmpf oeq, %get3A_43, %eq3A_149 : vector<1000x1xf32>
    %jit3A_151 = arith.constant 0xFF800000 : f32
    %broadcast_in_dim3A_152 = vector.shape_cast %eq3A_150 : vector<1000x1xi1> to vector<1000x1xi1>
    %broadcast_in_dim3A_153 = vector.broadcast %broadcast_in_dim3A_152 : vector<1000x1xi1> to vector<1000x128xi1>
    %broadcast_in_dim3A_154 = vector.broadcast %jit3A_151 : f32 to vector<1000x128xf32>
    %select_n3A_155 = arith.select %broadcast_in_dim3A_153, %max3A_31, %broadcast_in_dim3A_154 : vector<1000x128xi1>, vector<1000x128xf32>
    %reduce_max3A_156 = arith.constant dense<0xFF800000> : vector<128xf32>
    %reduce_max3A_157 = vector.multi_reduction <maximumf>, %select_n3A_155, %reduce_max3A_156 [0] : vector<1000x128xf32> to vector<128xf32>
    %broadcast_in_dim3A_158 = vector.shape_cast %reduce_max3A_157 : vector<128xf32> to vector<1x128xf32>
    %get3A_159 = arith.constant 6 : index
    %get3A_160 = arith.constant 0 : index
    %get3A_161 = vector.load %arg6[%get3A_159, %get3A_160] : memref<32x128xf32, #tpu.memory_space<vmem>>, vector<1x128xf32>
    %max3A_162 = arith.maximumf %get3A_161, %broadcast_in_dim3A_158 : vector<1x128xf32>
    %swap3A_163 = arith.constant 6 : index
    %swap3A_164 = arith.constant 0 : index
    %swap3A_165 = vector.load %arg6[%swap3A_163, %swap3A_164] : memref<32x128xf32, #tpu.memory_space<vmem>>, vector<1x128xf32>
    tpu.vector_store %arg6[%swap3A_163, %swap3A_164], %max3A_162 {strides = array<i32>} : memref<32x128xf32, #tpu.memory_space<vmem>>, vector<1x128xf32>,
    %eq3A_166 = arith.constant 7.000000e+00 : f32
    %eq3A_167 = vector.broadcast %eq3A_166 : f32 to vector<1000x1xf32>
    %eq3A_168 = arith.cmpf oeq, %get3A_43, %eq3A_167 : vector<1000x1xf32>
    %jit3A_169 = arith.constant 0xFF800000 : f32
    %broadcast_in_dim3A_170 = vector.shape_cast %eq3A_168 : vector<1000x1xi1> to vector<1000x1xi1>
    %broadcast_in_dim3A_171 = vector.broadcast %broadcast_in_dim3A_170 : vector<1000x1xi1> to vector<1000x128xi1>
    %broadcast_in_dim3A_172 = vector.broadcast %jit3A_169 : f32 to vector<1000x128xf32>
    %select_n3A_173 = arith.select %broadcast_in_dim3A_171, %max3A_31, %broadcast_in_dim3A_172 : vector<1000x128xi1>, vector<1000x128xf32>
    %reduce_max3A_174 = arith.constant dense<0xFF800000> : vector<128xf32>
    %reduce_max3A_175 = vector.multi_reduction <maximumf>, %select_n3A_173, %reduce_max3A_174 [0] : vector<1000x128xf32> to vector<128xf32>
    %broadcast_in_dim3A_176 = vector.shape_cast %reduce_max3A_175 : vector<128xf32> to vector<1x128xf32>
    %get3A_177 = arith.constant 7 : index
    %get3A_178 = arith.constant 0 : index
    %get3A_179 = vector.load %arg6[%get3A_177, %get3A_178] : memref<32x128xf32, #tpu.memory_space<vmem>>, vector<1x128xf32>
    %max3A_180 = arith.maximumf %get3A_179, %broadcast_in_dim3A_176 : vector<1x128xf32>
    %swap3A_181 = arith.constant 7 : index
    %swap3A_182 = arith.constant 0 : index
    %swap3A_183 = vector.load %arg6[%swap3A_181, %swap3A_182] : memref<32x128xf32, #tpu.memory_space<vmem>>, vector<1x128xf32>
    tpu.vector_store %arg6[%swap3A_181, %swap3A_182], %max3A_180 {strides = array<i32>} : memref<32x128xf32, #tpu.memory_space<vmem>>, vector<1x128xf32>,
    %eq3A_184 = arith.constant 8.000000e+00 : f32
    %eq3A_185 = vector.broadcast %eq3A_184 : f32 to vector<1000x1xf32>
    %eq3A_186 = arith.cmpf oeq, %get3A_43, %eq3A_185 : vector<1000x1xf32>
    %jit3A_187 = arith.constant 0xFF800000 : f32
    %broadcast_in_dim3A_188 = vector.shape_cast %eq3A_186 : vector<1000x1xi1> to vector<1000x1xi1>
    %broadcast_in_dim3A_189 = vector.broadcast %broadcast_in_dim3A_188 : vector<1000x1xi1> to vector<1000x128xi1>
    %broadcast_in_dim3A_190 = vector.broadcast %jit3A_187 : f32 to vector<1000x128xf32>
    %select_n3A_191 = arith.select %broadcast_in_dim3A_189, %max3A_31, %broadcast_in_dim3A_190 : vector<1000x128xi1>, vector<1000x128xf32>
    %reduce_max3A_192 = arith.constant dense<0xFF800000> : vector<128xf32>
    %reduce_max3A_193 = vector.multi_reduction <maximumf>, %select_n3A_191, %reduce_max3A_192 [0] : vector<1000x128xf32> to vector<128xf32>
    %broadcast_in_dim3A_194 = vector.shape_cast %reduce_max3A_193 : vector<128xf32> to vector<1x128xf32>
    %get3A_195 = arith.constant 8 : index
    %get3A_196 = arith.constant 0 : index
    %get3A_197 = vector.load %arg6[%get3A_195, %get3A_196] : memref<32x128xf32, #tpu.memory_space<vmem>>, vector<1x128xf32>
    %max3A_198 = arith.maximumf %get3A_197, %broadcast_in_dim3A_194 : vector<1x128xf32>
    %swap3A_199 = arith.constant 8 : index
    %swap3A_200 = arith.constant 0 : index
    %swap3A_201 = vector.load %arg6[%swap3A_199, %swap3A_200] : memref<32x128xf32, #tpu.memory_space<vmem>>, vector<1x128xf32>
    tpu.vector_store %arg6[%swap3A_199, %swap3A_200], %max3A_198 {strides = array<i32>} : memref<32x128xf32, #tpu.memory_space<vmem>>, vector<1x128xf32>,
    %eq3A_202 = arith.constant 9.000000e+00 : f32
    %eq3A_203 = vector.broadcast %eq3A_202 : f32 to vector<1000x1xf32>
    %eq3A_204 = arith.cmpf oeq, %get3A_43, %eq3A_203 : vector<1000x1xf32>
    %jit3A_205 = arith.constant 0xFF800000 : f32
    %broadcast_in_dim3A_206 = vector.shape_cast %eq3A_204 : vector<1000x1xi1> to vector<1000x1xi1>
    %broadcast_in_dim3A_207 = vector.broadcast %broadcast_in_dim3A_206 : vector<1000x1xi1> to vector<1000x128xi1>
    %broadcast_in_dim3A_208 = vector.broadcast %jit3A_205 : f32 to vector<1000x128xf32>
    %select_n3A_209 = arith.select %broadcast_in_dim3A_207, %max3A_31, %broadcast_in_dim3A_208 : vector<1000x128xi1>, vector<1000x128xf32>
    %reduce_max3A_210 = arith.constant dense<0xFF800000> : vector<128xf32>
    %reduce_max3A_211 = vector.multi_reduction <maximumf>, %select_n3A_209, %reduce_max3A_210 [0] : vector<1000x128xf32> to vector<128xf32>
    %broadcast_in_dim3A_212 = vector.shape_cast %reduce_max3A_211 : vector<128xf32> to vector<1x128xf32>
    %get3A_213 = arith.constant 9 : index
    %get3A_214 = arith.constant 0 : index
    %get3A_215 = vector.load %arg6[%get3A_213, %get3A_214] : memref<32x128xf32, #tpu.memory_space<vmem>>, vector<1x128xf32>
    %max3A_216 = arith.maximumf %get3A_215, %broadcast_in_dim3A_212 : vector<1x128xf32>
    %swap3A_217 = arith.constant 9 : index
    %swap3A_218 = arith.constant 0 : index
    %swap3A_219 = vector.load %arg6[%swap3A_217, %swap3A_218] : memref<32x128xf32, #tpu.memory_space<vmem>>, vector<1x128xf32>
    tpu.vector_store %arg6[%swap3A_217, %swap3A_218], %max3A_216 {strides = array<i32>} : memref<32x128xf32, #tpu.memory_space<vmem>>, vector<1x128xf32>,
    %eq3A_220 = arith.constant 1.000000e+01 : f32
    %eq3A_221 = vector.broadcast %eq3A_220 : f32 to vector<1000x1xf32>
    %eq3A_222 = arith.cmpf oeq, %get3A_43, %eq3A_221 : vector<1000x1xf32>
    %jit3A_223 = arith.constant 0xFF800000 : f32
    %broadcast_in_dim3A_224 = vector.shape_cast %eq3A_222 : vector<1000x1xi1> to vector<1000x1xi1>
    %broadcast_in_dim3A_225 = vector.broadcast %broadcast_in_dim3A_224 : vector<1000x1xi1> to vector<1000x128xi1>
    %broadcast_in_dim3A_226 = vector.broadcast %jit3A_223 : f32 to vector<1000x128xf32>
    %select_n3A_227 = arith.select %broadcast_in_dim3A_225, %max3A_31, %broadcast_in_dim3A_226 : vector<1000x128xi1>, vector<1000x128xf32>
    %reduce_max3A_228 = arith.constant dense<0xFF800000> : vector<128xf32>
    %reduce_max3A_229 = vector.multi_reduction <maximumf>, %select_n3A_227, %reduce_max3A_228 [0] : vector<1000x128xf32> to vector<128xf32>
    %broadcast_in_dim3A_230 = vector.shape_cast %reduce_max3A_229 : vector<128xf32> to vector<1x128xf32>
    %get3A_231 = arith.constant 10 : index
    %get3A_232 = arith.constant 0 : index
    %get3A_233 = vector.load %arg6[%get3A_231, %get3A_232] : memref<32x128xf32, #tpu.memory_space<vmem>>, vector<1x128xf32>
    %max3A_234 = arith.maximumf %get3A_233, %broadcast_in_dim3A_230 : vector<1x128xf32>
    %swap3A_235 = arith.constant 10 : index
    %swap3A_236 = arith.constant 0 : index
    %swap3A_237 = vector.load %arg6[%swap3A_235, %swap3A_236] : memref<32x128xf32, #tpu.memory_space<vmem>>, vector<1x128xf32>
    tpu.vector_store %arg6[%swap3A_235, %swap3A_236], %max3A_234 {strides = array<i32>} : memref<32x128xf32, #tpu.memory_space<vmem>>, vector<1x128xf32>,
    %eq3A_238 = arith.constant 1.100000e+01 : f32
    %eq3A_239 = vector.broadcast %eq3A_238 : f32 to vector<1000x1xf32>
    %eq3A_240 = arith.cmpf oeq, %get3A_43, %eq3A_239 : vector<1000x1xf32>
    %jit3A_241 = arith.constant 0xFF800000 : f32
    %broadcast_in_dim3A_242 = vector.shape_cast %eq3A_240 : vector<1000x1xi1> to vector<1000x1xi1>
    %broadcast_in_dim3A_243 = vector.broadcast %broadcast_in_dim3A_242 : vector<1000x1xi1> to vector<1000x128xi1>
    %broadcast_in_dim3A_244 = vector.broadcast %jit3A_241 : f32 to vector<1000x128xf32>
    %select_n3A_245 = arith.select %broadcast_in_dim3A_243, %max3A_31, %broadcast_in_dim3A_244 : vector<1000x128xi1>, vector<1000x128xf32>
    %reduce_max3A_246 = arith.constant dense<0xFF800000> : vector<128xf32>
    %reduce_max3A_247 = vector.multi_reduction <maximumf>, %select_n3A_245, %reduce_max3A_246 [0] : vector<1000x128xf32> to vector<128xf32>
    %broadcast_in_dim3A_248 = vector.shape_cast %reduce_max3A_247 : vector<128xf32> to vector<1x128xf32>
    %get3A_249 = arith.constant 11 : index
    %get3A_250 = arith.constant 0 : index
    %get3A_251 = vector.load %arg6[%get3A_249, %get3A_250] : memref<32x128xf32, #tpu.memory_space<vmem>>, vector<1x128xf32>
    %max3A_252 = arith.maximumf %get3A_251, %broadcast_in_dim3A_248 : vector<1x128xf32>
    %swap3A_253 = arith.constant 11 : index
    %swap3A_254 = arith.constant 0 : index
    %swap3A_255 = vector.load %arg6[%swap3A_253, %swap3A_254] : memref<32x128xf32, #tpu.memory_space<vmem>>, vector<1x128xf32>
    tpu.vector_store %arg6[%swap3A_253, %swap3A_254], %max3A_252 {strides = array<i32>} : memref<32x128xf32, #tpu.memory_space<vmem>>, vector<1x128xf32>,
    %eq3A_256 = arith.constant 1.200000e+01 : f32
    %eq3A_257 = vector.broadcast %eq3A_256 : f32 to vector<1000x1xf32>
    %eq3A_258 = arith.cmpf oeq, %get3A_43, %eq3A_257 : vector<1000x1xf32>
    %jit3A_259 = arith.constant 0xFF800000 : f32
    %broadcast_in_dim3A_260 = vector.shape_cast %eq3A_258 : vector<1000x1xi1> to vector<1000x1xi1>
    %broadcast_in_dim3A_261 = vector.broadcast %broadcast_in_dim3A_260 : vector<1000x1xi1> to vector<1000x128xi1>
    %broadcast_in_dim3A_262 = vector.broadcast %jit3A_259 : f32 to vector<1000x128xf32>
    %select_n3A_263 = arith.select %broadcast_in_dim3A_261, %max3A_31, %broadcast_in_dim3A_262 : vector<1000x128xi1>, vector<1000x128xf32>
    %reduce_max3A_264 = arith.constant dense<0xFF800000> : vector<128xf32>
    %reduce_max3A_265 = vector.multi_reduction <maximumf>, %select_n3A_263, %reduce_max3A_264 [0] : vector<1000x128xf32> to vector<128xf32>
    %broadcast_in_dim3A_266 = vector.shape_cast %reduce_max3A_265 : vector<128xf32> to vector<1x128xf32>
    %get3A_267 = arith.constant 12 : index
    %get3A_268 = arith.constant 0 : index
    %get3A_269 = vector.load %arg6[%get3A_267, %get3A_268] : memref<32x128xf32, #tpu.memory_space<vmem>>, vector<1x128xf32>
    %max3A_270 = arith.maximumf %get3A_269, %broadcast_in_dim3A_266 : vector<1x128xf32>
    %swap3A_271 = arith.constant 12 : index
    %swap3A_272 = arith.constant 0 : index
    %swap3A_273 = vector.load %arg6[%swap3A_271, %swap3A_272] : memref<32x128xf32, #tpu.memory_space<vmem>>, vector<1x128xf32>
    tpu.vector_store %arg6[%swap3A_271, %swap3A_272], %max3A_270 {strides = array<i32>} : memref<32x128xf32, #tpu.memory_space<vmem>>, vector<1x128xf32>,
    %eq3A_274 = arith.constant 1.300000e+01 : f32
    %eq3A_275 = vector.broadcast %eq3A_274 : f32 to vector<1000x1xf32>
    %eq3A_276 = arith.cmpf oeq, %get3A_43, %eq3A_275 : vector<1000x1xf32>
    %jit3A_277 = arith.constant 0xFF800000 : f32
    %broadcast_in_dim3A_278 = vector.shape_cast %eq3A_276 : vector<1000x1xi1> to vector<1000x1xi1>
    %broadcast_in_dim3A_279 = vector.broadcast %broadcast_in_dim3A_278 : vector<1000x1xi1> to vector<1000x128xi1>
    %broadcast_in_dim3A_280 = vector.broadcast %jit3A_277 : f32 to vector<1000x128xf32>
    %select_n3A_281 = arith.select %broadcast_in_dim3A_279, %max3A_31, %broadcast_in_dim3A_280 : vector<1000x128xi1>, vector<1000x128xf32>
    %reduce_max3A_282 = arith.constant dense<0xFF800000> : vector<128xf32>
    %reduce_max3A_283 = vector.multi_reduction <maximumf>, %select_n3A_281, %reduce_max3A_282 [0] : vector<1000x128xf32> to vector<128xf32>
    %broadcast_in_dim3A_284 = vector.shape_cast %reduce_max3A_283 : vector<128xf32> to vector<1x128xf32>
    %get3A_285 = arith.constant 13 : index
    %get3A_286 = arith.constant 0 : index
    %get3A_287 = vector.load %arg6[%get3A_285, %get3A_286] : memref<32x128xf32, #tpu.memory_space<vmem>>, vector<1x128xf32>
    %max3A_288 = arith.maximumf %get3A_287, %broadcast_in_dim3A_284 : vector<1x128xf32>
    %swap3A_289 = arith.constant 13 : index
    %swap3A_290 = arith.constant 0 : index
    %swap3A_291 = vector.load %arg6[%swap3A_289, %swap3A_290] : memref<32x128xf32, #tpu.memory_space<vmem>>, vector<1x128xf32>
    tpu.vector_store %arg6[%swap3A_289, %swap3A_290], %max3A_288 {strides = array<i32>} : memref<32x128xf32, #tpu.memory_space<vmem>>, vector<1x128xf32>,
    %eq3A_292 = arith.constant 1.400000e+01 : f32
    %eq3A_293 = vector.broadcast %eq3A_292 : f32 to vector<1000x1xf32>
    %eq3A_294 = arith.cmpf oeq, %get3A_43, %eq3A_293 : vector<1000x1xf32>
    %jit3A_295 = arith.constant 0xFF800000 : f32
    %broadcast_in_dim3A_296 = vector.shape_cast %eq3A_294 : vector<1000x1xi1> to vector<1000x1xi1>
    %broadcast_in_dim3A_297 = vector.broadcast %broadcast_in_dim3A_296 : vector<1000x1xi1> to vector<1000x128xi1>
    %broadcast_in_dim3A_298 = vector.broadcast %jit3A_295 : f32 to vector<1000x128xf32>
    %select_n3A_299 = arith.select %broadcast_in_dim3A_297, %max3A_31, %broadcast_in_dim3A_298 : vector<1000x128xi1>, vector<1000x128xf32>
    %reduce_max3A_300 = arith.constant dense<0xFF800000> : vector<128xf32>
    %reduce_max3A_301 = vector.multi_reduction <maximumf>, %select_n3A_299, %reduce_max3A_300 [0] : vector<1000x128xf32> to vector<128xf32>
    %broadcast_in_dim3A_302 = vector.shape_cast %reduce_max3A_301 : vector<128xf32> to vector<1x128xf32>
    %get3A_303 = arith.constant 14 : index
    %get3A_304 = arith.constant 0 : index
    %get3A_305 = vector.load %arg6[%get3A_303, %get3A_304] : memref<32x128xf32, #tpu.memory_space<vmem>>, vector<1x128xf32>
    %max3A_306 = arith.maximumf %get3A_305, %broadcast_in_dim3A_302 : vector<1x128xf32>
    %swap3A_307 = arith.constant 14 : index
    %swap3A_308 = arith.constant 0 : index
    %swap3A_309 = vector.load %arg6[%swap3A_307, %swap3A_308] : memref<32x128xf32, #tpu.memory_space<vmem>>, vector<1x128xf32>
    tpu.vector_store %arg6[%swap3A_307, %swap3A_308], %max3A_306 {strides = array<i32>} : memref<32x128xf32, #tpu.memory_space<vmem>>, vector<1x128xf32>,
    %eq3A_310 = arith.constant 1.500000e+01 : f32
    %eq3A_311 = vector.broadcast %eq3A_310 : f32 to vector<1000x1xf32>
    %eq3A_312 = arith.cmpf oeq, %get3A_43, %eq3A_311 : vector<1000x1xf32>
    %jit3A_313 = arith.constant 0xFF800000 : f32
    %broadcast_in_dim3A_314 = vector.shape_cast %eq3A_312 : vector<1000x1xi1> to vector<1000x1xi1>
    %broadcast_in_dim3A_315 = vector.broadcast %broadcast_in_dim3A_314 : vector<1000x1xi1> to vector<1000x128xi1>
    %broadcast_in_dim3A_316 = vector.broadcast %jit3A_313 : f32 to vector<1000x128xf32>
    %select_n3A_317 = arith.select %broadcast_in_dim3A_315, %max3A_31, %broadcast_in_dim3A_316 : vector<1000x128xi1>, vector<1000x128xf32>
    %reduce_max3A_318 = arith.constant dense<0xFF800000> : vector<128xf32>
    %reduce_max3A_319 = vector.multi_reduction <maximumf>, %select_n3A_317, %reduce_max3A_318 [0] : vector<1000x128xf32> to vector<128xf32>
    %broadcast_in_dim3A_320 = vector.shape_cast %reduce_max3A_319 : vector<128xf32> to vector<1x128xf32>
    %get3A_321 = arith.constant 15 : index
    %get3A_322 = arith.constant 0 : index
    %get3A_323 = vector.load %arg6[%get3A_321, %get3A_322] : memref<32x128xf32, #tpu.memory_space<vmem>>, vector<1x128xf32>
    %max3A_324 = arith.maximumf %get3A_323, %broadcast_in_dim3A_320 : vector<1x128xf32>
    %swap3A_325 = arith.constant 15 : index
    %swap3A_326 = arith.constant 0 : index
    %swap3A_327 = vector.load %arg6[%swap3A_325, %swap3A_326] : memref<32x128xf32, #tpu.memory_space<vmem>>, vector<1x128xf32>
    tpu.vector_store %arg6[%swap3A_325, %swap3A_326], %max3A_324 {strides = array<i32>} : memref<32x128xf32, #tpu.memory_space<vmem>>, vector<1x128xf32>,
    %eq3A_328 = arith.constant 1.600000e+01 : f32
    %eq3A_329 = vector.broadcast %eq3A_328 : f32 to vector<1000x1xf32>
    %eq3A_330 = arith.cmpf oeq, %get3A_43, %eq3A_329 : vector<1000x1xf32>
    %jit3A_331 = arith.constant 0xFF800000 : f32
    %broadcast_in_dim3A_332 = vector.shape_cast %eq3A_330 : vector<1000x1xi1> to vector<1000x1xi1>
    %broadcast_in_dim3A_333 = vector.broadcast %broadcast_in_dim3A_332 : vector<1000x1xi1> to vector<1000x128xi1>
    %broadcast_in_dim3A_334 = vector.broadcast %jit3A_331 : f32 to vector<1000x128xf32>
    %select_n3A_335 = arith.select %broadcast_in_dim3A_333, %max3A_31, %broadcast_in_dim3A_334 : vector<1000x128xi1>, vector<1000x128xf32>
    %reduce_max3A_336 = arith.constant dense<0xFF800000> : vector<128xf32>
    %reduce_max3A_337 = vector.multi_reduction <maximumf>, %select_n3A_335, %reduce_max3A_336 [0] : vector<1000x128xf32> to vector<128xf32>
    %broadcast_in_dim3A_338 = vector.shape_cast %reduce_max3A_337 : vector<128xf32> to vector<1x128xf32>
    %get3A_339 = arith.constant 16 : index
    %get3A_340 = arith.constant 0 : index
    %get3A_341 = vector.load %arg6[%get3A_339, %get3A_340] : memref<32x128xf32, #tpu.memory_space<vmem>>, vector<1x128xf32>
    %max3A_342 = arith.maximumf %get3A_341, %broadcast_in_dim3A_338 : vector<1x128xf32>
    %swap3A_343 = arith.constant 16 : index
    %swap3A_344 = arith.constant 0 : index
    %swap3A_345 = vector.load %arg6[%swap3A_343, %swap3A_344] : memref<32x128xf32, #tpu.memory_space<vmem>>, vector<1x128xf32>
    tpu.vector_store %arg6[%swap3A_343, %swap3A_344], %max3A_342 {strides = array<i32>} : memref<32x128xf32, #tpu.memory_space<vmem>>, vector<1x128xf32>,
    %eq3A_346 = arith.constant 1.700000e+01 : f32
    %eq3A_347 = vector.broadcast %eq3A_346 : f32 to vector<1000x1xf32>
    %eq3A_348 = arith.cmpf oeq, %get3A_43, %eq3A_347 : vector<1000x1xf32>
    %jit3A_349 = arith.constant 0xFF800000 : f32
    %broadcast_in_dim3A_350 = vector.shape_cast %eq3A_348 : vector<1000x1xi1> to vector<1000x1xi1>
    %broadcast_in_dim3A_351 = vector.broadcast %broadcast_in_dim3A_350 : vector<1000x1xi1> to vector<1000x128xi1>
    %broadcast_in_dim3A_352 = vector.broadcast %jit3A_349 : f32 to vector<1000x128xf32>
    %select_n3A_353 = arith.select %broadcast_in_dim3A_351, %max3A_31, %broadcast_in_dim3A_352 : vector<1000x128xi1>, vector<1000x128xf32>
    %reduce_max3A_354 = arith.constant dense<0xFF800000> : vector<128xf32>
    %reduce_max3A_355 = vector.multi_reduction <maximumf>, %select_n3A_353, %reduce_max3A_354 [0] : vector<1000x128xf32> to vector<128xf32>
    %broadcast_in_dim3A_356 = vector.shape_cast %reduce_max3A_355 : vector<128xf32> to vector<1x128xf32>
    %get3A_357 = arith.constant 17 : index
    %get3A_358 = arith.constant 0 : index
    %get3A_359 = vector.load %arg6[%get3A_357, %get3A_358] : memref<32x128xf32, #tpu.memory_space<vmem>>, vector<1x128xf32>
    %max3A_360 = arith.maximumf %get3A_359, %broadcast_in_dim3A_356 : vector<1x128xf32>
    %swap3A_361 = arith.constant 17 : index
    %swap3A_362 = arith.constant 0 : index
    %swap3A_363 = vector.load %arg6[%swap3A_361, %swap3A_362] : memref<32x128xf32, #tpu.memory_space<vmem>>, vector<1x128xf32>
    tpu.vector_store %arg6[%swap3A_361, %swap3A_362], %max3A_360 {strides = array<i32>} : memref<32x128xf32, #tpu.memory_space<vmem>>, vector<1x128xf32>,
    %eq3A_364 = arith.constant 1.800000e+01 : f32
    %eq3A_365 = vector.broadcast %eq3A_364 : f32 to vector<1000x1xf32>
    %eq3A_366 = arith.cmpf oeq, %get3A_43, %eq3A_365 : vector<1000x1xf32>
    %jit3A_367 = arith.constant 0xFF800000 : f32
    %broadcast_in_dim3A_368 = vector.shape_cast %eq3A_366 : vector<1000x1xi1> to vector<1000x1xi1>
    %broadcast_in_dim3A_369 = vector.broadcast %broadcast_in_dim3A_368 : vector<1000x1xi1> to vector<1000x128xi1>
    %broadcast_in_dim3A_370 = vector.broadcast %jit3A_367 : f32 to vector<1000x128xf32>
    %select_n3A_371 = arith.select %broadcast_in_dim3A_369, %max3A_31, %broadcast_in_dim3A_370 : vector<1000x128xi1>, vector<1000x128xf32>
    %reduce_max3A_372 = arith.constant dense<0xFF800000> : vector<128xf32>
    %reduce_max3A_373 = vector.multi_reduction <maximumf>, %select_n3A_371, %reduce_max3A_372 [0] : vector<1000x128xf32> to vector<128xf32>
    %broadcast_in_dim3A_374 = vector.shape_cast %reduce_max3A_373 : vector<128xf32> to vector<1x128xf32>
    %get3A_375 = arith.constant 18 : index
    %get3A_376 = arith.constant 0 : index
    %get3A_377 = vector.load %arg6[%get3A_375, %get3A_376] : memref<32x128xf32, #tpu.memory_space<vmem>>, vector<1x128xf32>
    %max3A_378 = arith.maximumf %get3A_377, %broadcast_in_dim3A_374 : vector<1x128xf32>
    %swap3A_379 = arith.constant 18 : index
    %swap3A_380 = arith.constant 0 : index
    %swap3A_381 = vector.load %arg6[%swap3A_379, %swap3A_380] : memref<32x128xf32, #tpu.memory_space<vmem>>, vector<1x128xf32>
    tpu.vector_store %arg6[%swap3A_379, %swap3A_380], %max3A_378 {strides = array<i32>} : memref<32x128xf32, #tpu.memory_space<vmem>>, vector<1x128xf32>,
    %eq3A_382 = arith.constant 1.900000e+01 : f32
    %eq3A_383 = vector.broadcast %eq3A_382 : f32 to vector<1000x1xf32>
    %eq3A_384 = arith.cmpf oeq, %get3A_43, %eq3A_383 : vector<1000x1xf32>
    %jit3A_385 = arith.constant 0xFF800000 : f32
    %broadcast_in_dim3A_386 = vector.shape_cast %eq3A_384 : vector<1000x1xi1> to vector<1000x1xi1>
    %broadcast_in_dim3A_387 = vector.broadcast %broadcast_in_dim3A_386 : vector<1000x1xi1> to vector<1000x128xi1>
    %broadcast_in_dim3A_388 = vector.broadcast %jit3A_385 : f32 to vector<1000x128xf32>
    %select_n3A_389 = arith.select %broadcast_in_dim3A_387, %max3A_31, %broadcast_in_dim3A_388 : vector<1000x128xi1>, vector<1000x128xf32>
    %reduce_max3A_390 = arith.constant dense<0xFF800000> : vector<128xf32>
    %reduce_max3A_391 = vector.multi_reduction <maximumf>, %select_n3A_389, %reduce_max3A_390 [0] : vector<1000x128xf32> to vector<128xf32>
    %broadcast_in_dim3A_392 = vector.shape_cast %reduce_max3A_391 : vector<128xf32> to vector<1x128xf32>
    %get3A_393 = arith.constant 19 : index
    %get3A_394 = arith.constant 0 : index
    %get3A_395 = vector.load %arg6[%get3A_393, %get3A_394] : memref<32x128xf32, #tpu.memory_space<vmem>>, vector<1x128xf32>
    %max3A_396 = arith.maximumf %get3A_395, %broadcast_in_dim3A_392 : vector<1x128xf32>
    %swap3A_397 = arith.constant 19 : index
    %swap3A_398 = arith.constant 0 : index
    %swap3A_399 = vector.load %arg6[%swap3A_397, %swap3A_398] : memref<32x128xf32, #tpu.memory_space<vmem>>, vector<1x128xf32>
    tpu.vector_store %arg6[%swap3A_397, %swap3A_398], %max3A_396 {strides = array<i32>} : memref<32x128xf32, #tpu.memory_space<vmem>>, vector<1x128xf32>,
    %eq3A_400 = arith.constant 2.000000e+01 : f32
    %eq3A_401 = vector.broadcast %eq3A_400 : f32 to vector<1000x1xf32>
    %eq3A_402 = arith.cmpf oeq, %get3A_43, %eq3A_401 : vector<1000x1xf32>
    %jit3A_403 = arith.constant 0xFF800000 : f32
    %broadcast_in_dim3A_404 = vector.shape_cast %eq3A_402 : vector<1000x1xi1> to vector<1000x1xi1>
    %broadcast_in_dim3A_405 = vector.broadcast %broadcast_in_dim3A_404 : vector<1000x1xi1> to vector<1000x128xi1>
    %broadcast_in_dim3A_406 = vector.broadcast %jit3A_403 : f32 to vector<1000x128xf32>
    %select_n3A_407 = arith.select %broadcast_in_dim3A_405, %max3A_31, %broadcast_in_dim3A_406 : vector<1000x128xi1>, vector<1000x128xf32>
    %reduce_max3A_408 = arith.constant dense<0xFF800000> : vector<128xf32>
    %reduce_max3A_409 = vector.multi_reduction <maximumf>, %select_n3A_407, %reduce_max3A_408 [0] : vector<1000x128xf32> to vector<128xf32>
    %broadcast_in_dim3A_410 = vector.shape_cast %reduce_max3A_409 : vector<128xf32> to vector<1x128xf32>
    %get3A_411 = arith.constant 20 : index
    %get3A_412 = arith.constant 0 : index
    %get3A_413 = vector.load %arg6[%get3A_411, %get3A_412] : memref<32x128xf32, #tpu.memory_space<vmem>>, vector<1x128xf32>
    %max3A_414 = arith.maximumf %get3A_413, %broadcast_in_dim3A_410 : vector<1x128xf32>
    %swap3A_415 = arith.constant 20 : index
    %swap3A_416 = arith.constant 0 : index
    %swap3A_417 = vector.load %arg6[%swap3A_415, %swap3A_416] : memref<32x128xf32, #tpu.memory_space<vmem>>, vector<1x128xf32>
    tpu.vector_store %arg6[%swap3A_415, %swap3A_416], %max3A_414 {strides = array<i32>} : memref<32x128xf32, #tpu.memory_space<vmem>>, vector<1x128xf32>,
    %eq3A_418 = arith.constant 2.100000e+01 : f32
    %eq3A_419 = vector.broadcast %eq3A_418 : f32 to vector<1000x1xf32>
    %eq3A_420 = arith.cmpf oeq, %get3A_43, %eq3A_419 : vector<1000x1xf32>
    %jit3A_421 = arith.constant 0xFF800000 : f32
    %broadcast_in_dim3A_422 = vector.shape_cast %eq3A_420 : vector<1000x1xi1> to vector<1000x1xi1>
    %broadcast_in_dim3A_423 = vector.broadcast %broadcast_in_dim3A_422 : vector<1000x1xi1> to vector<1000x128xi1>
    %broadcast_in_dim3A_424 = vector.broadcast %jit3A_421 : f32 to vector<1000x128xf32>
    %select_n3A_425 = arith.select %broadcast_in_dim3A_423, %max3A_31, %broadcast_in_dim3A_424 : vector<1000x128xi1>, vector<1000x128xf32>
    %reduce_max3A_426 = arith.constant dense<0xFF800000> : vector<128xf32>
    %reduce_max3A_427 = vector.multi_reduction <maximumf>, %select_n3A_425, %reduce_max3A_426 [0] : vector<1000x128xf32> to vector<128xf32>
    %broadcast_in_dim3A_428 = vector.shape_cast %reduce_max3A_427 : vector<128xf32> to vector<1x128xf32>
    %get3A_429 = arith.constant 21 : index
    %get3A_430 = arith.constant 0 : index
    %get3A_431 = vector.load %arg6[%get3A_429, %get3A_430] : memref<32x128xf32, #tpu.memory_space<vmem>>, vector<1x128xf32>
    %max3A_432 = arith.maximumf %get3A_431, %broadcast_in_dim3A_428 : vector<1x128xf32>
    %swap3A_433 = arith.constant 21 : index
    %swap3A_434 = arith.constant 0 : index
    %swap3A_435 = vector.load %arg6[%swap3A_433, %swap3A_434] : memref<32x128xf32, #tpu.memory_space<vmem>>, vector<1x128xf32>
    tpu.vector_store %arg6[%swap3A_433, %swap3A_434], %max3A_432 {strides = array<i32>} : memref<32x128xf32, #tpu.memory_space<vmem>>, vector<1x128xf32>,
    %eq3A_436 = arith.constant 2.200000e+01 : f32
    %eq3A_437 = vector.broadcast %eq3A_436 : f32 to vector<1000x1xf32>
    %eq3A_438 = arith.cmpf oeq, %get3A_43, %eq3A_437 : vector<1000x1xf32>
    %jit3A_439 = arith.constant 0xFF800000 : f32
    %broadcast_in_dim3A_440 = vector.shape_cast %eq3A_438 : vector<1000x1xi1> to vector<1000x1xi1>
    %broadcast_in_dim3A_441 = vector.broadcast %broadcast_in_dim3A_440 : vector<1000x1xi1> to vector<1000x128xi1>
    %broadcast_in_dim3A_442 = vector.broadcast %jit3A_439 : f32 to vector<1000x128xf32>
    %select_n3A_443 = arith.select %broadcast_in_dim3A_441, %max3A_31, %broadcast_in_dim3A_442 : vector<1000x128xi1>, vector<1000x128xf32>
    %reduce_max3A_444 = arith.constant dense<0xFF800000> : vector<128xf32>
    %reduce_max3A_445 = vector.multi_reduction <maximumf>, %select_n3A_443, %reduce_max3A_444 [0] : vector<1000x128xf32> to vector<128xf32>
    %broadcast_in_dim3A_446 = vector.shape_cast %reduce_max3A_445 : vector<128xf32> to vector<1x128xf32>
    %get3A_447 = arith.constant 22 : index
    %get3A_448 = arith.constant 0 : index
    %get3A_449 = vector.load %arg6[%get3A_447, %get3A_448] : memref<32x128xf32, #tpu.memory_space<vmem>>, vector<1x128xf32>
    %max3A_450 = arith.maximumf %get3A_449, %broadcast_in_dim3A_446 : vector<1x128xf32>
    %swap3A_451 = arith.constant 22 : index
    %swap3A_452 = arith.constant 0 : index
    %swap3A_453 = vector.load %arg6[%swap3A_451, %swap3A_452] : memref<32x128xf32, #tpu.memory_space<vmem>>, vector<1x128xf32>
    tpu.vector_store %arg6[%swap3A_451, %swap3A_452], %max3A_450 {strides = array<i32>} : memref<32x128xf32, #tpu.memory_space<vmem>>, vector<1x128xf32>,
    %eq3A_454 = arith.constant 2.300000e+01 : f32
    %eq3A_455 = vector.broadcast %eq3A_454 : f32 to vector<1000x1xf32>
    %eq3A_456 = arith.cmpf oeq, %get3A_43, %eq3A_455 : vector<1000x1xf32>
    %jit3A_457 = arith.constant 0xFF800000 : f32
    %broadcast_in_dim3A_458 = vector.shape_cast %eq3A_456 : vector<1000x1xi1> to vector<1000x1xi1>
    %broadcast_in_dim3A_459 = vector.broadcast %broadcast_in_dim3A_458 : vector<1000x1xi1> to vector<1000x128xi1>
    %broadcast_in_dim3A_460 = vector.broadcast %jit3A_457 : f32 to vector<1000x128xf32>
    %select_n3A_461 = arith.select %broadcast_in_dim3A_459, %max3A_31, %broadcast_in_dim3A_460 : vector<1000x128xi1>, vector<1000x128xf32>
    %reduce_max3A_462 = arith.constant dense<0xFF800000> : vector<128xf32>
    %reduce_max3A_463 = vector.multi_reduction <maximumf>, %select_n3A_461, %reduce_max3A_462 [0] : vector<1000x128xf32> to vector<128xf32>
    %broadcast_in_dim3A_464 = vector.shape_cast %reduce_max3A_463 : vector<128xf32> to vector<1x128xf32>
    %get3A_465 = arith.constant 23 : index
    %get3A_466 = arith.constant 0 : index
    %get3A_467 = vector.load %arg6[%get3A_465, %get3A_466] : memref<32x128xf32, #tpu.memory_space<vmem>>, vector<1x128xf32>
    %max3A_468 = arith.maximumf %get3A_467, %broadcast_in_dim3A_464 : vector<1x128xf32>
    %swap3A_469 = arith.constant 23 : index
    %swap3A_470 = arith.constant 0 : index
    %swap3A_471 = vector.load %arg6[%swap3A_469, %swap3A_470] : memref<32x128xf32, #tpu.memory_space<vmem>>, vector<1x128xf32>
    tpu.vector_store %arg6[%swap3A_469, %swap3A_470], %max3A_468 {strides = array<i32>} : memref<32x128xf32, #tpu.memory_space<vmem>>, vector<1x128xf32>,
    %eq3A_472 = arith.constant 2.400000e+01 : f32
    %eq3A_473 = vector.broadcast %eq3A_472 : f32 to vector<1000x1xf32>
    %eq3A_474 = arith.cmpf oeq, %get3A_43, %eq3A_473 : vector<1000x1xf32>
    %jit3A_475 = arith.constant 0xFF800000 : f32
    %broadcast_in_dim3A_476 = vector.shape_cast %eq3A_474 : vector<1000x1xi1> to vector<1000x1xi1>
    %broadcast_in_dim3A_477 = vector.broadcast %broadcast_in_dim3A_476 : vector<1000x1xi1> to vector<1000x128xi1>
    %broadcast_in_dim3A_478 = vector.broadcast %jit3A_475 : f32 to vector<1000x128xf32>
    %select_n3A_479 = arith.select %broadcast_in_dim3A_477, %max3A_31, %broadcast_in_dim3A_478 : vector<1000x128xi1>, vector<1000x128xf32>
    %reduce_max3A_480 = arith.constant dense<0xFF800000> : vector<128xf32>
    %reduce_max3A_481 = vector.multi_reduction <maximumf>, %select_n3A_479, %reduce_max3A_480 [0] : vector<1000x128xf32> to vector<128xf32>
    %broadcast_in_dim3A_482 = vector.shape_cast %reduce_max3A_481 : vector<128xf32> to vector<1x128xf32>
    %get3A_483 = arith.constant 24 : index
    %get3A_484 = arith.constant 0 : index
    %get3A_485 = vector.load %arg6[%get3A_483, %get3A_484] : memref<32x128xf32, #tpu.memory_space<vmem>>, vector<1x128xf32>
    %max3A_486 = arith.maximumf %get3A_485, %broadcast_in_dim3A_482 : vector<1x128xf32>
    %swap3A_487 = arith.constant 24 : index
    %swap3A_488 = arith.constant 0 : index
    %swap3A_489 = vector.load %arg6[%swap3A_487, %swap3A_488] : memref<32x128xf32, #tpu.memory_space<vmem>>, vector<1x128xf32>
    tpu.vector_store %arg6[%swap3A_487, %swap3A_488], %max3A_486 {strides = array<i32>} : memref<32x128xf32, #tpu.memory_space<vmem>>, vector<1x128xf32>,
    %eq3A_490 = arith.constant 2.500000e+01 : f32
    %eq3A_491 = vector.broadcast %eq3A_490 : f32 to vector<1000x1xf32>
    %eq3A_492 = arith.cmpf oeq, %get3A_43, %eq3A_491 : vector<1000x1xf32>
    %jit3A_493 = arith.constant 0xFF800000 : f32
    %broadcast_in_dim3A_494 = vector.shape_cast %eq3A_492 : vector<1000x1xi1> to vector<1000x1xi1>
    %broadcast_in_dim3A_495 = vector.broadcast %broadcast_in_dim3A_494 : vector<1000x1xi1> to vector<1000x128xi1>
    %broadcast_in_dim3A_496 = vector.broadcast %jit3A_493 : f32 to vector<1000x128xf32>
    %select_n3A_497 = arith.select %broadcast_in_dim3A_495, %max3A_31, %broadcast_in_dim3A_496 : vector<1000x128xi1>, vector<1000x128xf32>
    %reduce_max3A_498 = arith.constant dense<0xFF800000> : vector<128xf32>
    %reduce_max3A_499 = vector.multi_reduction <maximumf>, %select_n3A_497, %reduce_max3A_498 [0] : vector<1000x128xf32> to vector<128xf32>
    %broadcast_in_dim3A_500 = vector.shape_cast %reduce_max3A_499 : vector<128xf32> to vector<1x128xf32>
    %get3A_501 = arith.constant 25 : index
    %get3A_502 = arith.constant 0 : index
    %get3A_503 = vector.load %arg6[%get3A_501, %get3A_502] : memref<32x128xf32, #tpu.memory_space<vmem>>, vector<1x128xf32>
    %max3A_504 = arith.maximumf %get3A_503, %broadcast_in_dim3A_500 : vector<1x128xf32>
    %swap3A_505 = arith.constant 25 : index
    %swap3A_506 = arith.constant 0 : index
    %swap3A_507 = vector.load %arg6[%swap3A_505, %swap3A_506] : memref<32x128xf32, #tpu.memory_space<vmem>>, vector<1x128xf32>
    tpu.vector_store %arg6[%swap3A_505, %swap3A_506], %max3A_504 {strides = array<i32>} : memref<32x128xf32, #tpu.memory_space<vmem>>, vector<1x128xf32>,
    %eq3A_508 = arith.constant 2.600000e+01 : f32
    %eq3A_509 = vector.broadcast %eq3A_508 : f32 to vector<1000x1xf32>
    %eq3A_510 = arith.cmpf oeq, %get3A_43, %eq3A_509 : vector<1000x1xf32>
    %jit3A_511 = arith.constant 0xFF800000 : f32
    %broadcast_in_dim3A_512 = vector.shape_cast %eq3A_510 : vector<1000x1xi1> to vector<1000x1xi1>
    %broadcast_in_dim3A_513 = vector.broadcast %broadcast_in_dim3A_512 : vector<1000x1xi1> to vector<1000x128xi1>
    %broadcast_in_dim3A_514 = vector.broadcast %jit3A_511 : f32 to vector<1000x128xf32>
    %select_n3A_515 = arith.select %broadcast_in_dim3A_513, %max3A_31, %broadcast_in_dim3A_514 : vector<1000x128xi1>, vector<1000x128xf32>
    %reduce_max3A_516 = arith.constant dense<0xFF800000> : vector<128xf32>
    %reduce_max3A_517 = vector.multi_reduction <maximumf>, %select_n3A_515, %reduce_max3A_516 [0] : vector<1000x128xf32> to vector<128xf32>
    %broadcast_in_dim3A_518 = vector.shape_cast %reduce_max3A_517 : vector<128xf32> to vector<1x128xf32>
    %get3A_519 = arith.constant 26 : index
    %get3A_520 = arith.constant 0 : index
    %get3A_521 = vector.load %arg6[%get3A_519, %get3A_520] : memref<32x128xf32, #tpu.memory_space<vmem>>, vector<1x128xf32>
    %max3A_522 = arith.maximumf %get3A_521, %broadcast_in_dim3A_518 : vector<1x128xf32>
    %swap3A_523 = arith.constant 26 : index
    %swap3A_524 = arith.constant 0 : index
    %swap3A_525 = vector.load %arg6[%swap3A_523, %swap3A_524] : memref<32x128xf32, #tpu.memory_space<vmem>>, vector<1x128xf32>
    tpu.vector_store %arg6[%swap3A_523, %swap3A_524], %max3A_522 {strides = array<i32>} : memref<32x128xf32, #tpu.memory_space<vmem>>, vector<1x128xf32>,
    %eq3A_526 = arith.constant 2.700000e+01 : f32
    %eq3A_527 = vector.broadcast %eq3A_526 : f32 to vector<1000x1xf32>
    %eq3A_528 = arith.cmpf oeq, %get3A_43, %eq3A_527 : vector<1000x1xf32>
    %jit3A_529 = arith.constant 0xFF800000 : f32
    %broadcast_in_dim3A_530 = vector.shape_cast %eq3A_528 : vector<1000x1xi1> to vector<1000x1xi1>
    %broadcast_in_dim3A_531 = vector.broadcast %broadcast_in_dim3A_530 : vector<1000x1xi1> to vector<1000x128xi1>
    %broadcast_in_dim3A_532 = vector.broadcast %jit3A_529 : f32 to vector<1000x128xf32>
    %select_n3A_533 = arith.select %broadcast_in_dim3A_531, %max3A_31, %broadcast_in_dim3A_532 : vector<1000x128xi1>, vector<1000x128xf32>
    %reduce_max3A_534 = arith.constant dense<0xFF800000> : vector<128xf32>
    %reduce_max3A_535 = vector.multi_reduction <maximumf>, %select_n3A_533, %reduce_max3A_534 [0] : vector<1000x128xf32> to vector<128xf32>
    %broadcast_in_dim3A_536 = vector.shape_cast %reduce_max3A_535 : vector<128xf32> to vector<1x128xf32>
    %get3A_537 = arith.constant 27 : index
    %get3A_538 = arith.constant 0 : index
    %get3A_539 = vector.load %arg6[%get3A_537, %get3A_538] : memref<32x128xf32, #tpu.memory_space<vmem>>, vector<1x128xf32>
    %max3A_540 = arith.maximumf %get3A_539, %broadcast_in_dim3A_536 : vector<1x128xf32>
    %swap3A_541 = arith.constant 27 : index
    %swap3A_542 = arith.constant 0 : index
    %swap3A_543 = vector.load %arg6[%swap3A_541, %swap3A_542] : memref<32x128xf32, #tpu.memory_space<vmem>>, vector<1x128xf32>
    tpu.vector_store %arg6[%swap3A_541, %swap3A_542], %max3A_540 {strides = array<i32>} : memref<32x128xf32, #tpu.memory_space<vmem>>, vector<1x128xf32>,
    %eq3A_544 = arith.constant 2.800000e+01 : f32
    %eq3A_545 = vector.broadcast %eq3A_544 : f32 to vector<1000x1xf32>
    %eq3A_546 = arith.cmpf oeq, %get3A_43, %eq3A_545 : vector<1000x1xf32>
    %jit3A_547 = arith.constant 0xFF800000 : f32
    %broadcast_in_dim3A_548 = vector.shape_cast %eq3A_546 : vector<1000x1xi1> to vector<1000x1xi1>
    %broadcast_in_dim3A_549 = vector.broadcast %broadcast_in_dim3A_548 : vector<1000x1xi1> to vector<1000x128xi1>
    %broadcast_in_dim3A_550 = vector.broadcast %jit3A_547 : f32 to vector<1000x128xf32>
    %select_n3A_551 = arith.select %broadcast_in_dim3A_549, %max3A_31, %broadcast_in_dim3A_550 : vector<1000x128xi1>, vector<1000x128xf32>
    %reduce_max3A_552 = arith.constant dense<0xFF800000> : vector<128xf32>
    %reduce_max3A_553 = vector.multi_reduction <maximumf>, %select_n3A_551, %reduce_max3A_552 [0] : vector<1000x128xf32> to vector<128xf32>
    %broadcast_in_dim3A_554 = vector.shape_cast %reduce_max3A_553 : vector<128xf32> to vector<1x128xf32>
    %get3A_555 = arith.constant 28 : index
    %get3A_556 = arith.constant 0 : index
    %get3A_557 = vector.load %arg6[%get3A_555, %get3A_556] : memref<32x128xf32, #tpu.memory_space<vmem>>, vector<1x128xf32>
    %max3A_558 = arith.maximumf %get3A_557, %broadcast_in_dim3A_554 : vector<1x128xf32>
    %swap3A_559 = arith.constant 28 : index
    %swap3A_560 = arith.constant 0 : index
    %swap3A_561 = vector.load %arg6[%swap3A_559, %swap3A_560] : memref<32x128xf32, #tpu.memory_space<vmem>>, vector<1x128xf32>
    tpu.vector_store %arg6[%swap3A_559, %swap3A_560], %max3A_558 {strides = array<i32>} : memref<32x128xf32, #tpu.memory_space<vmem>>, vector<1x128xf32>,
    %eq3A_562 = arith.constant 2.900000e+01 : f32
    %eq3A_563 = vector.broadcast %eq3A_562 : f32 to vector<1000x1xf32>
    %eq3A_564 = arith.cmpf oeq, %get3A_43, %eq3A_563 : vector<1000x1xf32>
    %jit3A_565 = arith.constant 0xFF800000 : f32
    %broadcast_in_dim3A_566 = vector.shape_cast %eq3A_564 : vector<1000x1xi1> to vector<1000x1xi1>
    %broadcast_in_dim3A_567 = vector.broadcast %broadcast_in_dim3A_566 : vector<1000x1xi1> to vector<1000x128xi1>
    %broadcast_in_dim3A_568 = vector.broadcast %jit3A_565 : f32 to vector<1000x128xf32>
    %select_n3A_569 = arith.select %broadcast_in_dim3A_567, %max3A_31, %broadcast_in_dim3A_568 : vector<1000x128xi1>, vector<1000x128xf32>
    %reduce_max3A_570 = arith.constant dense<0xFF800000> : vector<128xf32>
    %reduce_max3A_571 = vector.multi_reduction <maximumf>, %select_n3A_569, %reduce_max3A_570 [0] : vector<1000x128xf32> to vector<128xf32>
    %broadcast_in_dim3A_572 = vector.shape_cast %reduce_max3A_571 : vector<128xf32> to vector<1x128xf32>
    %get3A_573 = arith.constant 29 : index
    %get3A_574 = arith.constant 0 : index
    %get3A_575 = vector.load %arg6[%get3A_573, %get3A_574] : memref<32x128xf32, #tpu.memory_space<vmem>>, vector<1x128xf32>
    %max3A_576 = arith.maximumf %get3A_575, %broadcast_in_dim3A_572 : vector<1x128xf32>
    %swap3A_577 = arith.constant 29 : index
    %swap3A_578 = arith.constant 0 : index
    %swap3A_579 = vector.load %arg6[%swap3A_577, %swap3A_578] : memref<32x128xf32, #tpu.memory_space<vmem>>, vector<1x128xf32>
    tpu.vector_store %arg6[%swap3A_577, %swap3A_578], %max3A_576 {strides = array<i32>} : memref<32x128xf32, #tpu.memory_space<vmem>>, vector<1x128xf32>,
    %eq3A_580 = arith.constant 3.000000e+01 : f32
    %eq3A_581 = vector.broadcast %eq3A_580 : f32 to vector<1000x1xf32>
    %eq3A_582 = arith.cmpf oeq, %get3A_43, %eq3A_581 : vector<1000x1xf32>
    %jit3A_583 = arith.constant 0xFF800000 : f32
    %broadcast_in_dim3A_584 = vector.shape_cast %eq3A_582 : vector<1000x1xi1> to vector<1000x1xi1>
    %broadcast_in_dim3A_585 = vector.broadcast %broadcast_in_dim3A_584 : vector<1000x1xi1> to vector<1000x128xi1>
    %broadcast_in_dim3A_586 = vector.broadcast %jit3A_583 : f32 to vector<1000x128xf32>
    %select_n3A_587 = arith.select %broadcast_in_dim3A_585, %max3A_31, %broadcast_in_dim3A_586 : vector<1000x128xi1>, vector<1000x128xf32>
    %reduce_max3A_588 = arith.constant dense<0xFF800000> : vector<128xf32>
    %reduce_max3A_589 = vector.multi_reduction <maximumf>, %select_n3A_587, %reduce_max3A_588 [0] : vector<1000x128xf32> to vector<128xf32>
    %broadcast_in_dim3A_590 = vector.shape_cast %reduce_max3A_589 : vector<128xf32> to vector<1x128xf32>
    %get3A_591 = arith.constant 30 : index
    %get3A_592 = arith.constant 0 : index
    %get3A_593 = vector.load %arg6[%get3A_591, %get3A_592] : memref<32x128xf32, #tpu.memory_space<vmem>>, vector<1x128xf32>
    %max3A_594 = arith.maximumf %get3A_593, %broadcast_in_dim3A_590 : vector<1x128xf32>
    %swap3A_595 = arith.constant 30 : index
    %swap3A_596 = arith.constant 0 : index
    %swap3A_597 = vector.load %arg6[%swap3A_595, %swap3A_596] : memref<32x128xf32, #tpu.memory_space<vmem>>, vector<1x128xf32>
    tpu.vector_store %arg6[%swap3A_595, %swap3A_596], %max3A_594 {strides = array<i32>} : memref<32x128xf32, #tpu.memory_space<vmem>>, vector<1x128xf32>,
    %eq3A_598 = arith.constant 3.100000e+01 : f32
    %eq3A_599 = vector.broadcast %eq3A_598 : f32 to vector<1000x1xf32>
    %eq3A_600 = arith.cmpf oeq, %get3A_43, %eq3A_599 : vector<1000x1xf32>
    %jit3A_601 = arith.constant 0xFF800000 : f32
    %broadcast_in_dim3A_602 = vector.shape_cast %eq3A_600 : vector<1000x1xi1> to vector<1000x1xi1>
    %broadcast_in_dim3A_603 = vector.broadcast %broadcast_in_dim3A_602 : vector<1000x1xi1> to vector<1000x128xi1>
    %broadcast_in_dim3A_604 = vector.broadcast %jit3A_601 : f32 to vector<1000x128xf32>
    %select_n3A_605 = arith.select %broadcast_in_dim3A_603, %max3A_31, %broadcast_in_dim3A_604 : vector<1000x128xi1>, vector<1000x128xf32>
    %reduce_max3A_606 = arith.constant dense<0xFF800000> : vector<128xf32>
    %reduce_max3A_607 = vector.multi_reduction <maximumf>, %select_n3A_605, %reduce_max3A_606 [0] : vector<1000x128xf32> to vector<128xf32>
    %broadcast_in_dim3A_608 = vector.shape_cast %reduce_max3A_607 : vector<128xf32> to vector<1x128xf32>
    %get3A_609 = arith.constant 31 : index
    %get3A_610 = arith.constant 0 : index
    %get3A_611 = vector.load %arg6[%get3A_609, %get3A_610] : memref<32x128xf32, #tpu.memory_space<vmem>>, vector<1x128xf32>
    %max3A_612 = arith.maximumf %get3A_611, %broadcast_in_dim3A_608 : vector<1x128xf32>
    %swap3A_613 = arith.constant 31 : index
    %swap3A_614 = arith.constant 0 : index
    %swap3A_615 = vector.load %arg6[%swap3A_613, %swap3A_614] : memref<32x128xf32, #tpu.memory_space<vmem>>, vector<1x128xf32>
    tpu.vector_store %arg6[%swap3A_613, %swap3A_614], %max3A_612 {strides = array<i32>} : memref<32x128xf32, #tpu.memory_space<vmem>>, vector<1x128xf32>,
    return
  }
  func.func @transform_0(%arg0: i32) -> (i32, i32) {
    %c0_i32 = arith.constant 0 : i32
    %c0_i32_0 = arith.constant 0 : i32
    return %arg0, %c0_i32 : i32, i32
  }
  func.func @transform_1(%arg0: i32) -> (i32, i32) {
    %c0_i32 = arith.constant 0 : i32
    %c0_i32_0 = arith.constant 0 : i32
    %c0_i32_1 = arith.constant 0 : i32
    return %c0_i32, %c0_i32_0 : i32, i32
  }
  func.func @transform_2(%arg0: i32) -> (i32, i32) {
    %c0_i32 = arith.constant 0 : i32
    %c0_i32_0 = arith.constant 0 : i32
    %c0_i32_1 = arith.constant 0 : i32
    return %c0_i32, %c0_i32_0 : i32, i32
  }
  func.func @transform_3(%arg0: i32) -> (i32, i32) {
    %c0_i32 = arith.constant 0 : i32
    %c0_i32_0 = arith.constant 0 : i32
    return %arg0, %c0_i32 : i32, i32
  }
  func.func @transform_4(%arg0: i32) -> (i32, i32) {
    %c0_i32 = arith.constant 0 : i32
    %c0_i32_0 = arith.constant 0 : i32
    return %arg0, %c0_i32 : i32, i32
  }
  func.func @transform_5(%arg0: i32) -> (i32, i32) {
    %c0_i32 = arith.constant 0 : i32
    %c0_i32_0 = arith.constant 0 : i32
    %c0_i32_1 = arith.constant 0 : i32
    return %c0_i32, %c0_i32_0 : i32, i32
  }
  func.func @transform_6(%arg0: i32) -> (i32, i32) {
    %c0_i32 = arith.constant 0 : i32
    %c0_i32_0 = arith.constant 0 : i32
    return %arg0, %c0_i32 : i32, i32
  }
}

module attributes {stable_mosaic.version = 14 : i64} {
  func.func @body(%arg0: i32, %arg1: memref<1000x128xf32, #tpu.memory_space<vmem>>, %arg2: memref<128x128xf32, #tpu.memory_space<vmem>>, %arg3: memref<1000x128xf32, #tpu.memory_space<vmem>>, %arg4: memref<8x128xf32, #tpu.memory_space<vmem>>) attributes {dimension_semantics = [#tpu.dimension_semantics<arbitrary>], iteration_bounds = array<i64: 10>, scalar_prefetch = 0 : i64, scratch_operands = 0 : i64, tpu.core_type = #tpu.core_type<tc>, window_params = [{transform_indices = @transform_0, window_bounds = array<i64: 1000, 128>}, {pipeline_mode = #tpu.pipeline_mode<synchronous>, transform_indices = @transform_1, window_bounds = array<i64: 128, 128>}, {transform_indices = @transform_2, window_bounds = array<i64: 1000, 128>}, {pipeline_mode = #tpu.pipeline_mode<synchronous>, transform_indices = @transform_3, window_bounds = array<i64: 8, 128>}]} {
    %broadcast_in_dim3A = arith.constant 0.000000e+00 : f32
    %broadcast_in_dim3A_0 = vector.broadcast %broadcast_in_dim3A : f32 to vector<1000x128xf32>
    %get3A = arith.constant 0 : index
    %get3A_1 = arith.constant 0 : index
    %get3A_2 = vector.load %arg1[%get3A, %get3A_1] : memref<1000x128xf32, #tpu.memory_space<vmem>>, vector<1000x128xf32>
    %get3A_3 = arith.constant 0 : index
    %get3A_4 = arith.constant 0 : index
    %get3A_5 = vector.load %arg2[%get3A_3, %get3A_4] : memref<128x128xf32, #tpu.memory_space<vmem>>, vector<128x128xf32>
    %dot_general3A = arith.constant dense<0.000000e+00> : vector<1000x128xf32>
    %dot_general3A_6 = tpu.matmul %get3A_2, %get3A_5, %dot_general3A {dimension_numbers = #tpu.dot_dimension_numbers<[1], [0], [0], [1], [0, 0, 1, 1], [], []>, precision = #tpu.contract_precision<fp32>, transpose_lhs_hint = false} : vector<1000x128xf32>, vector<128x128xf32>, vector<1000x128xf32> -> vector<1000x128xf32>
    %add3A = arith.addf %broadcast_in_dim3A_0, %dot_general3A_6 : vector<1000x128xf32>
    %swap3A = arith.constant 0 : index
    %swap3A_7 = arith.constant 0 : index
    %swap3A_8 = vector.load %arg3[%swap3A, %swap3A_7] : memref<1000x128xf32, #tpu.memory_space<vmem>>, vector<1000x128xf32>
    tpu.vector_store %arg3[%swap3A, %swap3A_7], %add3A {strides = array<i32>} : memref<1000x128xf32, #tpu.memory_space<vmem>>, vector<1000x128xf32>,
    %eq3A = arith.constant 0 : i32
    %eq3A_9 = arith.cmpi eq, %arg0, %eq3A : i32
    %convert_element_type3A = arith.extui %eq3A_9 : i1 to i32
    %cond3A = arith.constant 0 : i32
    %cond3A_10 = arith.cmpi ne, %convert_element_type3A, %cond3A : i32
    scf.if %cond3A_10 {
      %broadcast_in_dim3A_30 = arith.constant 0.000000e+00 : f32
      %broadcast_in_dim3A_31 = vector.broadcast %broadcast_in_dim3A_30 : f32 to vector<8x128xf32>
      %swap3A_32 = arith.constant 0 : index
      %swap3A_33 = arith.constant 0 : index
      %swap3A_34 = vector.load %arg4[%swap3A_32, %swap3A_33] : memref<8x128xf32, #tpu.memory_space<vmem>>, vector<8x128xf32>
      tpu.vector_store %arg4[%swap3A_32, %swap3A_33], %broadcast_in_dim3A_31 {strides = array<i32>} : memref<8x128xf32, #tpu.memory_space<vmem>>, vector<8x128xf32>,
    } else {
    }
    %get3A_11 = arith.constant 0 : index
    %get3A_12 = arith.constant 0 : index
    %get3A_13 = vector.load %arg4[%get3A_11, %get3A_12] : memref<8x128xf32, #tpu.memory_space<vmem>>, vector<1x128xf32>
    %reduce_sum3A = arith.constant dense<0.000000e+00> : vector<128xf32>
    %reduce_sum3A_14 = vector.multi_reduction <add>, %add3A, %reduce_sum3A [0] : vector<1000x128xf32> to vector<128xf32>
    %broadcast_in_dim3A_15 = vector.shape_cast %reduce_sum3A_14 : vector<128xf32> to vector<1x128xf32>
    %add3A_16 = arith.addf %get3A_13, %broadcast_in_dim3A_15 : vector<1x128xf32>
    %swap3A_17 = arith.constant 0 : index
    %swap3A_18 = arith.constant 0 : index
    %swap3A_19 = vector.load %arg4[%swap3A_17, %swap3A_18] : memref<8x128xf32, #tpu.memory_space<vmem>>, vector<1x128xf32>
    tpu.vector_store %arg4[%swap3A_17, %swap3A_18], %add3A_16 {strides = array<i32>} : memref<8x128xf32, #tpu.memory_space<vmem>>, vector<1x128xf32>,
    %get3A_20 = arith.constant 1 : index
    %get3A_21 = arith.constant 0 : index
    %get3A_22 = vector.load %arg4[%get3A_20, %get3A_21] : memref<8x128xf32, #tpu.memory_space<vmem>>, vector<1x128xf32>
    %mul3A = arith.mulf %add3A, %add3A : vector<1000x128xf32>
    %reduce_sum3A_23 = arith.constant dense<0.000000e+00> : vector<128xf32>
    %reduce_sum3A_24 = vector.multi_reduction <add>, %mul3A, %reduce_sum3A_23 [0] : vector<1000x128xf32> to vector<128xf32>
    %broadcast_in_dim3A_25 = vector.shape_cast %reduce_sum3A_24 : vector<128xf32> to vector<1x128xf32>
    %add3A_26 = arith.addf %get3A_22, %broadcast_in_dim3A_25 : vector<1x128xf32>
    %swap3A_27 = arith.constant 1 : index
    %swap3A_28 = arith.constant 0 : index
    %swap3A_29 = vector.load %arg4[%swap3A_27, %swap3A_28] : memref<8x128xf32, #tpu.memory_space<vmem>>, vector<1x128xf32>
    tpu.vector_store %arg4[%swap3A_27, %swap3A_28], %add3A_26 {strides = array<i32>} : memref<8x128xf32, #tpu.memory_space<vmem>>, vector<1x128xf32>,
    return
  }
  func.func @transform_0(%arg0: i32) -> (i32, i32) {
    %c0_i32 = arith.constant 0 : i32
    %c0_i32_0 = arith.constant 0 : i32
    return %arg0, %c0_i32 : i32, i32
  }
  func.func @transform_1(%arg0: i32) -> (i32, i32) {
    %c0_i32 = arith.constant 0 : i32
    %c0_i32_0 = arith.constant 0 : i32
    %c0_i32_1 = arith.constant 0 : i32
    return %c0_i32, %c0_i32_0 : i32, i32
  }
  func.func @transform_2(%arg0: i32) -> (i32, i32) {
    %c0_i32 = arith.constant 0 : i32
    %c0_i32_0 = arith.constant 0 : i32
    return %arg0, %c0_i32 : i32, i32
  }
  func.func @transform_3(%arg0: i32) -> (i32, i32) {
    %c0_i32 = arith.constant 0 : i32
    %c0_i32_0 = arith.constant 0 : i32
    %c0_i32_1 = arith.constant 0 : i32
    return %c0_i32, %c0_i32_0 : i32, i32
  }
}

module attributes {stable_mosaic.version = 14 : i64} {
  func.func @body(%arg0: i32, %arg1: memref<1000x128xf32, #tpu.memory_space<vmem>>, %arg2: memref<1000x128xf32, #tpu.memory_space<vmem>>, %arg3: memref<256x128xf32, #tpu.memory_space<vmem>>, %arg4: memref<1000x128xf32, #tpu.memory_space<vmem>>, %arg5: memref<8x128xf32, #tpu.memory_space<vmem>>) attributes {dimension_semantics = [#tpu.dimension_semantics<arbitrary>], iteration_bounds = array<i64: 10>, scalar_prefetch = 0 : i64, scratch_operands = 0 : i64, tpu.core_type = #tpu.core_type<tc>, window_params = [{transform_indices = @transform_0, window_bounds = array<i64: 1000, 128>}, {transform_indices = @transform_1, window_bounds = array<i64: 1000, 128>}, {pipeline_mode = #tpu.pipeline_mode<synchronous>, transform_indices = @transform_2, window_bounds = array<i64: 256, 128>}, {transform_indices = @transform_3, window_bounds = array<i64: 1000, 128>}, {pipeline_mode = #tpu.pipeline_mode<synchronous>, transform_indices = @transform_4, window_bounds = array<i64: 8, 128>}]} {
    %broadcast_in_dim3A = arith.constant 0.000000e+00 : f32
    %broadcast_in_dim3A_0 = vector.broadcast %broadcast_in_dim3A : f32 to vector<1000x128xf32>
    %get3A = arith.constant 0 : index
    %get3A_1 = arith.constant 0 : index
    %get3A_2 = vector.load %arg1[%get3A, %get3A_1] : memref<1000x128xf32, #tpu.memory_space<vmem>>, vector<1000x128xf32>
    %get3A_3 = arith.constant 0 : index
    %get3A_4 = arith.constant 0 : index
    %get3A_5 = vector.load %arg3[%get3A_3, %get3A_4] : memref<256x128xf32, #tpu.memory_space<vmem>>, vector<128x128xf32>
    %dot_general3A = arith.constant dense<0.000000e+00> : vector<1000x128xf32>
    %dot_general3A_6 = tpu.matmul %get3A_2, %get3A_5, %dot_general3A {dimension_numbers = #tpu.dot_dimension_numbers<[1], [0], [0], [1], [0, 0, 1, 1], [], []>, precision = #tpu.contract_precision<fp32>, transpose_lhs_hint = false} : vector<1000x128xf32>, vector<128x128xf32>, vector<1000x128xf32> -> vector<1000x128xf32>
    %add3A = arith.addf %broadcast_in_dim3A_0, %dot_general3A_6 : vector<1000x128xf32>
    %get3A_7 = arith.constant 0 : index
    %get3A_8 = arith.constant 0 : index
    %get3A_9 = vector.load %arg2[%get3A_7, %get3A_8] : memref<1000x128xf32, #tpu.memory_space<vmem>>, vector<1000x128xf32>
    %get3A_10 = arith.constant 128 : index
    %get3A_11 = arith.constant 0 : index
    %get3A_12 = vector.load %arg3[%get3A_10, %get3A_11] : memref<256x128xf32, #tpu.memory_space<vmem>>, vector<128x128xf32>
    %dot_general3A_13 = arith.constant dense<0.000000e+00> : vector<1000x128xf32>
    %dot_general3A_14 = tpu.matmul %get3A_9, %get3A_12, %dot_general3A_13 {dimension_numbers = #tpu.dot_dimension_numbers<[1], [0], [0], [1], [0, 0, 1, 1], [], []>, precision = #tpu.contract_precision<fp32>, transpose_lhs_hint = false} : vector<1000x128xf32>, vector<128x128xf32>, vector<1000x128xf32> -> vector<1000x128xf32>
    %add3A_15 = arith.addf %add3A, %dot_general3A_14 : vector<1000x128xf32>
    %swap3A = arith.constant 0 : index
    %swap3A_16 = arith.constant 0 : index
    %swap3A_17 = vector.load %arg4[%swap3A, %swap3A_16] : memref<1000x128xf32, #tpu.memory_space<vmem>>, vector<1000x128xf32>
    tpu.vector_store %arg4[%swap3A, %swap3A_16], %add3A_15 {strides = array<i32>} : memref<1000x128xf32, #tpu.memory_space<vmem>>, vector<1000x128xf32>,
    %eq3A = arith.constant 0 : i32
    %eq3A_18 = arith.cmpi eq, %arg0, %eq3A : i32
    %convert_element_type3A = arith.extui %eq3A_18 : i1 to i32
    %cond3A = arith.constant 0 : i32
    %cond3A_19 = arith.cmpi ne, %convert_element_type3A, %cond3A : i32
    scf.if %cond3A_19 {
      %broadcast_in_dim3A_39 = arith.constant 0.000000e+00 : f32
      %broadcast_in_dim3A_40 = vector.broadcast %broadcast_in_dim3A_39 : f32 to vector<8x128xf32>
      %swap3A_41 = arith.constant 0 : index
      %swap3A_42 = arith.constant 0 : index
      %swap3A_43 = vector.load %arg5[%swap3A_41, %swap3A_42] : memref<8x128xf32, #tpu.memory_space<vmem>>, vector<8x128xf32>
      tpu.vector_store %arg5[%swap3A_41, %swap3A_42], %broadcast_in_dim3A_40 {strides = array<i32>} : memref<8x128xf32, #tpu.memory_space<vmem>>, vector<8x128xf32>,
    } else {
    }
    %get3A_20 = arith.constant 0 : index
    %get3A_21 = arith.constant 0 : index
    %get3A_22 = vector.load %arg5[%get3A_20, %get3A_21] : memref<8x128xf32, #tpu.memory_space<vmem>>, vector<1x128xf32>
    %reduce_sum3A = arith.constant dense<0.000000e+00> : vector<128xf32>
    %reduce_sum3A_23 = vector.multi_reduction <add>, %add3A_15, %reduce_sum3A [0] : vector<1000x128xf32> to vector<128xf32>
    %broadcast_in_dim3A_24 = vector.shape_cast %reduce_sum3A_23 : vector<128xf32> to vector<1x128xf32>
    %add3A_25 = arith.addf %get3A_22, %broadcast_in_dim3A_24 : vector<1x128xf32>
    %swap3A_26 = arith.constant 0 : index
    %swap3A_27 = arith.constant 0 : index
    %swap3A_28 = vector.load %arg5[%swap3A_26, %swap3A_27] : memref<8x128xf32, #tpu.memory_space<vmem>>, vector<1x128xf32>
    tpu.vector_store %arg5[%swap3A_26, %swap3A_27], %add3A_25 {strides = array<i32>} : memref<8x128xf32, #tpu.memory_space<vmem>>, vector<1x128xf32>,
    %get3A_29 = arith.constant 1 : index
    %get3A_30 = arith.constant 0 : index
    %get3A_31 = vector.load %arg5[%get3A_29, %get3A_30] : memref<8x128xf32, #tpu.memory_space<vmem>>, vector<1x128xf32>
    %mul3A = arith.mulf %add3A_15, %add3A_15 : vector<1000x128xf32>
    %reduce_sum3A_32 = arith.constant dense<0.000000e+00> : vector<128xf32>
    %reduce_sum3A_33 = vector.multi_reduction <add>, %mul3A, %reduce_sum3A_32 [0] : vector<1000x128xf32> to vector<128xf32>
    %broadcast_in_dim3A_34 = vector.shape_cast %reduce_sum3A_33 : vector<128xf32> to vector<1x128xf32>
    %add3A_35 = arith.addf %get3A_31, %broadcast_in_dim3A_34 : vector<1x128xf32>
    %swap3A_36 = arith.constant 1 : index
    %swap3A_37 = arith.constant 0 : index
    %swap3A_38 = vector.load %arg5[%swap3A_36, %swap3A_37] : memref<8x128xf32, #tpu.memory_space<vmem>>, vector<1x128xf32>
    tpu.vector_store %arg5[%swap3A_36, %swap3A_37], %add3A_35 {strides = array<i32>} : memref<8x128xf32, #tpu.memory_space<vmem>>, vector<1x128xf32>,
    return
  }
  func.func @transform_0(%arg0: i32) -> (i32, i32) {
    %c0_i32 = arith.constant 0 : i32
    %c0_i32_0 = arith.constant 0 : i32
    return %arg0, %c0_i32 : i32, i32
  }
  func.func @transform_1(%arg0: i32) -> (i32, i32) {
    %c0_i32 = arith.constant 0 : i32
    %c0_i32_0 = arith.constant 0 : i32
    return %arg0, %c0_i32 : i32, i32
  }
  func.func @transform_2(%arg0: i32) -> (i32, i32) {
    %c0_i32 = arith.constant 0 : i32
    %c0_i32_0 = arith.constant 0 : i32
    %c0_i32_1 = arith.constant 0 : i32
    return %c0_i32, %c0_i32_0 : i32, i32
  }
  func.func @transform_3(%arg0: i32) -> (i32, i32) {
    %c0_i32 = arith.constant 0 : i32
    %c0_i32_0 = arith.constant 0 : i32
    return %arg0, %c0_i32 : i32, i32
  }
  func.func @transform_4(%arg0: i32) -> (i32, i32) {
    %c0_i32 = arith.constant 0 : i32
    %c0_i32_0 = arith.constant 0 : i32
    %c0_i32_1 = arith.constant 0 : i32
    return %c0_i32, %c0_i32_0 : i32, i32
  }
}

module attributes {stable_mosaic.version = 14 : i64} {
  func.func @body(%arg0: i32, %arg1: memref<1000x128xf32, #tpu.memory_space<vmem>>, %arg2: memref<1000x128xf32, #tpu.memory_space<vmem>>, %arg3: memref<1000x128xf32, #tpu.memory_space<vmem>>, %arg4: memref<384x512xf32, #tpu.memory_space<vmem>>, %arg5: memref<1000x512xf32, #tpu.memory_space<vmem>>, %arg6: memref<8x512xf32, #tpu.memory_space<vmem>>) attributes {dimension_semantics = [#tpu.dimension_semantics<arbitrary>], iteration_bounds = array<i64: 10>, scalar_prefetch = 0 : i64, scratch_operands = 0 : i64, tpu.core_type = #tpu.core_type<tc>, window_params = [{transform_indices = @transform_0, window_bounds = array<i64: 1000, 128>}, {transform_indices = @transform_1, window_bounds = array<i64: 1000, 128>}, {transform_indices = @transform_2, window_bounds = array<i64: 1000, 128>}, {pipeline_mode = #tpu.pipeline_mode<synchronous>, transform_indices = @transform_3, window_bounds = array<i64: 384, 512>}, {transform_indices = @transform_4, window_bounds = array<i64: 1000, 512>}, {pipeline_mode = #tpu.pipeline_mode<synchronous>, transform_indices = @transform_5, window_bounds = array<i64: 8, 512>}]} {
    %broadcast_in_dim3A = arith.constant 0.000000e+00 : f32
    %broadcast_in_dim3A_0 = vector.broadcast %broadcast_in_dim3A : f32 to vector<1000x512xf32>
    %get3A = arith.constant 0 : index
    %get3A_1 = arith.constant 0 : index
    %get3A_2 = vector.load %arg1[%get3A, %get3A_1] : memref<1000x128xf32, #tpu.memory_space<vmem>>, vector<1000x128xf32>
    %get3A_3 = arith.constant 0 : index
    %get3A_4 = arith.constant 0 : index
    %get3A_5 = vector.load %arg4[%get3A_3, %get3A_4] : memref<384x512xf32, #tpu.memory_space<vmem>>, vector<128x512xf32>
    %dot_general3A = arith.constant dense<0.000000e+00> : vector<1000x512xf32>
    %dot_general3A_6 = tpu.matmul %get3A_2, %get3A_5, %dot_general3A {dimension_numbers = #tpu.dot_dimension_numbers<[1], [0], [0], [1], [0, 0, 1, 1], [], []>, precision = #tpu.contract_precision<fp32>, transpose_lhs_hint = false} : vector<1000x128xf32>, vector<128x512xf32>, vector<1000x512xf32> -> vector<1000x512xf32>
    %add3A = arith.addf %broadcast_in_dim3A_0, %dot_general3A_6 : vector<1000x512xf32>
    %get3A_7 = arith.constant 0 : index
    %get3A_8 = arith.constant 0 : index
    %get3A_9 = vector.load %arg2[%get3A_7, %get3A_8] : memref<1000x128xf32, #tpu.memory_space<vmem>>, vector<1000x128xf32>
    %get3A_10 = arith.constant 128 : index
    %get3A_11 = arith.constant 0 : index
    %get3A_12 = vector.load %arg4[%get3A_10, %get3A_11] : memref<384x512xf32, #tpu.memory_space<vmem>>, vector<128x512xf32>
    %dot_general3A_13 = arith.constant dense<0.000000e+00> : vector<1000x512xf32>
    %dot_general3A_14 = tpu.matmul %get3A_9, %get3A_12, %dot_general3A_13 {dimension_numbers = #tpu.dot_dimension_numbers<[1], [0], [0], [1], [0, 0, 1, 1], [], []>, precision = #tpu.contract_precision<fp32>, transpose_lhs_hint = false} : vector<1000x128xf32>, vector<128x512xf32>, vector<1000x512xf32> -> vector<1000x512xf32>
    %add3A_15 = arith.addf %add3A, %dot_general3A_14 : vector<1000x512xf32>
    %get3A_16 = arith.constant 0 : index
    %get3A_17 = arith.constant 0 : index
    %get3A_18 = vector.load %arg3[%get3A_16, %get3A_17] : memref<1000x128xf32, #tpu.memory_space<vmem>>, vector<1000x128xf32>
    %get3A_19 = arith.constant 256 : index
    %get3A_20 = arith.constant 0 : index
    %get3A_21 = vector.load %arg4[%get3A_19, %get3A_20] : memref<384x512xf32, #tpu.memory_space<vmem>>, vector<128x512xf32>
    %dot_general3A_22 = arith.constant dense<0.000000e+00> : vector<1000x512xf32>
    %dot_general3A_23 = tpu.matmul %get3A_18, %get3A_21, %dot_general3A_22 {dimension_numbers = #tpu.dot_dimension_numbers<[1], [0], [0], [1], [0, 0, 1, 1], [], []>, precision = #tpu.contract_precision<fp32>, transpose_lhs_hint = false} : vector<1000x128xf32>, vector<128x512xf32>, vector<1000x512xf32> -> vector<1000x512xf32>
    %add3A_24 = arith.addf %add3A_15, %dot_general3A_23 : vector<1000x512xf32>
    %swap3A = arith.constant 0 : index
    %swap3A_25 = arith.constant 0 : index
    %swap3A_26 = vector.load %arg5[%swap3A, %swap3A_25] : memref<1000x512xf32, #tpu.memory_space<vmem>>, vector<1000x512xf32>
    tpu.vector_store %arg5[%swap3A, %swap3A_25], %add3A_24 {strides = array<i32>} : memref<1000x512xf32, #tpu.memory_space<vmem>>, vector<1000x512xf32>,
    %eq3A = arith.constant 0 : i32
    %eq3A_27 = arith.cmpi eq, %arg0, %eq3A : i32
    %convert_element_type3A = arith.extui %eq3A_27 : i1 to i32
    %cond3A = arith.constant 0 : i32
    %cond3A_28 = arith.cmpi ne, %convert_element_type3A, %cond3A : i32
    scf.if %cond3A_28 {
      %broadcast_in_dim3A_48 = arith.constant 0.000000e+00 : f32
      %broadcast_in_dim3A_49 = vector.broadcast %broadcast_in_dim3A_48 : f32 to vector<8x512xf32>
      %swap3A_50 = arith.constant 0 : index
      %swap3A_51 = arith.constant 0 : index
      %swap3A_52 = vector.load %arg6[%swap3A_50, %swap3A_51] : memref<8x512xf32, #tpu.memory_space<vmem>>, vector<8x512xf32>
      tpu.vector_store %arg6[%swap3A_50, %swap3A_51], %broadcast_in_dim3A_49 {strides = array<i32>} : memref<8x512xf32, #tpu.memory_space<vmem>>, vector<8x512xf32>,
    } else {
    }
    %get3A_29 = arith.constant 0 : index
    %get3A_30 = arith.constant 0 : index
    %get3A_31 = vector.load %arg6[%get3A_29, %get3A_30] : memref<8x512xf32, #tpu.memory_space<vmem>>, vector<1x512xf32>
    %reduce_sum3A = arith.constant dense<0.000000e+00> : vector<512xf32>
    %reduce_sum3A_32 = vector.multi_reduction <add>, %add3A_24, %reduce_sum3A [0] : vector<1000x512xf32> to vector<512xf32>
    %broadcast_in_dim3A_33 = vector.shape_cast %reduce_sum3A_32 : vector<512xf32> to vector<1x512xf32>
    %add3A_34 = arith.addf %get3A_31, %broadcast_in_dim3A_33 : vector<1x512xf32>
    %swap3A_35 = arith.constant 0 : index
    %swap3A_36 = arith.constant 0 : index
    %swap3A_37 = vector.load %arg6[%swap3A_35, %swap3A_36] : memref<8x512xf32, #tpu.memory_space<vmem>>, vector<1x512xf32>
    tpu.vector_store %arg6[%swap3A_35, %swap3A_36], %add3A_34 {strides = array<i32>} : memref<8x512xf32, #tpu.memory_space<vmem>>, vector<1x512xf32>,
    %get3A_38 = arith.constant 1 : index
    %get3A_39 = arith.constant 0 : index
    %get3A_40 = vector.load %arg6[%get3A_38, %get3A_39] : memref<8x512xf32, #tpu.memory_space<vmem>>, vector<1x512xf32>
    %mul3A = arith.mulf %add3A_24, %add3A_24 : vector<1000x512xf32>
    %reduce_sum3A_41 = arith.constant dense<0.000000e+00> : vector<512xf32>
    %reduce_sum3A_42 = vector.multi_reduction <add>, %mul3A, %reduce_sum3A_41 [0] : vector<1000x512xf32> to vector<512xf32>
    %broadcast_in_dim3A_43 = vector.shape_cast %reduce_sum3A_42 : vector<512xf32> to vector<1x512xf32>
    %add3A_44 = arith.addf %get3A_40, %broadcast_in_dim3A_43 : vector<1x512xf32>
    %swap3A_45 = arith.constant 1 : index
    %swap3A_46 = arith.constant 0 : index
    %swap3A_47 = vector.load %arg6[%swap3A_45, %swap3A_46] : memref<8x512xf32, #tpu.memory_space<vmem>>, vector<1x512xf32>
    tpu.vector_store %arg6[%swap3A_45, %swap3A_46], %add3A_44 {strides = array<i32>} : memref<8x512xf32, #tpu.memory_space<vmem>>, vector<1x512xf32>,
    return
  }
  func.func @transform_0(%arg0: i32) -> (i32, i32) {
    %c0_i32 = arith.constant 0 : i32
    %c0_i32_0 = arith.constant 0 : i32
    return %arg0, %c0_i32 : i32, i32
  }
  func.func @transform_1(%arg0: i32) -> (i32, i32) {
    %c0_i32 = arith.constant 0 : i32
    %c0_i32_0 = arith.constant 0 : i32
    return %arg0, %c0_i32 : i32, i32
  }
  func.func @transform_2(%arg0: i32) -> (i32, i32) {
    %c0_i32 = arith.constant 0 : i32
    %c0_i32_0 = arith.constant 0 : i32
    return %arg0, %c0_i32 : i32, i32
  }
  func.func @transform_3(%arg0: i32) -> (i32, i32) {
    %c0_i32 = arith.constant 0 : i32
    %c0_i32_0 = arith.constant 0 : i32
    %c0_i32_1 = arith.constant 0 : i32
    return %c0_i32, %c0_i32_0 : i32, i32
  }
  func.func @transform_4(%arg0: i32) -> (i32, i32) {
    %c0_i32 = arith.constant 0 : i32
    %c0_i32_0 = arith.constant 0 : i32
    return %arg0, %c0_i32 : i32, i32
  }
  func.func @transform_5(%arg0: i32) -> (i32, i32) {
    %c0_i32 = arith.constant 0 : i32
    %c0_i32_0 = arith.constant 0 : i32
    %c0_i32_1 = arith.constant 0 : i32
    return %c0_i32, %c0_i32_0 : i32, i32
  }
}

module attributes {stable_mosaic.version = 14 : i64} {
  func.func @body(%arg0: i32, %arg1: memref<1000x512xf32, #tpu.memory_space<vmem>>, %arg2: memref<8x512xf32, #tpu.memory_space<vmem>>, %arg3: memref<8x512xf32, #tpu.memory_space<vmem>>, %arg4: memref<1000x8xf32, #tpu.memory_space<vmem>>, %arg5: memref<1000x1xf32, #tpu.memory_space<vmem>>, %arg6: memref<32x512xf32, #tpu.memory_space<vmem>>, %arg7: memref<1000x128xf32, #tpu.memory_space<vmem>>, %arg8: memref<1000x128xf32, #tpu.memory_space<vmem>>, %arg9: memref<1000x128xf32, #tpu.memory_space<vmem>>, %arg10: memref<1000x128xf32, #tpu.memory_space<vmem>>) attributes {dimension_semantics = [#tpu.dimension_semantics<arbitrary>], iteration_bounds = array<i64: 10>, scalar_prefetch = 0 : i64, scratch_operands = 0 : i64, tpu.core_type = #tpu.core_type<tc>, window_params = [{transform_indices = @transform_0, window_bounds = array<i64: 1000, 512>}, {pipeline_mode = #tpu.pipeline_mode<synchronous>, transform_indices = @transform_1, window_bounds = array<i64: 8, 512>}, {pipeline_mode = #tpu.pipeline_mode<synchronous>, transform_indices = @transform_2, window_bounds = array<i64: 8, 512>}, {transform_indices = @transform_3, window_bounds = array<i64: 1000, 8>}, {transform_indices = @transform_4, window_bounds = array<i64: 1000, 1>}, {pipeline_mode = #tpu.pipeline_mode<synchronous>, transform_indices = @transform_5, window_bounds = array<i64: 32, 512>}, {transform_indices = @transform_6, window_bounds = array<i64: 1000, 128>}, {transform_indices = @transform_7, window_bounds = array<i64: 1000, 128>}, {transform_indices = @transform_8, window_bounds = array<i64: 1000, 128>}, {transform_indices = @transform_9, window_bounds = array<i64: 1000, 128>}]} {
    %get3A = arith.constant 0 : index
    %get3A_0 = arith.constant 0 : index
    %get3A_1 = vector.load %arg2[%get3A, %get3A_0] : memref<8x512xf32, #tpu.memory_space<vmem>>, vector<1x512xf32>
    %mul3A = arith.constant 9.99999974E-5 : f32
    %mul3A_2 = vector.broadcast %mul3A : f32 to vector<1x512xf32>
    %mul3A_3 = arith.mulf %get3A_1, %mul3A_2 : vector<1x512xf32>
    %get3A_4 = arith.constant 1 : index
    %get3A_5 = arith.constant 0 : index
    %get3A_6 = vector.load %arg2[%get3A_4, %get3A_5] : memref<8x512xf32, #tpu.memory_space<vmem>>, vector<1x512xf32>
    %mul3A_7 = arith.constant 9.99999974E-5 : f32
    %mul3A_8 = vector.broadcast %mul3A_7 : f32 to vector<1x512xf32>
    %mul3A_9 = arith.mulf %get3A_6, %mul3A_8 : vector<1x512xf32>
    %mul3A_10 = arith.mulf %mul3A_3, %mul3A_3 : vector<1x512xf32>
    %sub3A = arith.subf %mul3A_9, %mul3A_10 : vector<1x512xf32>
    %get3A_11 = arith.constant 0 : index
    %get3A_12 = arith.constant 0 : index
    %get3A_13 = vector.load %arg1[%get3A_11, %get3A_12] : memref<1000x512xf32, #tpu.memory_space<vmem>>, vector<1000x512xf32>
    %get3A_14 = arith.constant 0 : index
    %get3A_15 = arith.constant 0 : index
    %get3A_16 = vector.load %arg3[%get3A_14, %get3A_15] : memref<8x512xf32, #tpu.memory_space<vmem>>, vector<1x512xf32>
    %sub3A_17 = vector.broadcast %mul3A_3 : vector<1x512xf32> to vector<1000x512xf32>
    %sub3A_18 = arith.subf %get3A_13, %sub3A_17 : vector<1000x512xf32>
    %mul3A_19 = vector.broadcast %get3A_16 : vector<1x512xf32> to vector<1000x512xf32>
    %mul3A_20 = arith.mulf %mul3A_19, %sub3A_18 : vector<1000x512xf32>
    %add3A = arith.constant 9.99999974E-6 : f32
    %add3A_21 = vector.broadcast %add3A : f32 to vector<1x512xf32>
    %add3A_22 = arith.addf %sub3A, %add3A_21 : vector<1x512xf32>
    %rsqrt3A = math.rsqrt %add3A_22 : vector<1x512xf32>
    %mul3A_23 = vector.broadcast %rsqrt3A : vector<1x512xf32> to vector<1000x512xf32>
    %mul3A_24 = arith.mulf %mul3A_20, %mul3A_23 : vector<1000x512xf32>
    %get3A_25 = arith.constant 1 : index
    %get3A_26 = arith.constant 0 : index
    %get3A_27 = vector.load %arg3[%get3A_25, %get3A_26] : memref<8x512xf32, #tpu.memory_space<vmem>>, vector<1x512xf32>
    %add3A_28 = vector.broadcast %get3A_27 : vector<1x512xf32> to vector<1000x512xf32>
    %add3A_29 = arith.addf %mul3A_24, %add3A_28 : vector<1000x512xf32>
    %max3A = arith.constant 0.000000e+00 : f32
    %max3A_30 = vector.broadcast %max3A : f32 to vector<1000x512xf32>
    %max3A_31 = arith.maximumf %add3A_29, %max3A_30 : vector<1000x512xf32>
    %slice3A = vector.extract_strided_slice %max3A_31 {offsets = [0, 0], sizes = [1000, 128], strides = [1, 1]} : vector<1000x512xf32> to vector<1000x128xf32>
    %get3A_32 = arith.constant 0 : index
    %get3A_33 = arith.constant 0 : index
    %get3A_34 = vector.load %arg4[%get3A_32, %get3A_33] : memref<1000x8xf32, #tpu.memory_space<vmem>>, vector<1000x1xf32>
    %mul3A_35 = vector.broadcast %get3A_34 : vector<1000x1xf32> to vector<1000x128xf32>
    %mul3A_36 = arith.mulf %slice3A, %mul3A_35 : vector<1000x128xf32>
    %swap3A = arith.constant 0 : index
    %swap3A_37 = arith.constant 0 : index
    %swap3A_38 = vector.load %arg7[%swap3A, %swap3A_37] : memref<1000x128xf32, #tpu.memory_space<vmem>>, vector<1000x128xf32>
    tpu.vector_store %arg7[%swap3A, %swap3A_37], %mul3A_36 {strides = array<i32>} : memref<1000x128xf32, #tpu.memory_space<vmem>>, vector<1000x128xf32>,
    %slice3A_39 = vector.extract_strided_slice %max3A_31 {offsets = [0, 128], sizes = [1000, 128], strides = [1, 1]} : vector<1000x512xf32> to vector<1000x128xf32>
    %get3A_40 = arith.constant 0 : index
    %get3A_41 = arith.constant 0 : index
    %get3A_42 = vector.load %arg4[%get3A_40, %get3A_41] : memref<1000x8xf32, #tpu.memory_space<vmem>>, vector<1000x1xf32>
    %mul3A_43 = vector.broadcast %get3A_42 : vector<1000x1xf32> to vector<1000x128xf32>
    %mul3A_44 = arith.mulf %slice3A_39, %mul3A_43 : vector<1000x128xf32>
    %swap3A_45 = arith.constant 0 : index
    %swap3A_46 = arith.constant 0 : index
    %swap3A_47 = vector.load %arg8[%swap3A_45, %swap3A_46] : memref<1000x128xf32, #tpu.memory_space<vmem>>, vector<1000x128xf32>
    tpu.vector_store %arg8[%swap3A_45, %swap3A_46], %mul3A_44 {strides = array<i32>} : memref<1000x128xf32, #tpu.memory_space<vmem>>, vector<1000x128xf32>,
    %slice3A_48 = vector.extract_strided_slice %max3A_31 {offsets = [0, 256], sizes = [1000, 128], strides = [1, 1]} : vector<1000x512xf32> to vector<1000x128xf32>
    %get3A_49 = arith.constant 0 : index
    %get3A_50 = arith.constant 0 : index
    %get3A_51 = vector.load %arg4[%get3A_49, %get3A_50] : memref<1000x8xf32, #tpu.memory_space<vmem>>, vector<1000x1xf32>
    %mul3A_52 = vector.broadcast %get3A_51 : vector<1000x1xf32> to vector<1000x128xf32>
    %mul3A_53 = arith.mulf %slice3A_48, %mul3A_52 : vector<1000x128xf32>
    %swap3A_54 = arith.constant 0 : index
    %swap3A_55 = arith.constant 0 : index
    %swap3A_56 = vector.load %arg9[%swap3A_54, %swap3A_55] : memref<1000x128xf32, #tpu.memory_space<vmem>>, vector<1000x128xf32>
    tpu.vector_store %arg9[%swap3A_54, %swap3A_55], %mul3A_53 {strides = array<i32>} : memref<1000x128xf32, #tpu.memory_space<vmem>>, vector<1000x128xf32>,
    %slice3A_57 = vector.extract_strided_slice %max3A_31 {offsets = [0, 384], sizes = [1000, 128], strides = [1, 1]} : vector<1000x512xf32> to vector<1000x128xf32>
    %get3A_58 = arith.constant 0 : index
    %get3A_59 = arith.constant 0 : index
    %get3A_60 = vector.load %arg4[%get3A_58, %get3A_59] : memref<1000x8xf32, #tpu.memory_space<vmem>>, vector<1000x1xf32>
    %mul3A_61 = vector.broadcast %get3A_60 : vector<1000x1xf32> to vector<1000x128xf32>
    %mul3A_62 = arith.mulf %slice3A_57, %mul3A_61 : vector<1000x128xf32>
    %swap3A_63 = arith.constant 0 : index
    %swap3A_64 = arith.constant 0 : index
    %swap3A_65 = vector.load %arg10[%swap3A_63, %swap3A_64] : memref<1000x128xf32, #tpu.memory_space<vmem>>, vector<1000x128xf32>
    tpu.vector_store %arg10[%swap3A_63, %swap3A_64], %mul3A_62 {strides = array<i32>} : memref<1000x128xf32, #tpu.memory_space<vmem>>, vector<1000x128xf32>,
    %eq3A = arith.constant 0 : i32
    %eq3A_66 = arith.cmpi eq, %arg0, %eq3A : i32
    %convert_element_type3A = arith.extui %eq3A_66 : i1 to i32
    %cond3A = arith.constant 0 : i32
    %cond3A_67 = arith.cmpi ne, %convert_element_type3A, %cond3A : i32
    scf.if %cond3A_67 {
      %broadcast_in_dim3A_643 = arith.constant 0xFF800000 : f32
      %broadcast_in_dim3A_644 = vector.broadcast %broadcast_in_dim3A_643 : f32 to vector<32x512xf32>
      %swap3A_645 = arith.constant 0 : index
      %swap3A_646 = arith.constant 0 : index
      %swap3A_647 = vector.load %arg6[%swap3A_645, %swap3A_646] : memref<32x512xf32, #tpu.memory_space<vmem>>, vector<32x512xf32>
      tpu.vector_store %arg6[%swap3A_645, %swap3A_646], %broadcast_in_dim3A_644 {strides = array<i32>} : memref<32x512xf32, #tpu.memory_space<vmem>>, vector<32x512xf32>,
    } else {
    }
    %get3A_68 = arith.constant 0 : index
    %get3A_69 = arith.constant 0 : index
    %get3A_70 = vector.load %arg5[%get3A_68, %get3A_69] : memref<1000x1xf32, #tpu.memory_space<vmem>>, vector<1000x1xf32>
    %eq3A_71 = arith.constant 0.000000e+00 : f32
    %eq3A_72 = vector.broadcast %eq3A_71 : f32 to vector<1000x1xf32>
    %eq3A_73 = arith.cmpf oeq, %get3A_70, %eq3A_72 : vector<1000x1xf32>
    %jit3A = arith.constant 0xFF800000 : f32
    %broadcast_in_dim3A = vector.shape_cast %eq3A_73 : vector<1000x1xi1> to vector<1000x1xi1>
    %broadcast_in_dim3A_74 = vector.broadcast %broadcast_in_dim3A : vector<1000x1xi1> to vector<1000x512xi1>
    %broadcast_in_dim3A_75 = vector.broadcast %jit3A : f32 to vector<1000x512xf32>
    %select_n3A = arith.select %broadcast_in_dim3A_74, %max3A_31, %broadcast_in_dim3A_75 : vector<1000x512xi1>, vector<1000x512xf32>
    %reduce_max3A = arith.constant dense<0xFF800000> : vector<512xf32>
    %reduce_max3A_76 = vector.multi_reduction <maximumf>, %select_n3A, %reduce_max3A [0] : vector<1000x512xf32> to vector<512xf32>
    %broadcast_in_dim3A_77 = vector.shape_cast %reduce_max3A_76 : vector<512xf32> to vector<1x512xf32>
    %get3A_78 = arith.constant 0 : index
    %get3A_79 = arith.constant 0 : index
    %get3A_80 = vector.load %arg6[%get3A_78, %get3A_79] : memref<32x512xf32, #tpu.memory_space<vmem>>, vector<1x512xf32>
    %max3A_81 = arith.maximumf %get3A_80, %broadcast_in_dim3A_77 : vector<1x512xf32>
    %swap3A_82 = arith.constant 0 : index
    %swap3A_83 = arith.constant 0 : index
    %swap3A_84 = vector.load %arg6[%swap3A_82, %swap3A_83] : memref<32x512xf32, #tpu.memory_space<vmem>>, vector<1x512xf32>
    tpu.vector_store %arg6[%swap3A_82, %swap3A_83], %max3A_81 {strides = array<i32>} : memref<32x512xf32, #tpu.memory_space<vmem>>, vector<1x512xf32>,
    %eq3A_85 = arith.constant 1.000000e+00 : f32
    %eq3A_86 = vector.broadcast %eq3A_85 : f32 to vector<1000x1xf32>
    %eq3A_87 = arith.cmpf oeq, %get3A_70, %eq3A_86 : vector<1000x1xf32>
    %jit3A_88 = arith.constant 0xFF800000 : f32
    %broadcast_in_dim3A_89 = vector.shape_cast %eq3A_87 : vector<1000x1xi1> to vector<1000x1xi1>
    %broadcast_in_dim3A_90 = vector.broadcast %broadcast_in_dim3A_89 : vector<1000x1xi1> to vector<1000x512xi1>
    %broadcast_in_dim3A_91 = vector.broadcast %jit3A_88 : f32 to vector<1000x512xf32>
    %select_n3A_92 = arith.select %broadcast_in_dim3A_90, %max3A_31, %broadcast_in_dim3A_91 : vector<1000x512xi1>, vector<1000x512xf32>
    %reduce_max3A_93 = arith.constant dense<0xFF800000> : vector<512xf32>
    %reduce_max3A_94 = vector.multi_reduction <maximumf>, %select_n3A_92, %reduce_max3A_93 [0] : vector<1000x512xf32> to vector<512xf32>
    %broadcast_in_dim3A_95 = vector.shape_cast %reduce_max3A_94 : vector<512xf32> to vector<1x512xf32>
    %get3A_96 = arith.constant 1 : index
    %get3A_97 = arith.constant 0 : index
    %get3A_98 = vector.load %arg6[%get3A_96, %get3A_97] : memref<32x512xf32, #tpu.memory_space<vmem>>, vector<1x512xf32>
    %max3A_99 = arith.maximumf %get3A_98, %broadcast_in_dim3A_95 : vector<1x512xf32>
    %swap3A_100 = arith.constant 1 : index
    %swap3A_101 = arith.constant 0 : index
    %swap3A_102 = vector.load %arg6[%swap3A_100, %swap3A_101] : memref<32x512xf32, #tpu.memory_space<vmem>>, vector<1x512xf32>
    tpu.vector_store %arg6[%swap3A_100, %swap3A_101], %max3A_99 {strides = array<i32>} : memref<32x512xf32, #tpu.memory_space<vmem>>, vector<1x512xf32>,
    %eq3A_103 = arith.constant 2.000000e+00 : f32
    %eq3A_104 = vector.broadcast %eq3A_103 : f32 to vector<1000x1xf32>
    %eq3A_105 = arith.cmpf oeq, %get3A_70, %eq3A_104 : vector<1000x1xf32>
    %jit3A_106 = arith.constant 0xFF800000 : f32
    %broadcast_in_dim3A_107 = vector.shape_cast %eq3A_105 : vector<1000x1xi1> to vector<1000x1xi1>
    %broadcast_in_dim3A_108 = vector.broadcast %broadcast_in_dim3A_107 : vector<1000x1xi1> to vector<1000x512xi1>
    %broadcast_in_dim3A_109 = vector.broadcast %jit3A_106 : f32 to vector<1000x512xf32>
    %select_n3A_110 = arith.select %broadcast_in_dim3A_108, %max3A_31, %broadcast_in_dim3A_109 : vector<1000x512xi1>, vector<1000x512xf32>
    %reduce_max3A_111 = arith.constant dense<0xFF800000> : vector<512xf32>
    %reduce_max3A_112 = vector.multi_reduction <maximumf>, %select_n3A_110, %reduce_max3A_111 [0] : vector<1000x512xf32> to vector<512xf32>
    %broadcast_in_dim3A_113 = vector.shape_cast %reduce_max3A_112 : vector<512xf32> to vector<1x512xf32>
    %get3A_114 = arith.constant 2 : index
    %get3A_115 = arith.constant 0 : index
    %get3A_116 = vector.load %arg6[%get3A_114, %get3A_115] : memref<32x512xf32, #tpu.memory_space<vmem>>, vector<1x512xf32>
    %max3A_117 = arith.maximumf %get3A_116, %broadcast_in_dim3A_113 : vector<1x512xf32>
    %swap3A_118 = arith.constant 2 : index
    %swap3A_119 = arith.constant 0 : index
    %swap3A_120 = vector.load %arg6[%swap3A_118, %swap3A_119] : memref<32x512xf32, #tpu.memory_space<vmem>>, vector<1x512xf32>
    tpu.vector_store %arg6[%swap3A_118, %swap3A_119], %max3A_117 {strides = array<i32>} : memref<32x512xf32, #tpu.memory_space<vmem>>, vector<1x512xf32>,
    %eq3A_121 = arith.constant 3.000000e+00 : f32
    %eq3A_122 = vector.broadcast %eq3A_121 : f32 to vector<1000x1xf32>
    %eq3A_123 = arith.cmpf oeq, %get3A_70, %eq3A_122 : vector<1000x1xf32>
    %jit3A_124 = arith.constant 0xFF800000 : f32
    %broadcast_in_dim3A_125 = vector.shape_cast %eq3A_123 : vector<1000x1xi1> to vector<1000x1xi1>
    %broadcast_in_dim3A_126 = vector.broadcast %broadcast_in_dim3A_125 : vector<1000x1xi1> to vector<1000x512xi1>
    %broadcast_in_dim3A_127 = vector.broadcast %jit3A_124 : f32 to vector<1000x512xf32>
    %select_n3A_128 = arith.select %broadcast_in_dim3A_126, %max3A_31, %broadcast_in_dim3A_127 : vector<1000x512xi1>, vector<1000x512xf32>
    %reduce_max3A_129 = arith.constant dense<0xFF800000> : vector<512xf32>
    %reduce_max3A_130 = vector.multi_reduction <maximumf>, %select_n3A_128, %reduce_max3A_129 [0] : vector<1000x512xf32> to vector<512xf32>
    %broadcast_in_dim3A_131 = vector.shape_cast %reduce_max3A_130 : vector<512xf32> to vector<1x512xf32>
    %get3A_132 = arith.constant 3 : index
    %get3A_133 = arith.constant 0 : index
    %get3A_134 = vector.load %arg6[%get3A_132, %get3A_133] : memref<32x512xf32, #tpu.memory_space<vmem>>, vector<1x512xf32>
    %max3A_135 = arith.maximumf %get3A_134, %broadcast_in_dim3A_131 : vector<1x512xf32>
    %swap3A_136 = arith.constant 3 : index
    %swap3A_137 = arith.constant 0 : index
    %swap3A_138 = vector.load %arg6[%swap3A_136, %swap3A_137] : memref<32x512xf32, #tpu.memory_space<vmem>>, vector<1x512xf32>
    tpu.vector_store %arg6[%swap3A_136, %swap3A_137], %max3A_135 {strides = array<i32>} : memref<32x512xf32, #tpu.memory_space<vmem>>, vector<1x512xf32>,
    %eq3A_139 = arith.constant 4.000000e+00 : f32
    %eq3A_140 = vector.broadcast %eq3A_139 : f32 to vector<1000x1xf32>
    %eq3A_141 = arith.cmpf oeq, %get3A_70, %eq3A_140 : vector<1000x1xf32>
    %jit3A_142 = arith.constant 0xFF800000 : f32
    %broadcast_in_dim3A_143 = vector.shape_cast %eq3A_141 : vector<1000x1xi1> to vector<1000x1xi1>
    %broadcast_in_dim3A_144 = vector.broadcast %broadcast_in_dim3A_143 : vector<1000x1xi1> to vector<1000x512xi1>
    %broadcast_in_dim3A_145 = vector.broadcast %jit3A_142 : f32 to vector<1000x512xf32>
    %select_n3A_146 = arith.select %broadcast_in_dim3A_144, %max3A_31, %broadcast_in_dim3A_145 : vector<1000x512xi1>, vector<1000x512xf32>
    %reduce_max3A_147 = arith.constant dense<0xFF800000> : vector<512xf32>
    %reduce_max3A_148 = vector.multi_reduction <maximumf>, %select_n3A_146, %reduce_max3A_147 [0] : vector<1000x512xf32> to vector<512xf32>
    %broadcast_in_dim3A_149 = vector.shape_cast %reduce_max3A_148 : vector<512xf32> to vector<1x512xf32>
    %get3A_150 = arith.constant 4 : index
    %get3A_151 = arith.constant 0 : index
    %get3A_152 = vector.load %arg6[%get3A_150, %get3A_151] : memref<32x512xf32, #tpu.memory_space<vmem>>, vector<1x512xf32>
    %max3A_153 = arith.maximumf %get3A_152, %broadcast_in_dim3A_149 : vector<1x512xf32>
    %swap3A_154 = arith.constant 4 : index
    %swap3A_155 = arith.constant 0 : index
    %swap3A_156 = vector.load %arg6[%swap3A_154, %swap3A_155] : memref<32x512xf32, #tpu.memory_space<vmem>>, vector<1x512xf32>
    tpu.vector_store %arg6[%swap3A_154, %swap3A_155], %max3A_153 {strides = array<i32>} : memref<32x512xf32, #tpu.memory_space<vmem>>, vector<1x512xf32>,
    %eq3A_157 = arith.constant 5.000000e+00 : f32
    %eq3A_158 = vector.broadcast %eq3A_157 : f32 to vector<1000x1xf32>
    %eq3A_159 = arith.cmpf oeq, %get3A_70, %eq3A_158 : vector<1000x1xf32>
    %jit3A_160 = arith.constant 0xFF800000 : f32
    %broadcast_in_dim3A_161 = vector.shape_cast %eq3A_159 : vector<1000x1xi1> to vector<1000x1xi1>
    %broadcast_in_dim3A_162 = vector.broadcast %broadcast_in_dim3A_161 : vector<1000x1xi1> to vector<1000x512xi1>
    %broadcast_in_dim3A_163 = vector.broadcast %jit3A_160 : f32 to vector<1000x512xf32>
    %select_n3A_164 = arith.select %broadcast_in_dim3A_162, %max3A_31, %broadcast_in_dim3A_163 : vector<1000x512xi1>, vector<1000x512xf32>
    %reduce_max3A_165 = arith.constant dense<0xFF800000> : vector<512xf32>
    %reduce_max3A_166 = vector.multi_reduction <maximumf>, %select_n3A_164, %reduce_max3A_165 [0] : vector<1000x512xf32> to vector<512xf32>
    %broadcast_in_dim3A_167 = vector.shape_cast %reduce_max3A_166 : vector<512xf32> to vector<1x512xf32>
    %get3A_168 = arith.constant 5 : index
    %get3A_169 = arith.constant 0 : index
    %get3A_170 = vector.load %arg6[%get3A_168, %get3A_169] : memref<32x512xf32, #tpu.memory_space<vmem>>, vector<1x512xf32>
    %max3A_171 = arith.maximumf %get3A_170, %broadcast_in_dim3A_167 : vector<1x512xf32>
    %swap3A_172 = arith.constant 5 : index
    %swap3A_173 = arith.constant 0 : index
    %swap3A_174 = vector.load %arg6[%swap3A_172, %swap3A_173] : memref<32x512xf32, #tpu.memory_space<vmem>>, vector<1x512xf32>
    tpu.vector_store %arg6[%swap3A_172, %swap3A_173], %max3A_171 {strides = array<i32>} : memref<32x512xf32, #tpu.memory_space<vmem>>, vector<1x512xf32>,
    %eq3A_175 = arith.constant 6.000000e+00 : f32
    %eq3A_176 = vector.broadcast %eq3A_175 : f32 to vector<1000x1xf32>
    %eq3A_177 = arith.cmpf oeq, %get3A_70, %eq3A_176 : vector<1000x1xf32>
    %jit3A_178 = arith.constant 0xFF800000 : f32
    %broadcast_in_dim3A_179 = vector.shape_cast %eq3A_177 : vector<1000x1xi1> to vector<1000x1xi1>
    %broadcast_in_dim3A_180 = vector.broadcast %broadcast_in_dim3A_179 : vector<1000x1xi1> to vector<1000x512xi1>
    %broadcast_in_dim3A_181 = vector.broadcast %jit3A_178 : f32 to vector<1000x512xf32>
    %select_n3A_182 = arith.select %broadcast_in_dim3A_180, %max3A_31, %broadcast_in_dim3A_181 : vector<1000x512xi1>, vector<1000x512xf32>
    %reduce_max3A_183 = arith.constant dense<0xFF800000> : vector<512xf32>
    %reduce_max3A_184 = vector.multi_reduction <maximumf>, %select_n3A_182, %reduce_max3A_183 [0] : vector<1000x512xf32> to vector<512xf32>
    %broadcast_in_dim3A_185 = vector.shape_cast %reduce_max3A_184 : vector<512xf32> to vector<1x512xf32>
    %get3A_186 = arith.constant 6 : index
    %get3A_187 = arith.constant 0 : index
    %get3A_188 = vector.load %arg6[%get3A_186, %get3A_187] : memref<32x512xf32, #tpu.memory_space<vmem>>, vector<1x512xf32>
    %max3A_189 = arith.maximumf %get3A_188, %broadcast_in_dim3A_185 : vector<1x512xf32>
    %swap3A_190 = arith.constant 6 : index
    %swap3A_191 = arith.constant 0 : index
    %swap3A_192 = vector.load %arg6[%swap3A_190, %swap3A_191] : memref<32x512xf32, #tpu.memory_space<vmem>>, vector<1x512xf32>
    tpu.vector_store %arg6[%swap3A_190, %swap3A_191], %max3A_189 {strides = array<i32>} : memref<32x512xf32, #tpu.memory_space<vmem>>, vector<1x512xf32>,
    %eq3A_193 = arith.constant 7.000000e+00 : f32
    %eq3A_194 = vector.broadcast %eq3A_193 : f32 to vector<1000x1xf32>
    %eq3A_195 = arith.cmpf oeq, %get3A_70, %eq3A_194 : vector<1000x1xf32>
    %jit3A_196 = arith.constant 0xFF800000 : f32
    %broadcast_in_dim3A_197 = vector.shape_cast %eq3A_195 : vector<1000x1xi1> to vector<1000x1xi1>
    %broadcast_in_dim3A_198 = vector.broadcast %broadcast_in_dim3A_197 : vector<1000x1xi1> to vector<1000x512xi1>
    %broadcast_in_dim3A_199 = vector.broadcast %jit3A_196 : f32 to vector<1000x512xf32>
    %select_n3A_200 = arith.select %broadcast_in_dim3A_198, %max3A_31, %broadcast_in_dim3A_199 : vector<1000x512xi1>, vector<1000x512xf32>
    %reduce_max3A_201 = arith.constant dense<0xFF800000> : vector<512xf32>
    %reduce_max3A_202 = vector.multi_reduction <maximumf>, %select_n3A_200, %reduce_max3A_201 [0] : vector<1000x512xf32> to vector<512xf32>
    %broadcast_in_dim3A_203 = vector.shape_cast %reduce_max3A_202 : vector<512xf32> to vector<1x512xf32>
    %get3A_204 = arith.constant 7 : index
    %get3A_205 = arith.constant 0 : index
    %get3A_206 = vector.load %arg6[%get3A_204, %get3A_205] : memref<32x512xf32, #tpu.memory_space<vmem>>, vector<1x512xf32>
    %max3A_207 = arith.maximumf %get3A_206, %broadcast_in_dim3A_203 : vector<1x512xf32>
    %swap3A_208 = arith.constant 7 : index
    %swap3A_209 = arith.constant 0 : index
    %swap3A_210 = vector.load %arg6[%swap3A_208, %swap3A_209] : memref<32x512xf32, #tpu.memory_space<vmem>>, vector<1x512xf32>
    tpu.vector_store %arg6[%swap3A_208, %swap3A_209], %max3A_207 {strides = array<i32>} : memref<32x512xf32, #tpu.memory_space<vmem>>, vector<1x512xf32>,
    %eq3A_211 = arith.constant 8.000000e+00 : f32
    %eq3A_212 = vector.broadcast %eq3A_211 : f32 to vector<1000x1xf32>
    %eq3A_213 = arith.cmpf oeq, %get3A_70, %eq3A_212 : vector<1000x1xf32>
    %jit3A_214 = arith.constant 0xFF800000 : f32
    %broadcast_in_dim3A_215 = vector.shape_cast %eq3A_213 : vector<1000x1xi1> to vector<1000x1xi1>
    %broadcast_in_dim3A_216 = vector.broadcast %broadcast_in_dim3A_215 : vector<1000x1xi1> to vector<1000x512xi1>
    %broadcast_in_dim3A_217 = vector.broadcast %jit3A_214 : f32 to vector<1000x512xf32>
    %select_n3A_218 = arith.select %broadcast_in_dim3A_216, %max3A_31, %broadcast_in_dim3A_217 : vector<1000x512xi1>, vector<1000x512xf32>
    %reduce_max3A_219 = arith.constant dense<0xFF800000> : vector<512xf32>
    %reduce_max3A_220 = vector.multi_reduction <maximumf>, %select_n3A_218, %reduce_max3A_219 [0] : vector<1000x512xf32> to vector<512xf32>
    %broadcast_in_dim3A_221 = vector.shape_cast %reduce_max3A_220 : vector<512xf32> to vector<1x512xf32>
    %get3A_222 = arith.constant 8 : index
    %get3A_223 = arith.constant 0 : index
    %get3A_224 = vector.load %arg6[%get3A_222, %get3A_223] : memref<32x512xf32, #tpu.memory_space<vmem>>, vector<1x512xf32>
    %max3A_225 = arith.maximumf %get3A_224, %broadcast_in_dim3A_221 : vector<1x512xf32>
    %swap3A_226 = arith.constant 8 : index
    %swap3A_227 = arith.constant 0 : index
    %swap3A_228 = vector.load %arg6[%swap3A_226, %swap3A_227] : memref<32x512xf32, #tpu.memory_space<vmem>>, vector<1x512xf32>
    tpu.vector_store %arg6[%swap3A_226, %swap3A_227], %max3A_225 {strides = array<i32>} : memref<32x512xf32, #tpu.memory_space<vmem>>, vector<1x512xf32>,
    %eq3A_229 = arith.constant 9.000000e+00 : f32
    %eq3A_230 = vector.broadcast %eq3A_229 : f32 to vector<1000x1xf32>
    %eq3A_231 = arith.cmpf oeq, %get3A_70, %eq3A_230 : vector<1000x1xf32>
    %jit3A_232 = arith.constant 0xFF800000 : f32
    %broadcast_in_dim3A_233 = vector.shape_cast %eq3A_231 : vector<1000x1xi1> to vector<1000x1xi1>
    %broadcast_in_dim3A_234 = vector.broadcast %broadcast_in_dim3A_233 : vector<1000x1xi1> to vector<1000x512xi1>
    %broadcast_in_dim3A_235 = vector.broadcast %jit3A_232 : f32 to vector<1000x512xf32>
    %select_n3A_236 = arith.select %broadcast_in_dim3A_234, %max3A_31, %broadcast_in_dim3A_235 : vector<1000x512xi1>, vector<1000x512xf32>
    %reduce_max3A_237 = arith.constant dense<0xFF800000> : vector<512xf32>
    %reduce_max3A_238 = vector.multi_reduction <maximumf>, %select_n3A_236, %reduce_max3A_237 [0] : vector<1000x512xf32> to vector<512xf32>
    %broadcast_in_dim3A_239 = vector.shape_cast %reduce_max3A_238 : vector<512xf32> to vector<1x512xf32>
    %get3A_240 = arith.constant 9 : index
    %get3A_241 = arith.constant 0 : index
    %get3A_242 = vector.load %arg6[%get3A_240, %get3A_241] : memref<32x512xf32, #tpu.memory_space<vmem>>, vector<1x512xf32>
    %max3A_243 = arith.maximumf %get3A_242, %broadcast_in_dim3A_239 : vector<1x512xf32>
    %swap3A_244 = arith.constant 9 : index
    %swap3A_245 = arith.constant 0 : index
    %swap3A_246 = vector.load %arg6[%swap3A_244, %swap3A_245] : memref<32x512xf32, #tpu.memory_space<vmem>>, vector<1x512xf32>
    tpu.vector_store %arg6[%swap3A_244, %swap3A_245], %max3A_243 {strides = array<i32>} : memref<32x512xf32, #tpu.memory_space<vmem>>, vector<1x512xf32>,
    %eq3A_247 = arith.constant 1.000000e+01 : f32
    %eq3A_248 = vector.broadcast %eq3A_247 : f32 to vector<1000x1xf32>
    %eq3A_249 = arith.cmpf oeq, %get3A_70, %eq3A_248 : vector<1000x1xf32>
    %jit3A_250 = arith.constant 0xFF800000 : f32
    %broadcast_in_dim3A_251 = vector.shape_cast %eq3A_249 : vector<1000x1xi1> to vector<1000x1xi1>
    %broadcast_in_dim3A_252 = vector.broadcast %broadcast_in_dim3A_251 : vector<1000x1xi1> to vector<1000x512xi1>
    %broadcast_in_dim3A_253 = vector.broadcast %jit3A_250 : f32 to vector<1000x512xf32>
    %select_n3A_254 = arith.select %broadcast_in_dim3A_252, %max3A_31, %broadcast_in_dim3A_253 : vector<1000x512xi1>, vector<1000x512xf32>
    %reduce_max3A_255 = arith.constant dense<0xFF800000> : vector<512xf32>
    %reduce_max3A_256 = vector.multi_reduction <maximumf>, %select_n3A_254, %reduce_max3A_255 [0] : vector<1000x512xf32> to vector<512xf32>
    %broadcast_in_dim3A_257 = vector.shape_cast %reduce_max3A_256 : vector<512xf32> to vector<1x512xf32>
    %get3A_258 = arith.constant 10 : index
    %get3A_259 = arith.constant 0 : index
    %get3A_260 = vector.load %arg6[%get3A_258, %get3A_259] : memref<32x512xf32, #tpu.memory_space<vmem>>, vector<1x512xf32>
    %max3A_261 = arith.maximumf %get3A_260, %broadcast_in_dim3A_257 : vector<1x512xf32>
    %swap3A_262 = arith.constant 10 : index
    %swap3A_263 = arith.constant 0 : index
    %swap3A_264 = vector.load %arg6[%swap3A_262, %swap3A_263] : memref<32x512xf32, #tpu.memory_space<vmem>>, vector<1x512xf32>
    tpu.vector_store %arg6[%swap3A_262, %swap3A_263], %max3A_261 {strides = array<i32>} : memref<32x512xf32, #tpu.memory_space<vmem>>, vector<1x512xf32>,
    %eq3A_265 = arith.constant 1.100000e+01 : f32
    %eq3A_266 = vector.broadcast %eq3A_265 : f32 to vector<1000x1xf32>
    %eq3A_267 = arith.cmpf oeq, %get3A_70, %eq3A_266 : vector<1000x1xf32>
    %jit3A_268 = arith.constant 0xFF800000 : f32
    %broadcast_in_dim3A_269 = vector.shape_cast %eq3A_267 : vector<1000x1xi1> to vector<1000x1xi1>
    %broadcast_in_dim3A_270 = vector.broadcast %broadcast_in_dim3A_269 : vector<1000x1xi1> to vector<1000x512xi1>
    %broadcast_in_dim3A_271 = vector.broadcast %jit3A_268 : f32 to vector<1000x512xf32>
    %select_n3A_272 = arith.select %broadcast_in_dim3A_270, %max3A_31, %broadcast_in_dim3A_271 : vector<1000x512xi1>, vector<1000x512xf32>
    %reduce_max3A_273 = arith.constant dense<0xFF800000> : vector<512xf32>
    %reduce_max3A_274 = vector.multi_reduction <maximumf>, %select_n3A_272, %reduce_max3A_273 [0] : vector<1000x512xf32> to vector<512xf32>
    %broadcast_in_dim3A_275 = vector.shape_cast %reduce_max3A_274 : vector<512xf32> to vector<1x512xf32>
    %get3A_276 = arith.constant 11 : index
    %get3A_277 = arith.constant 0 : index
    %get3A_278 = vector.load %arg6[%get3A_276, %get3A_277] : memref<32x512xf32, #tpu.memory_space<vmem>>, vector<1x512xf32>
    %max3A_279 = arith.maximumf %get3A_278, %broadcast_in_dim3A_275 : vector<1x512xf32>
    %swap3A_280 = arith.constant 11 : index
    %swap3A_281 = arith.constant 0 : index
    %swap3A_282 = vector.load %arg6[%swap3A_280, %swap3A_281] : memref<32x512xf32, #tpu.memory_space<vmem>>, vector<1x512xf32>
    tpu.vector_store %arg6[%swap3A_280, %swap3A_281], %max3A_279 {strides = array<i32>} : memref<32x512xf32, #tpu.memory_space<vmem>>, vector<1x512xf32>,
    %eq3A_283 = arith.constant 1.200000e+01 : f32
    %eq3A_284 = vector.broadcast %eq3A_283 : f32 to vector<1000x1xf32>
    %eq3A_285 = arith.cmpf oeq, %get3A_70, %eq3A_284 : vector<1000x1xf32>
    %jit3A_286 = arith.constant 0xFF800000 : f32
    %broadcast_in_dim3A_287 = vector.shape_cast %eq3A_285 : vector<1000x1xi1> to vector<1000x1xi1>
    %broadcast_in_dim3A_288 = vector.broadcast %broadcast_in_dim3A_287 : vector<1000x1xi1> to vector<1000x512xi1>
    %broadcast_in_dim3A_289 = vector.broadcast %jit3A_286 : f32 to vector<1000x512xf32>
    %select_n3A_290 = arith.select %broadcast_in_dim3A_288, %max3A_31, %broadcast_in_dim3A_289 : vector<1000x512xi1>, vector<1000x512xf32>
    %reduce_max3A_291 = arith.constant dense<0xFF800000> : vector<512xf32>
    %reduce_max3A_292 = vector.multi_reduction <maximumf>, %select_n3A_290, %reduce_max3A_291 [0] : vector<1000x512xf32> to vector<512xf32>
    %broadcast_in_dim3A_293 = vector.shape_cast %reduce_max3A_292 : vector<512xf32> to vector<1x512xf32>
    %get3A_294 = arith.constant 12 : index
    %get3A_295 = arith.constant 0 : index
    %get3A_296 = vector.load %arg6[%get3A_294, %get3A_295] : memref<32x512xf32, #tpu.memory_space<vmem>>, vector<1x512xf32>
    %max3A_297 = arith.maximumf %get3A_296, %broadcast_in_dim3A_293 : vector<1x512xf32>
    %swap3A_298 = arith.constant 12 : index
    %swap3A_299 = arith.constant 0 : index
    %swap3A_300 = vector.load %arg6[%swap3A_298, %swap3A_299] : memref<32x512xf32, #tpu.memory_space<vmem>>, vector<1x512xf32>
    tpu.vector_store %arg6[%swap3A_298, %swap3A_299], %max3A_297 {strides = array<i32>} : memref<32x512xf32, #tpu.memory_space<vmem>>, vector<1x512xf32>,
    %eq3A_301 = arith.constant 1.300000e+01 : f32
    %eq3A_302 = vector.broadcast %eq3A_301 : f32 to vector<1000x1xf32>
    %eq3A_303 = arith.cmpf oeq, %get3A_70, %eq3A_302 : vector<1000x1xf32>
    %jit3A_304 = arith.constant 0xFF800000 : f32
    %broadcast_in_dim3A_305 = vector.shape_cast %eq3A_303 : vector<1000x1xi1> to vector<1000x1xi1>
    %broadcast_in_dim3A_306 = vector.broadcast %broadcast_in_dim3A_305 : vector<1000x1xi1> to vector<1000x512xi1>
    %broadcast_in_dim3A_307 = vector.broadcast %jit3A_304 : f32 to vector<1000x512xf32>
    %select_n3A_308 = arith.select %broadcast_in_dim3A_306, %max3A_31, %broadcast_in_dim3A_307 : vector<1000x512xi1>, vector<1000x512xf32>
    %reduce_max3A_309 = arith.constant dense<0xFF800000> : vector<512xf32>
    %reduce_max3A_310 = vector.multi_reduction <maximumf>, %select_n3A_308, %reduce_max3A_309 [0] : vector<1000x512xf32> to vector<512xf32>
    %broadcast_in_dim3A_311 = vector.shape_cast %reduce_max3A_310 : vector<512xf32> to vector<1x512xf32>
    %get3A_312 = arith.constant 13 : index
    %get3A_313 = arith.constant 0 : index
    %get3A_314 = vector.load %arg6[%get3A_312, %get3A_313] : memref<32x512xf32, #tpu.memory_space<vmem>>, vector<1x512xf32>
    %max3A_315 = arith.maximumf %get3A_314, %broadcast_in_dim3A_311 : vector<1x512xf32>
    %swap3A_316 = arith.constant 13 : index
    %swap3A_317 = arith.constant 0 : index
    %swap3A_318 = vector.load %arg6[%swap3A_316, %swap3A_317] : memref<32x512xf32, #tpu.memory_space<vmem>>, vector<1x512xf32>
    tpu.vector_store %arg6[%swap3A_316, %swap3A_317], %max3A_315 {strides = array<i32>} : memref<32x512xf32, #tpu.memory_space<vmem>>, vector<1x512xf32>,
    %eq3A_319 = arith.constant 1.400000e+01 : f32
    %eq3A_320 = vector.broadcast %eq3A_319 : f32 to vector<1000x1xf32>
    %eq3A_321 = arith.cmpf oeq, %get3A_70, %eq3A_320 : vector<1000x1xf32>
    %jit3A_322 = arith.constant 0xFF800000 : f32
    %broadcast_in_dim3A_323 = vector.shape_cast %eq3A_321 : vector<1000x1xi1> to vector<1000x1xi1>
    %broadcast_in_dim3A_324 = vector.broadcast %broadcast_in_dim3A_323 : vector<1000x1xi1> to vector<1000x512xi1>
    %broadcast_in_dim3A_325 = vector.broadcast %jit3A_322 : f32 to vector<1000x512xf32>
    %select_n3A_326 = arith.select %broadcast_in_dim3A_324, %max3A_31, %broadcast_in_dim3A_325 : vector<1000x512xi1>, vector<1000x512xf32>
    %reduce_max3A_327 = arith.constant dense<0xFF800000> : vector<512xf32>
    %reduce_max3A_328 = vector.multi_reduction <maximumf>, %select_n3A_326, %reduce_max3A_327 [0] : vector<1000x512xf32> to vector<512xf32>
    %broadcast_in_dim3A_329 = vector.shape_cast %reduce_max3A_328 : vector<512xf32> to vector<1x512xf32>
    %get3A_330 = arith.constant 14 : index
    %get3A_331 = arith.constant 0 : index
    %get3A_332 = vector.load %arg6[%get3A_330, %get3A_331] : memref<32x512xf32, #tpu.memory_space<vmem>>, vector<1x512xf32>
    %max3A_333 = arith.maximumf %get3A_332, %broadcast_in_dim3A_329 : vector<1x512xf32>
    %swap3A_334 = arith.constant 14 : index
    %swap3A_335 = arith.constant 0 : index
    %swap3A_336 = vector.load %arg6[%swap3A_334, %swap3A_335] : memref<32x512xf32, #tpu.memory_space<vmem>>, vector<1x512xf32>
    tpu.vector_store %arg6[%swap3A_334, %swap3A_335], %max3A_333 {strides = array<i32>} : memref<32x512xf32, #tpu.memory_space<vmem>>, vector<1x512xf32>,
    %eq3A_337 = arith.constant 1.500000e+01 : f32
    %eq3A_338 = vector.broadcast %eq3A_337 : f32 to vector<1000x1xf32>
    %eq3A_339 = arith.cmpf oeq, %get3A_70, %eq3A_338 : vector<1000x1xf32>
    %jit3A_340 = arith.constant 0xFF800000 : f32
    %broadcast_in_dim3A_341 = vector.shape_cast %eq3A_339 : vector<1000x1xi1> to vector<1000x1xi1>
    %broadcast_in_dim3A_342 = vector.broadcast %broadcast_in_dim3A_341 : vector<1000x1xi1> to vector<1000x512xi1>
    %broadcast_in_dim3A_343 = vector.broadcast %jit3A_340 : f32 to vector<1000x512xf32>
    %select_n3A_344 = arith.select %broadcast_in_dim3A_342, %max3A_31, %broadcast_in_dim3A_343 : vector<1000x512xi1>, vector<1000x512xf32>
    %reduce_max3A_345 = arith.constant dense<0xFF800000> : vector<512xf32>
    %reduce_max3A_346 = vector.multi_reduction <maximumf>, %select_n3A_344, %reduce_max3A_345 [0] : vector<1000x512xf32> to vector<512xf32>
    %broadcast_in_dim3A_347 = vector.shape_cast %reduce_max3A_346 : vector<512xf32> to vector<1x512xf32>
    %get3A_348 = arith.constant 15 : index
    %get3A_349 = arith.constant 0 : index
    %get3A_350 = vector.load %arg6[%get3A_348, %get3A_349] : memref<32x512xf32, #tpu.memory_space<vmem>>, vector<1x512xf32>
    %max3A_351 = arith.maximumf %get3A_350, %broadcast_in_dim3A_347 : vector<1x512xf32>
    %swap3A_352 = arith.constant 15 : index
    %swap3A_353 = arith.constant 0 : index
    %swap3A_354 = vector.load %arg6[%swap3A_352, %swap3A_353] : memref<32x512xf32, #tpu.memory_space<vmem>>, vector<1x512xf32>
    tpu.vector_store %arg6[%swap3A_352, %swap3A_353], %max3A_351 {strides = array<i32>} : memref<32x512xf32, #tpu.memory_space<vmem>>, vector<1x512xf32>,
    %eq3A_355 = arith.constant 1.600000e+01 : f32
    %eq3A_356 = vector.broadcast %eq3A_355 : f32 to vector<1000x1xf32>
    %eq3A_357 = arith.cmpf oeq, %get3A_70, %eq3A_356 : vector<1000x1xf32>
    %jit3A_358 = arith.constant 0xFF800000 : f32
    %broadcast_in_dim3A_359 = vector.shape_cast %eq3A_357 : vector<1000x1xi1> to vector<1000x1xi1>
    %broadcast_in_dim3A_360 = vector.broadcast %broadcast_in_dim3A_359 : vector<1000x1xi1> to vector<1000x512xi1>
    %broadcast_in_dim3A_361 = vector.broadcast %jit3A_358 : f32 to vector<1000x512xf32>
    %select_n3A_362 = arith.select %broadcast_in_dim3A_360, %max3A_31, %broadcast_in_dim3A_361 : vector<1000x512xi1>, vector<1000x512xf32>
    %reduce_max3A_363 = arith.constant dense<0xFF800000> : vector<512xf32>
    %reduce_max3A_364 = vector.multi_reduction <maximumf>, %select_n3A_362, %reduce_max3A_363 [0] : vector<1000x512xf32> to vector<512xf32>
    %broadcast_in_dim3A_365 = vector.shape_cast %reduce_max3A_364 : vector<512xf32> to vector<1x512xf32>
    %get3A_366 = arith.constant 16 : index
    %get3A_367 = arith.constant 0 : index
    %get3A_368 = vector.load %arg6[%get3A_366, %get3A_367] : memref<32x512xf32, #tpu.memory_space<vmem>>, vector<1x512xf32>
    %max3A_369 = arith.maximumf %get3A_368, %broadcast_in_dim3A_365 : vector<1x512xf32>
    %swap3A_370 = arith.constant 16 : index
    %swap3A_371 = arith.constant 0 : index
    %swap3A_372 = vector.load %arg6[%swap3A_370, %swap3A_371] : memref<32x512xf32, #tpu.memory_space<vmem>>, vector<1x512xf32>
    tpu.vector_store %arg6[%swap3A_370, %swap3A_371], %max3A_369 {strides = array<i32>} : memref<32x512xf32, #tpu.memory_space<vmem>>, vector<1x512xf32>,
    %eq3A_373 = arith.constant 1.700000e+01 : f32
    %eq3A_374 = vector.broadcast %eq3A_373 : f32 to vector<1000x1xf32>
    %eq3A_375 = arith.cmpf oeq, %get3A_70, %eq3A_374 : vector<1000x1xf32>
    %jit3A_376 = arith.constant 0xFF800000 : f32
    %broadcast_in_dim3A_377 = vector.shape_cast %eq3A_375 : vector<1000x1xi1> to vector<1000x1xi1>
    %broadcast_in_dim3A_378 = vector.broadcast %broadcast_in_dim3A_377 : vector<1000x1xi1> to vector<1000x512xi1>
    %broadcast_in_dim3A_379 = vector.broadcast %jit3A_376 : f32 to vector<1000x512xf32>
    %select_n3A_380 = arith.select %broadcast_in_dim3A_378, %max3A_31, %broadcast_in_dim3A_379 : vector<1000x512xi1>, vector<1000x512xf32>
    %reduce_max3A_381 = arith.constant dense<0xFF800000> : vector<512xf32>
    %reduce_max3A_382 = vector.multi_reduction <maximumf>, %select_n3A_380, %reduce_max3A_381 [0] : vector<1000x512xf32> to vector<512xf32>
    %broadcast_in_dim3A_383 = vector.shape_cast %reduce_max3A_382 : vector<512xf32> to vector<1x512xf32>
    %get3A_384 = arith.constant 17 : index
    %get3A_385 = arith.constant 0 : index
    %get3A_386 = vector.load %arg6[%get3A_384, %get3A_385] : memref<32x512xf32, #tpu.memory_space<vmem>>, vector<1x512xf32>
    %max3A_387 = arith.maximumf %get3A_386, %broadcast_in_dim3A_383 : vector<1x512xf32>
    %swap3A_388 = arith.constant 17 : index
    %swap3A_389 = arith.constant 0 : index
    %swap3A_390 = vector.load %arg6[%swap3A_388, %swap3A_389] : memref<32x512xf32, #tpu.memory_space<vmem>>, vector<1x512xf32>
    tpu.vector_store %arg6[%swap3A_388, %swap3A_389], %max3A_387 {strides = array<i32>} : memref<32x512xf32, #tpu.memory_space<vmem>>, vector<1x512xf32>,
    %eq3A_391 = arith.constant 1.800000e+01 : f32
    %eq3A_392 = vector.broadcast %eq3A_391 : f32 to vector<1000x1xf32>
    %eq3A_393 = arith.cmpf oeq, %get3A_70, %eq3A_392 : vector<1000x1xf32>
    %jit3A_394 = arith.constant 0xFF800000 : f32
    %broadcast_in_dim3A_395 = vector.shape_cast %eq3A_393 : vector<1000x1xi1> to vector<1000x1xi1>
    %broadcast_in_dim3A_396 = vector.broadcast %broadcast_in_dim3A_395 : vector<1000x1xi1> to vector<1000x512xi1>
    %broadcast_in_dim3A_397 = vector.broadcast %jit3A_394 : f32 to vector<1000x512xf32>
    %select_n3A_398 = arith.select %broadcast_in_dim3A_396, %max3A_31, %broadcast_in_dim3A_397 : vector<1000x512xi1>, vector<1000x512xf32>
    %reduce_max3A_399 = arith.constant dense<0xFF800000> : vector<512xf32>
    %reduce_max3A_400 = vector.multi_reduction <maximumf>, %select_n3A_398, %reduce_max3A_399 [0] : vector<1000x512xf32> to vector<512xf32>
    %broadcast_in_dim3A_401 = vector.shape_cast %reduce_max3A_400 : vector<512xf32> to vector<1x512xf32>
    %get3A_402 = arith.constant 18 : index
    %get3A_403 = arith.constant 0 : index
    %get3A_404 = vector.load %arg6[%get3A_402, %get3A_403] : memref<32x512xf32, #tpu.memory_space<vmem>>, vector<1x512xf32>
    %max3A_405 = arith.maximumf %get3A_404, %broadcast_in_dim3A_401 : vector<1x512xf32>
    %swap3A_406 = arith.constant 18 : index
    %swap3A_407 = arith.constant 0 : index
    %swap3A_408 = vector.load %arg6[%swap3A_406, %swap3A_407] : memref<32x512xf32, #tpu.memory_space<vmem>>, vector<1x512xf32>
    tpu.vector_store %arg6[%swap3A_406, %swap3A_407], %max3A_405 {strides = array<i32>} : memref<32x512xf32, #tpu.memory_space<vmem>>, vector<1x512xf32>,
    %eq3A_409 = arith.constant 1.900000e+01 : f32
    %eq3A_410 = vector.broadcast %eq3A_409 : f32 to vector<1000x1xf32>
    %eq3A_411 = arith.cmpf oeq, %get3A_70, %eq3A_410 : vector<1000x1xf32>
    %jit3A_412 = arith.constant 0xFF800000 : f32
    %broadcast_in_dim3A_413 = vector.shape_cast %eq3A_411 : vector<1000x1xi1> to vector<1000x1xi1>
    %broadcast_in_dim3A_414 = vector.broadcast %broadcast_in_dim3A_413 : vector<1000x1xi1> to vector<1000x512xi1>
    %broadcast_in_dim3A_415 = vector.broadcast %jit3A_412 : f32 to vector<1000x512xf32>
    %select_n3A_416 = arith.select %broadcast_in_dim3A_414, %max3A_31, %broadcast_in_dim3A_415 : vector<1000x512xi1>, vector<1000x512xf32>
    %reduce_max3A_417 = arith.constant dense<0xFF800000> : vector<512xf32>
    %reduce_max3A_418 = vector.multi_reduction <maximumf>, %select_n3A_416, %reduce_max3A_417 [0] : vector<1000x512xf32> to vector<512xf32>
    %broadcast_in_dim3A_419 = vector.shape_cast %reduce_max3A_418 : vector<512xf32> to vector<1x512xf32>
    %get3A_420 = arith.constant 19 : index
    %get3A_421 = arith.constant 0 : index
    %get3A_422 = vector.load %arg6[%get3A_420, %get3A_421] : memref<32x512xf32, #tpu.memory_space<vmem>>, vector<1x512xf32>
    %max3A_423 = arith.maximumf %get3A_422, %broadcast_in_dim3A_419 : vector<1x512xf32>
    %swap3A_424 = arith.constant 19 : index
    %swap3A_425 = arith.constant 0 : index
    %swap3A_426 = vector.load %arg6[%swap3A_424, %swap3A_425] : memref<32x512xf32, #tpu.memory_space<vmem>>, vector<1x512xf32>
    tpu.vector_store %arg6[%swap3A_424, %swap3A_425], %max3A_423 {strides = array<i32>} : memref<32x512xf32, #tpu.memory_space<vmem>>, vector<1x512xf32>,
    %eq3A_427 = arith.constant 2.000000e+01 : f32
    %eq3A_428 = vector.broadcast %eq3A_427 : f32 to vector<1000x1xf32>
    %eq3A_429 = arith.cmpf oeq, %get3A_70, %eq3A_428 : vector<1000x1xf32>
    %jit3A_430 = arith.constant 0xFF800000 : f32
    %broadcast_in_dim3A_431 = vector.shape_cast %eq3A_429 : vector<1000x1xi1> to vector<1000x1xi1>
    %broadcast_in_dim3A_432 = vector.broadcast %broadcast_in_dim3A_431 : vector<1000x1xi1> to vector<1000x512xi1>
    %broadcast_in_dim3A_433 = vector.broadcast %jit3A_430 : f32 to vector<1000x512xf32>
    %select_n3A_434 = arith.select %broadcast_in_dim3A_432, %max3A_31, %broadcast_in_dim3A_433 : vector<1000x512xi1>, vector<1000x512xf32>
    %reduce_max3A_435 = arith.constant dense<0xFF800000> : vector<512xf32>
    %reduce_max3A_436 = vector.multi_reduction <maximumf>, %select_n3A_434, %reduce_max3A_435 [0] : vector<1000x512xf32> to vector<512xf32>
    %broadcast_in_dim3A_437 = vector.shape_cast %reduce_max3A_436 : vector<512xf32> to vector<1x512xf32>
    %get3A_438 = arith.constant 20 : index
    %get3A_439 = arith.constant 0 : index
    %get3A_440 = vector.load %arg6[%get3A_438, %get3A_439] : memref<32x512xf32, #tpu.memory_space<vmem>>, vector<1x512xf32>
    %max3A_441 = arith.maximumf %get3A_440, %broadcast_in_dim3A_437 : vector<1x512xf32>
    %swap3A_442 = arith.constant 20 : index
    %swap3A_443 = arith.constant 0 : index
    %swap3A_444 = vector.load %arg6[%swap3A_442, %swap3A_443] : memref<32x512xf32, #tpu.memory_space<vmem>>, vector<1x512xf32>
    tpu.vector_store %arg6[%swap3A_442, %swap3A_443], %max3A_441 {strides = array<i32>} : memref<32x512xf32, #tpu.memory_space<vmem>>, vector<1x512xf32>,
    %eq3A_445 = arith.constant 2.100000e+01 : f32
    %eq3A_446 = vector.broadcast %eq3A_445 : f32 to vector<1000x1xf32>
    %eq3A_447 = arith.cmpf oeq, %get3A_70, %eq3A_446 : vector<1000x1xf32>
    %jit3A_448 = arith.constant 0xFF800000 : f32
    %broadcast_in_dim3A_449 = vector.shape_cast %eq3A_447 : vector<1000x1xi1> to vector<1000x1xi1>
    %broadcast_in_dim3A_450 = vector.broadcast %broadcast_in_dim3A_449 : vector<1000x1xi1> to vector<1000x512xi1>
    %broadcast_in_dim3A_451 = vector.broadcast %jit3A_448 : f32 to vector<1000x512xf32>
    %select_n3A_452 = arith.select %broadcast_in_dim3A_450, %max3A_31, %broadcast_in_dim3A_451 : vector<1000x512xi1>, vector<1000x512xf32>
    %reduce_max3A_453 = arith.constant dense<0xFF800000> : vector<512xf32>
    %reduce_max3A_454 = vector.multi_reduction <maximumf>, %select_n3A_452, %reduce_max3A_453 [0] : vector<1000x512xf32> to vector<512xf32>
    %broadcast_in_dim3A_455 = vector.shape_cast %reduce_max3A_454 : vector<512xf32> to vector<1x512xf32>
    %get3A_456 = arith.constant 21 : index
    %get3A_457 = arith.constant 0 : index
    %get3A_458 = vector.load %arg6[%get3A_456, %get3A_457] : memref<32x512xf32, #tpu.memory_space<vmem>>, vector<1x512xf32>
    %max3A_459 = arith.maximumf %get3A_458, %broadcast_in_dim3A_455 : vector<1x512xf32>
    %swap3A_460 = arith.constant 21 : index
    %swap3A_461 = arith.constant 0 : index
    %swap3A_462 = vector.load %arg6[%swap3A_460, %swap3A_461] : memref<32x512xf32, #tpu.memory_space<vmem>>, vector<1x512xf32>
    tpu.vector_store %arg6[%swap3A_460, %swap3A_461], %max3A_459 {strides = array<i32>} : memref<32x512xf32, #tpu.memory_space<vmem>>, vector<1x512xf32>,
    %eq3A_463 = arith.constant 2.200000e+01 : f32
    %eq3A_464 = vector.broadcast %eq3A_463 : f32 to vector<1000x1xf32>
    %eq3A_465 = arith.cmpf oeq, %get3A_70, %eq3A_464 : vector<1000x1xf32>
    %jit3A_466 = arith.constant 0xFF800000 : f32
    %broadcast_in_dim3A_467 = vector.shape_cast %eq3A_465 : vector<1000x1xi1> to vector<1000x1xi1>
    %broadcast_in_dim3A_468 = vector.broadcast %broadcast_in_dim3A_467 : vector<1000x1xi1> to vector<1000x512xi1>
    %broadcast_in_dim3A_469 = vector.broadcast %jit3A_466 : f32 to vector<1000x512xf32>
    %select_n3A_470 = arith.select %broadcast_in_dim3A_468, %max3A_31, %broadcast_in_dim3A_469 : vector<1000x512xi1>, vector<1000x512xf32>
    %reduce_max3A_471 = arith.constant dense<0xFF800000> : vector<512xf32>
    %reduce_max3A_472 = vector.multi_reduction <maximumf>, %select_n3A_470, %reduce_max3A_471 [0] : vector<1000x512xf32> to vector<512xf32>
    %broadcast_in_dim3A_473 = vector.shape_cast %reduce_max3A_472 : vector<512xf32> to vector<1x512xf32>
    %get3A_474 = arith.constant 22 : index
    %get3A_475 = arith.constant 0 : index
    %get3A_476 = vector.load %arg6[%get3A_474, %get3A_475] : memref<32x512xf32, #tpu.memory_space<vmem>>, vector<1x512xf32>
    %max3A_477 = arith.maximumf %get3A_476, %broadcast_in_dim3A_473 : vector<1x512xf32>
    %swap3A_478 = arith.constant 22 : index
    %swap3A_479 = arith.constant 0 : index
    %swap3A_480 = vector.load %arg6[%swap3A_478, %swap3A_479] : memref<32x512xf32, #tpu.memory_space<vmem>>, vector<1x512xf32>
    tpu.vector_store %arg6[%swap3A_478, %swap3A_479], %max3A_477 {strides = array<i32>} : memref<32x512xf32, #tpu.memory_space<vmem>>, vector<1x512xf32>,
    %eq3A_481 = arith.constant 2.300000e+01 : f32
    %eq3A_482 = vector.broadcast %eq3A_481 : f32 to vector<1000x1xf32>
    %eq3A_483 = arith.cmpf oeq, %get3A_70, %eq3A_482 : vector<1000x1xf32>
    %jit3A_484 = arith.constant 0xFF800000 : f32
    %broadcast_in_dim3A_485 = vector.shape_cast %eq3A_483 : vector<1000x1xi1> to vector<1000x1xi1>
    %broadcast_in_dim3A_486 = vector.broadcast %broadcast_in_dim3A_485 : vector<1000x1xi1> to vector<1000x512xi1>
    %broadcast_in_dim3A_487 = vector.broadcast %jit3A_484 : f32 to vector<1000x512xf32>
    %select_n3A_488 = arith.select %broadcast_in_dim3A_486, %max3A_31, %broadcast_in_dim3A_487 : vector<1000x512xi1>, vector<1000x512xf32>
    %reduce_max3A_489 = arith.constant dense<0xFF800000> : vector<512xf32>
    %reduce_max3A_490 = vector.multi_reduction <maximumf>, %select_n3A_488, %reduce_max3A_489 [0] : vector<1000x512xf32> to vector<512xf32>
    %broadcast_in_dim3A_491 = vector.shape_cast %reduce_max3A_490 : vector<512xf32> to vector<1x512xf32>
    %get3A_492 = arith.constant 23 : index
    %get3A_493 = arith.constant 0 : index
    %get3A_494 = vector.load %arg6[%get3A_492, %get3A_493] : memref<32x512xf32, #tpu.memory_space<vmem>>, vector<1x512xf32>
    %max3A_495 = arith.maximumf %get3A_494, %broadcast_in_dim3A_491 : vector<1x512xf32>
    %swap3A_496 = arith.constant 23 : index
    %swap3A_497 = arith.constant 0 : index
    %swap3A_498 = vector.load %arg6[%swap3A_496, %swap3A_497] : memref<32x512xf32, #tpu.memory_space<vmem>>, vector<1x512xf32>
    tpu.vector_store %arg6[%swap3A_496, %swap3A_497], %max3A_495 {strides = array<i32>} : memref<32x512xf32, #tpu.memory_space<vmem>>, vector<1x512xf32>,
    %eq3A_499 = arith.constant 2.400000e+01 : f32
    %eq3A_500 = vector.broadcast %eq3A_499 : f32 to vector<1000x1xf32>
    %eq3A_501 = arith.cmpf oeq, %get3A_70, %eq3A_500 : vector<1000x1xf32>
    %jit3A_502 = arith.constant 0xFF800000 : f32
    %broadcast_in_dim3A_503 = vector.shape_cast %eq3A_501 : vector<1000x1xi1> to vector<1000x1xi1>
    %broadcast_in_dim3A_504 = vector.broadcast %broadcast_in_dim3A_503 : vector<1000x1xi1> to vector<1000x512xi1>
    %broadcast_in_dim3A_505 = vector.broadcast %jit3A_502 : f32 to vector<1000x512xf32>
    %select_n3A_506 = arith.select %broadcast_in_dim3A_504, %max3A_31, %broadcast_in_dim3A_505 : vector<1000x512xi1>, vector<1000x512xf32>
    %reduce_max3A_507 = arith.constant dense<0xFF800000> : vector<512xf32>
    %reduce_max3A_508 = vector.multi_reduction <maximumf>, %select_n3A_506, %reduce_max3A_507 [0] : vector<1000x512xf32> to vector<512xf32>
    %broadcast_in_dim3A_509 = vector.shape_cast %reduce_max3A_508 : vector<512xf32> to vector<1x512xf32>
    %get3A_510 = arith.constant 24 : index
    %get3A_511 = arith.constant 0 : index
    %get3A_512 = vector.load %arg6[%get3A_510, %get3A_511] : memref<32x512xf32, #tpu.memory_space<vmem>>, vector<1x512xf32>
    %max3A_513 = arith.maximumf %get3A_512, %broadcast_in_dim3A_509 : vector<1x512xf32>
    %swap3A_514 = arith.constant 24 : index
    %swap3A_515 = arith.constant 0 : index
    %swap3A_516 = vector.load %arg6[%swap3A_514, %swap3A_515] : memref<32x512xf32, #tpu.memory_space<vmem>>, vector<1x512xf32>
    tpu.vector_store %arg6[%swap3A_514, %swap3A_515], %max3A_513 {strides = array<i32>} : memref<32x512xf32, #tpu.memory_space<vmem>>, vector<1x512xf32>,
    %eq3A_517 = arith.constant 2.500000e+01 : f32
    %eq3A_518 = vector.broadcast %eq3A_517 : f32 to vector<1000x1xf32>
    %eq3A_519 = arith.cmpf oeq, %get3A_70, %eq3A_518 : vector<1000x1xf32>
    %jit3A_520 = arith.constant 0xFF800000 : f32
    %broadcast_in_dim3A_521 = vector.shape_cast %eq3A_519 : vector<1000x1xi1> to vector<1000x1xi1>
    %broadcast_in_dim3A_522 = vector.broadcast %broadcast_in_dim3A_521 : vector<1000x1xi1> to vector<1000x512xi1>
    %broadcast_in_dim3A_523 = vector.broadcast %jit3A_520 : f32 to vector<1000x512xf32>
    %select_n3A_524 = arith.select %broadcast_in_dim3A_522, %max3A_31, %broadcast_in_dim3A_523 : vector<1000x512xi1>, vector<1000x512xf32>
    %reduce_max3A_525 = arith.constant dense<0xFF800000> : vector<512xf32>
    %reduce_max3A_526 = vector.multi_reduction <maximumf>, %select_n3A_524, %reduce_max3A_525 [0] : vector<1000x512xf32> to vector<512xf32>
    %broadcast_in_dim3A_527 = vector.shape_cast %reduce_max3A_526 : vector<512xf32> to vector<1x512xf32>
    %get3A_528 = arith.constant 25 : index
    %get3A_529 = arith.constant 0 : index
    %get3A_530 = vector.load %arg6[%get3A_528, %get3A_529] : memref<32x512xf32, #tpu.memory_space<vmem>>, vector<1x512xf32>
    %max3A_531 = arith.maximumf %get3A_530, %broadcast_in_dim3A_527 : vector<1x512xf32>
    %swap3A_532 = arith.constant 25 : index
    %swap3A_533 = arith.constant 0 : index
    %swap3A_534 = vector.load %arg6[%swap3A_532, %swap3A_533] : memref<32x512xf32, #tpu.memory_space<vmem>>, vector<1x512xf32>
    tpu.vector_store %arg6[%swap3A_532, %swap3A_533], %max3A_531 {strides = array<i32>} : memref<32x512xf32, #tpu.memory_space<vmem>>, vector<1x512xf32>,
    %eq3A_535 = arith.constant 2.600000e+01 : f32
    %eq3A_536 = vector.broadcast %eq3A_535 : f32 to vector<1000x1xf32>
    %eq3A_537 = arith.cmpf oeq, %get3A_70, %eq3A_536 : vector<1000x1xf32>
    %jit3A_538 = arith.constant 0xFF800000 : f32
    %broadcast_in_dim3A_539 = vector.shape_cast %eq3A_537 : vector<1000x1xi1> to vector<1000x1xi1>
    %broadcast_in_dim3A_540 = vector.broadcast %broadcast_in_dim3A_539 : vector<1000x1xi1> to vector<1000x512xi1>
    %broadcast_in_dim3A_541 = vector.broadcast %jit3A_538 : f32 to vector<1000x512xf32>
    %select_n3A_542 = arith.select %broadcast_in_dim3A_540, %max3A_31, %broadcast_in_dim3A_541 : vector<1000x512xi1>, vector<1000x512xf32>
    %reduce_max3A_543 = arith.constant dense<0xFF800000> : vector<512xf32>
    %reduce_max3A_544 = vector.multi_reduction <maximumf>, %select_n3A_542, %reduce_max3A_543 [0] : vector<1000x512xf32> to vector<512xf32>
    %broadcast_in_dim3A_545 = vector.shape_cast %reduce_max3A_544 : vector<512xf32> to vector<1x512xf32>
    %get3A_546 = arith.constant 26 : index
    %get3A_547 = arith.constant 0 : index
    %get3A_548 = vector.load %arg6[%get3A_546, %get3A_547] : memref<32x512xf32, #tpu.memory_space<vmem>>, vector<1x512xf32>
    %max3A_549 = arith.maximumf %get3A_548, %broadcast_in_dim3A_545 : vector<1x512xf32>
    %swap3A_550 = arith.constant 26 : index
    %swap3A_551 = arith.constant 0 : index
    %swap3A_552 = vector.load %arg6[%swap3A_550, %swap3A_551] : memref<32x512xf32, #tpu.memory_space<vmem>>, vector<1x512xf32>
    tpu.vector_store %arg6[%swap3A_550, %swap3A_551], %max3A_549 {strides = array<i32>} : memref<32x512xf32, #tpu.memory_space<vmem>>, vector<1x512xf32>,
    %eq3A_553 = arith.constant 2.700000e+01 : f32
    %eq3A_554 = vector.broadcast %eq3A_553 : f32 to vector<1000x1xf32>
    %eq3A_555 = arith.cmpf oeq, %get3A_70, %eq3A_554 : vector<1000x1xf32>
    %jit3A_556 = arith.constant 0xFF800000 : f32
    %broadcast_in_dim3A_557 = vector.shape_cast %eq3A_555 : vector<1000x1xi1> to vector<1000x1xi1>
    %broadcast_in_dim3A_558 = vector.broadcast %broadcast_in_dim3A_557 : vector<1000x1xi1> to vector<1000x512xi1>
    %broadcast_in_dim3A_559 = vector.broadcast %jit3A_556 : f32 to vector<1000x512xf32>
    %select_n3A_560 = arith.select %broadcast_in_dim3A_558, %max3A_31, %broadcast_in_dim3A_559 : vector<1000x512xi1>, vector<1000x512xf32>
    %reduce_max3A_561 = arith.constant dense<0xFF800000> : vector<512xf32>
    %reduce_max3A_562 = vector.multi_reduction <maximumf>, %select_n3A_560, %reduce_max3A_561 [0] : vector<1000x512xf32> to vector<512xf32>
    %broadcast_in_dim3A_563 = vector.shape_cast %reduce_max3A_562 : vector<512xf32> to vector<1x512xf32>
    %get3A_564 = arith.constant 27 : index
    %get3A_565 = arith.constant 0 : index
    %get3A_566 = vector.load %arg6[%get3A_564, %get3A_565] : memref<32x512xf32, #tpu.memory_space<vmem>>, vector<1x512xf32>
    %max3A_567 = arith.maximumf %get3A_566, %broadcast_in_dim3A_563 : vector<1x512xf32>
    %swap3A_568 = arith.constant 27 : index
    %swap3A_569 = arith.constant 0 : index
    %swap3A_570 = vector.load %arg6[%swap3A_568, %swap3A_569] : memref<32x512xf32, #tpu.memory_space<vmem>>, vector<1x512xf32>
    tpu.vector_store %arg6[%swap3A_568, %swap3A_569], %max3A_567 {strides = array<i32>} : memref<32x512xf32, #tpu.memory_space<vmem>>, vector<1x512xf32>,
    %eq3A_571 = arith.constant 2.800000e+01 : f32
    %eq3A_572 = vector.broadcast %eq3A_571 : f32 to vector<1000x1xf32>
    %eq3A_573 = arith.cmpf oeq, %get3A_70, %eq3A_572 : vector<1000x1xf32>
    %jit3A_574 = arith.constant 0xFF800000 : f32
    %broadcast_in_dim3A_575 = vector.shape_cast %eq3A_573 : vector<1000x1xi1> to vector<1000x1xi1>
    %broadcast_in_dim3A_576 = vector.broadcast %broadcast_in_dim3A_575 : vector<1000x1xi1> to vector<1000x512xi1>
    %broadcast_in_dim3A_577 = vector.broadcast %jit3A_574 : f32 to vector<1000x512xf32>
    %select_n3A_578 = arith.select %broadcast_in_dim3A_576, %max3A_31, %broadcast_in_dim3A_577 : vector<1000x512xi1>, vector<1000x512xf32>
    %reduce_max3A_579 = arith.constant dense<0xFF800000> : vector<512xf32>
    %reduce_max3A_580 = vector.multi_reduction <maximumf>, %select_n3A_578, %reduce_max3A_579 [0] : vector<1000x512xf32> to vector<512xf32>
    %broadcast_in_dim3A_581 = vector.shape_cast %reduce_max3A_580 : vector<512xf32> to vector<1x512xf32>
    %get3A_582 = arith.constant 28 : index
    %get3A_583 = arith.constant 0 : index
    %get3A_584 = vector.load %arg6[%get3A_582, %get3A_583] : memref<32x512xf32, #tpu.memory_space<vmem>>, vector<1x512xf32>
    %max3A_585 = arith.maximumf %get3A_584, %broadcast_in_dim3A_581 : vector<1x512xf32>
    %swap3A_586 = arith.constant 28 : index
    %swap3A_587 = arith.constant 0 : index
    %swap3A_588 = vector.load %arg6[%swap3A_586, %swap3A_587] : memref<32x512xf32, #tpu.memory_space<vmem>>, vector<1x512xf32>
    tpu.vector_store %arg6[%swap3A_586, %swap3A_587], %max3A_585 {strides = array<i32>} : memref<32x512xf32, #tpu.memory_space<vmem>>, vector<1x512xf32>,
    %eq3A_589 = arith.constant 2.900000e+01 : f32
    %eq3A_590 = vector.broadcast %eq3A_589 : f32 to vector<1000x1xf32>
    %eq3A_591 = arith.cmpf oeq, %get3A_70, %eq3A_590 : vector<1000x1xf32>
    %jit3A_592 = arith.constant 0xFF800000 : f32
    %broadcast_in_dim3A_593 = vector.shape_cast %eq3A_591 : vector<1000x1xi1> to vector<1000x1xi1>
    %broadcast_in_dim3A_594 = vector.broadcast %broadcast_in_dim3A_593 : vector<1000x1xi1> to vector<1000x512xi1>
    %broadcast_in_dim3A_595 = vector.broadcast %jit3A_592 : f32 to vector<1000x512xf32>
    %select_n3A_596 = arith.select %broadcast_in_dim3A_594, %max3A_31, %broadcast_in_dim3A_595 : vector<1000x512xi1>, vector<1000x512xf32>
    %reduce_max3A_597 = arith.constant dense<0xFF800000> : vector<512xf32>
    %reduce_max3A_598 = vector.multi_reduction <maximumf>, %select_n3A_596, %reduce_max3A_597 [0] : vector<1000x512xf32> to vector<512xf32>
    %broadcast_in_dim3A_599 = vector.shape_cast %reduce_max3A_598 : vector<512xf32> to vector<1x512xf32>
    %get3A_600 = arith.constant 29 : index
    %get3A_601 = arith.constant 0 : index
    %get3A_602 = vector.load %arg6[%get3A_600, %get3A_601] : memref<32x512xf32, #tpu.memory_space<vmem>>, vector<1x512xf32>
    %max3A_603 = arith.maximumf %get3A_602, %broadcast_in_dim3A_599 : vector<1x512xf32>
    %swap3A_604 = arith.constant 29 : index
    %swap3A_605 = arith.constant 0 : index
    %swap3A_606 = vector.load %arg6[%swap3A_604, %swap3A_605] : memref<32x512xf32, #tpu.memory_space<vmem>>, vector<1x512xf32>
    tpu.vector_store %arg6[%swap3A_604, %swap3A_605], %max3A_603 {strides = array<i32>} : memref<32x512xf32, #tpu.memory_space<vmem>>, vector<1x512xf32>,
    %eq3A_607 = arith.constant 3.000000e+01 : f32
    %eq3A_608 = vector.broadcast %eq3A_607 : f32 to vector<1000x1xf32>
    %eq3A_609 = arith.cmpf oeq, %get3A_70, %eq3A_608 : vector<1000x1xf32>
    %jit3A_610 = arith.constant 0xFF800000 : f32
    %broadcast_in_dim3A_611 = vector.shape_cast %eq3A_609 : vector<1000x1xi1> to vector<1000x1xi1>
    %broadcast_in_dim3A_612 = vector.broadcast %broadcast_in_dim3A_611 : vector<1000x1xi1> to vector<1000x512xi1>
    %broadcast_in_dim3A_613 = vector.broadcast %jit3A_610 : f32 to vector<1000x512xf32>
    %select_n3A_614 = arith.select %broadcast_in_dim3A_612, %max3A_31, %broadcast_in_dim3A_613 : vector<1000x512xi1>, vector<1000x512xf32>
    %reduce_max3A_615 = arith.constant dense<0xFF800000> : vector<512xf32>
    %reduce_max3A_616 = vector.multi_reduction <maximumf>, %select_n3A_614, %reduce_max3A_615 [0] : vector<1000x512xf32> to vector<512xf32>
    %broadcast_in_dim3A_617 = vector.shape_cast %reduce_max3A_616 : vector<512xf32> to vector<1x512xf32>
    %get3A_618 = arith.constant 30 : index
    %get3A_619 = arith.constant 0 : index
    %get3A_620 = vector.load %arg6[%get3A_618, %get3A_619] : memref<32x512xf32, #tpu.memory_space<vmem>>, vector<1x512xf32>
    %max3A_621 = arith.maximumf %get3A_620, %broadcast_in_dim3A_617 : vector<1x512xf32>
    %swap3A_622 = arith.constant 30 : index
    %swap3A_623 = arith.constant 0 : index
    %swap3A_624 = vector.load %arg6[%swap3A_622, %swap3A_623] : memref<32x512xf32, #tpu.memory_space<vmem>>, vector<1x512xf32>
    tpu.vector_store %arg6[%swap3A_622, %swap3A_623], %max3A_621 {strides = array<i32>} : memref<32x512xf32, #tpu.memory_space<vmem>>, vector<1x512xf32>,
    %eq3A_625 = arith.constant 3.100000e+01 : f32
    %eq3A_626 = vector.broadcast %eq3A_625 : f32 to vector<1000x1xf32>
    %eq3A_627 = arith.cmpf oeq, %get3A_70, %eq3A_626 : vector<1000x1xf32>
    %jit3A_628 = arith.constant 0xFF800000 : f32
    %broadcast_in_dim3A_629 = vector.shape_cast %eq3A_627 : vector<1000x1xi1> to vector<1000x1xi1>
    %broadcast_in_dim3A_630 = vector.broadcast %broadcast_in_dim3A_629 : vector<1000x1xi1> to vector<1000x512xi1>
    %broadcast_in_dim3A_631 = vector.broadcast %jit3A_628 : f32 to vector<1000x512xf32>
    %select_n3A_632 = arith.select %broadcast_in_dim3A_630, %max3A_31, %broadcast_in_dim3A_631 : vector<1000x512xi1>, vector<1000x512xf32>
    %reduce_max3A_633 = arith.constant dense<0xFF800000> : vector<512xf32>
    %reduce_max3A_634 = vector.multi_reduction <maximumf>, %select_n3A_632, %reduce_max3A_633 [0] : vector<1000x512xf32> to vector<512xf32>
    %broadcast_in_dim3A_635 = vector.shape_cast %reduce_max3A_634 : vector<512xf32> to vector<1x512xf32>
    %get3A_636 = arith.constant 31 : index
    %get3A_637 = arith.constant 0 : index
    %get3A_638 = vector.load %arg6[%get3A_636, %get3A_637] : memref<32x512xf32, #tpu.memory_space<vmem>>, vector<1x512xf32>
    %max3A_639 = arith.maximumf %get3A_638, %broadcast_in_dim3A_635 : vector<1x512xf32>
    %swap3A_640 = arith.constant 31 : index
    %swap3A_641 = arith.constant 0 : index
    %swap3A_642 = vector.load %arg6[%swap3A_640, %swap3A_641] : memref<32x512xf32, #tpu.memory_space<vmem>>, vector<1x512xf32>
    tpu.vector_store %arg6[%swap3A_640, %swap3A_641], %max3A_639 {strides = array<i32>} : memref<32x512xf32, #tpu.memory_space<vmem>>, vector<1x512xf32>,
    return
  }
  func.func @transform_0(%arg0: i32) -> (i32, i32) {
    %c0_i32 = arith.constant 0 : i32
    %c0_i32_0 = arith.constant 0 : i32
    return %arg0, %c0_i32 : i32, i32
  }
  func.func @transform_1(%arg0: i32) -> (i32, i32) {
    %c0_i32 = arith.constant 0 : i32
    %c0_i32_0 = arith.constant 0 : i32
    %c0_i32_1 = arith.constant 0 : i32
    return %c0_i32, %c0_i32_0 : i32, i32
  }
  func.func @transform_2(%arg0: i32) -> (i32, i32) {
    %c0_i32 = arith.constant 0 : i32
    %c0_i32_0 = arith.constant 0 : i32
    %c0_i32_1 = arith.constant 0 : i32
    return %c0_i32, %c0_i32_0 : i32, i32
  }
  func.func @transform_3(%arg0: i32) -> (i32, i32) {
    %c0_i32 = arith.constant 0 : i32
    %c0_i32_0 = arith.constant 0 : i32
    return %arg0, %c0_i32 : i32, i32
  }
  func.func @transform_4(%arg0: i32) -> (i32, i32) {
    %c0_i32 = arith.constant 0 : i32
    %c0_i32_0 = arith.constant 0 : i32
    return %arg0, %c0_i32 : i32, i32
  }
  func.func @transform_5(%arg0: i32) -> (i32, i32) {
    %c0_i32 = arith.constant 0 : i32
    %c0_i32_0 = arith.constant 0 : i32
    %c0_i32_1 = arith.constant 0 : i32
    return %c0_i32, %c0_i32_0 : i32, i32
  }
  func.func @transform_6(%arg0: i32) -> (i32, i32) {
    %c0_i32 = arith.constant 0 : i32
    %c0_i32_0 = arith.constant 0 : i32
    return %arg0, %c0_i32 : i32, i32
  }
  func.func @transform_7(%arg0: i32) -> (i32, i32) {
    %c0_i32 = arith.constant 0 : i32
    %c0_i32_0 = arith.constant 0 : i32
    return %arg0, %c0_i32 : i32, i32
  }
  func.func @transform_8(%arg0: i32) -> (i32, i32) {
    %c0_i32 = arith.constant 0 : i32
    %c0_i32_0 = arith.constant 0 : i32
    return %arg0, %c0_i32 : i32, i32
  }
  func.func @transform_9(%arg0: i32) -> (i32, i32) {
    %c0_i32 = arith.constant 0 : i32
    %c0_i32_0 = arith.constant 0 : i32
    return %arg0, %c0_i32 : i32, i32
  }
}

module attributes {stable_mosaic.version = 14 : i64} {
  func.func @body(%arg0: i32, %arg1: memref<1000x128xf32, #tpu.memory_space<vmem>>, %arg2: memref<1000x1xf32, #tpu.memory_space<vmem>>, %arg3: memref<32x128xf32, #tpu.memory_space<vmem>>) attributes {dimension_semantics = [#tpu.dimension_semantics<arbitrary>], iteration_bounds = array<i64: 10>, scalar_prefetch = 0 : i64, scratch_operands = 0 : i64, tpu.core_type = #tpu.core_type<tc>, window_params = [{transform_indices = @transform_0, window_bounds = array<i64: 1000, 128>}, {transform_indices = @transform_1, window_bounds = array<i64: 1000, 1>}, {pipeline_mode = #tpu.pipeline_mode<synchronous>, transform_indices = @transform_2, window_bounds = array<i64: 32, 128>}]} {
    %eq3A = arith.constant 0 : i32
    %eq3A_0 = arith.cmpi eq, %arg0, %eq3A : i32
    %convert_element_type3A = arith.extui %eq3A_0 : i1 to i32
    %cond3A = arith.constant 0 : i32
    %cond3A_1 = arith.cmpi ne, %convert_element_type3A, %cond3A : i32
    scf.if %cond3A_1 {
      %broadcast_in_dim3A_577 = arith.constant 0xFF800000 : f32
      %broadcast_in_dim3A_578 = vector.broadcast %broadcast_in_dim3A_577 : f32 to vector<32x128xf32>
      %swap3A_579 = arith.constant 0 : index
      %swap3A_580 = arith.constant 0 : index
      %swap3A_581 = vector.load %arg3[%swap3A_579, %swap3A_580] : memref<32x128xf32, #tpu.memory_space<vmem>>, vector<32x128xf32>
      tpu.vector_store %arg3[%swap3A_579, %swap3A_580], %broadcast_in_dim3A_578 {strides = array<i32>} : memref<32x128xf32, #tpu.memory_space<vmem>>, vector<32x128xf32>,
    } else {
    }
    %get3A = arith.constant 0 : index
    %get3A_2 = arith.constant 0 : index
    %get3A_3 = vector.load %arg1[%get3A, %get3A_2] : memref<1000x128xf32, #tpu.memory_space<vmem>>, vector<1000x128xf32>
    %get3A_4 = arith.constant 0 : index
    %get3A_5 = arith.constant 0 : index
    %get3A_6 = vector.load %arg2[%get3A_4, %get3A_5] : memref<1000x1xf32, #tpu.memory_space<vmem>>, vector<1000x1xf32>
    %eq3A_7 = arith.constant 0.000000e+00 : f32
    %eq3A_8 = vector.broadcast %eq3A_7 : f32 to vector<1000x1xf32>
    %eq3A_9 = arith.cmpf oeq, %get3A_6, %eq3A_8 : vector<1000x1xf32>
    %jit3A = arith.constant 0xFF800000 : f32
    %broadcast_in_dim3A = vector.shape_cast %eq3A_9 : vector<1000x1xi1> to vector<1000x1xi1>
    %broadcast_in_dim3A_10 = vector.broadcast %broadcast_in_dim3A : vector<1000x1xi1> to vector<1000x128xi1>
    %broadcast_in_dim3A_11 = vector.broadcast %jit3A : f32 to vector<1000x128xf32>
    %select_n3A = arith.select %broadcast_in_dim3A_10, %get3A_3, %broadcast_in_dim3A_11 : vector<1000x128xi1>, vector<1000x128xf32>
    %reduce_max3A = arith.constant dense<0xFF800000> : vector<128xf32>
    %reduce_max3A_12 = vector.multi_reduction <maximumf>, %select_n3A, %reduce_max3A [0] : vector<1000x128xf32> to vector<128xf32>
    %broadcast_in_dim3A_13 = vector.shape_cast %reduce_max3A_12 : vector<128xf32> to vector<1x128xf32>
    %get3A_14 = arith.constant 0 : index
    %get3A_15 = arith.constant 0 : index
    %get3A_16 = vector.load %arg3[%get3A_14, %get3A_15] : memref<32x128xf32, #tpu.memory_space<vmem>>, vector<1x128xf32>
    %max3A = arith.maximumf %get3A_16, %broadcast_in_dim3A_13 : vector<1x128xf32>
    %swap3A = arith.constant 0 : index
    %swap3A_17 = arith.constant 0 : index
    %swap3A_18 = vector.load %arg3[%swap3A, %swap3A_17] : memref<32x128xf32, #tpu.memory_space<vmem>>, vector<1x128xf32>
    tpu.vector_store %arg3[%swap3A, %swap3A_17], %max3A {strides = array<i32>} : memref<32x128xf32, #tpu.memory_space<vmem>>, vector<1x128xf32>,
    %eq3A_19 = arith.constant 1.000000e+00 : f32
    %eq3A_20 = vector.broadcast %eq3A_19 : f32 to vector<1000x1xf32>
    %eq3A_21 = arith.cmpf oeq, %get3A_6, %eq3A_20 : vector<1000x1xf32>
    %jit3A_22 = arith.constant 0xFF800000 : f32
    %broadcast_in_dim3A_23 = vector.shape_cast %eq3A_21 : vector<1000x1xi1> to vector<1000x1xi1>
    %broadcast_in_dim3A_24 = vector.broadcast %broadcast_in_dim3A_23 : vector<1000x1xi1> to vector<1000x128xi1>
    %broadcast_in_dim3A_25 = vector.broadcast %jit3A_22 : f32 to vector<1000x128xf32>
    %select_n3A_26 = arith.select %broadcast_in_dim3A_24, %get3A_3, %broadcast_in_dim3A_25 : vector<1000x128xi1>, vector<1000x128xf32>
    %reduce_max3A_27 = arith.constant dense<0xFF800000> : vector<128xf32>
    %reduce_max3A_28 = vector.multi_reduction <maximumf>, %select_n3A_26, %reduce_max3A_27 [0] : vector<1000x128xf32> to vector<128xf32>
    %broadcast_in_dim3A_29 = vector.shape_cast %reduce_max3A_28 : vector<128xf32> to vector<1x128xf32>
    %get3A_30 = arith.constant 1 : index
    %get3A_31 = arith.constant 0 : index
    %get3A_32 = vector.load %arg3[%get3A_30, %get3A_31] : memref<32x128xf32, #tpu.memory_space<vmem>>, vector<1x128xf32>
    %max3A_33 = arith.maximumf %get3A_32, %broadcast_in_dim3A_29 : vector<1x128xf32>
    %swap3A_34 = arith.constant 1 : index
    %swap3A_35 = arith.constant 0 : index
    %swap3A_36 = vector.load %arg3[%swap3A_34, %swap3A_35] : memref<32x128xf32, #tpu.memory_space<vmem>>, vector<1x128xf32>
    tpu.vector_store %arg3[%swap3A_34, %swap3A_35], %max3A_33 {strides = array<i32>} : memref<32x128xf32, #tpu.memory_space<vmem>>, vector<1x128xf32>,
    %eq3A_37 = arith.constant 2.000000e+00 : f32
    %eq3A_38 = vector.broadcast %eq3A_37 : f32 to vector<1000x1xf32>
    %eq3A_39 = arith.cmpf oeq, %get3A_6, %eq3A_38 : vector<1000x1xf32>
    %jit3A_40 = arith.constant 0xFF800000 : f32
    %broadcast_in_dim3A_41 = vector.shape_cast %eq3A_39 : vector<1000x1xi1> to vector<1000x1xi1>
    %broadcast_in_dim3A_42 = vector.broadcast %broadcast_in_dim3A_41 : vector<1000x1xi1> to vector<1000x128xi1>
    %broadcast_in_dim3A_43 = vector.broadcast %jit3A_40 : f32 to vector<1000x128xf32>
    %select_n3A_44 = arith.select %broadcast_in_dim3A_42, %get3A_3, %broadcast_in_dim3A_43 : vector<1000x128xi1>, vector<1000x128xf32>
    %reduce_max3A_45 = arith.constant dense<0xFF800000> : vector<128xf32>
    %reduce_max3A_46 = vector.multi_reduction <maximumf>, %select_n3A_44, %reduce_max3A_45 [0] : vector<1000x128xf32> to vector<128xf32>
    %broadcast_in_dim3A_47 = vector.shape_cast %reduce_max3A_46 : vector<128xf32> to vector<1x128xf32>
    %get3A_48 = arith.constant 2 : index
    %get3A_49 = arith.constant 0 : index
    %get3A_50 = vector.load %arg3[%get3A_48, %get3A_49] : memref<32x128xf32, #tpu.memory_space<vmem>>, vector<1x128xf32>
    %max3A_51 = arith.maximumf %get3A_50, %broadcast_in_dim3A_47 : vector<1x128xf32>
    %swap3A_52 = arith.constant 2 : index
    %swap3A_53 = arith.constant 0 : index
    %swap3A_54 = vector.load %arg3[%swap3A_52, %swap3A_53] : memref<32x128xf32, #tpu.memory_space<vmem>>, vector<1x128xf32>
    tpu.vector_store %arg3[%swap3A_52, %swap3A_53], %max3A_51 {strides = array<i32>} : memref<32x128xf32, #tpu.memory_space<vmem>>, vector<1x128xf32>,
    %eq3A_55 = arith.constant 3.000000e+00 : f32
    %eq3A_56 = vector.broadcast %eq3A_55 : f32 to vector<1000x1xf32>
    %eq3A_57 = arith.cmpf oeq, %get3A_6, %eq3A_56 : vector<1000x1xf32>
    %jit3A_58 = arith.constant 0xFF800000 : f32
    %broadcast_in_dim3A_59 = vector.shape_cast %eq3A_57 : vector<1000x1xi1> to vector<1000x1xi1>
    %broadcast_in_dim3A_60 = vector.broadcast %broadcast_in_dim3A_59 : vector<1000x1xi1> to vector<1000x128xi1>
    %broadcast_in_dim3A_61 = vector.broadcast %jit3A_58 : f32 to vector<1000x128xf32>
    %select_n3A_62 = arith.select %broadcast_in_dim3A_60, %get3A_3, %broadcast_in_dim3A_61 : vector<1000x128xi1>, vector<1000x128xf32>
    %reduce_max3A_63 = arith.constant dense<0xFF800000> : vector<128xf32>
    %reduce_max3A_64 = vector.multi_reduction <maximumf>, %select_n3A_62, %reduce_max3A_63 [0] : vector<1000x128xf32> to vector<128xf32>
    %broadcast_in_dim3A_65 = vector.shape_cast %reduce_max3A_64 : vector<128xf32> to vector<1x128xf32>
    %get3A_66 = arith.constant 3 : index
    %get3A_67 = arith.constant 0 : index
    %get3A_68 = vector.load %arg3[%get3A_66, %get3A_67] : memref<32x128xf32, #tpu.memory_space<vmem>>, vector<1x128xf32>
    %max3A_69 = arith.maximumf %get3A_68, %broadcast_in_dim3A_65 : vector<1x128xf32>
    %swap3A_70 = arith.constant 3 : index
    %swap3A_71 = arith.constant 0 : index
    %swap3A_72 = vector.load %arg3[%swap3A_70, %swap3A_71] : memref<32x128xf32, #tpu.memory_space<vmem>>, vector<1x128xf32>
    tpu.vector_store %arg3[%swap3A_70, %swap3A_71], %max3A_69 {strides = array<i32>} : memref<32x128xf32, #tpu.memory_space<vmem>>, vector<1x128xf32>,
    %eq3A_73 = arith.constant 4.000000e+00 : f32
    %eq3A_74 = vector.broadcast %eq3A_73 : f32 to vector<1000x1xf32>
    %eq3A_75 = arith.cmpf oeq, %get3A_6, %eq3A_74 : vector<1000x1xf32>
    %jit3A_76 = arith.constant 0xFF800000 : f32
    %broadcast_in_dim3A_77 = vector.shape_cast %eq3A_75 : vector<1000x1xi1> to vector<1000x1xi1>
    %broadcast_in_dim3A_78 = vector.broadcast %broadcast_in_dim3A_77 : vector<1000x1xi1> to vector<1000x128xi1>
    %broadcast_in_dim3A_79 = vector.broadcast %jit3A_76 : f32 to vector<1000x128xf32>
    %select_n3A_80 = arith.select %broadcast_in_dim3A_78, %get3A_3, %broadcast_in_dim3A_79 : vector<1000x128xi1>, vector<1000x128xf32>
    %reduce_max3A_81 = arith.constant dense<0xFF800000> : vector<128xf32>
    %reduce_max3A_82 = vector.multi_reduction <maximumf>, %select_n3A_80, %reduce_max3A_81 [0] : vector<1000x128xf32> to vector<128xf32>
    %broadcast_in_dim3A_83 = vector.shape_cast %reduce_max3A_82 : vector<128xf32> to vector<1x128xf32>
    %get3A_84 = arith.constant 4 : index
    %get3A_85 = arith.constant 0 : index
    %get3A_86 = vector.load %arg3[%get3A_84, %get3A_85] : memref<32x128xf32, #tpu.memory_space<vmem>>, vector<1x128xf32>
    %max3A_87 = arith.maximumf %get3A_86, %broadcast_in_dim3A_83 : vector<1x128xf32>
    %swap3A_88 = arith.constant 4 : index
    %swap3A_89 = arith.constant 0 : index
    %swap3A_90 = vector.load %arg3[%swap3A_88, %swap3A_89] : memref<32x128xf32, #tpu.memory_space<vmem>>, vector<1x128xf32>
    tpu.vector_store %arg3[%swap3A_88, %swap3A_89], %max3A_87 {strides = array<i32>} : memref<32x128xf32, #tpu.memory_space<vmem>>, vector<1x128xf32>,
    %eq3A_91 = arith.constant 5.000000e+00 : f32
    %eq3A_92 = vector.broadcast %eq3A_91 : f32 to vector<1000x1xf32>
    %eq3A_93 = arith.cmpf oeq, %get3A_6, %eq3A_92 : vector<1000x1xf32>
    %jit3A_94 = arith.constant 0xFF800000 : f32
    %broadcast_in_dim3A_95 = vector.shape_cast %eq3A_93 : vector<1000x1xi1> to vector<1000x1xi1>
    %broadcast_in_dim3A_96 = vector.broadcast %broadcast_in_dim3A_95 : vector<1000x1xi1> to vector<1000x128xi1>
    %broadcast_in_dim3A_97 = vector.broadcast %jit3A_94 : f32 to vector<1000x128xf32>
    %select_n3A_98 = arith.select %broadcast_in_dim3A_96, %get3A_3, %broadcast_in_dim3A_97 : vector<1000x128xi1>, vector<1000x128xf32>
    %reduce_max3A_99 = arith.constant dense<0xFF800000> : vector<128xf32>
    %reduce_max3A_100 = vector.multi_reduction <maximumf>, %select_n3A_98, %reduce_max3A_99 [0] : vector<1000x128xf32> to vector<128xf32>
    %broadcast_in_dim3A_101 = vector.shape_cast %reduce_max3A_100 : vector<128xf32> to vector<1x128xf32>
    %get3A_102 = arith.constant 5 : index
    %get3A_103 = arith.constant 0 : index
    %get3A_104 = vector.load %arg3[%get3A_102, %get3A_103] : memref<32x128xf32, #tpu.memory_space<vmem>>, vector<1x128xf32>
    %max3A_105 = arith.maximumf %get3A_104, %broadcast_in_dim3A_101 : vector<1x128xf32>
    %swap3A_106 = arith.constant 5 : index
    %swap3A_107 = arith.constant 0 : index
    %swap3A_108 = vector.load %arg3[%swap3A_106, %swap3A_107] : memref<32x128xf32, #tpu.memory_space<vmem>>, vector<1x128xf32>
    tpu.vector_store %arg3[%swap3A_106, %swap3A_107], %max3A_105 {strides = array<i32>} : memref<32x128xf32, #tpu.memory_space<vmem>>, vector<1x128xf32>,
    %eq3A_109 = arith.constant 6.000000e+00 : f32
    %eq3A_110 = vector.broadcast %eq3A_109 : f32 to vector<1000x1xf32>
    %eq3A_111 = arith.cmpf oeq, %get3A_6, %eq3A_110 : vector<1000x1xf32>
    %jit3A_112 = arith.constant 0xFF800000 : f32
    %broadcast_in_dim3A_113 = vector.shape_cast %eq3A_111 : vector<1000x1xi1> to vector<1000x1xi1>
    %broadcast_in_dim3A_114 = vector.broadcast %broadcast_in_dim3A_113 : vector<1000x1xi1> to vector<1000x128xi1>
    %broadcast_in_dim3A_115 = vector.broadcast %jit3A_112 : f32 to vector<1000x128xf32>
    %select_n3A_116 = arith.select %broadcast_in_dim3A_114, %get3A_3, %broadcast_in_dim3A_115 : vector<1000x128xi1>, vector<1000x128xf32>
    %reduce_max3A_117 = arith.constant dense<0xFF800000> : vector<128xf32>
    %reduce_max3A_118 = vector.multi_reduction <maximumf>, %select_n3A_116, %reduce_max3A_117 [0] : vector<1000x128xf32> to vector<128xf32>
    %broadcast_in_dim3A_119 = vector.shape_cast %reduce_max3A_118 : vector<128xf32> to vector<1x128xf32>
    %get3A_120 = arith.constant 6 : index
    %get3A_121 = arith.constant 0 : index
    %get3A_122 = vector.load %arg3[%get3A_120, %get3A_121] : memref<32x128xf32, #tpu.memory_space<vmem>>, vector<1x128xf32>
    %max3A_123 = arith.maximumf %get3A_122, %broadcast_in_dim3A_119 : vector<1x128xf32>
    %swap3A_124 = arith.constant 6 : index
    %swap3A_125 = arith.constant 0 : index
    %swap3A_126 = vector.load %arg3[%swap3A_124, %swap3A_125] : memref<32x128xf32, #tpu.memory_space<vmem>>, vector<1x128xf32>
    tpu.vector_store %arg3[%swap3A_124, %swap3A_125], %max3A_123 {strides = array<i32>} : memref<32x128xf32, #tpu.memory_space<vmem>>, vector<1x128xf32>,
    %eq3A_127 = arith.constant 7.000000e+00 : f32
    %eq3A_128 = vector.broadcast %eq3A_127 : f32 to vector<1000x1xf32>
    %eq3A_129 = arith.cmpf oeq, %get3A_6, %eq3A_128 : vector<1000x1xf32>
    %jit3A_130 = arith.constant 0xFF800000 : f32
    %broadcast_in_dim3A_131 = vector.shape_cast %eq3A_129 : vector<1000x1xi1> to vector<1000x1xi1>
    %broadcast_in_dim3A_132 = vector.broadcast %broadcast_in_dim3A_131 : vector<1000x1xi1> to vector<1000x128xi1>
    %broadcast_in_dim3A_133 = vector.broadcast %jit3A_130 : f32 to vector<1000x128xf32>
    %select_n3A_134 = arith.select %broadcast_in_dim3A_132, %get3A_3, %broadcast_in_dim3A_133 : vector<1000x128xi1>, vector<1000x128xf32>
    %reduce_max3A_135 = arith.constant dense<0xFF800000> : vector<128xf32>
    %reduce_max3A_136 = vector.multi_reduction <maximumf>, %select_n3A_134, %reduce_max3A_135 [0] : vector<1000x128xf32> to vector<128xf32>
    %broadcast_in_dim3A_137 = vector.shape_cast %reduce_max3A_136 : vector<128xf32> to vector<1x128xf32>
    %get3A_138 = arith.constant 7 : index
    %get3A_139 = arith.constant 0 : index
    %get3A_140 = vector.load %arg3[%get3A_138, %get3A_139] : memref<32x128xf32, #tpu.memory_space<vmem>>, vector<1x128xf32>
    %max3A_141 = arith.maximumf %get3A_140, %broadcast_in_dim3A_137 : vector<1x128xf32>
    %swap3A_142 = arith.constant 7 : index
    %swap3A_143 = arith.constant 0 : index
    %swap3A_144 = vector.load %arg3[%swap3A_142, %swap3A_143] : memref<32x128xf32, #tpu.memory_space<vmem>>, vector<1x128xf32>
    tpu.vector_store %arg3[%swap3A_142, %swap3A_143], %max3A_141 {strides = array<i32>} : memref<32x128xf32, #tpu.memory_space<vmem>>, vector<1x128xf32>,
    %eq3A_145 = arith.constant 8.000000e+00 : f32
    %eq3A_146 = vector.broadcast %eq3A_145 : f32 to vector<1000x1xf32>
    %eq3A_147 = arith.cmpf oeq, %get3A_6, %eq3A_146 : vector<1000x1xf32>
    %jit3A_148 = arith.constant 0xFF800000 : f32
    %broadcast_in_dim3A_149 = vector.shape_cast %eq3A_147 : vector<1000x1xi1> to vector<1000x1xi1>
    %broadcast_in_dim3A_150 = vector.broadcast %broadcast_in_dim3A_149 : vector<1000x1xi1> to vector<1000x128xi1>
    %broadcast_in_dim3A_151 = vector.broadcast %jit3A_148 : f32 to vector<1000x128xf32>
    %select_n3A_152 = arith.select %broadcast_in_dim3A_150, %get3A_3, %broadcast_in_dim3A_151 : vector<1000x128xi1>, vector<1000x128xf32>
    %reduce_max3A_153 = arith.constant dense<0xFF800000> : vector<128xf32>
    %reduce_max3A_154 = vector.multi_reduction <maximumf>, %select_n3A_152, %reduce_max3A_153 [0] : vector<1000x128xf32> to vector<128xf32>
    %broadcast_in_dim3A_155 = vector.shape_cast %reduce_max3A_154 : vector<128xf32> to vector<1x128xf32>
    %get3A_156 = arith.constant 8 : index
    %get3A_157 = arith.constant 0 : index
    %get3A_158 = vector.load %arg3[%get3A_156, %get3A_157] : memref<32x128xf32, #tpu.memory_space<vmem>>, vector<1x128xf32>
    %max3A_159 = arith.maximumf %get3A_158, %broadcast_in_dim3A_155 : vector<1x128xf32>
    %swap3A_160 = arith.constant 8 : index
    %swap3A_161 = arith.constant 0 : index
    %swap3A_162 = vector.load %arg3[%swap3A_160, %swap3A_161] : memref<32x128xf32, #tpu.memory_space<vmem>>, vector<1x128xf32>
    tpu.vector_store %arg3[%swap3A_160, %swap3A_161], %max3A_159 {strides = array<i32>} : memref<32x128xf32, #tpu.memory_space<vmem>>, vector<1x128xf32>,
    %eq3A_163 = arith.constant 9.000000e+00 : f32
    %eq3A_164 = vector.broadcast %eq3A_163 : f32 to vector<1000x1xf32>
    %eq3A_165 = arith.cmpf oeq, %get3A_6, %eq3A_164 : vector<1000x1xf32>
    %jit3A_166 = arith.constant 0xFF800000 : f32
    %broadcast_in_dim3A_167 = vector.shape_cast %eq3A_165 : vector<1000x1xi1> to vector<1000x1xi1>
    %broadcast_in_dim3A_168 = vector.broadcast %broadcast_in_dim3A_167 : vector<1000x1xi1> to vector<1000x128xi1>
    %broadcast_in_dim3A_169 = vector.broadcast %jit3A_166 : f32 to vector<1000x128xf32>
    %select_n3A_170 = arith.select %broadcast_in_dim3A_168, %get3A_3, %broadcast_in_dim3A_169 : vector<1000x128xi1>, vector<1000x128xf32>
    %reduce_max3A_171 = arith.constant dense<0xFF800000> : vector<128xf32>
    %reduce_max3A_172 = vector.multi_reduction <maximumf>, %select_n3A_170, %reduce_max3A_171 [0] : vector<1000x128xf32> to vector<128xf32>
    %broadcast_in_dim3A_173 = vector.shape_cast %reduce_max3A_172 : vector<128xf32> to vector<1x128xf32>
    %get3A_174 = arith.constant 9 : index
    %get3A_175 = arith.constant 0 : index
    %get3A_176 = vector.load %arg3[%get3A_174, %get3A_175] : memref<32x128xf32, #tpu.memory_space<vmem>>, vector<1x128xf32>
    %max3A_177 = arith.maximumf %get3A_176, %broadcast_in_dim3A_173 : vector<1x128xf32>
    %swap3A_178 = arith.constant 9 : index
    %swap3A_179 = arith.constant 0 : index
    %swap3A_180 = vector.load %arg3[%swap3A_178, %swap3A_179] : memref<32x128xf32, #tpu.memory_space<vmem>>, vector<1x128xf32>
    tpu.vector_store %arg3[%swap3A_178, %swap3A_179], %max3A_177 {strides = array<i32>} : memref<32x128xf32, #tpu.memory_space<vmem>>, vector<1x128xf32>,
    %eq3A_181 = arith.constant 1.000000e+01 : f32
    %eq3A_182 = vector.broadcast %eq3A_181 : f32 to vector<1000x1xf32>
    %eq3A_183 = arith.cmpf oeq, %get3A_6, %eq3A_182 : vector<1000x1xf32>
    %jit3A_184 = arith.constant 0xFF800000 : f32
    %broadcast_in_dim3A_185 = vector.shape_cast %eq3A_183 : vector<1000x1xi1> to vector<1000x1xi1>
    %broadcast_in_dim3A_186 = vector.broadcast %broadcast_in_dim3A_185 : vector<1000x1xi1> to vector<1000x128xi1>
    %broadcast_in_dim3A_187 = vector.broadcast %jit3A_184 : f32 to vector<1000x128xf32>
    %select_n3A_188 = arith.select %broadcast_in_dim3A_186, %get3A_3, %broadcast_in_dim3A_187 : vector<1000x128xi1>, vector<1000x128xf32>
    %reduce_max3A_189 = arith.constant dense<0xFF800000> : vector<128xf32>
    %reduce_max3A_190 = vector.multi_reduction <maximumf>, %select_n3A_188, %reduce_max3A_189 [0] : vector<1000x128xf32> to vector<128xf32>
    %broadcast_in_dim3A_191 = vector.shape_cast %reduce_max3A_190 : vector<128xf32> to vector<1x128xf32>
    %get3A_192 = arith.constant 10 : index
    %get3A_193 = arith.constant 0 : index
    %get3A_194 = vector.load %arg3[%get3A_192, %get3A_193] : memref<32x128xf32, #tpu.memory_space<vmem>>, vector<1x128xf32>
    %max3A_195 = arith.maximumf %get3A_194, %broadcast_in_dim3A_191 : vector<1x128xf32>
    %swap3A_196 = arith.constant 10 : index
    %swap3A_197 = arith.constant 0 : index
    %swap3A_198 = vector.load %arg3[%swap3A_196, %swap3A_197] : memref<32x128xf32, #tpu.memory_space<vmem>>, vector<1x128xf32>
    tpu.vector_store %arg3[%swap3A_196, %swap3A_197], %max3A_195 {strides = array<i32>} : memref<32x128xf32, #tpu.memory_space<vmem>>, vector<1x128xf32>,
    %eq3A_199 = arith.constant 1.100000e+01 : f32
    %eq3A_200 = vector.broadcast %eq3A_199 : f32 to vector<1000x1xf32>
    %eq3A_201 = arith.cmpf oeq, %get3A_6, %eq3A_200 : vector<1000x1xf32>
    %jit3A_202 = arith.constant 0xFF800000 : f32
    %broadcast_in_dim3A_203 = vector.shape_cast %eq3A_201 : vector<1000x1xi1> to vector<1000x1xi1>
    %broadcast_in_dim3A_204 = vector.broadcast %broadcast_in_dim3A_203 : vector<1000x1xi1> to vector<1000x128xi1>
    %broadcast_in_dim3A_205 = vector.broadcast %jit3A_202 : f32 to vector<1000x128xf32>
    %select_n3A_206 = arith.select %broadcast_in_dim3A_204, %get3A_3, %broadcast_in_dim3A_205 : vector<1000x128xi1>, vector<1000x128xf32>
    %reduce_max3A_207 = arith.constant dense<0xFF800000> : vector<128xf32>
    %reduce_max3A_208 = vector.multi_reduction <maximumf>, %select_n3A_206, %reduce_max3A_207 [0] : vector<1000x128xf32> to vector<128xf32>
    %broadcast_in_dim3A_209 = vector.shape_cast %reduce_max3A_208 : vector<128xf32> to vector<1x128xf32>
    %get3A_210 = arith.constant 11 : index
    %get3A_211 = arith.constant 0 : index
    %get3A_212 = vector.load %arg3[%get3A_210, %get3A_211] : memref<32x128xf32, #tpu.memory_space<vmem>>, vector<1x128xf32>
    %max3A_213 = arith.maximumf %get3A_212, %broadcast_in_dim3A_209 : vector<1x128xf32>
    %swap3A_214 = arith.constant 11 : index
    %swap3A_215 = arith.constant 0 : index
    %swap3A_216 = vector.load %arg3[%swap3A_214, %swap3A_215] : memref<32x128xf32, #tpu.memory_space<vmem>>, vector<1x128xf32>
    tpu.vector_store %arg3[%swap3A_214, %swap3A_215], %max3A_213 {strides = array<i32>} : memref<32x128xf32, #tpu.memory_space<vmem>>, vector<1x128xf32>,
    %eq3A_217 = arith.constant 1.200000e+01 : f32
    %eq3A_218 = vector.broadcast %eq3A_217 : f32 to vector<1000x1xf32>
    %eq3A_219 = arith.cmpf oeq, %get3A_6, %eq3A_218 : vector<1000x1xf32>
    %jit3A_220 = arith.constant 0xFF800000 : f32
    %broadcast_in_dim3A_221 = vector.shape_cast %eq3A_219 : vector<1000x1xi1> to vector<1000x1xi1>
    %broadcast_in_dim3A_222 = vector.broadcast %broadcast_in_dim3A_221 : vector<1000x1xi1> to vector<1000x128xi1>
    %broadcast_in_dim3A_223 = vector.broadcast %jit3A_220 : f32 to vector<1000x128xf32>
    %select_n3A_224 = arith.select %broadcast_in_dim3A_222, %get3A_3, %broadcast_in_dim3A_223 : vector<1000x128xi1>, vector<1000x128xf32>
    %reduce_max3A_225 = arith.constant dense<0xFF800000> : vector<128xf32>
    %reduce_max3A_226 = vector.multi_reduction <maximumf>, %select_n3A_224, %reduce_max3A_225 [0] : vector<1000x128xf32> to vector<128xf32>
    %broadcast_in_dim3A_227 = vector.shape_cast %reduce_max3A_226 : vector<128xf32> to vector<1x128xf32>
    %get3A_228 = arith.constant 12 : index
    %get3A_229 = arith.constant 0 : index
    %get3A_230 = vector.load %arg3[%get3A_228, %get3A_229] : memref<32x128xf32, #tpu.memory_space<vmem>>, vector<1x128xf32>
    %max3A_231 = arith.maximumf %get3A_230, %broadcast_in_dim3A_227 : vector<1x128xf32>
    %swap3A_232 = arith.constant 12 : index
    %swap3A_233 = arith.constant 0 : index
    %swap3A_234 = vector.load %arg3[%swap3A_232, %swap3A_233] : memref<32x128xf32, #tpu.memory_space<vmem>>, vector<1x128xf32>
    tpu.vector_store %arg3[%swap3A_232, %swap3A_233], %max3A_231 {strides = array<i32>} : memref<32x128xf32, #tpu.memory_space<vmem>>, vector<1x128xf32>,
    %eq3A_235 = arith.constant 1.300000e+01 : f32
    %eq3A_236 = vector.broadcast %eq3A_235 : f32 to vector<1000x1xf32>
    %eq3A_237 = arith.cmpf oeq, %get3A_6, %eq3A_236 : vector<1000x1xf32>
    %jit3A_238 = arith.constant 0xFF800000 : f32
    %broadcast_in_dim3A_239 = vector.shape_cast %eq3A_237 : vector<1000x1xi1> to vector<1000x1xi1>
    %broadcast_in_dim3A_240 = vector.broadcast %broadcast_in_dim3A_239 : vector<1000x1xi1> to vector<1000x128xi1>
    %broadcast_in_dim3A_241 = vector.broadcast %jit3A_238 : f32 to vector<1000x128xf32>
    %select_n3A_242 = arith.select %broadcast_in_dim3A_240, %get3A_3, %broadcast_in_dim3A_241 : vector<1000x128xi1>, vector<1000x128xf32>
    %reduce_max3A_243 = arith.constant dense<0xFF800000> : vector<128xf32>
    %reduce_max3A_244 = vector.multi_reduction <maximumf>, %select_n3A_242, %reduce_max3A_243 [0] : vector<1000x128xf32> to vector<128xf32>
    %broadcast_in_dim3A_245 = vector.shape_cast %reduce_max3A_244 : vector<128xf32> to vector<1x128xf32>
    %get3A_246 = arith.constant 13 : index
    %get3A_247 = arith.constant 0 : index
    %get3A_248 = vector.load %arg3[%get3A_246, %get3A_247] : memref<32x128xf32, #tpu.memory_space<vmem>>, vector<1x128xf32>
    %max3A_249 = arith.maximumf %get3A_248, %broadcast_in_dim3A_245 : vector<1x128xf32>
    %swap3A_250 = arith.constant 13 : index
    %swap3A_251 = arith.constant 0 : index
    %swap3A_252 = vector.load %arg3[%swap3A_250, %swap3A_251] : memref<32x128xf32, #tpu.memory_space<vmem>>, vector<1x128xf32>
    tpu.vector_store %arg3[%swap3A_250, %swap3A_251], %max3A_249 {strides = array<i32>} : memref<32x128xf32, #tpu.memory_space<vmem>>, vector<1x128xf32>,
    %eq3A_253 = arith.constant 1.400000e+01 : f32
    %eq3A_254 = vector.broadcast %eq3A_253 : f32 to vector<1000x1xf32>
    %eq3A_255 = arith.cmpf oeq, %get3A_6, %eq3A_254 : vector<1000x1xf32>
    %jit3A_256 = arith.constant 0xFF800000 : f32
    %broadcast_in_dim3A_257 = vector.shape_cast %eq3A_255 : vector<1000x1xi1> to vector<1000x1xi1>
    %broadcast_in_dim3A_258 = vector.broadcast %broadcast_in_dim3A_257 : vector<1000x1xi1> to vector<1000x128xi1>
    %broadcast_in_dim3A_259 = vector.broadcast %jit3A_256 : f32 to vector<1000x128xf32>
    %select_n3A_260 = arith.select %broadcast_in_dim3A_258, %get3A_3, %broadcast_in_dim3A_259 : vector<1000x128xi1>, vector<1000x128xf32>
    %reduce_max3A_261 = arith.constant dense<0xFF800000> : vector<128xf32>
    %reduce_max3A_262 = vector.multi_reduction <maximumf>, %select_n3A_260, %reduce_max3A_261 [0] : vector<1000x128xf32> to vector<128xf32>
    %broadcast_in_dim3A_263 = vector.shape_cast %reduce_max3A_262 : vector<128xf32> to vector<1x128xf32>
    %get3A_264 = arith.constant 14 : index
    %get3A_265 = arith.constant 0 : index
    %get3A_266 = vector.load %arg3[%get3A_264, %get3A_265] : memref<32x128xf32, #tpu.memory_space<vmem>>, vector<1x128xf32>
    %max3A_267 = arith.maximumf %get3A_266, %broadcast_in_dim3A_263 : vector<1x128xf32>
    %swap3A_268 = arith.constant 14 : index
    %swap3A_269 = arith.constant 0 : index
    %swap3A_270 = vector.load %arg3[%swap3A_268, %swap3A_269] : memref<32x128xf32, #tpu.memory_space<vmem>>, vector<1x128xf32>
    tpu.vector_store %arg3[%swap3A_268, %swap3A_269], %max3A_267 {strides = array<i32>} : memref<32x128xf32, #tpu.memory_space<vmem>>, vector<1x128xf32>,
    %eq3A_271 = arith.constant 1.500000e+01 : f32
    %eq3A_272 = vector.broadcast %eq3A_271 : f32 to vector<1000x1xf32>
    %eq3A_273 = arith.cmpf oeq, %get3A_6, %eq3A_272 : vector<1000x1xf32>
    %jit3A_274 = arith.constant 0xFF800000 : f32
    %broadcast_in_dim3A_275 = vector.shape_cast %eq3A_273 : vector<1000x1xi1> to vector<1000x1xi1>
    %broadcast_in_dim3A_276 = vector.broadcast %broadcast_in_dim3A_275 : vector<1000x1xi1> to vector<1000x128xi1>
    %broadcast_in_dim3A_277 = vector.broadcast %jit3A_274 : f32 to vector<1000x128xf32>
    %select_n3A_278 = arith.select %broadcast_in_dim3A_276, %get3A_3, %broadcast_in_dim3A_277 : vector<1000x128xi1>, vector<1000x128xf32>
    %reduce_max3A_279 = arith.constant dense<0xFF800000> : vector<128xf32>
    %reduce_max3A_280 = vector.multi_reduction <maximumf>, %select_n3A_278, %reduce_max3A_279 [0] : vector<1000x128xf32> to vector<128xf32>
    %broadcast_in_dim3A_281 = vector.shape_cast %reduce_max3A_280 : vector<128xf32> to vector<1x128xf32>
    %get3A_282 = arith.constant 15 : index
    %get3A_283 = arith.constant 0 : index
    %get3A_284 = vector.load %arg3[%get3A_282, %get3A_283] : memref<32x128xf32, #tpu.memory_space<vmem>>, vector<1x128xf32>
    %max3A_285 = arith.maximumf %get3A_284, %broadcast_in_dim3A_281 : vector<1x128xf32>
    %swap3A_286 = arith.constant 15 : index
    %swap3A_287 = arith.constant 0 : index
    %swap3A_288 = vector.load %arg3[%swap3A_286, %swap3A_287] : memref<32x128xf32, #tpu.memory_space<vmem>>, vector<1x128xf32>
    tpu.vector_store %arg3[%swap3A_286, %swap3A_287], %max3A_285 {strides = array<i32>} : memref<32x128xf32, #tpu.memory_space<vmem>>, vector<1x128xf32>,
    %eq3A_289 = arith.constant 1.600000e+01 : f32
    %eq3A_290 = vector.broadcast %eq3A_289 : f32 to vector<1000x1xf32>
    %eq3A_291 = arith.cmpf oeq, %get3A_6, %eq3A_290 : vector<1000x1xf32>
    %jit3A_292 = arith.constant 0xFF800000 : f32
    %broadcast_in_dim3A_293 = vector.shape_cast %eq3A_291 : vector<1000x1xi1> to vector<1000x1xi1>
    %broadcast_in_dim3A_294 = vector.broadcast %broadcast_in_dim3A_293 : vector<1000x1xi1> to vector<1000x128xi1>
    %broadcast_in_dim3A_295 = vector.broadcast %jit3A_292 : f32 to vector<1000x128xf32>
    %select_n3A_296 = arith.select %broadcast_in_dim3A_294, %get3A_3, %broadcast_in_dim3A_295 : vector<1000x128xi1>, vector<1000x128xf32>
    %reduce_max3A_297 = arith.constant dense<0xFF800000> : vector<128xf32>
    %reduce_max3A_298 = vector.multi_reduction <maximumf>, %select_n3A_296, %reduce_max3A_297 [0] : vector<1000x128xf32> to vector<128xf32>
    %broadcast_in_dim3A_299 = vector.shape_cast %reduce_max3A_298 : vector<128xf32> to vector<1x128xf32>
    %get3A_300 = arith.constant 16 : index
    %get3A_301 = arith.constant 0 : index
    %get3A_302 = vector.load %arg3[%get3A_300, %get3A_301] : memref<32x128xf32, #tpu.memory_space<vmem>>, vector<1x128xf32>
    %max3A_303 = arith.maximumf %get3A_302, %broadcast_in_dim3A_299 : vector<1x128xf32>
    %swap3A_304 = arith.constant 16 : index
    %swap3A_305 = arith.constant 0 : index
    %swap3A_306 = vector.load %arg3[%swap3A_304, %swap3A_305] : memref<32x128xf32, #tpu.memory_space<vmem>>, vector<1x128xf32>
    tpu.vector_store %arg3[%swap3A_304, %swap3A_305], %max3A_303 {strides = array<i32>} : memref<32x128xf32, #tpu.memory_space<vmem>>, vector<1x128xf32>,
    %eq3A_307 = arith.constant 1.700000e+01 : f32
    %eq3A_308 = vector.broadcast %eq3A_307 : f32 to vector<1000x1xf32>
    %eq3A_309 = arith.cmpf oeq, %get3A_6, %eq3A_308 : vector<1000x1xf32>
    %jit3A_310 = arith.constant 0xFF800000 : f32
    %broadcast_in_dim3A_311 = vector.shape_cast %eq3A_309 : vector<1000x1xi1> to vector<1000x1xi1>
    %broadcast_in_dim3A_312 = vector.broadcast %broadcast_in_dim3A_311 : vector<1000x1xi1> to vector<1000x128xi1>
    %broadcast_in_dim3A_313 = vector.broadcast %jit3A_310 : f32 to vector<1000x128xf32>
    %select_n3A_314 = arith.select %broadcast_in_dim3A_312, %get3A_3, %broadcast_in_dim3A_313 : vector<1000x128xi1>, vector<1000x128xf32>
    %reduce_max3A_315 = arith.constant dense<0xFF800000> : vector<128xf32>
    %reduce_max3A_316 = vector.multi_reduction <maximumf>, %select_n3A_314, %reduce_max3A_315 [0] : vector<1000x128xf32> to vector<128xf32>
    %broadcast_in_dim3A_317 = vector.shape_cast %reduce_max3A_316 : vector<128xf32> to vector<1x128xf32>
    %get3A_318 = arith.constant 17 : index
    %get3A_319 = arith.constant 0 : index
    %get3A_320 = vector.load %arg3[%get3A_318, %get3A_319] : memref<32x128xf32, #tpu.memory_space<vmem>>, vector<1x128xf32>
    %max3A_321 = arith.maximumf %get3A_320, %broadcast_in_dim3A_317 : vector<1x128xf32>
    %swap3A_322 = arith.constant 17 : index
    %swap3A_323 = arith.constant 0 : index
    %swap3A_324 = vector.load %arg3[%swap3A_322, %swap3A_323] : memref<32x128xf32, #tpu.memory_space<vmem>>, vector<1x128xf32>
    tpu.vector_store %arg3[%swap3A_322, %swap3A_323], %max3A_321 {strides = array<i32>} : memref<32x128xf32, #tpu.memory_space<vmem>>, vector<1x128xf32>,
    %eq3A_325 = arith.constant 1.800000e+01 : f32
    %eq3A_326 = vector.broadcast %eq3A_325 : f32 to vector<1000x1xf32>
    %eq3A_327 = arith.cmpf oeq, %get3A_6, %eq3A_326 : vector<1000x1xf32>
    %jit3A_328 = arith.constant 0xFF800000 : f32
    %broadcast_in_dim3A_329 = vector.shape_cast %eq3A_327 : vector<1000x1xi1> to vector<1000x1xi1>
    %broadcast_in_dim3A_330 = vector.broadcast %broadcast_in_dim3A_329 : vector<1000x1xi1> to vector<1000x128xi1>
    %broadcast_in_dim3A_331 = vector.broadcast %jit3A_328 : f32 to vector<1000x128xf32>
    %select_n3A_332 = arith.select %broadcast_in_dim3A_330, %get3A_3, %broadcast_in_dim3A_331 : vector<1000x128xi1>, vector<1000x128xf32>
    %reduce_max3A_333 = arith.constant dense<0xFF800000> : vector<128xf32>
    %reduce_max3A_334 = vector.multi_reduction <maximumf>, %select_n3A_332, %reduce_max3A_333 [0] : vector<1000x128xf32> to vector<128xf32>
    %broadcast_in_dim3A_335 = vector.shape_cast %reduce_max3A_334 : vector<128xf32> to vector<1x128xf32>
    %get3A_336 = arith.constant 18 : index
    %get3A_337 = arith.constant 0 : index
    %get3A_338 = vector.load %arg3[%get3A_336, %get3A_337] : memref<32x128xf32, #tpu.memory_space<vmem>>, vector<1x128xf32>
    %max3A_339 = arith.maximumf %get3A_338, %broadcast_in_dim3A_335 : vector<1x128xf32>
    %swap3A_340 = arith.constant 18 : index
    %swap3A_341 = arith.constant 0 : index
    %swap3A_342 = vector.load %arg3[%swap3A_340, %swap3A_341] : memref<32x128xf32, #tpu.memory_space<vmem>>, vector<1x128xf32>
    tpu.vector_store %arg3[%swap3A_340, %swap3A_341], %max3A_339 {strides = array<i32>} : memref<32x128xf32, #tpu.memory_space<vmem>>, vector<1x128xf32>,
    %eq3A_343 = arith.constant 1.900000e+01 : f32
    %eq3A_344 = vector.broadcast %eq3A_343 : f32 to vector<1000x1xf32>
    %eq3A_345 = arith.cmpf oeq, %get3A_6, %eq3A_344 : vector<1000x1xf32>
    %jit3A_346 = arith.constant 0xFF800000 : f32
    %broadcast_in_dim3A_347 = vector.shape_cast %eq3A_345 : vector<1000x1xi1> to vector<1000x1xi1>
    %broadcast_in_dim3A_348 = vector.broadcast %broadcast_in_dim3A_347 : vector<1000x1xi1> to vector<1000x128xi1>
    %broadcast_in_dim3A_349 = vector.broadcast %jit3A_346 : f32 to vector<1000x128xf32>
    %select_n3A_350 = arith.select %broadcast_in_dim3A_348, %get3A_3, %broadcast_in_dim3A_349 : vector<1000x128xi1>, vector<1000x128xf32>
    %reduce_max3A_351 = arith.constant dense<0xFF800000> : vector<128xf32>
    %reduce_max3A_352 = vector.multi_reduction <maximumf>, %select_n3A_350, %reduce_max3A_351 [0] : vector<1000x128xf32> to vector<128xf32>
    %broadcast_in_dim3A_353 = vector.shape_cast %reduce_max3A_352 : vector<128xf32> to vector<1x128xf32>
    %get3A_354 = arith.constant 19 : index
    %get3A_355 = arith.constant 0 : index
    %get3A_356 = vector.load %arg3[%get3A_354, %get3A_355] : memref<32x128xf32, #tpu.memory_space<vmem>>, vector<1x128xf32>
    %max3A_357 = arith.maximumf %get3A_356, %broadcast_in_dim3A_353 : vector<1x128xf32>
    %swap3A_358 = arith.constant 19 : index
    %swap3A_359 = arith.constant 0 : index
    %swap3A_360 = vector.load %arg3[%swap3A_358, %swap3A_359] : memref<32x128xf32, #tpu.memory_space<vmem>>, vector<1x128xf32>
    tpu.vector_store %arg3[%swap3A_358, %swap3A_359], %max3A_357 {strides = array<i32>} : memref<32x128xf32, #tpu.memory_space<vmem>>, vector<1x128xf32>,
    %eq3A_361 = arith.constant 2.000000e+01 : f32
    %eq3A_362 = vector.broadcast %eq3A_361 : f32 to vector<1000x1xf32>
    %eq3A_363 = arith.cmpf oeq, %get3A_6, %eq3A_362 : vector<1000x1xf32>
    %jit3A_364 = arith.constant 0xFF800000 : f32
    %broadcast_in_dim3A_365 = vector.shape_cast %eq3A_363 : vector<1000x1xi1> to vector<1000x1xi1>
    %broadcast_in_dim3A_366 = vector.broadcast %broadcast_in_dim3A_365 : vector<1000x1xi1> to vector<1000x128xi1>
    %broadcast_in_dim3A_367 = vector.broadcast %jit3A_364 : f32 to vector<1000x128xf32>
    %select_n3A_368 = arith.select %broadcast_in_dim3A_366, %get3A_3, %broadcast_in_dim3A_367 : vector<1000x128xi1>, vector<1000x128xf32>
    %reduce_max3A_369 = arith.constant dense<0xFF800000> : vector<128xf32>
    %reduce_max3A_370 = vector.multi_reduction <maximumf>, %select_n3A_368, %reduce_max3A_369 [0] : vector<1000x128xf32> to vector<128xf32>
    %broadcast_in_dim3A_371 = vector.shape_cast %reduce_max3A_370 : vector<128xf32> to vector<1x128xf32>
    %get3A_372 = arith.constant 20 : index
    %get3A_373 = arith.constant 0 : index
    %get3A_374 = vector.load %arg3[%get3A_372, %get3A_373] : memref<32x128xf32, #tpu.memory_space<vmem>>, vector<1x128xf32>
    %max3A_375 = arith.maximumf %get3A_374, %broadcast_in_dim3A_371 : vector<1x128xf32>
    %swap3A_376 = arith.constant 20 : index
    %swap3A_377 = arith.constant 0 : index
    %swap3A_378 = vector.load %arg3[%swap3A_376, %swap3A_377] : memref<32x128xf32, #tpu.memory_space<vmem>>, vector<1x128xf32>
    tpu.vector_store %arg3[%swap3A_376, %swap3A_377], %max3A_375 {strides = array<i32>} : memref<32x128xf32, #tpu.memory_space<vmem>>, vector<1x128xf32>,
    %eq3A_379 = arith.constant 2.100000e+01 : f32
    %eq3A_380 = vector.broadcast %eq3A_379 : f32 to vector<1000x1xf32>
    %eq3A_381 = arith.cmpf oeq, %get3A_6, %eq3A_380 : vector<1000x1xf32>
    %jit3A_382 = arith.constant 0xFF800000 : f32
    %broadcast_in_dim3A_383 = vector.shape_cast %eq3A_381 : vector<1000x1xi1> to vector<1000x1xi1>
    %broadcast_in_dim3A_384 = vector.broadcast %broadcast_in_dim3A_383 : vector<1000x1xi1> to vector<1000x128xi1>
    %broadcast_in_dim3A_385 = vector.broadcast %jit3A_382 : f32 to vector<1000x128xf32>
    %select_n3A_386 = arith.select %broadcast_in_dim3A_384, %get3A_3, %broadcast_in_dim3A_385 : vector<1000x128xi1>, vector<1000x128xf32>
    %reduce_max3A_387 = arith.constant dense<0xFF800000> : vector<128xf32>
    %reduce_max3A_388 = vector.multi_reduction <maximumf>, %select_n3A_386, %reduce_max3A_387 [0] : vector<1000x128xf32> to vector<128xf32>
    %broadcast_in_dim3A_389 = vector.shape_cast %reduce_max3A_388 : vector<128xf32> to vector<1x128xf32>
    %get3A_390 = arith.constant 21 : index
    %get3A_391 = arith.constant 0 : index
    %get3A_392 = vector.load %arg3[%get3A_390, %get3A_391] : memref<32x128xf32, #tpu.memory_space<vmem>>, vector<1x128xf32>
    %max3A_393 = arith.maximumf %get3A_392, %broadcast_in_dim3A_389 : vector<1x128xf32>
    %swap3A_394 = arith.constant 21 : index
    %swap3A_395 = arith.constant 0 : index
    %swap3A_396 = vector.load %arg3[%swap3A_394, %swap3A_395] : memref<32x128xf32, #tpu.memory_space<vmem>>, vector<1x128xf32>
    tpu.vector_store %arg3[%swap3A_394, %swap3A_395], %max3A_393 {strides = array<i32>} : memref<32x128xf32, #tpu.memory_space<vmem>>, vector<1x128xf32>,
    %eq3A_397 = arith.constant 2.200000e+01 : f32
    %eq3A_398 = vector.broadcast %eq3A_397 : f32 to vector<1000x1xf32>
    %eq3A_399 = arith.cmpf oeq, %get3A_6, %eq3A_398 : vector<1000x1xf32>
    %jit3A_400 = arith.constant 0xFF800000 : f32
    %broadcast_in_dim3A_401 = vector.shape_cast %eq3A_399 : vector<1000x1xi1> to vector<1000x1xi1>
    %broadcast_in_dim3A_402 = vector.broadcast %broadcast_in_dim3A_401 : vector<1000x1xi1> to vector<1000x128xi1>
    %broadcast_in_dim3A_403 = vector.broadcast %jit3A_400 : f32 to vector<1000x128xf32>
    %select_n3A_404 = arith.select %broadcast_in_dim3A_402, %get3A_3, %broadcast_in_dim3A_403 : vector<1000x128xi1>, vector<1000x128xf32>
    %reduce_max3A_405 = arith.constant dense<0xFF800000> : vector<128xf32>
    %reduce_max3A_406 = vector.multi_reduction <maximumf>, %select_n3A_404, %reduce_max3A_405 [0] : vector<1000x128xf32> to vector<128xf32>
    %broadcast_in_dim3A_407 = vector.shape_cast %reduce_max3A_406 : vector<128xf32> to vector<1x128xf32>
    %get3A_408 = arith.constant 22 : index
    %get3A_409 = arith.constant 0 : index
    %get3A_410 = vector.load %arg3[%get3A_408, %get3A_409] : memref<32x128xf32, #tpu.memory_space<vmem>>, vector<1x128xf32>
    %max3A_411 = arith.maximumf %get3A_410, %broadcast_in_dim3A_407 : vector<1x128xf32>
    %swap3A_412 = arith.constant 22 : index
    %swap3A_413 = arith.constant 0 : index
    %swap3A_414 = vector.load %arg3[%swap3A_412, %swap3A_413] : memref<32x128xf32, #tpu.memory_space<vmem>>, vector<1x128xf32>
    tpu.vector_store %arg3[%swap3A_412, %swap3A_413], %max3A_411 {strides = array<i32>} : memref<32x128xf32, #tpu.memory_space<vmem>>, vector<1x128xf32>,
    %eq3A_415 = arith.constant 2.300000e+01 : f32
    %eq3A_416 = vector.broadcast %eq3A_415 : f32 to vector<1000x1xf32>
    %eq3A_417 = arith.cmpf oeq, %get3A_6, %eq3A_416 : vector<1000x1xf32>
    %jit3A_418 = arith.constant 0xFF800000 : f32
    %broadcast_in_dim3A_419 = vector.shape_cast %eq3A_417 : vector<1000x1xi1> to vector<1000x1xi1>
    %broadcast_in_dim3A_420 = vector.broadcast %broadcast_in_dim3A_419 : vector<1000x1xi1> to vector<1000x128xi1>
    %broadcast_in_dim3A_421 = vector.broadcast %jit3A_418 : f32 to vector<1000x128xf32>
    %select_n3A_422 = arith.select %broadcast_in_dim3A_420, %get3A_3, %broadcast_in_dim3A_421 : vector<1000x128xi1>, vector<1000x128xf32>
    %reduce_max3A_423 = arith.constant dense<0xFF800000> : vector<128xf32>
    %reduce_max3A_424 = vector.multi_reduction <maximumf>, %select_n3A_422, %reduce_max3A_423 [0] : vector<1000x128xf32> to vector<128xf32>
    %broadcast_in_dim3A_425 = vector.shape_cast %reduce_max3A_424 : vector<128xf32> to vector<1x128xf32>
    %get3A_426 = arith.constant 23 : index
    %get3A_427 = arith.constant 0 : index
    %get3A_428 = vector.load %arg3[%get3A_426, %get3A_427] : memref<32x128xf32, #tpu.memory_space<vmem>>, vector<1x128xf32>
    %max3A_429 = arith.maximumf %get3A_428, %broadcast_in_dim3A_425 : vector<1x128xf32>
    %swap3A_430 = arith.constant 23 : index
    %swap3A_431 = arith.constant 0 : index
    %swap3A_432 = vector.load %arg3[%swap3A_430, %swap3A_431] : memref<32x128xf32, #tpu.memory_space<vmem>>, vector<1x128xf32>
    tpu.vector_store %arg3[%swap3A_430, %swap3A_431], %max3A_429 {strides = array<i32>} : memref<32x128xf32, #tpu.memory_space<vmem>>, vector<1x128xf32>,
    %eq3A_433 = arith.constant 2.400000e+01 : f32
    %eq3A_434 = vector.broadcast %eq3A_433 : f32 to vector<1000x1xf32>
    %eq3A_435 = arith.cmpf oeq, %get3A_6, %eq3A_434 : vector<1000x1xf32>
    %jit3A_436 = arith.constant 0xFF800000 : f32
    %broadcast_in_dim3A_437 = vector.shape_cast %eq3A_435 : vector<1000x1xi1> to vector<1000x1xi1>
    %broadcast_in_dim3A_438 = vector.broadcast %broadcast_in_dim3A_437 : vector<1000x1xi1> to vector<1000x128xi1>
    %broadcast_in_dim3A_439 = vector.broadcast %jit3A_436 : f32 to vector<1000x128xf32>
    %select_n3A_440 = arith.select %broadcast_in_dim3A_438, %get3A_3, %broadcast_in_dim3A_439 : vector<1000x128xi1>, vector<1000x128xf32>
    %reduce_max3A_441 = arith.constant dense<0xFF800000> : vector<128xf32>
    %reduce_max3A_442 = vector.multi_reduction <maximumf>, %select_n3A_440, %reduce_max3A_441 [0] : vector<1000x128xf32> to vector<128xf32>
    %broadcast_in_dim3A_443 = vector.shape_cast %reduce_max3A_442 : vector<128xf32> to vector<1x128xf32>
    %get3A_444 = arith.constant 24 : index
    %get3A_445 = arith.constant 0 : index
    %get3A_446 = vector.load %arg3[%get3A_444, %get3A_445] : memref<32x128xf32, #tpu.memory_space<vmem>>, vector<1x128xf32>
    %max3A_447 = arith.maximumf %get3A_446, %broadcast_in_dim3A_443 : vector<1x128xf32>
    %swap3A_448 = arith.constant 24 : index
    %swap3A_449 = arith.constant 0 : index
    %swap3A_450 = vector.load %arg3[%swap3A_448, %swap3A_449] : memref<32x128xf32, #tpu.memory_space<vmem>>, vector<1x128xf32>
    tpu.vector_store %arg3[%swap3A_448, %swap3A_449], %max3A_447 {strides = array<i32>} : memref<32x128xf32, #tpu.memory_space<vmem>>, vector<1x128xf32>,
    %eq3A_451 = arith.constant 2.500000e+01 : f32
    %eq3A_452 = vector.broadcast %eq3A_451 : f32 to vector<1000x1xf32>
    %eq3A_453 = arith.cmpf oeq, %get3A_6, %eq3A_452 : vector<1000x1xf32>
    %jit3A_454 = arith.constant 0xFF800000 : f32
    %broadcast_in_dim3A_455 = vector.shape_cast %eq3A_453 : vector<1000x1xi1> to vector<1000x1xi1>
    %broadcast_in_dim3A_456 = vector.broadcast %broadcast_in_dim3A_455 : vector<1000x1xi1> to vector<1000x128xi1>
    %broadcast_in_dim3A_457 = vector.broadcast %jit3A_454 : f32 to vector<1000x128xf32>
    %select_n3A_458 = arith.select %broadcast_in_dim3A_456, %get3A_3, %broadcast_in_dim3A_457 : vector<1000x128xi1>, vector<1000x128xf32>
    %reduce_max3A_459 = arith.constant dense<0xFF800000> : vector<128xf32>
    %reduce_max3A_460 = vector.multi_reduction <maximumf>, %select_n3A_458, %reduce_max3A_459 [0] : vector<1000x128xf32> to vector<128xf32>
    %broadcast_in_dim3A_461 = vector.shape_cast %reduce_max3A_460 : vector<128xf32> to vector<1x128xf32>
    %get3A_462 = arith.constant 25 : index
    %get3A_463 = arith.constant 0 : index
    %get3A_464 = vector.load %arg3[%get3A_462, %get3A_463] : memref<32x128xf32, #tpu.memory_space<vmem>>, vector<1x128xf32>
    %max3A_465 = arith.maximumf %get3A_464, %broadcast_in_dim3A_461 : vector<1x128xf32>
    %swap3A_466 = arith.constant 25 : index
    %swap3A_467 = arith.constant 0 : index
    %swap3A_468 = vector.load %arg3[%swap3A_466, %swap3A_467] : memref<32x128xf32, #tpu.memory_space<vmem>>, vector<1x128xf32>
    tpu.vector_store %arg3[%swap3A_466, %swap3A_467], %max3A_465 {strides = array<i32>} : memref<32x128xf32, #tpu.memory_space<vmem>>, vector<1x128xf32>,
    %eq3A_469 = arith.constant 2.600000e+01 : f32
    %eq3A_470 = vector.broadcast %eq3A_469 : f32 to vector<1000x1xf32>
    %eq3A_471 = arith.cmpf oeq, %get3A_6, %eq3A_470 : vector<1000x1xf32>
    %jit3A_472 = arith.constant 0xFF800000 : f32
    %broadcast_in_dim3A_473 = vector.shape_cast %eq3A_471 : vector<1000x1xi1> to vector<1000x1xi1>
    %broadcast_in_dim3A_474 = vector.broadcast %broadcast_in_dim3A_473 : vector<1000x1xi1> to vector<1000x128xi1>
    %broadcast_in_dim3A_475 = vector.broadcast %jit3A_472 : f32 to vector<1000x128xf32>
    %select_n3A_476 = arith.select %broadcast_in_dim3A_474, %get3A_3, %broadcast_in_dim3A_475 : vector<1000x128xi1>, vector<1000x128xf32>
    %reduce_max3A_477 = arith.constant dense<0xFF800000> : vector<128xf32>
    %reduce_max3A_478 = vector.multi_reduction <maximumf>, %select_n3A_476, %reduce_max3A_477 [0] : vector<1000x128xf32> to vector<128xf32>
    %broadcast_in_dim3A_479 = vector.shape_cast %reduce_max3A_478 : vector<128xf32> to vector<1x128xf32>
    %get3A_480 = arith.constant 26 : index
    %get3A_481 = arith.constant 0 : index
    %get3A_482 = vector.load %arg3[%get3A_480, %get3A_481] : memref<32x128xf32, #tpu.memory_space<vmem>>, vector<1x128xf32>
    %max3A_483 = arith.maximumf %get3A_482, %broadcast_in_dim3A_479 : vector<1x128xf32>
    %swap3A_484 = arith.constant 26 : index
    %swap3A_485 = arith.constant 0 : index
    %swap3A_486 = vector.load %arg3[%swap3A_484, %swap3A_485] : memref<32x128xf32, #tpu.memory_space<vmem>>, vector<1x128xf32>
    tpu.vector_store %arg3[%swap3A_484, %swap3A_485], %max3A_483 {strides = array<i32>} : memref<32x128xf32, #tpu.memory_space<vmem>>, vector<1x128xf32>,
    %eq3A_487 = arith.constant 2.700000e+01 : f32
    %eq3A_488 = vector.broadcast %eq3A_487 : f32 to vector<1000x1xf32>
    %eq3A_489 = arith.cmpf oeq, %get3A_6, %eq3A_488 : vector<1000x1xf32>
    %jit3A_490 = arith.constant 0xFF800000 : f32
    %broadcast_in_dim3A_491 = vector.shape_cast %eq3A_489 : vector<1000x1xi1> to vector<1000x1xi1>
    %broadcast_in_dim3A_492 = vector.broadcast %broadcast_in_dim3A_491 : vector<1000x1xi1> to vector<1000x128xi1>
    %broadcast_in_dim3A_493 = vector.broadcast %jit3A_490 : f32 to vector<1000x128xf32>
    %select_n3A_494 = arith.select %broadcast_in_dim3A_492, %get3A_3, %broadcast_in_dim3A_493 : vector<1000x128xi1>, vector<1000x128xf32>
    %reduce_max3A_495 = arith.constant dense<0xFF800000> : vector<128xf32>
    %reduce_max3A_496 = vector.multi_reduction <maximumf>, %select_n3A_494, %reduce_max3A_495 [0] : vector<1000x128xf32> to vector<128xf32>
    %broadcast_in_dim3A_497 = vector.shape_cast %reduce_max3A_496 : vector<128xf32> to vector<1x128xf32>
    %get3A_498 = arith.constant 27 : index
    %get3A_499 = arith.constant 0 : index
    %get3A_500 = vector.load %arg3[%get3A_498, %get3A_499] : memref<32x128xf32, #tpu.memory_space<vmem>>, vector<1x128xf32>
    %max3A_501 = arith.maximumf %get3A_500, %broadcast_in_dim3A_497 : vector<1x128xf32>
    %swap3A_502 = arith.constant 27 : index
    %swap3A_503 = arith.constant 0 : index
    %swap3A_504 = vector.load %arg3[%swap3A_502, %swap3A_503] : memref<32x128xf32, #tpu.memory_space<vmem>>, vector<1x128xf32>
    tpu.vector_store %arg3[%swap3A_502, %swap3A_503], %max3A_501 {strides = array<i32>} : memref<32x128xf32, #tpu.memory_space<vmem>>, vector<1x128xf32>,
    %eq3A_505 = arith.constant 2.800000e+01 : f32
    %eq3A_506 = vector.broadcast %eq3A_505 : f32 to vector<1000x1xf32>
    %eq3A_507 = arith.cmpf oeq, %get3A_6, %eq3A_506 : vector<1000x1xf32>
    %jit3A_508 = arith.constant 0xFF800000 : f32
    %broadcast_in_dim3A_509 = vector.shape_cast %eq3A_507 : vector<1000x1xi1> to vector<1000x1xi1>
    %broadcast_in_dim3A_510 = vector.broadcast %broadcast_in_dim3A_509 : vector<1000x1xi1> to vector<1000x128xi1>
    %broadcast_in_dim3A_511 = vector.broadcast %jit3A_508 : f32 to vector<1000x128xf32>
    %select_n3A_512 = arith.select %broadcast_in_dim3A_510, %get3A_3, %broadcast_in_dim3A_511 : vector<1000x128xi1>, vector<1000x128xf32>
    %reduce_max3A_513 = arith.constant dense<0xFF800000> : vector<128xf32>
    %reduce_max3A_514 = vector.multi_reduction <maximumf>, %select_n3A_512, %reduce_max3A_513 [0] : vector<1000x128xf32> to vector<128xf32>
    %broadcast_in_dim3A_515 = vector.shape_cast %reduce_max3A_514 : vector<128xf32> to vector<1x128xf32>
    %get3A_516 = arith.constant 28 : index
    %get3A_517 = arith.constant 0 : index
    %get3A_518 = vector.load %arg3[%get3A_516, %get3A_517] : memref<32x128xf32, #tpu.memory_space<vmem>>, vector<1x128xf32>
    %max3A_519 = arith.maximumf %get3A_518, %broadcast_in_dim3A_515 : vector<1x128xf32>
    %swap3A_520 = arith.constant 28 : index
    %swap3A_521 = arith.constant 0 : index
    %swap3A_522 = vector.load %arg3[%swap3A_520, %swap3A_521] : memref<32x128xf32, #tpu.memory_space<vmem>>, vector<1x128xf32>
    tpu.vector_store %arg3[%swap3A_520, %swap3A_521], %max3A_519 {strides = array<i32>} : memref<32x128xf32, #tpu.memory_space<vmem>>, vector<1x128xf32>,
    %eq3A_523 = arith.constant 2.900000e+01 : f32
    %eq3A_524 = vector.broadcast %eq3A_523 : f32 to vector<1000x1xf32>
    %eq3A_525 = arith.cmpf oeq, %get3A_6, %eq3A_524 : vector<1000x1xf32>
    %jit3A_526 = arith.constant 0xFF800000 : f32
    %broadcast_in_dim3A_527 = vector.shape_cast %eq3A_525 : vector<1000x1xi1> to vector<1000x1xi1>
    %broadcast_in_dim3A_528 = vector.broadcast %broadcast_in_dim3A_527 : vector<1000x1xi1> to vector<1000x128xi1>
    %broadcast_in_dim3A_529 = vector.broadcast %jit3A_526 : f32 to vector<1000x128xf32>
    %select_n3A_530 = arith.select %broadcast_in_dim3A_528, %get3A_3, %broadcast_in_dim3A_529 : vector<1000x128xi1>, vector<1000x128xf32>
    %reduce_max3A_531 = arith.constant dense<0xFF800000> : vector<128xf32>
    %reduce_max3A_532 = vector.multi_reduction <maximumf>, %select_n3A_530, %reduce_max3A_531 [0] : vector<1000x128xf32> to vector<128xf32>
    %broadcast_in_dim3A_533 = vector.shape_cast %reduce_max3A_532 : vector<128xf32> to vector<1x128xf32>
    %get3A_534 = arith.constant 29 : index
    %get3A_535 = arith.constant 0 : index
    %get3A_536 = vector.load %arg3[%get3A_534, %get3A_535] : memref<32x128xf32, #tpu.memory_space<vmem>>, vector<1x128xf32>
    %max3A_537 = arith.maximumf %get3A_536, %broadcast_in_dim3A_533 : vector<1x128xf32>
    %swap3A_538 = arith.constant 29 : index
    %swap3A_539 = arith.constant 0 : index
    %swap3A_540 = vector.load %arg3[%swap3A_538, %swap3A_539] : memref<32x128xf32, #tpu.memory_space<vmem>>, vector<1x128xf32>
    tpu.vector_store %arg3[%swap3A_538, %swap3A_539], %max3A_537 {strides = array<i32>} : memref<32x128xf32, #tpu.memory_space<vmem>>, vector<1x128xf32>,
    %eq3A_541 = arith.constant 3.000000e+01 : f32
    %eq3A_542 = vector.broadcast %eq3A_541 : f32 to vector<1000x1xf32>
    %eq3A_543 = arith.cmpf oeq, %get3A_6, %eq3A_542 : vector<1000x1xf32>
    %jit3A_544 = arith.constant 0xFF800000 : f32
    %broadcast_in_dim3A_545 = vector.shape_cast %eq3A_543 : vector<1000x1xi1> to vector<1000x1xi1>
    %broadcast_in_dim3A_546 = vector.broadcast %broadcast_in_dim3A_545 : vector<1000x1xi1> to vector<1000x128xi1>
    %broadcast_in_dim3A_547 = vector.broadcast %jit3A_544 : f32 to vector<1000x128xf32>
    %select_n3A_548 = arith.select %broadcast_in_dim3A_546, %get3A_3, %broadcast_in_dim3A_547 : vector<1000x128xi1>, vector<1000x128xf32>
    %reduce_max3A_549 = arith.constant dense<0xFF800000> : vector<128xf32>
    %reduce_max3A_550 = vector.multi_reduction <maximumf>, %select_n3A_548, %reduce_max3A_549 [0] : vector<1000x128xf32> to vector<128xf32>
    %broadcast_in_dim3A_551 = vector.shape_cast %reduce_max3A_550 : vector<128xf32> to vector<1x128xf32>
    %get3A_552 = arith.constant 30 : index
    %get3A_553 = arith.constant 0 : index
    %get3A_554 = vector.load %arg3[%get3A_552, %get3A_553] : memref<32x128xf32, #tpu.memory_space<vmem>>, vector<1x128xf32>
    %max3A_555 = arith.maximumf %get3A_554, %broadcast_in_dim3A_551 : vector<1x128xf32>
    %swap3A_556 = arith.constant 30 : index
    %swap3A_557 = arith.constant 0 : index
    %swap3A_558 = vector.load %arg3[%swap3A_556, %swap3A_557] : memref<32x128xf32, #tpu.memory_space<vmem>>, vector<1x128xf32>
    tpu.vector_store %arg3[%swap3A_556, %swap3A_557], %max3A_555 {strides = array<i32>} : memref<32x128xf32, #tpu.memory_space<vmem>>, vector<1x128xf32>,
    %eq3A_559 = arith.constant 3.100000e+01 : f32
    %eq3A_560 = vector.broadcast %eq3A_559 : f32 to vector<1000x1xf32>
    %eq3A_561 = arith.cmpf oeq, %get3A_6, %eq3A_560 : vector<1000x1xf32>
    %jit3A_562 = arith.constant 0xFF800000 : f32
    %broadcast_in_dim3A_563 = vector.shape_cast %eq3A_561 : vector<1000x1xi1> to vector<1000x1xi1>
    %broadcast_in_dim3A_564 = vector.broadcast %broadcast_in_dim3A_563 : vector<1000x1xi1> to vector<1000x128xi1>
    %broadcast_in_dim3A_565 = vector.broadcast %jit3A_562 : f32 to vector<1000x128xf32>
    %select_n3A_566 = arith.select %broadcast_in_dim3A_564, %get3A_3, %broadcast_in_dim3A_565 : vector<1000x128xi1>, vector<1000x128xf32>
    %reduce_max3A_567 = arith.constant dense<0xFF800000> : vector<128xf32>
    %reduce_max3A_568 = vector.multi_reduction <maximumf>, %select_n3A_566, %reduce_max3A_567 [0] : vector<1000x128xf32> to vector<128xf32>
    %broadcast_in_dim3A_569 = vector.shape_cast %reduce_max3A_568 : vector<128xf32> to vector<1x128xf32>
    %get3A_570 = arith.constant 31 : index
    %get3A_571 = arith.constant 0 : index
    %get3A_572 = vector.load %arg3[%get3A_570, %get3A_571] : memref<32x128xf32, #tpu.memory_space<vmem>>, vector<1x128xf32>
    %max3A_573 = arith.maximumf %get3A_572, %broadcast_in_dim3A_569 : vector<1x128xf32>
    %swap3A_574 = arith.constant 31 : index
    %swap3A_575 = arith.constant 0 : index
    %swap3A_576 = vector.load %arg3[%swap3A_574, %swap3A_575] : memref<32x128xf32, #tpu.memory_space<vmem>>, vector<1x128xf32>
    tpu.vector_store %arg3[%swap3A_574, %swap3A_575], %max3A_573 {strides = array<i32>} : memref<32x128xf32, #tpu.memory_space<vmem>>, vector<1x128xf32>,
    return
  }
  func.func @transform_0(%arg0: i32) -> (i32, i32) {
    %c0_i32 = arith.constant 0 : i32
    %c0_i32_0 = arith.constant 0 : i32
    return %arg0, %c0_i32 : i32, i32
  }
  func.func @transform_1(%arg0: i32) -> (i32, i32) {
    %c0_i32 = arith.constant 0 : i32
    %c0_i32_0 = arith.constant 0 : i32
    return %arg0, %c0_i32 : i32, i32
  }
  func.func @transform_2(%arg0: i32) -> (i32, i32) {
    %c0_i32 = arith.constant 0 : i32
    %c0_i32_0 = arith.constant 0 : i32
    %c0_i32_1 = arith.constant 0 : i32
    return %c0_i32, %c0_i32_0 : i32, i32
  }
}

module attributes {stable_mosaic.version = 14 : i64} {
  func.func @body(%arg0: i32, %arg1: memref<1000x128xf32, #tpu.memory_space<vmem>>, %arg2: memref<1000x128xf32, #tpu.memory_space<vmem>>, %arg3: memref<1000x128xf32, #tpu.memory_space<vmem>>, %arg4: memref<1000x128xf32, #tpu.memory_space<vmem>>, %arg5: memref<1000x128xf32, #tpu.memory_space<vmem>>, %arg6: memref<1000x128xf32, #tpu.memory_space<vmem>>, %arg7: memref<1000x128xf32, #tpu.memory_space<vmem>>, %arg8: memref<896x1024xf32, #tpu.memory_space<vmem>>, %arg9: memref<1000x1024xf32, #tpu.memory_space<vmem>>, %arg10: memref<8x1024xf32, #tpu.memory_space<vmem>>) attributes {dimension_semantics = [#tpu.dimension_semantics<arbitrary>], iteration_bounds = array<i64: 10>, scalar_prefetch = 0 : i64, scratch_operands = 0 : i64, tpu.core_type = #tpu.core_type<tc>, window_params = [{transform_indices = @transform_0, window_bounds = array<i64: 1000, 128>}, {transform_indices = @transform_1, window_bounds = array<i64: 1000, 128>}, {transform_indices = @transform_2, window_bounds = array<i64: 1000, 128>}, {transform_indices = @transform_3, window_bounds = array<i64: 1000, 128>}, {transform_indices = @transform_4, window_bounds = array<i64: 1000, 128>}, {transform_indices = @transform_5, window_bounds = array<i64: 1000, 128>}, {transform_indices = @transform_6, window_bounds = array<i64: 1000, 128>}, {pipeline_mode = #tpu.pipeline_mode<synchronous>, transform_indices = @transform_7, window_bounds = array<i64: 896, 1024>}, {transform_indices = @transform_8, window_bounds = array<i64: 1000, 1024>}, {pipeline_mode = #tpu.pipeline_mode<synchronous>, transform_indices = @transform_9, window_bounds = array<i64: 8, 1024>}]} {
    %broadcast_in_dim3A = arith.constant 0.000000e+00 : f32
    %broadcast_in_dim3A_0 = vector.broadcast %broadcast_in_dim3A : f32 to vector<1000x1024xf32>
    %get3A = arith.constant 0 : index
    %get3A_1 = arith.constant 0 : index
    %get3A_2 = vector.load %arg1[%get3A, %get3A_1] : memref<1000x128xf32, #tpu.memory_space<vmem>>, vector<1000x128xf32>
    %get3A_3 = arith.constant 0 : index
    %get3A_4 = arith.constant 0 : index
    %get3A_5 = vector.load %arg8[%get3A_3, %get3A_4] : memref<896x1024xf32, #tpu.memory_space<vmem>>, vector<128x1024xf32>
    %dot_general3A = arith.constant dense<0.000000e+00> : vector<1000x1024xf32>
    %dot_general3A_6 = tpu.matmul %get3A_2, %get3A_5, %dot_general3A {dimension_numbers = #tpu.dot_dimension_numbers<[1], [0], [0], [1], [0, 0, 1, 1], [], []>, precision = #tpu.contract_precision<fp32>, transpose_lhs_hint = false} : vector<1000x128xf32>, vector<128x1024xf32>, vector<1000x1024xf32> -> vector<1000x1024xf32>
    %add3A = arith.addf %broadcast_in_dim3A_0, %dot_general3A_6 : vector<1000x1024xf32>
    %get3A_7 = arith.constant 0 : index
    %get3A_8 = arith.constant 0 : index
    %get3A_9 = vector.load %arg2[%get3A_7, %get3A_8] : memref<1000x128xf32, #tpu.memory_space<vmem>>, vector<1000x128xf32>
    %get3A_10 = arith.constant 128 : index
    %get3A_11 = arith.constant 0 : index
    %get3A_12 = vector.load %arg8[%get3A_10, %get3A_11] : memref<896x1024xf32, #tpu.memory_space<vmem>>, vector<128x1024xf32>
    %dot_general3A_13 = arith.constant dense<0.000000e+00> : vector<1000x1024xf32>
    %dot_general3A_14 = tpu.matmul %get3A_9, %get3A_12, %dot_general3A_13 {dimension_numbers = #tpu.dot_dimension_numbers<[1], [0], [0], [1], [0, 0, 1, 1], [], []>, precision = #tpu.contract_precision<fp32>, transpose_lhs_hint = false} : vector<1000x128xf32>, vector<128x1024xf32>, vector<1000x1024xf32> -> vector<1000x1024xf32>
    %add3A_15 = arith.addf %add3A, %dot_general3A_14 : vector<1000x1024xf32>
    %get3A_16 = arith.constant 0 : index
    %get3A_17 = arith.constant 0 : index
    %get3A_18 = vector.load %arg3[%get3A_16, %get3A_17] : memref<1000x128xf32, #tpu.memory_space<vmem>>, vector<1000x128xf32>
    %get3A_19 = arith.constant 256 : index
    %get3A_20 = arith.constant 0 : index
    %get3A_21 = vector.load %arg8[%get3A_19, %get3A_20] : memref<896x1024xf32, #tpu.memory_space<vmem>>, vector<128x1024xf32>
    %dot_general3A_22 = arith.constant dense<0.000000e+00> : vector<1000x1024xf32>
    %dot_general3A_23 = tpu.matmul %get3A_18, %get3A_21, %dot_general3A_22 {dimension_numbers = #tpu.dot_dimension_numbers<[1], [0], [0], [1], [0, 0, 1, 1], [], []>, precision = #tpu.contract_precision<fp32>, transpose_lhs_hint = false} : vector<1000x128xf32>, vector<128x1024xf32>, vector<1000x1024xf32> -> vector<1000x1024xf32>
    %add3A_24 = arith.addf %add3A_15, %dot_general3A_23 : vector<1000x1024xf32>
    %get3A_25 = arith.constant 0 : index
    %get3A_26 = arith.constant 0 : index
    %get3A_27 = vector.load %arg4[%get3A_25, %get3A_26] : memref<1000x128xf32, #tpu.memory_space<vmem>>, vector<1000x128xf32>
    %get3A_28 = arith.constant 384 : index
    %get3A_29 = arith.constant 0 : index
    %get3A_30 = vector.load %arg8[%get3A_28, %get3A_29] : memref<896x1024xf32, #tpu.memory_space<vmem>>, vector<128x1024xf32>
    %dot_general3A_31 = arith.constant dense<0.000000e+00> : vector<1000x1024xf32>
    %dot_general3A_32 = tpu.matmul %get3A_27, %get3A_30, %dot_general3A_31 {dimension_numbers = #tpu.dot_dimension_numbers<[1], [0], [0], [1], [0, 0, 1, 1], [], []>, precision = #tpu.contract_precision<fp32>, transpose_lhs_hint = false} : vector<1000x128xf32>, vector<128x1024xf32>, vector<1000x1024xf32> -> vector<1000x1024xf32>
    %add3A_33 = arith.addf %add3A_24, %dot_general3A_32 : vector<1000x1024xf32>
    %get3A_34 = arith.constant 0 : index
    %get3A_35 = arith.constant 0 : index
    %get3A_36 = vector.load %arg5[%get3A_34, %get3A_35] : memref<1000x128xf32, #tpu.memory_space<vmem>>, vector<1000x128xf32>
    %get3A_37 = arith.constant 512 : index
    %get3A_38 = arith.constant 0 : index
    %get3A_39 = vector.load %arg8[%get3A_37, %get3A_38] : memref<896x1024xf32, #tpu.memory_space<vmem>>, vector<128x1024xf32>
    %dot_general3A_40 = arith.constant dense<0.000000e+00> : vector<1000x1024xf32>
    %dot_general3A_41 = tpu.matmul %get3A_36, %get3A_39, %dot_general3A_40 {dimension_numbers = #tpu.dot_dimension_numbers<[1], [0], [0], [1], [0, 0, 1, 1], [], []>, precision = #tpu.contract_precision<fp32>, transpose_lhs_hint = false} : vector<1000x128xf32>, vector<128x1024xf32>, vector<1000x1024xf32> -> vector<1000x1024xf32>
    %add3A_42 = arith.addf %add3A_33, %dot_general3A_41 : vector<1000x1024xf32>
    %get3A_43 = arith.constant 0 : index
    %get3A_44 = arith.constant 0 : index
    %get3A_45 = vector.load %arg6[%get3A_43, %get3A_44] : memref<1000x128xf32, #tpu.memory_space<vmem>>, vector<1000x128xf32>
    %get3A_46 = arith.constant 640 : index
    %get3A_47 = arith.constant 0 : index
    %get3A_48 = vector.load %arg8[%get3A_46, %get3A_47] : memref<896x1024xf32, #tpu.memory_space<vmem>>, vector<128x1024xf32>
    %dot_general3A_49 = arith.constant dense<0.000000e+00> : vector<1000x1024xf32>
    %dot_general3A_50 = tpu.matmul %get3A_45, %get3A_48, %dot_general3A_49 {dimension_numbers = #tpu.dot_dimension_numbers<[1], [0], [0], [1], [0, 0, 1, 1], [], []>, precision = #tpu.contract_precision<fp32>, transpose_lhs_hint = false} : vector<1000x128xf32>, vector<128x1024xf32>, vector<1000x1024xf32> -> vector<1000x1024xf32>
    %add3A_51 = arith.addf %add3A_42, %dot_general3A_50 : vector<1000x1024xf32>
    %get3A_52 = arith.constant 0 : index
    %get3A_53 = arith.constant 0 : index
    %get3A_54 = vector.load %arg7[%get3A_52, %get3A_53] : memref<1000x128xf32, #tpu.memory_space<vmem>>, vector<1000x128xf32>
    %get3A_55 = arith.constant 768 : index
    %get3A_56 = arith.constant 0 : index
    %get3A_57 = vector.load %arg8[%get3A_55, %get3A_56] : memref<896x1024xf32, #tpu.memory_space<vmem>>, vector<128x1024xf32>
    %dot_general3A_58 = arith.constant dense<0.000000e+00> : vector<1000x1024xf32>
    %dot_general3A_59 = tpu.matmul %get3A_54, %get3A_57, %dot_general3A_58 {dimension_numbers = #tpu.dot_dimension_numbers<[1], [0], [0], [1], [0, 0, 1, 1], [], []>, precision = #tpu.contract_precision<fp32>, transpose_lhs_hint = false} : vector<1000x128xf32>, vector<128x1024xf32>, vector<1000x1024xf32> -> vector<1000x1024xf32>
    %add3A_60 = arith.addf %add3A_51, %dot_general3A_59 : vector<1000x1024xf32>
    %swap3A = arith.constant 0 : index
    %swap3A_61 = arith.constant 0 : index
    %swap3A_62 = vector.load %arg9[%swap3A, %swap3A_61] : memref<1000x1024xf32, #tpu.memory_space<vmem>>, vector<1000x1024xf32>
    tpu.vector_store %arg9[%swap3A, %swap3A_61], %add3A_60 {strides = array<i32>} : memref<1000x1024xf32, #tpu.memory_space<vmem>>, vector<1000x1024xf32>,
    %eq3A = arith.constant 0 : i32
    %eq3A_63 = arith.cmpi eq, %arg0, %eq3A : i32
    %convert_element_type3A = arith.extui %eq3A_63 : i1 to i32
    %cond3A = arith.constant 0 : i32
    %cond3A_64 = arith.cmpi ne, %convert_element_type3A, %cond3A : i32
    scf.if %cond3A_64 {
      %broadcast_in_dim3A_84 = arith.constant 0.000000e+00 : f32
      %broadcast_in_dim3A_85 = vector.broadcast %broadcast_in_dim3A_84 : f32 to vector<8x1024xf32>
      %swap3A_86 = arith.constant 0 : index
      %swap3A_87 = arith.constant 0 : index
      %swap3A_88 = vector.load %arg10[%swap3A_86, %swap3A_87] : memref<8x1024xf32, #tpu.memory_space<vmem>>, vector<8x1024xf32>
      tpu.vector_store %arg10[%swap3A_86, %swap3A_87], %broadcast_in_dim3A_85 {strides = array<i32>} : memref<8x1024xf32, #tpu.memory_space<vmem>>, vector<8x1024xf32>,
    } else {
    }
    %get3A_65 = arith.constant 0 : index
    %get3A_66 = arith.constant 0 : index
    %get3A_67 = vector.load %arg10[%get3A_65, %get3A_66] : memref<8x1024xf32, #tpu.memory_space<vmem>>, vector<1x1024xf32>
    %reduce_sum3A = arith.constant dense<0.000000e+00> : vector<1024xf32>
    %reduce_sum3A_68 = vector.multi_reduction <add>, %add3A_60, %reduce_sum3A [0] : vector<1000x1024xf32> to vector<1024xf32>
    %broadcast_in_dim3A_69 = vector.shape_cast %reduce_sum3A_68 : vector<1024xf32> to vector<1x1024xf32>
    %add3A_70 = arith.addf %get3A_67, %broadcast_in_dim3A_69 : vector<1x1024xf32>
    %swap3A_71 = arith.constant 0 : index
    %swap3A_72 = arith.constant 0 : index
    %swap3A_73 = vector.load %arg10[%swap3A_71, %swap3A_72] : memref<8x1024xf32, #tpu.memory_space<vmem>>, vector<1x1024xf32>
    tpu.vector_store %arg10[%swap3A_71, %swap3A_72], %add3A_70 {strides = array<i32>} : memref<8x1024xf32, #tpu.memory_space<vmem>>, vector<1x1024xf32>,
    %get3A_74 = arith.constant 1 : index
    %get3A_75 = arith.constant 0 : index
    %get3A_76 = vector.load %arg10[%get3A_74, %get3A_75] : memref<8x1024xf32, #tpu.memory_space<vmem>>, vector<1x1024xf32>
    %mul3A = arith.mulf %add3A_60, %add3A_60 : vector<1000x1024xf32>
    %reduce_sum3A_77 = arith.constant dense<0.000000e+00> : vector<1024xf32>
    %reduce_sum3A_78 = vector.multi_reduction <add>, %mul3A, %reduce_sum3A_77 [0] : vector<1000x1024xf32> to vector<1024xf32>
    %broadcast_in_dim3A_79 = vector.shape_cast %reduce_sum3A_78 : vector<1024xf32> to vector<1x1024xf32>
    %add3A_80 = arith.addf %get3A_76, %broadcast_in_dim3A_79 : vector<1x1024xf32>
    %swap3A_81 = arith.constant 1 : index
    %swap3A_82 = arith.constant 0 : index
    %swap3A_83 = vector.load %arg10[%swap3A_81, %swap3A_82] : memref<8x1024xf32, #tpu.memory_space<vmem>>, vector<1x1024xf32>
    tpu.vector_store %arg10[%swap3A_81, %swap3A_82], %add3A_80 {strides = array<i32>} : memref<8x1024xf32, #tpu.memory_space<vmem>>, vector<1x1024xf32>,
    return
  }
  func.func @transform_0(%arg0: i32) -> (i32, i32) {
    %c0_i32 = arith.constant 0 : i32
    %c0_i32_0 = arith.constant 0 : i32
    return %arg0, %c0_i32 : i32, i32
  }
  func.func @transform_1(%arg0: i32) -> (i32, i32) {
    %c0_i32 = arith.constant 0 : i32
    %c0_i32_0 = arith.constant 0 : i32
    return %arg0, %c0_i32 : i32, i32
  }
  func.func @transform_2(%arg0: i32) -> (i32, i32) {
    %c0_i32 = arith.constant 0 : i32
    %c0_i32_0 = arith.constant 0 : i32
    return %arg0, %c0_i32 : i32, i32
  }
  func.func @transform_3(%arg0: i32) -> (i32, i32) {
    %c0_i32 = arith.constant 0 : i32
    %c0_i32_0 = arith.constant 0 : i32
    return %arg0, %c0_i32 : i32, i32
  }
  func.func @transform_4(%arg0: i32) -> (i32, i32) {
    %c0_i32 = arith.constant 0 : i32
    %c0_i32_0 = arith.constant 0 : i32
    return %arg0, %c0_i32 : i32, i32
  }
  func.func @transform_5(%arg0: i32) -> (i32, i32) {
    %c0_i32 = arith.constant 0 : i32
    %c0_i32_0 = arith.constant 0 : i32
    return %arg0, %c0_i32 : i32, i32
  }
  func.func @transform_6(%arg0: i32) -> (i32, i32) {
    %c0_i32 = arith.constant 0 : i32
    %c0_i32_0 = arith.constant 0 : i32
    return %arg0, %c0_i32 : i32, i32
  }
  func.func @transform_7(%arg0: i32) -> (i32, i32) {
    %c0_i32 = arith.constant 0 : i32
    %c0_i32_0 = arith.constant 0 : i32
    %c0_i32_1 = arith.constant 0 : i32
    return %c0_i32, %c0_i32_0 : i32, i32
  }
  func.func @transform_8(%arg0: i32) -> (i32, i32) {
    %c0_i32 = arith.constant 0 : i32
    %c0_i32_0 = arith.constant 0 : i32
    return %arg0, %c0_i32 : i32, i32
  }
  func.func @transform_9(%arg0: i32) -> (i32, i32) {
    %c0_i32 = arith.constant 0 : i32
    %c0_i32_0 = arith.constant 0 : i32
    %c0_i32_1 = arith.constant 0 : i32
    return %c0_i32, %c0_i32_0 : i32, i32
  }
}

module attributes {stable_mosaic.version = 14 : i64} {
  func.func @body(%arg0: i32, %arg1: memref<1000x1024xf32, #tpu.memory_space<vmem>>, %arg2: memref<8x1024xf32, #tpu.memory_space<vmem>>, %arg3: memref<8x1024xf32, #tpu.memory_space<vmem>>, %arg4: memref<1000x8xf32, #tpu.memory_space<vmem>>, %arg5: memref<1000x1xf32, #tpu.memory_space<vmem>>, %arg6: memref<32x1024xf32, #tpu.memory_space<vmem>>) attributes {dimension_semantics = [#tpu.dimension_semantics<arbitrary>], iteration_bounds = array<i64: 10>, scalar_prefetch = 0 : i64, scratch_operands = 0 : i64, tpu.core_type = #tpu.core_type<tc>, window_params = [{transform_indices = @transform_0, window_bounds = array<i64: 1000, 1024>}, {pipeline_mode = #tpu.pipeline_mode<synchronous>, transform_indices = @transform_1, window_bounds = array<i64: 8, 1024>}, {pipeline_mode = #tpu.pipeline_mode<synchronous>, transform_indices = @transform_2, window_bounds = array<i64: 8, 1024>}, {transform_indices = @transform_3, window_bounds = array<i64: 1000, 8>}, {transform_indices = @transform_4, window_bounds = array<i64: 1000, 1>}, {pipeline_mode = #tpu.pipeline_mode<synchronous>, transform_indices = @transform_5, window_bounds = array<i64: 32, 1024>}]} {
    %get3A = arith.constant 0 : index
    %get3A_0 = arith.constant 0 : index
    %get3A_1 = vector.load %arg2[%get3A, %get3A_0] : memref<8x1024xf32, #tpu.memory_space<vmem>>, vector<1x1024xf32>
    %mul3A = arith.constant 9.99999974E-5 : f32
    %mul3A_2 = vector.broadcast %mul3A : f32 to vector<1x1024xf32>
    %mul3A_3 = arith.mulf %get3A_1, %mul3A_2 : vector<1x1024xf32>
    %get3A_4 = arith.constant 1 : index
    %get3A_5 = arith.constant 0 : index
    %get3A_6 = vector.load %arg2[%get3A_4, %get3A_5] : memref<8x1024xf32, #tpu.memory_space<vmem>>, vector<1x1024xf32>
    %mul3A_7 = arith.constant 9.99999974E-5 : f32
    %mul3A_8 = vector.broadcast %mul3A_7 : f32 to vector<1x1024xf32>
    %mul3A_9 = arith.mulf %get3A_6, %mul3A_8 : vector<1x1024xf32>
    %mul3A_10 = arith.mulf %mul3A_3, %mul3A_3 : vector<1x1024xf32>
    %sub3A = arith.subf %mul3A_9, %mul3A_10 : vector<1x1024xf32>
    %get3A_11 = arith.constant 0 : index
    %get3A_12 = arith.constant 0 : index
    %get3A_13 = vector.load %arg1[%get3A_11, %get3A_12] : memref<1000x1024xf32, #tpu.memory_space<vmem>>, vector<1000x1024xf32>
    %get3A_14 = arith.constant 0 : index
    %get3A_15 = arith.constant 0 : index
    %get3A_16 = vector.load %arg3[%get3A_14, %get3A_15] : memref<8x1024xf32, #tpu.memory_space<vmem>>, vector<1x1024xf32>
    %sub3A_17 = vector.broadcast %mul3A_3 : vector<1x1024xf32> to vector<1000x1024xf32>
    %sub3A_18 = arith.subf %get3A_13, %sub3A_17 : vector<1000x1024xf32>
    %mul3A_19 = vector.broadcast %get3A_16 : vector<1x1024xf32> to vector<1000x1024xf32>
    %mul3A_20 = arith.mulf %mul3A_19, %sub3A_18 : vector<1000x1024xf32>
    %add3A = arith.constant 9.99999974E-6 : f32
    %add3A_21 = vector.broadcast %add3A : f32 to vector<1x1024xf32>
    %add3A_22 = arith.addf %sub3A, %add3A_21 : vector<1x1024xf32>
    %rsqrt3A = math.rsqrt %add3A_22 : vector<1x1024xf32>
    %mul3A_23 = vector.broadcast %rsqrt3A : vector<1x1024xf32> to vector<1000x1024xf32>
    %mul3A_24 = arith.mulf %mul3A_20, %mul3A_23 : vector<1000x1024xf32>
    %get3A_25 = arith.constant 1 : index
    %get3A_26 = arith.constant 0 : index
    %get3A_27 = vector.load %arg3[%get3A_25, %get3A_26] : memref<8x1024xf32, #tpu.memory_space<vmem>>, vector<1x1024xf32>
    %add3A_28 = vector.broadcast %get3A_27 : vector<1x1024xf32> to vector<1000x1024xf32>
    %add3A_29 = arith.addf %mul3A_24, %add3A_28 : vector<1000x1024xf32>
    %max3A = arith.constant 0.000000e+00 : f32
    %max3A_30 = vector.broadcast %max3A : f32 to vector<1000x1024xf32>
    %max3A_31 = arith.maximumf %add3A_29, %max3A_30 : vector<1000x1024xf32>
    %eq3A = arith.constant 0 : i32
    %eq3A_32 = arith.cmpi eq, %arg0, %eq3A : i32
    %convert_element_type3A = arith.extui %eq3A_32 : i1 to i32
    %cond3A = arith.constant 0 : i32
    %cond3A_33 = arith.cmpi ne, %convert_element_type3A, %cond3A : i32
    scf.if %cond3A_33 {
      %broadcast_in_dim3A_608 = arith.constant 0xFF800000 : f32
      %broadcast_in_dim3A_609 = vector.broadcast %broadcast_in_dim3A_608 : f32 to vector<32x1024xf32>
      %swap3A_610 = arith.constant 0 : index
      %swap3A_611 = arith.constant 0 : index
      %swap3A_612 = vector.load %arg6[%swap3A_610, %swap3A_611] : memref<32x1024xf32, #tpu.memory_space<vmem>>, vector<32x1024xf32>
      tpu.vector_store %arg6[%swap3A_610, %swap3A_611], %broadcast_in_dim3A_609 {strides = array<i32>} : memref<32x1024xf32, #tpu.memory_space<vmem>>, vector<32x1024xf32>,
    } else {
    }
    %get3A_34 = arith.constant 0 : index
    %get3A_35 = arith.constant 0 : index
    %get3A_36 = vector.load %arg5[%get3A_34, %get3A_35] : memref<1000x1xf32, #tpu.memory_space<vmem>>, vector<1000x1xf32>
    %eq3A_37 = arith.constant 0.000000e+00 : f32
    %eq3A_38 = vector.broadcast %eq3A_37 : f32 to vector<1000x1xf32>
    %eq3A_39 = arith.cmpf oeq, %get3A_36, %eq3A_38 : vector<1000x1xf32>
    %jit3A = arith.constant 0xFF800000 : f32
    %broadcast_in_dim3A = vector.shape_cast %eq3A_39 : vector<1000x1xi1> to vector<1000x1xi1>
    %broadcast_in_dim3A_40 = vector.broadcast %broadcast_in_dim3A : vector<1000x1xi1> to vector<1000x1024xi1>
    %broadcast_in_dim3A_41 = vector.broadcast %jit3A : f32 to vector<1000x1024xf32>
    %select_n3A = arith.select %broadcast_in_dim3A_40, %max3A_31, %broadcast_in_dim3A_41 : vector<1000x1024xi1>, vector<1000x1024xf32>
    %reduce_max3A = arith.constant dense<0xFF800000> : vector<1024xf32>
    %reduce_max3A_42 = vector.multi_reduction <maximumf>, %select_n3A, %reduce_max3A [0] : vector<1000x1024xf32> to vector<1024xf32>
    %broadcast_in_dim3A_43 = vector.shape_cast %reduce_max3A_42 : vector<1024xf32> to vector<1x1024xf32>
    %get3A_44 = arith.constant 0 : index
    %get3A_45 = arith.constant 0 : index
    %get3A_46 = vector.load %arg6[%get3A_44, %get3A_45] : memref<32x1024xf32, #tpu.memory_space<vmem>>, vector<1x1024xf32>
    %max3A_47 = arith.maximumf %get3A_46, %broadcast_in_dim3A_43 : vector<1x1024xf32>
    %swap3A = arith.constant 0 : index
    %swap3A_48 = arith.constant 0 : index
    %swap3A_49 = vector.load %arg6[%swap3A, %swap3A_48] : memref<32x1024xf32, #tpu.memory_space<vmem>>, vector<1x1024xf32>
    tpu.vector_store %arg6[%swap3A, %swap3A_48], %max3A_47 {strides = array<i32>} : memref<32x1024xf32, #tpu.memory_space<vmem>>, vector<1x1024xf32>,
    %eq3A_50 = arith.constant 1.000000e+00 : f32
    %eq3A_51 = vector.broadcast %eq3A_50 : f32 to vector<1000x1xf32>
    %eq3A_52 = arith.cmpf oeq, %get3A_36, %eq3A_51 : vector<1000x1xf32>
    %jit3A_53 = arith.constant 0xFF800000 : f32
    %broadcast_in_dim3A_54 = vector.shape_cast %eq3A_52 : vector<1000x1xi1> to vector<1000x1xi1>
    %broadcast_in_dim3A_55 = vector.broadcast %broadcast_in_dim3A_54 : vector<1000x1xi1> to vector<1000x1024xi1>
    %broadcast_in_dim3A_56 = vector.broadcast %jit3A_53 : f32 to vector<1000x1024xf32>
    %select_n3A_57 = arith.select %broadcast_in_dim3A_55, %max3A_31, %broadcast_in_dim3A_56 : vector<1000x1024xi1>, vector<1000x1024xf32>
    %reduce_max3A_58 = arith.constant dense<0xFF800000> : vector<1024xf32>
    %reduce_max3A_59 = vector.multi_reduction <maximumf>, %select_n3A_57, %reduce_max3A_58 [0] : vector<1000x1024xf32> to vector<1024xf32>
    %broadcast_in_dim3A_60 = vector.shape_cast %reduce_max3A_59 : vector<1024xf32> to vector<1x1024xf32>
    %get3A_61 = arith.constant 1 : index
    %get3A_62 = arith.constant 0 : index
    %get3A_63 = vector.load %arg6[%get3A_61, %get3A_62] : memref<32x1024xf32, #tpu.memory_space<vmem>>, vector<1x1024xf32>
    %max3A_64 = arith.maximumf %get3A_63, %broadcast_in_dim3A_60 : vector<1x1024xf32>
    %swap3A_65 = arith.constant 1 : index
    %swap3A_66 = arith.constant 0 : index
    %swap3A_67 = vector.load %arg6[%swap3A_65, %swap3A_66] : memref<32x1024xf32, #tpu.memory_space<vmem>>, vector<1x1024xf32>
    tpu.vector_store %arg6[%swap3A_65, %swap3A_66], %max3A_64 {strides = array<i32>} : memref<32x1024xf32, #tpu.memory_space<vmem>>, vector<1x1024xf32>,
    %eq3A_68 = arith.constant 2.000000e+00 : f32
    %eq3A_69 = vector.broadcast %eq3A_68 : f32 to vector<1000x1xf32>
    %eq3A_70 = arith.cmpf oeq, %get3A_36, %eq3A_69 : vector<1000x1xf32>
    %jit3A_71 = arith.constant 0xFF800000 : f32
    %broadcast_in_dim3A_72 = vector.shape_cast %eq3A_70 : vector<1000x1xi1> to vector<1000x1xi1>
    %broadcast_in_dim3A_73 = vector.broadcast %broadcast_in_dim3A_72 : vector<1000x1xi1> to vector<1000x1024xi1>
    %broadcast_in_dim3A_74 = vector.broadcast %jit3A_71 : f32 to vector<1000x1024xf32>
    %select_n3A_75 = arith.select %broadcast_in_dim3A_73, %max3A_31, %broadcast_in_dim3A_74 : vector<1000x1024xi1>, vector<1000x1024xf32>
    %reduce_max3A_76 = arith.constant dense<0xFF800000> : vector<1024xf32>
    %reduce_max3A_77 = vector.multi_reduction <maximumf>, %select_n3A_75, %reduce_max3A_76 [0] : vector<1000x1024xf32> to vector<1024xf32>
    %broadcast_in_dim3A_78 = vector.shape_cast %reduce_max3A_77 : vector<1024xf32> to vector<1x1024xf32>
    %get3A_79 = arith.constant 2 : index
    %get3A_80 = arith.constant 0 : index
    %get3A_81 = vector.load %arg6[%get3A_79, %get3A_80] : memref<32x1024xf32, #tpu.memory_space<vmem>>, vector<1x1024xf32>
    %max3A_82 = arith.maximumf %get3A_81, %broadcast_in_dim3A_78 : vector<1x1024xf32>
    %swap3A_83 = arith.constant 2 : index
    %swap3A_84 = arith.constant 0 : index
    %swap3A_85 = vector.load %arg6[%swap3A_83, %swap3A_84] : memref<32x1024xf32, #tpu.memory_space<vmem>>, vector<1x1024xf32>
    tpu.vector_store %arg6[%swap3A_83, %swap3A_84], %max3A_82 {strides = array<i32>} : memref<32x1024xf32, #tpu.memory_space<vmem>>, vector<1x1024xf32>,
    %eq3A_86 = arith.constant 3.000000e+00 : f32
    %eq3A_87 = vector.broadcast %eq3A_86 : f32 to vector<1000x1xf32>
    %eq3A_88 = arith.cmpf oeq, %get3A_36, %eq3A_87 : vector<1000x1xf32>
    %jit3A_89 = arith.constant 0xFF800000 : f32
    %broadcast_in_dim3A_90 = vector.shape_cast %eq3A_88 : vector<1000x1xi1> to vector<1000x1xi1>
    %broadcast_in_dim3A_91 = vector.broadcast %broadcast_in_dim3A_90 : vector<1000x1xi1> to vector<1000x1024xi1>
    %broadcast_in_dim3A_92 = vector.broadcast %jit3A_89 : f32 to vector<1000x1024xf32>
    %select_n3A_93 = arith.select %broadcast_in_dim3A_91, %max3A_31, %broadcast_in_dim3A_92 : vector<1000x1024xi1>, vector<1000x1024xf32>
    %reduce_max3A_94 = arith.constant dense<0xFF800000> : vector<1024xf32>
    %reduce_max3A_95 = vector.multi_reduction <maximumf>, %select_n3A_93, %reduce_max3A_94 [0] : vector<1000x1024xf32> to vector<1024xf32>
    %broadcast_in_dim3A_96 = vector.shape_cast %reduce_max3A_95 : vector<1024xf32> to vector<1x1024xf32>
    %get3A_97 = arith.constant 3 : index
    %get3A_98 = arith.constant 0 : index
    %get3A_99 = vector.load %arg6[%get3A_97, %get3A_98] : memref<32x1024xf32, #tpu.memory_space<vmem>>, vector<1x1024xf32>
    %max3A_100 = arith.maximumf %get3A_99, %broadcast_in_dim3A_96 : vector<1x1024xf32>
    %swap3A_101 = arith.constant 3 : index
    %swap3A_102 = arith.constant 0 : index
    %swap3A_103 = vector.load %arg6[%swap3A_101, %swap3A_102] : memref<32x1024xf32, #tpu.memory_space<vmem>>, vector<1x1024xf32>
    tpu.vector_store %arg6[%swap3A_101, %swap3A_102], %max3A_100 {strides = array<i32>} : memref<32x1024xf32, #tpu.memory_space<vmem>>, vector<1x1024xf32>,
    %eq3A_104 = arith.constant 4.000000e+00 : f32
    %eq3A_105 = vector.broadcast %eq3A_104 : f32 to vector<1000x1xf32>
    %eq3A_106 = arith.cmpf oeq, %get3A_36, %eq3A_105 : vector<1000x1xf32>
    %jit3A_107 = arith.constant 0xFF800000 : f32
    %broadcast_in_dim3A_108 = vector.shape_cast %eq3A_106 : vector<1000x1xi1> to vector<1000x1xi1>
    %broadcast_in_dim3A_109 = vector.broadcast %broadcast_in_dim3A_108 : vector<1000x1xi1> to vector<1000x1024xi1>
    %broadcast_in_dim3A_110 = vector.broadcast %jit3A_107 : f32 to vector<1000x1024xf32>
    %select_n3A_111 = arith.select %broadcast_in_dim3A_109, %max3A_31, %broadcast_in_dim3A_110 : vector<1000x1024xi1>, vector<1000x1024xf32>
    %reduce_max3A_112 = arith.constant dense<0xFF800000> : vector<1024xf32>
    %reduce_max3A_113 = vector.multi_reduction <maximumf>, %select_n3A_111, %reduce_max3A_112 [0] : vector<1000x1024xf32> to vector<1024xf32>
    %broadcast_in_dim3A_114 = vector.shape_cast %reduce_max3A_113 : vector<1024xf32> to vector<1x1024xf32>
    %get3A_115 = arith.constant 4 : index
    %get3A_116 = arith.constant 0 : index
    %get3A_117 = vector.load %arg6[%get3A_115, %get3A_116] : memref<32x1024xf32, #tpu.memory_space<vmem>>, vector<1x1024xf32>
    %max3A_118 = arith.maximumf %get3A_117, %broadcast_in_dim3A_114 : vector<1x1024xf32>
    %swap3A_119 = arith.constant 4 : index
    %swap3A_120 = arith.constant 0 : index
    %swap3A_121 = vector.load %arg6[%swap3A_119, %swap3A_120] : memref<32x1024xf32, #tpu.memory_space<vmem>>, vector<1x1024xf32>
    tpu.vector_store %arg6[%swap3A_119, %swap3A_120], %max3A_118 {strides = array<i32>} : memref<32x1024xf32, #tpu.memory_space<vmem>>, vector<1x1024xf32>,
    %eq3A_122 = arith.constant 5.000000e+00 : f32
    %eq3A_123 = vector.broadcast %eq3A_122 : f32 to vector<1000x1xf32>
    %eq3A_124 = arith.cmpf oeq, %get3A_36, %eq3A_123 : vector<1000x1xf32>
    %jit3A_125 = arith.constant 0xFF800000 : f32
    %broadcast_in_dim3A_126 = vector.shape_cast %eq3A_124 : vector<1000x1xi1> to vector<1000x1xi1>
    %broadcast_in_dim3A_127 = vector.broadcast %broadcast_in_dim3A_126 : vector<1000x1xi1> to vector<1000x1024xi1>
    %broadcast_in_dim3A_128 = vector.broadcast %jit3A_125 : f32 to vector<1000x1024xf32>
    %select_n3A_129 = arith.select %broadcast_in_dim3A_127, %max3A_31, %broadcast_in_dim3A_128 : vector<1000x1024xi1>, vector<1000x1024xf32>
    %reduce_max3A_130 = arith.constant dense<0xFF800000> : vector<1024xf32>
    %reduce_max3A_131 = vector.multi_reduction <maximumf>, %select_n3A_129, %reduce_max3A_130 [0] : vector<1000x1024xf32> to vector<1024xf32>
    %broadcast_in_dim3A_132 = vector.shape_cast %reduce_max3A_131 : vector<1024xf32> to vector<1x1024xf32>
    %get3A_133 = arith.constant 5 : index
    %get3A_134 = arith.constant 0 : index
    %get3A_135 = vector.load %arg6[%get3A_133, %get3A_134] : memref<32x1024xf32, #tpu.memory_space<vmem>>, vector<1x1024xf32>
    %max3A_136 = arith.maximumf %get3A_135, %broadcast_in_dim3A_132 : vector<1x1024xf32>
    %swap3A_137 = arith.constant 5 : index
    %swap3A_138 = arith.constant 0 : index
    %swap3A_139 = vector.load %arg6[%swap3A_137, %swap3A_138] : memref<32x1024xf32, #tpu.memory_space<vmem>>, vector<1x1024xf32>
    tpu.vector_store %arg6[%swap3A_137, %swap3A_138], %max3A_136 {strides = array<i32>} : memref<32x1024xf32, #tpu.memory_space<vmem>>, vector<1x1024xf32>,
    %eq3A_140 = arith.constant 6.000000e+00 : f32
    %eq3A_141 = vector.broadcast %eq3A_140 : f32 to vector<1000x1xf32>
    %eq3A_142 = arith.cmpf oeq, %get3A_36, %eq3A_141 : vector<1000x1xf32>
    %jit3A_143 = arith.constant 0xFF800000 : f32
    %broadcast_in_dim3A_144 = vector.shape_cast %eq3A_142 : vector<1000x1xi1> to vector<1000x1xi1>
    %broadcast_in_dim3A_145 = vector.broadcast %broadcast_in_dim3A_144 : vector<1000x1xi1> to vector<1000x1024xi1>
    %broadcast_in_dim3A_146 = vector.broadcast %jit3A_143 : f32 to vector<1000x1024xf32>
    %select_n3A_147 = arith.select %broadcast_in_dim3A_145, %max3A_31, %broadcast_in_dim3A_146 : vector<1000x1024xi1>, vector<1000x1024xf32>
    %reduce_max3A_148 = arith.constant dense<0xFF800000> : vector<1024xf32>
    %reduce_max3A_149 = vector.multi_reduction <maximumf>, %select_n3A_147, %reduce_max3A_148 [0] : vector<1000x1024xf32> to vector<1024xf32>
    %broadcast_in_dim3A_150 = vector.shape_cast %reduce_max3A_149 : vector<1024xf32> to vector<1x1024xf32>
    %get3A_151 = arith.constant 6 : index
    %get3A_152 = arith.constant 0 : index
    %get3A_153 = vector.load %arg6[%get3A_151, %get3A_152] : memref<32x1024xf32, #tpu.memory_space<vmem>>, vector<1x1024xf32>
    %max3A_154 = arith.maximumf %get3A_153, %broadcast_in_dim3A_150 : vector<1x1024xf32>
    %swap3A_155 = arith.constant 6 : index
    %swap3A_156 = arith.constant 0 : index
    %swap3A_157 = vector.load %arg6[%swap3A_155, %swap3A_156] : memref<32x1024xf32, #tpu.memory_space<vmem>>, vector<1x1024xf32>
    tpu.vector_store %arg6[%swap3A_155, %swap3A_156], %max3A_154 {strides = array<i32>} : memref<32x1024xf32, #tpu.memory_space<vmem>>, vector<1x1024xf32>,
    %eq3A_158 = arith.constant 7.000000e+00 : f32
    %eq3A_159 = vector.broadcast %eq3A_158 : f32 to vector<1000x1xf32>
    %eq3A_160 = arith.cmpf oeq, %get3A_36, %eq3A_159 : vector<1000x1xf32>
    %jit3A_161 = arith.constant 0xFF800000 : f32
    %broadcast_in_dim3A_162 = vector.shape_cast %eq3A_160 : vector<1000x1xi1> to vector<1000x1xi1>
    %broadcast_in_dim3A_163 = vector.broadcast %broadcast_in_dim3A_162 : vector<1000x1xi1> to vector<1000x1024xi1>
    %broadcast_in_dim3A_164 = vector.broadcast %jit3A_161 : f32 to vector<1000x1024xf32>
    %select_n3A_165 = arith.select %broadcast_in_dim3A_163, %max3A_31, %broadcast_in_dim3A_164 : vector<1000x1024xi1>, vector<1000x1024xf32>
    %reduce_max3A_166 = arith.constant dense<0xFF800000> : vector<1024xf32>
    %reduce_max3A_167 = vector.multi_reduction <maximumf>, %select_n3A_165, %reduce_max3A_166 [0] : vector<1000x1024xf32> to vector<1024xf32>
    %broadcast_in_dim3A_168 = vector.shape_cast %reduce_max3A_167 : vector<1024xf32> to vector<1x1024xf32>
    %get3A_169 = arith.constant 7 : index
    %get3A_170 = arith.constant 0 : index
    %get3A_171 = vector.load %arg6[%get3A_169, %get3A_170] : memref<32x1024xf32, #tpu.memory_space<vmem>>, vector<1x1024xf32>
    %max3A_172 = arith.maximumf %get3A_171, %broadcast_in_dim3A_168 : vector<1x1024xf32>
    %swap3A_173 = arith.constant 7 : index
    %swap3A_174 = arith.constant 0 : index
    %swap3A_175 = vector.load %arg6[%swap3A_173, %swap3A_174] : memref<32x1024xf32, #tpu.memory_space<vmem>>, vector<1x1024xf32>
    tpu.vector_store %arg6[%swap3A_173, %swap3A_174], %max3A_172 {strides = array<i32>} : memref<32x1024xf32, #tpu.memory_space<vmem>>, vector<1x1024xf32>,
    %eq3A_176 = arith.constant 8.000000e+00 : f32
    %eq3A_177 = vector.broadcast %eq3A_176 : f32 to vector<1000x1xf32>
    %eq3A_178 = arith.cmpf oeq, %get3A_36, %eq3A_177 : vector<1000x1xf32>
    %jit3A_179 = arith.constant 0xFF800000 : f32
    %broadcast_in_dim3A_180 = vector.shape_cast %eq3A_178 : vector<1000x1xi1> to vector<1000x1xi1>
    %broadcast_in_dim3A_181 = vector.broadcast %broadcast_in_dim3A_180 : vector<1000x1xi1> to vector<1000x1024xi1>
    %broadcast_in_dim3A_182 = vector.broadcast %jit3A_179 : f32 to vector<1000x1024xf32>
    %select_n3A_183 = arith.select %broadcast_in_dim3A_181, %max3A_31, %broadcast_in_dim3A_182 : vector<1000x1024xi1>, vector<1000x1024xf32>
    %reduce_max3A_184 = arith.constant dense<0xFF800000> : vector<1024xf32>
    %reduce_max3A_185 = vector.multi_reduction <maximumf>, %select_n3A_183, %reduce_max3A_184 [0] : vector<1000x1024xf32> to vector<1024xf32>
    %broadcast_in_dim3A_186 = vector.shape_cast %reduce_max3A_185 : vector<1024xf32> to vector<1x1024xf32>
    %get3A_187 = arith.constant 8 : index
    %get3A_188 = arith.constant 0 : index
    %get3A_189 = vector.load %arg6[%get3A_187, %get3A_188] : memref<32x1024xf32, #tpu.memory_space<vmem>>, vector<1x1024xf32>
    %max3A_190 = arith.maximumf %get3A_189, %broadcast_in_dim3A_186 : vector<1x1024xf32>
    %swap3A_191 = arith.constant 8 : index
    %swap3A_192 = arith.constant 0 : index
    %swap3A_193 = vector.load %arg6[%swap3A_191, %swap3A_192] : memref<32x1024xf32, #tpu.memory_space<vmem>>, vector<1x1024xf32>
    tpu.vector_store %arg6[%swap3A_191, %swap3A_192], %max3A_190 {strides = array<i32>} : memref<32x1024xf32, #tpu.memory_space<vmem>>, vector<1x1024xf32>,
    %eq3A_194 = arith.constant 9.000000e+00 : f32
    %eq3A_195 = vector.broadcast %eq3A_194 : f32 to vector<1000x1xf32>
    %eq3A_196 = arith.cmpf oeq, %get3A_36, %eq3A_195 : vector<1000x1xf32>
    %jit3A_197 = arith.constant 0xFF800000 : f32
    %broadcast_in_dim3A_198 = vector.shape_cast %eq3A_196 : vector<1000x1xi1> to vector<1000x1xi1>
    %broadcast_in_dim3A_199 = vector.broadcast %broadcast_in_dim3A_198 : vector<1000x1xi1> to vector<1000x1024xi1>
    %broadcast_in_dim3A_200 = vector.broadcast %jit3A_197 : f32 to vector<1000x1024xf32>
    %select_n3A_201 = arith.select %broadcast_in_dim3A_199, %max3A_31, %broadcast_in_dim3A_200 : vector<1000x1024xi1>, vector<1000x1024xf32>
    %reduce_max3A_202 = arith.constant dense<0xFF800000> : vector<1024xf32>
    %reduce_max3A_203 = vector.multi_reduction <maximumf>, %select_n3A_201, %reduce_max3A_202 [0] : vector<1000x1024xf32> to vector<1024xf32>
    %broadcast_in_dim3A_204 = vector.shape_cast %reduce_max3A_203 : vector<1024xf32> to vector<1x1024xf32>
    %get3A_205 = arith.constant 9 : index
    %get3A_206 = arith.constant 0 : index
    %get3A_207 = vector.load %arg6[%get3A_205, %get3A_206] : memref<32x1024xf32, #tpu.memory_space<vmem>>, vector<1x1024xf32>
    %max3A_208 = arith.maximumf %get3A_207, %broadcast_in_dim3A_204 : vector<1x1024xf32>
    %swap3A_209 = arith.constant 9 : index
    %swap3A_210 = arith.constant 0 : index
    %swap3A_211 = vector.load %arg6[%swap3A_209, %swap3A_210] : memref<32x1024xf32, #tpu.memory_space<vmem>>, vector<1x1024xf32>
    tpu.vector_store %arg6[%swap3A_209, %swap3A_210], %max3A_208 {strides = array<i32>} : memref<32x1024xf32, #tpu.memory_space<vmem>>, vector<1x1024xf32>,
    %eq3A_212 = arith.constant 1.000000e+01 : f32
    %eq3A_213 = vector.broadcast %eq3A_212 : f32 to vector<1000x1xf32>
    %eq3A_214 = arith.cmpf oeq, %get3A_36, %eq3A_213 : vector<1000x1xf32>
    %jit3A_215 = arith.constant 0xFF800000 : f32
    %broadcast_in_dim3A_216 = vector.shape_cast %eq3A_214 : vector<1000x1xi1> to vector<1000x1xi1>
    %broadcast_in_dim3A_217 = vector.broadcast %broadcast_in_dim3A_216 : vector<1000x1xi1> to vector<1000x1024xi1>
    %broadcast_in_dim3A_218 = vector.broadcast %jit3A_215 : f32 to vector<1000x1024xf32>
    %select_n3A_219 = arith.select %broadcast_in_dim3A_217, %max3A_31, %broadcast_in_dim3A_218 : vector<1000x1024xi1>, vector<1000x1024xf32>
    %reduce_max3A_220 = arith.constant dense<0xFF800000> : vector<1024xf32>
    %reduce_max3A_221 = vector.multi_reduction <maximumf>, %select_n3A_219, %reduce_max3A_220 [0] : vector<1000x1024xf32> to vector<1024xf32>
    %broadcast_in_dim3A_222 = vector.shape_cast %reduce_max3A_221 : vector<1024xf32> to vector<1x1024xf32>
    %get3A_223 = arith.constant 10 : index
    %get3A_224 = arith.constant 0 : index
    %get3A_225 = vector.load %arg6[%get3A_223, %get3A_224] : memref<32x1024xf32, #tpu.memory_space<vmem>>, vector<1x1024xf32>
    %max3A_226 = arith.maximumf %get3A_225, %broadcast_in_dim3A_222 : vector<1x1024xf32>
    %swap3A_227 = arith.constant 10 : index
    %swap3A_228 = arith.constant 0 : index
    %swap3A_229 = vector.load %arg6[%swap3A_227, %swap3A_228] : memref<32x1024xf32, #tpu.memory_space<vmem>>, vector<1x1024xf32>
    tpu.vector_store %arg6[%swap3A_227, %swap3A_228], %max3A_226 {strides = array<i32>} : memref<32x1024xf32, #tpu.memory_space<vmem>>, vector<1x1024xf32>,
    %eq3A_230 = arith.constant 1.100000e+01 : f32
    %eq3A_231 = vector.broadcast %eq3A_230 : f32 to vector<1000x1xf32>
    %eq3A_232 = arith.cmpf oeq, %get3A_36, %eq3A_231 : vector<1000x1xf32>
    %jit3A_233 = arith.constant 0xFF800000 : f32
    %broadcast_in_dim3A_234 = vector.shape_cast %eq3A_232 : vector<1000x1xi1> to vector<1000x1xi1>
    %broadcast_in_dim3A_235 = vector.broadcast %broadcast_in_dim3A_234 : vector<1000x1xi1> to vector<1000x1024xi1>
    %broadcast_in_dim3A_236 = vector.broadcast %jit3A_233 : f32 to vector<1000x1024xf32>
    %select_n3A_237 = arith.select %broadcast_in_dim3A_235, %max3A_31, %broadcast_in_dim3A_236 : vector<1000x1024xi1>, vector<1000x1024xf32>
    %reduce_max3A_238 = arith.constant dense<0xFF800000> : vector<1024xf32>
    %reduce_max3A_239 = vector.multi_reduction <maximumf>, %select_n3A_237, %reduce_max3A_238 [0] : vector<1000x1024xf32> to vector<1024xf32>
    %broadcast_in_dim3A_240 = vector.shape_cast %reduce_max3A_239 : vector<1024xf32> to vector<1x1024xf32>
    %get3A_241 = arith.constant 11 : index
    %get3A_242 = arith.constant 0 : index
    %get3A_243 = vector.load %arg6[%get3A_241, %get3A_242] : memref<32x1024xf32, #tpu.memory_space<vmem>>, vector<1x1024xf32>
    %max3A_244 = arith.maximumf %get3A_243, %broadcast_in_dim3A_240 : vector<1x1024xf32>
    %swap3A_245 = arith.constant 11 : index
    %swap3A_246 = arith.constant 0 : index
    %swap3A_247 = vector.load %arg6[%swap3A_245, %swap3A_246] : memref<32x1024xf32, #tpu.memory_space<vmem>>, vector<1x1024xf32>
    tpu.vector_store %arg6[%swap3A_245, %swap3A_246], %max3A_244 {strides = array<i32>} : memref<32x1024xf32, #tpu.memory_space<vmem>>, vector<1x1024xf32>,
    %eq3A_248 = arith.constant 1.200000e+01 : f32
    %eq3A_249 = vector.broadcast %eq3A_248 : f32 to vector<1000x1xf32>
    %eq3A_250 = arith.cmpf oeq, %get3A_36, %eq3A_249 : vector<1000x1xf32>
    %jit3A_251 = arith.constant 0xFF800000 : f32
    %broadcast_in_dim3A_252 = vector.shape_cast %eq3A_250 : vector<1000x1xi1> to vector<1000x1xi1>
    %broadcast_in_dim3A_253 = vector.broadcast %broadcast_in_dim3A_252 : vector<1000x1xi1> to vector<1000x1024xi1>
    %broadcast_in_dim3A_254 = vector.broadcast %jit3A_251 : f32 to vector<1000x1024xf32>
    %select_n3A_255 = arith.select %broadcast_in_dim3A_253, %max3A_31, %broadcast_in_dim3A_254 : vector<1000x1024xi1>, vector<1000x1024xf32>
    %reduce_max3A_256 = arith.constant dense<0xFF800000> : vector<1024xf32>
    %reduce_max3A_257 = vector.multi_reduction <maximumf>, %select_n3A_255, %reduce_max3A_256 [0] : vector<1000x1024xf32> to vector<1024xf32>
    %broadcast_in_dim3A_258 = vector.shape_cast %reduce_max3A_257 : vector<1024xf32> to vector<1x1024xf32>
    %get3A_259 = arith.constant 12 : index
    %get3A_260 = arith.constant 0 : index
    %get3A_261 = vector.load %arg6[%get3A_259, %get3A_260] : memref<32x1024xf32, #tpu.memory_space<vmem>>, vector<1x1024xf32>
    %max3A_262 = arith.maximumf %get3A_261, %broadcast_in_dim3A_258 : vector<1x1024xf32>
    %swap3A_263 = arith.constant 12 : index
    %swap3A_264 = arith.constant 0 : index
    %swap3A_265 = vector.load %arg6[%swap3A_263, %swap3A_264] : memref<32x1024xf32, #tpu.memory_space<vmem>>, vector<1x1024xf32>
    tpu.vector_store %arg6[%swap3A_263, %swap3A_264], %max3A_262 {strides = array<i32>} : memref<32x1024xf32, #tpu.memory_space<vmem>>, vector<1x1024xf32>,
    %eq3A_266 = arith.constant 1.300000e+01 : f32
    %eq3A_267 = vector.broadcast %eq3A_266 : f32 to vector<1000x1xf32>
    %eq3A_268 = arith.cmpf oeq, %get3A_36, %eq3A_267 : vector<1000x1xf32>
    %jit3A_269 = arith.constant 0xFF800000 : f32
    %broadcast_in_dim3A_270 = vector.shape_cast %eq3A_268 : vector<1000x1xi1> to vector<1000x1xi1>
    %broadcast_in_dim3A_271 = vector.broadcast %broadcast_in_dim3A_270 : vector<1000x1xi1> to vector<1000x1024xi1>
    %broadcast_in_dim3A_272 = vector.broadcast %jit3A_269 : f32 to vector<1000x1024xf32>
    %select_n3A_273 = arith.select %broadcast_in_dim3A_271, %max3A_31, %broadcast_in_dim3A_272 : vector<1000x1024xi1>, vector<1000x1024xf32>
    %reduce_max3A_274 = arith.constant dense<0xFF800000> : vector<1024xf32>
    %reduce_max3A_275 = vector.multi_reduction <maximumf>, %select_n3A_273, %reduce_max3A_274 [0] : vector<1000x1024xf32> to vector<1024xf32>
    %broadcast_in_dim3A_276 = vector.shape_cast %reduce_max3A_275 : vector<1024xf32> to vector<1x1024xf32>
    %get3A_277 = arith.constant 13 : index
    %get3A_278 = arith.constant 0 : index
    %get3A_279 = vector.load %arg6[%get3A_277, %get3A_278] : memref<32x1024xf32, #tpu.memory_space<vmem>>, vector<1x1024xf32>
    %max3A_280 = arith.maximumf %get3A_279, %broadcast_in_dim3A_276 : vector<1x1024xf32>
    %swap3A_281 = arith.constant 13 : index
    %swap3A_282 = arith.constant 0 : index
    %swap3A_283 = vector.load %arg6[%swap3A_281, %swap3A_282] : memref<32x1024xf32, #tpu.memory_space<vmem>>, vector<1x1024xf32>
    tpu.vector_store %arg6[%swap3A_281, %swap3A_282], %max3A_280 {strides = array<i32>} : memref<32x1024xf32, #tpu.memory_space<vmem>>, vector<1x1024xf32>,
    %eq3A_284 = arith.constant 1.400000e+01 : f32
    %eq3A_285 = vector.broadcast %eq3A_284 : f32 to vector<1000x1xf32>
    %eq3A_286 = arith.cmpf oeq, %get3A_36, %eq3A_285 : vector<1000x1xf32>
    %jit3A_287 = arith.constant 0xFF800000 : f32
    %broadcast_in_dim3A_288 = vector.shape_cast %eq3A_286 : vector<1000x1xi1> to vector<1000x1xi1>
    %broadcast_in_dim3A_289 = vector.broadcast %broadcast_in_dim3A_288 : vector<1000x1xi1> to vector<1000x1024xi1>
    %broadcast_in_dim3A_290 = vector.broadcast %jit3A_287 : f32 to vector<1000x1024xf32>
    %select_n3A_291 = arith.select %broadcast_in_dim3A_289, %max3A_31, %broadcast_in_dim3A_290 : vector<1000x1024xi1>, vector<1000x1024xf32>
    %reduce_max3A_292 = arith.constant dense<0xFF800000> : vector<1024xf32>
    %reduce_max3A_293 = vector.multi_reduction <maximumf>, %select_n3A_291, %reduce_max3A_292 [0] : vector<1000x1024xf32> to vector<1024xf32>
    %broadcast_in_dim3A_294 = vector.shape_cast %reduce_max3A_293 : vector<1024xf32> to vector<1x1024xf32>
    %get3A_295 = arith.constant 14 : index
    %get3A_296 = arith.constant 0 : index
    %get3A_297 = vector.load %arg6[%get3A_295, %get3A_296] : memref<32x1024xf32, #tpu.memory_space<vmem>>, vector<1x1024xf32>
    %max3A_298 = arith.maximumf %get3A_297, %broadcast_in_dim3A_294 : vector<1x1024xf32>
    %swap3A_299 = arith.constant 14 : index
    %swap3A_300 = arith.constant 0 : index
    %swap3A_301 = vector.load %arg6[%swap3A_299, %swap3A_300] : memref<32x1024xf32, #tpu.memory_space<vmem>>, vector<1x1024xf32>
    tpu.vector_store %arg6[%swap3A_299, %swap3A_300], %max3A_298 {strides = array<i32>} : memref<32x1024xf32, #tpu.memory_space<vmem>>, vector<1x1024xf32>,
    %eq3A_302 = arith.constant 1.500000e+01 : f32
    %eq3A_303 = vector.broadcast %eq3A_302 : f32 to vector<1000x1xf32>
    %eq3A_304 = arith.cmpf oeq, %get3A_36, %eq3A_303 : vector<1000x1xf32>
    %jit3A_305 = arith.constant 0xFF800000 : f32
    %broadcast_in_dim3A_306 = vector.shape_cast %eq3A_304 : vector<1000x1xi1> to vector<1000x1xi1>
    %broadcast_in_dim3A_307 = vector.broadcast %broadcast_in_dim3A_306 : vector<1000x1xi1> to vector<1000x1024xi1>
    %broadcast_in_dim3A_308 = vector.broadcast %jit3A_305 : f32 to vector<1000x1024xf32>
    %select_n3A_309 = arith.select %broadcast_in_dim3A_307, %max3A_31, %broadcast_in_dim3A_308 : vector<1000x1024xi1>, vector<1000x1024xf32>
    %reduce_max3A_310 = arith.constant dense<0xFF800000> : vector<1024xf32>
    %reduce_max3A_311 = vector.multi_reduction <maximumf>, %select_n3A_309, %reduce_max3A_310 [0] : vector<1000x1024xf32> to vector<1024xf32>
    %broadcast_in_dim3A_312 = vector.shape_cast %reduce_max3A_311 : vector<1024xf32> to vector<1x1024xf32>
    %get3A_313 = arith.constant 15 : index
    %get3A_314 = arith.constant 0 : index
    %get3A_315 = vector.load %arg6[%get3A_313, %get3A_314] : memref<32x1024xf32, #tpu.memory_space<vmem>>, vector<1x1024xf32>
    %max3A_316 = arith.maximumf %get3A_315, %broadcast_in_dim3A_312 : vector<1x1024xf32>
    %swap3A_317 = arith.constant 15 : index
    %swap3A_318 = arith.constant 0 : index
    %swap3A_319 = vector.load %arg6[%swap3A_317, %swap3A_318] : memref<32x1024xf32, #tpu.memory_space<vmem>>, vector<1x1024xf32>
    tpu.vector_store %arg6[%swap3A_317, %swap3A_318], %max3A_316 {strides = array<i32>} : memref<32x1024xf32, #tpu.memory_space<vmem>>, vector<1x1024xf32>,
    %eq3A_320 = arith.constant 1.600000e+01 : f32
    %eq3A_321 = vector.broadcast %eq3A_320 : f32 to vector<1000x1xf32>
    %eq3A_322 = arith.cmpf oeq, %get3A_36, %eq3A_321 : vector<1000x1xf32>
    %jit3A_323 = arith.constant 0xFF800000 : f32
    %broadcast_in_dim3A_324 = vector.shape_cast %eq3A_322 : vector<1000x1xi1> to vector<1000x1xi1>
    %broadcast_in_dim3A_325 = vector.broadcast %broadcast_in_dim3A_324 : vector<1000x1xi1> to vector<1000x1024xi1>
    %broadcast_in_dim3A_326 = vector.broadcast %jit3A_323 : f32 to vector<1000x1024xf32>
    %select_n3A_327 = arith.select %broadcast_in_dim3A_325, %max3A_31, %broadcast_in_dim3A_326 : vector<1000x1024xi1>, vector<1000x1024xf32>
    %reduce_max3A_328 = arith.constant dense<0xFF800000> : vector<1024xf32>
    %reduce_max3A_329 = vector.multi_reduction <maximumf>, %select_n3A_327, %reduce_max3A_328 [0] : vector<1000x1024xf32> to vector<1024xf32>
    %broadcast_in_dim3A_330 = vector.shape_cast %reduce_max3A_329 : vector<1024xf32> to vector<1x1024xf32>
    %get3A_331 = arith.constant 16 : index
    %get3A_332 = arith.constant 0 : index
    %get3A_333 = vector.load %arg6[%get3A_331, %get3A_332] : memref<32x1024xf32, #tpu.memory_space<vmem>>, vector<1x1024xf32>
    %max3A_334 = arith.maximumf %get3A_333, %broadcast_in_dim3A_330 : vector<1x1024xf32>
    %swap3A_335 = arith.constant 16 : index
    %swap3A_336 = arith.constant 0 : index
    %swap3A_337 = vector.load %arg6[%swap3A_335, %swap3A_336] : memref<32x1024xf32, #tpu.memory_space<vmem>>, vector<1x1024xf32>
    tpu.vector_store %arg6[%swap3A_335, %swap3A_336], %max3A_334 {strides = array<i32>} : memref<32x1024xf32, #tpu.memory_space<vmem>>, vector<1x1024xf32>,
    %eq3A_338 = arith.constant 1.700000e+01 : f32
    %eq3A_339 = vector.broadcast %eq3A_338 : f32 to vector<1000x1xf32>
    %eq3A_340 = arith.cmpf oeq, %get3A_36, %eq3A_339 : vector<1000x1xf32>
    %jit3A_341 = arith.constant 0xFF800000 : f32
    %broadcast_in_dim3A_342 = vector.shape_cast %eq3A_340 : vector<1000x1xi1> to vector<1000x1xi1>
    %broadcast_in_dim3A_343 = vector.broadcast %broadcast_in_dim3A_342 : vector<1000x1xi1> to vector<1000x1024xi1>
    %broadcast_in_dim3A_344 = vector.broadcast %jit3A_341 : f32 to vector<1000x1024xf32>
    %select_n3A_345 = arith.select %broadcast_in_dim3A_343, %max3A_31, %broadcast_in_dim3A_344 : vector<1000x1024xi1>, vector<1000x1024xf32>
    %reduce_max3A_346 = arith.constant dense<0xFF800000> : vector<1024xf32>
    %reduce_max3A_347 = vector.multi_reduction <maximumf>, %select_n3A_345, %reduce_max3A_346 [0] : vector<1000x1024xf32> to vector<1024xf32>
    %broadcast_in_dim3A_348 = vector.shape_cast %reduce_max3A_347 : vector<1024xf32> to vector<1x1024xf32>
    %get3A_349 = arith.constant 17 : index
    %get3A_350 = arith.constant 0 : index
    %get3A_351 = vector.load %arg6[%get3A_349, %get3A_350] : memref<32x1024xf32, #tpu.memory_space<vmem>>, vector<1x1024xf32>
    %max3A_352 = arith.maximumf %get3A_351, %broadcast_in_dim3A_348 : vector<1x1024xf32>
    %swap3A_353 = arith.constant 17 : index
    %swap3A_354 = arith.constant 0 : index
    %swap3A_355 = vector.load %arg6[%swap3A_353, %swap3A_354] : memref<32x1024xf32, #tpu.memory_space<vmem>>, vector<1x1024xf32>
    tpu.vector_store %arg6[%swap3A_353, %swap3A_354], %max3A_352 {strides = array<i32>} : memref<32x1024xf32, #tpu.memory_space<vmem>>, vector<1x1024xf32>,
    %eq3A_356 = arith.constant 1.800000e+01 : f32
    %eq3A_357 = vector.broadcast %eq3A_356 : f32 to vector<1000x1xf32>
    %eq3A_358 = arith.cmpf oeq, %get3A_36, %eq3A_357 : vector<1000x1xf32>
    %jit3A_359 = arith.constant 0xFF800000 : f32
    %broadcast_in_dim3A_360 = vector.shape_cast %eq3A_358 : vector<1000x1xi1> to vector<1000x1xi1>
    %broadcast_in_dim3A_361 = vector.broadcast %broadcast_in_dim3A_360 : vector<1000x1xi1> to vector<1000x1024xi1>
    %broadcast_in_dim3A_362 = vector.broadcast %jit3A_359 : f32 to vector<1000x1024xf32>
    %select_n3A_363 = arith.select %broadcast_in_dim3A_361, %max3A_31, %broadcast_in_dim3A_362 : vector<1000x1024xi1>, vector<1000x1024xf32>
    %reduce_max3A_364 = arith.constant dense<0xFF800000> : vector<1024xf32>
    %reduce_max3A_365 = vector.multi_reduction <maximumf>, %select_n3A_363, %reduce_max3A_364 [0] : vector<1000x1024xf32> to vector<1024xf32>
    %broadcast_in_dim3A_366 = vector.shape_cast %reduce_max3A_365 : vector<1024xf32> to vector<1x1024xf32>
    %get3A_367 = arith.constant 18 : index
    %get3A_368 = arith.constant 0 : index
    %get3A_369 = vector.load %arg6[%get3A_367, %get3A_368] : memref<32x1024xf32, #tpu.memory_space<vmem>>, vector<1x1024xf32>
    %max3A_370 = arith.maximumf %get3A_369, %broadcast_in_dim3A_366 : vector<1x1024xf32>
    %swap3A_371 = arith.constant 18 : index
    %swap3A_372 = arith.constant 0 : index
    %swap3A_373 = vector.load %arg6[%swap3A_371, %swap3A_372] : memref<32x1024xf32, #tpu.memory_space<vmem>>, vector<1x1024xf32>
    tpu.vector_store %arg6[%swap3A_371, %swap3A_372], %max3A_370 {strides = array<i32>} : memref<32x1024xf32, #tpu.memory_space<vmem>>, vector<1x1024xf32>,
    %eq3A_374 = arith.constant 1.900000e+01 : f32
    %eq3A_375 = vector.broadcast %eq3A_374 : f32 to vector<1000x1xf32>
    %eq3A_376 = arith.cmpf oeq, %get3A_36, %eq3A_375 : vector<1000x1xf32>
    %jit3A_377 = arith.constant 0xFF800000 : f32
    %broadcast_in_dim3A_378 = vector.shape_cast %eq3A_376 : vector<1000x1xi1> to vector<1000x1xi1>
    %broadcast_in_dim3A_379 = vector.broadcast %broadcast_in_dim3A_378 : vector<1000x1xi1> to vector<1000x1024xi1>
    %broadcast_in_dim3A_380 = vector.broadcast %jit3A_377 : f32 to vector<1000x1024xf32>
    %select_n3A_381 = arith.select %broadcast_in_dim3A_379, %max3A_31, %broadcast_in_dim3A_380 : vector<1000x1024xi1>, vector<1000x1024xf32>
    %reduce_max3A_382 = arith.constant dense<0xFF800000> : vector<1024xf32>
    %reduce_max3A_383 = vector.multi_reduction <maximumf>, %select_n3A_381, %reduce_max3A_382 [0] : vector<1000x1024xf32> to vector<1024xf32>
    %broadcast_in_dim3A_384 = vector.shape_cast %reduce_max3A_383 : vector<1024xf32> to vector<1x1024xf32>
    %get3A_385 = arith.constant 19 : index
    %get3A_386 = arith.constant 0 : index
    %get3A_387 = vector.load %arg6[%get3A_385, %get3A_386] : memref<32x1024xf32, #tpu.memory_space<vmem>>, vector<1x1024xf32>
    %max3A_388 = arith.maximumf %get3A_387, %broadcast_in_dim3A_384 : vector<1x1024xf32>
    %swap3A_389 = arith.constant 19 : index
    %swap3A_390 = arith.constant 0 : index
    %swap3A_391 = vector.load %arg6[%swap3A_389, %swap3A_390] : memref<32x1024xf32, #tpu.memory_space<vmem>>, vector<1x1024xf32>
    tpu.vector_store %arg6[%swap3A_389, %swap3A_390], %max3A_388 {strides = array<i32>} : memref<32x1024xf32, #tpu.memory_space<vmem>>, vector<1x1024xf32>,
    %eq3A_392 = arith.constant 2.000000e+01 : f32
    %eq3A_393 = vector.broadcast %eq3A_392 : f32 to vector<1000x1xf32>
    %eq3A_394 = arith.cmpf oeq, %get3A_36, %eq3A_393 : vector<1000x1xf32>
    %jit3A_395 = arith.constant 0xFF800000 : f32
    %broadcast_in_dim3A_396 = vector.shape_cast %eq3A_394 : vector<1000x1xi1> to vector<1000x1xi1>
    %broadcast_in_dim3A_397 = vector.broadcast %broadcast_in_dim3A_396 : vector<1000x1xi1> to vector<1000x1024xi1>
    %broadcast_in_dim3A_398 = vector.broadcast %jit3A_395 : f32 to vector<1000x1024xf32>
    %select_n3A_399 = arith.select %broadcast_in_dim3A_397, %max3A_31, %broadcast_in_dim3A_398 : vector<1000x1024xi1>, vector<1000x1024xf32>
    %reduce_max3A_400 = arith.constant dense<0xFF800000> : vector<1024xf32>
    %reduce_max3A_401 = vector.multi_reduction <maximumf>, %select_n3A_399, %reduce_max3A_400 [0] : vector<1000x1024xf32> to vector<1024xf32>
    %broadcast_in_dim3A_402 = vector.shape_cast %reduce_max3A_401 : vector<1024xf32> to vector<1x1024xf32>
    %get3A_403 = arith.constant 20 : index
    %get3A_404 = arith.constant 0 : index
    %get3A_405 = vector.load %arg6[%get3A_403, %get3A_404] : memref<32x1024xf32, #tpu.memory_space<vmem>>, vector<1x1024xf32>
    %max3A_406 = arith.maximumf %get3A_405, %broadcast_in_dim3A_402 : vector<1x1024xf32>
    %swap3A_407 = arith.constant 20 : index
    %swap3A_408 = arith.constant 0 : index
    %swap3A_409 = vector.load %arg6[%swap3A_407, %swap3A_408] : memref<32x1024xf32, #tpu.memory_space<vmem>>, vector<1x1024xf32>
    tpu.vector_store %arg6[%swap3A_407, %swap3A_408], %max3A_406 {strides = array<i32>} : memref<32x1024xf32, #tpu.memory_space<vmem>>, vector<1x1024xf32>,
    %eq3A_410 = arith.constant 2.100000e+01 : f32
    %eq3A_411 = vector.broadcast %eq3A_410 : f32 to vector<1000x1xf32>
    %eq3A_412 = arith.cmpf oeq, %get3A_36, %eq3A_411 : vector<1000x1xf32>
    %jit3A_413 = arith.constant 0xFF800000 : f32
    %broadcast_in_dim3A_414 = vector.shape_cast %eq3A_412 : vector<1000x1xi1> to vector<1000x1xi1>
    %broadcast_in_dim3A_415 = vector.broadcast %broadcast_in_dim3A_414 : vector<1000x1xi1> to vector<1000x1024xi1>
    %broadcast_in_dim3A_416 = vector.broadcast %jit3A_413 : f32 to vector<1000x1024xf32>
    %select_n3A_417 = arith.select %broadcast_in_dim3A_415, %max3A_31, %broadcast_in_dim3A_416 : vector<1000x1024xi1>, vector<1000x1024xf32>
    %reduce_max3A_418 = arith.constant dense<0xFF800000> : vector<1024xf32>
    %reduce_max3A_419 = vector.multi_reduction <maximumf>, %select_n3A_417, %reduce_max3A_418 [0] : vector<1000x1024xf32> to vector<1024xf32>
    %broadcast_in_dim3A_420 = vector.shape_cast %reduce_max3A_419 : vector<1024xf32> to vector<1x1024xf32>
    %get3A_421 = arith.constant 21 : index
    %get3A_422 = arith.constant 0 : index
    %get3A_423 = vector.load %arg6[%get3A_421, %get3A_422] : memref<32x1024xf32, #tpu.memory_space<vmem>>, vector<1x1024xf32>
    %max3A_424 = arith.maximumf %get3A_423, %broadcast_in_dim3A_420 : vector<1x1024xf32>
    %swap3A_425 = arith.constant 21 : index
    %swap3A_426 = arith.constant 0 : index
    %swap3A_427 = vector.load %arg6[%swap3A_425, %swap3A_426] : memref<32x1024xf32, #tpu.memory_space<vmem>>, vector<1x1024xf32>
    tpu.vector_store %arg6[%swap3A_425, %swap3A_426], %max3A_424 {strides = array<i32>} : memref<32x1024xf32, #tpu.memory_space<vmem>>, vector<1x1024xf32>,
    %eq3A_428 = arith.constant 2.200000e+01 : f32
    %eq3A_429 = vector.broadcast %eq3A_428 : f32 to vector<1000x1xf32>
    %eq3A_430 = arith.cmpf oeq, %get3A_36, %eq3A_429 : vector<1000x1xf32>
    %jit3A_431 = arith.constant 0xFF800000 : f32
    %broadcast_in_dim3A_432 = vector.shape_cast %eq3A_430 : vector<1000x1xi1> to vector<1000x1xi1>
    %broadcast_in_dim3A_433 = vector.broadcast %broadcast_in_dim3A_432 : vector<1000x1xi1> to vector<1000x1024xi1>
    %broadcast_in_dim3A_434 = vector.broadcast %jit3A_431 : f32 to vector<1000x1024xf32>
    %select_n3A_435 = arith.select %broadcast_in_dim3A_433, %max3A_31, %broadcast_in_dim3A_434 : vector<1000x1024xi1>, vector<1000x1024xf32>
    %reduce_max3A_436 = arith.constant dense<0xFF800000> : vector<1024xf32>
    %reduce_max3A_437 = vector.multi_reduction <maximumf>, %select_n3A_435, %reduce_max3A_436 [0] : vector<1000x1024xf32> to vector<1024xf32>
    %broadcast_in_dim3A_438 = vector.shape_cast %reduce_max3A_437 : vector<1024xf32> to vector<1x1024xf32>
    %get3A_439 = arith.constant 22 : index
    %get3A_440 = arith.constant 0 : index
    %get3A_441 = vector.load %arg6[%get3A_439, %get3A_440] : memref<32x1024xf32, #tpu.memory_space<vmem>>, vector<1x1024xf32>
    %max3A_442 = arith.maximumf %get3A_441, %broadcast_in_dim3A_438 : vector<1x1024xf32>
    %swap3A_443 = arith.constant 22 : index
    %swap3A_444 = arith.constant 0 : index
    %swap3A_445 = vector.load %arg6[%swap3A_443, %swap3A_444] : memref<32x1024xf32, #tpu.memory_space<vmem>>, vector<1x1024xf32>
    tpu.vector_store %arg6[%swap3A_443, %swap3A_444], %max3A_442 {strides = array<i32>} : memref<32x1024xf32, #tpu.memory_space<vmem>>, vector<1x1024xf32>,
    %eq3A_446 = arith.constant 2.300000e+01 : f32
    %eq3A_447 = vector.broadcast %eq3A_446 : f32 to vector<1000x1xf32>
    %eq3A_448 = arith.cmpf oeq, %get3A_36, %eq3A_447 : vector<1000x1xf32>
    %jit3A_449 = arith.constant 0xFF800000 : f32
    %broadcast_in_dim3A_450 = vector.shape_cast %eq3A_448 : vector<1000x1xi1> to vector<1000x1xi1>
    %broadcast_in_dim3A_451 = vector.broadcast %broadcast_in_dim3A_450 : vector<1000x1xi1> to vector<1000x1024xi1>
    %broadcast_in_dim3A_452 = vector.broadcast %jit3A_449 : f32 to vector<1000x1024xf32>
    %select_n3A_453 = arith.select %broadcast_in_dim3A_451, %max3A_31, %broadcast_in_dim3A_452 : vector<1000x1024xi1>, vector<1000x1024xf32>
    %reduce_max3A_454 = arith.constant dense<0xFF800000> : vector<1024xf32>
    %reduce_max3A_455 = vector.multi_reduction <maximumf>, %select_n3A_453, %reduce_max3A_454 [0] : vector<1000x1024xf32> to vector<1024xf32>
    %broadcast_in_dim3A_456 = vector.shape_cast %reduce_max3A_455 : vector<1024xf32> to vector<1x1024xf32>
    %get3A_457 = arith.constant 23 : index
    %get3A_458 = arith.constant 0 : index
    %get3A_459 = vector.load %arg6[%get3A_457, %get3A_458] : memref<32x1024xf32, #tpu.memory_space<vmem>>, vector<1x1024xf32>
    %max3A_460 = arith.maximumf %get3A_459, %broadcast_in_dim3A_456 : vector<1x1024xf32>
    %swap3A_461 = arith.constant 23 : index
    %swap3A_462 = arith.constant 0 : index
    %swap3A_463 = vector.load %arg6[%swap3A_461, %swap3A_462] : memref<32x1024xf32, #tpu.memory_space<vmem>>, vector<1x1024xf32>
    tpu.vector_store %arg6[%swap3A_461, %swap3A_462], %max3A_460 {strides = array<i32>} : memref<32x1024xf32, #tpu.memory_space<vmem>>, vector<1x1024xf32>,
    %eq3A_464 = arith.constant 2.400000e+01 : f32
    %eq3A_465 = vector.broadcast %eq3A_464 : f32 to vector<1000x1xf32>
    %eq3A_466 = arith.cmpf oeq, %get3A_36, %eq3A_465 : vector<1000x1xf32>
    %jit3A_467 = arith.constant 0xFF800000 : f32
    %broadcast_in_dim3A_468 = vector.shape_cast %eq3A_466 : vector<1000x1xi1> to vector<1000x1xi1>
    %broadcast_in_dim3A_469 = vector.broadcast %broadcast_in_dim3A_468 : vector<1000x1xi1> to vector<1000x1024xi1>
    %broadcast_in_dim3A_470 = vector.broadcast %jit3A_467 : f32 to vector<1000x1024xf32>
    %select_n3A_471 = arith.select %broadcast_in_dim3A_469, %max3A_31, %broadcast_in_dim3A_470 : vector<1000x1024xi1>, vector<1000x1024xf32>
    %reduce_max3A_472 = arith.constant dense<0xFF800000> : vector<1024xf32>
    %reduce_max3A_473 = vector.multi_reduction <maximumf>, %select_n3A_471, %reduce_max3A_472 [0] : vector<1000x1024xf32> to vector<1024xf32>
    %broadcast_in_dim3A_474 = vector.shape_cast %reduce_max3A_473 : vector<1024xf32> to vector<1x1024xf32>
    %get3A_475 = arith.constant 24 : index
    %get3A_476 = arith.constant 0 : index
    %get3A_477 = vector.load %arg6[%get3A_475, %get3A_476] : memref<32x1024xf32, #tpu.memory_space<vmem>>, vector<1x1024xf32>
    %max3A_478 = arith.maximumf %get3A_477, %broadcast_in_dim3A_474 : vector<1x1024xf32>
    %swap3A_479 = arith.constant 24 : index
    %swap3A_480 = arith.constant 0 : index
    %swap3A_481 = vector.load %arg6[%swap3A_479, %swap3A_480] : memref<32x1024xf32, #tpu.memory_space<vmem>>, vector<1x1024xf32>
    tpu.vector_store %arg6[%swap3A_479, %swap3A_480], %max3A_478 {strides = array<i32>} : memref<32x1024xf32, #tpu.memory_space<vmem>>, vector<1x1024xf32>,
    %eq3A_482 = arith.constant 2.500000e+01 : f32
    %eq3A_483 = vector.broadcast %eq3A_482 : f32 to vector<1000x1xf32>
    %eq3A_484 = arith.cmpf oeq, %get3A_36, %eq3A_483 : vector<1000x1xf32>
    %jit3A_485 = arith.constant 0xFF800000 : f32
    %broadcast_in_dim3A_486 = vector.shape_cast %eq3A_484 : vector<1000x1xi1> to vector<1000x1xi1>
    %broadcast_in_dim3A_487 = vector.broadcast %broadcast_in_dim3A_486 : vector<1000x1xi1> to vector<1000x1024xi1>
    %broadcast_in_dim3A_488 = vector.broadcast %jit3A_485 : f32 to vector<1000x1024xf32>
    %select_n3A_489 = arith.select %broadcast_in_dim3A_487, %max3A_31, %broadcast_in_dim3A_488 : vector<1000x1024xi1>, vector<1000x1024xf32>
    %reduce_max3A_490 = arith.constant dense<0xFF800000> : vector<1024xf32>
    %reduce_max3A_491 = vector.multi_reduction <maximumf>, %select_n3A_489, %reduce_max3A_490 [0] : vector<1000x1024xf32> to vector<1024xf32>
    %broadcast_in_dim3A_492 = vector.shape_cast %reduce_max3A_491 : vector<1024xf32> to vector<1x1024xf32>
    %get3A_493 = arith.constant 25 : index
    %get3A_494 = arith.constant 0 : index
    %get3A_495 = vector.load %arg6[%get3A_493, %get3A_494] : memref<32x1024xf32, #tpu.memory_space<vmem>>, vector<1x1024xf32>
    %max3A_496 = arith.maximumf %get3A_495, %broadcast_in_dim3A_492 : vector<1x1024xf32>
    %swap3A_497 = arith.constant 25 : index
    %swap3A_498 = arith.constant 0 : index
    %swap3A_499 = vector.load %arg6[%swap3A_497, %swap3A_498] : memref<32x1024xf32, #tpu.memory_space<vmem>>, vector<1x1024xf32>
    tpu.vector_store %arg6[%swap3A_497, %swap3A_498], %max3A_496 {strides = array<i32>} : memref<32x1024xf32, #tpu.memory_space<vmem>>, vector<1x1024xf32>,
    %eq3A_500 = arith.constant 2.600000e+01 : f32
    %eq3A_501 = vector.broadcast %eq3A_500 : f32 to vector<1000x1xf32>
    %eq3A_502 = arith.cmpf oeq, %get3A_36, %eq3A_501 : vector<1000x1xf32>
    %jit3A_503 = arith.constant 0xFF800000 : f32
    %broadcast_in_dim3A_504 = vector.shape_cast %eq3A_502 : vector<1000x1xi1> to vector<1000x1xi1>
    %broadcast_in_dim3A_505 = vector.broadcast %broadcast_in_dim3A_504 : vector<1000x1xi1> to vector<1000x1024xi1>
    %broadcast_in_dim3A_506 = vector.broadcast %jit3A_503 : f32 to vector<1000x1024xf32>
    %select_n3A_507 = arith.select %broadcast_in_dim3A_505, %max3A_31, %broadcast_in_dim3A_506 : vector<1000x1024xi1>, vector<1000x1024xf32>
    %reduce_max3A_508 = arith.constant dense<0xFF800000> : vector<1024xf32>
    %reduce_max3A_509 = vector.multi_reduction <maximumf>, %select_n3A_507, %reduce_max3A_508 [0] : vector<1000x1024xf32> to vector<1024xf32>
    %broadcast_in_dim3A_510 = vector.shape_cast %reduce_max3A_509 : vector<1024xf32> to vector<1x1024xf32>
    %get3A_511 = arith.constant 26 : index
    %get3A_512 = arith.constant 0 : index
    %get3A_513 = vector.load %arg6[%get3A_511, %get3A_512] : memref<32x1024xf32, #tpu.memory_space<vmem>>, vector<1x1024xf32>
    %max3A_514 = arith.maximumf %get3A_513, %broadcast_in_dim3A_510 : vector<1x1024xf32>
    %swap3A_515 = arith.constant 26 : index
    %swap3A_516 = arith.constant 0 : index
    %swap3A_517 = vector.load %arg6[%swap3A_515, %swap3A_516] : memref<32x1024xf32, #tpu.memory_space<vmem>>, vector<1x1024xf32>
    tpu.vector_store %arg6[%swap3A_515, %swap3A_516], %max3A_514 {strides = array<i32>} : memref<32x1024xf32, #tpu.memory_space<vmem>>, vector<1x1024xf32>,
    %eq3A_518 = arith.constant 2.700000e+01 : f32
    %eq3A_519 = vector.broadcast %eq3A_518 : f32 to vector<1000x1xf32>
    %eq3A_520 = arith.cmpf oeq, %get3A_36, %eq3A_519 : vector<1000x1xf32>
    %jit3A_521 = arith.constant 0xFF800000 : f32
    %broadcast_in_dim3A_522 = vector.shape_cast %eq3A_520 : vector<1000x1xi1> to vector<1000x1xi1>
    %broadcast_in_dim3A_523 = vector.broadcast %broadcast_in_dim3A_522 : vector<1000x1xi1> to vector<1000x1024xi1>
    %broadcast_in_dim3A_524 = vector.broadcast %jit3A_521 : f32 to vector<1000x1024xf32>
    %select_n3A_525 = arith.select %broadcast_in_dim3A_523, %max3A_31, %broadcast_in_dim3A_524 : vector<1000x1024xi1>, vector<1000x1024xf32>
    %reduce_max3A_526 = arith.constant dense<0xFF800000> : vector<1024xf32>
    %reduce_max3A_527 = vector.multi_reduction <maximumf>, %select_n3A_525, %reduce_max3A_526 [0] : vector<1000x1024xf32> to vector<1024xf32>
    %broadcast_in_dim3A_528 = vector.shape_cast %reduce_max3A_527 : vector<1024xf32> to vector<1x1024xf32>
    %get3A_529 = arith.constant 27 : index
    %get3A_530 = arith.constant 0 : index
    %get3A_531 = vector.load %arg6[%get3A_529, %get3A_530] : memref<32x1024xf32, #tpu.memory_space<vmem>>, vector<1x1024xf32>
    %max3A_532 = arith.maximumf %get3A_531, %broadcast_in_dim3A_528 : vector<1x1024xf32>
    %swap3A_533 = arith.constant 27 : index
    %swap3A_534 = arith.constant 0 : index
    %swap3A_535 = vector.load %arg6[%swap3A_533, %swap3A_534] : memref<32x1024xf32, #tpu.memory_space<vmem>>, vector<1x1024xf32>
    tpu.vector_store %arg6[%swap3A_533, %swap3A_534], %max3A_532 {strides = array<i32>} : memref<32x1024xf32, #tpu.memory_space<vmem>>, vector<1x1024xf32>,
    %eq3A_536 = arith.constant 2.800000e+01 : f32
    %eq3A_537 = vector.broadcast %eq3A_536 : f32 to vector<1000x1xf32>
    %eq3A_538 = arith.cmpf oeq, %get3A_36, %eq3A_537 : vector<1000x1xf32>
    %jit3A_539 = arith.constant 0xFF800000 : f32
    %broadcast_in_dim3A_540 = vector.shape_cast %eq3A_538 : vector<1000x1xi1> to vector<1000x1xi1>
    %broadcast_in_dim3A_541 = vector.broadcast %broadcast_in_dim3A_540 : vector<1000x1xi1> to vector<1000x1024xi1>
    %broadcast_in_dim3A_542 = vector.broadcast %jit3A_539 : f32 to vector<1000x1024xf32>
    %select_n3A_543 = arith.select %broadcast_in_dim3A_541, %max3A_31, %broadcast_in_dim3A_542 : vector<1000x1024xi1>, vector<1000x1024xf32>
    %reduce_max3A_544 = arith.constant dense<0xFF800000> : vector<1024xf32>
    %reduce_max3A_545 = vector.multi_reduction <maximumf>, %select_n3A_543, %reduce_max3A_544 [0] : vector<1000x1024xf32> to vector<1024xf32>
    %broadcast_in_dim3A_546 = vector.shape_cast %reduce_max3A_545 : vector<1024xf32> to vector<1x1024xf32>
    %get3A_547 = arith.constant 28 : index
    %get3A_548 = arith.constant 0 : index
    %get3A_549 = vector.load %arg6[%get3A_547, %get3A_548] : memref<32x1024xf32, #tpu.memory_space<vmem>>, vector<1x1024xf32>
    %max3A_550 = arith.maximumf %get3A_549, %broadcast_in_dim3A_546 : vector<1x1024xf32>
    %swap3A_551 = arith.constant 28 : index
    %swap3A_552 = arith.constant 0 : index
    %swap3A_553 = vector.load %arg6[%swap3A_551, %swap3A_552] : memref<32x1024xf32, #tpu.memory_space<vmem>>, vector<1x1024xf32>
    tpu.vector_store %arg6[%swap3A_551, %swap3A_552], %max3A_550 {strides = array<i32>} : memref<32x1024xf32, #tpu.memory_space<vmem>>, vector<1x1024xf32>,
    %eq3A_554 = arith.constant 2.900000e+01 : f32
    %eq3A_555 = vector.broadcast %eq3A_554 : f32 to vector<1000x1xf32>
    %eq3A_556 = arith.cmpf oeq, %get3A_36, %eq3A_555 : vector<1000x1xf32>
    %jit3A_557 = arith.constant 0xFF800000 : f32
    %broadcast_in_dim3A_558 = vector.shape_cast %eq3A_556 : vector<1000x1xi1> to vector<1000x1xi1>
    %broadcast_in_dim3A_559 = vector.broadcast %broadcast_in_dim3A_558 : vector<1000x1xi1> to vector<1000x1024xi1>
    %broadcast_in_dim3A_560 = vector.broadcast %jit3A_557 : f32 to vector<1000x1024xf32>
    %select_n3A_561 = arith.select %broadcast_in_dim3A_559, %max3A_31, %broadcast_in_dim3A_560 : vector<1000x1024xi1>, vector<1000x1024xf32>
    %reduce_max3A_562 = arith.constant dense<0xFF800000> : vector<1024xf32>
    %reduce_max3A_563 = vector.multi_reduction <maximumf>, %select_n3A_561, %reduce_max3A_562 [0] : vector<1000x1024xf32> to vector<1024xf32>
    %broadcast_in_dim3A_564 = vector.shape_cast %reduce_max3A_563 : vector<1024xf32> to vector<1x1024xf32>
    %get3A_565 = arith.constant 29 : index
    %get3A_566 = arith.constant 0 : index
    %get3A_567 = vector.load %arg6[%get3A_565, %get3A_566] : memref<32x1024xf32, #tpu.memory_space<vmem>>, vector<1x1024xf32>
    %max3A_568 = arith.maximumf %get3A_567, %broadcast_in_dim3A_564 : vector<1x1024xf32>
    %swap3A_569 = arith.constant 29 : index
    %swap3A_570 = arith.constant 0 : index
    %swap3A_571 = vector.load %arg6[%swap3A_569, %swap3A_570] : memref<32x1024xf32, #tpu.memory_space<vmem>>, vector<1x1024xf32>
    tpu.vector_store %arg6[%swap3A_569, %swap3A_570], %max3A_568 {strides = array<i32>} : memref<32x1024xf32, #tpu.memory_space<vmem>>, vector<1x1024xf32>,
    %eq3A_572 = arith.constant 3.000000e+01 : f32
    %eq3A_573 = vector.broadcast %eq3A_572 : f32 to vector<1000x1xf32>
    %eq3A_574 = arith.cmpf oeq, %get3A_36, %eq3A_573 : vector<1000x1xf32>
    %jit3A_575 = arith.constant 0xFF800000 : f32
    %broadcast_in_dim3A_576 = vector.shape_cast %eq3A_574 : vector<1000x1xi1> to vector<1000x1xi1>
    %broadcast_in_dim3A_577 = vector.broadcast %broadcast_in_dim3A_576 : vector<1000x1xi1> to vector<1000x1024xi1>
    %broadcast_in_dim3A_578 = vector.broadcast %jit3A_575 : f32 to vector<1000x1024xf32>
    %select_n3A_579 = arith.select %broadcast_in_dim3A_577, %max3A_31, %broadcast_in_dim3A_578 : vector<1000x1024xi1>, vector<1000x1024xf32>
    %reduce_max3A_580 = arith.constant dense<0xFF800000> : vector<1024xf32>
    %reduce_max3A_581 = vector.multi_reduction <maximumf>, %select_n3A_579, %reduce_max3A_580 [0] : vector<1000x1024xf32> to vector<1024xf32>
    %broadcast_in_dim3A_582 = vector.shape_cast %reduce_max3A_581 : vector<1024xf32> to vector<1x1024xf32>
    %get3A_583 = arith.constant 30 : index
    %get3A_584 = arith.constant 0 : index
    %get3A_585 = vector.load %arg6[%get3A_583, %get3A_584] : memref<32x1024xf32, #tpu.memory_space<vmem>>, vector<1x1024xf32>
    %max3A_586 = arith.maximumf %get3A_585, %broadcast_in_dim3A_582 : vector<1x1024xf32>
    %swap3A_587 = arith.constant 30 : index
    %swap3A_588 = arith.constant 0 : index
    %swap3A_589 = vector.load %arg6[%swap3A_587, %swap3A_588] : memref<32x1024xf32, #tpu.memory_space<vmem>>, vector<1x1024xf32>
    tpu.vector_store %arg6[%swap3A_587, %swap3A_588], %max3A_586 {strides = array<i32>} : memref<32x1024xf32, #tpu.memory_space<vmem>>, vector<1x1024xf32>,
    %eq3A_590 = arith.constant 3.100000e+01 : f32
    %eq3A_591 = vector.broadcast %eq3A_590 : f32 to vector<1000x1xf32>
    %eq3A_592 = arith.cmpf oeq, %get3A_36, %eq3A_591 : vector<1000x1xf32>
    %jit3A_593 = arith.constant 0xFF800000 : f32
    %broadcast_in_dim3A_594 = vector.shape_cast %eq3A_592 : vector<1000x1xi1> to vector<1000x1xi1>
    %broadcast_in_dim3A_595 = vector.broadcast %broadcast_in_dim3A_594 : vector<1000x1xi1> to vector<1000x1024xi1>
    %broadcast_in_dim3A_596 = vector.broadcast %jit3A_593 : f32 to vector<1000x1024xf32>
    %select_n3A_597 = arith.select %broadcast_in_dim3A_595, %max3A_31, %broadcast_in_dim3A_596 : vector<1000x1024xi1>, vector<1000x1024xf32>
    %reduce_max3A_598 = arith.constant dense<0xFF800000> : vector<1024xf32>
    %reduce_max3A_599 = vector.multi_reduction <maximumf>, %select_n3A_597, %reduce_max3A_598 [0] : vector<1000x1024xf32> to vector<1024xf32>
    %broadcast_in_dim3A_600 = vector.shape_cast %reduce_max3A_599 : vector<1024xf32> to vector<1x1024xf32>
    %get3A_601 = arith.constant 31 : index
    %get3A_602 = arith.constant 0 : index
    %get3A_603 = vector.load %arg6[%get3A_601, %get3A_602] : memref<32x1024xf32, #tpu.memory_space<vmem>>, vector<1x1024xf32>
    %max3A_604 = arith.maximumf %get3A_603, %broadcast_in_dim3A_600 : vector<1x1024xf32>
    %swap3A_605 = arith.constant 31 : index
    %swap3A_606 = arith.constant 0 : index
    %swap3A_607 = vector.load %arg6[%swap3A_605, %swap3A_606] : memref<32x1024xf32, #tpu.memory_space<vmem>>, vector<1x1024xf32>
    tpu.vector_store %arg6[%swap3A_605, %swap3A_606], %max3A_604 {strides = array<i32>} : memref<32x1024xf32, #tpu.memory_space<vmem>>, vector<1x1024xf32>,
    return
  }
  func.func @transform_0(%arg0: i32) -> (i32, i32) {
    %c0_i32 = arith.constant 0 : i32
    %c0_i32_0 = arith.constant 0 : i32
    return %arg0, %c0_i32 : i32, i32
  }
  func.func @transform_1(%arg0: i32) -> (i32, i32) {
    %c0_i32 = arith.constant 0 : i32
    %c0_i32_0 = arith.constant 0 : i32
    %c0_i32_1 = arith.constant 0 : i32
    return %c0_i32, %c0_i32_0 : i32, i32
  }
  func.func @transform_2(%arg0: i32) -> (i32, i32) {
    %c0_i32 = arith.constant 0 : i32
    %c0_i32_0 = arith.constant 0 : i32
    %c0_i32_1 = arith.constant 0 : i32
    return %c0_i32, %c0_i32_0 : i32, i32
  }
  func.func @transform_3(%arg0: i32) -> (i32, i32) {
    %c0_i32 = arith.constant 0 : i32
    %c0_i32_0 = arith.constant 0 : i32
    return %arg0, %c0_i32 : i32, i32
  }
  func.func @transform_4(%arg0: i32) -> (i32, i32) {
    %c0_i32 = arith.constant 0 : i32
    %c0_i32_0 = arith.constant 0 : i32
    return %arg0, %c0_i32 : i32, i32
  }
  func.func @transform_5(%arg0: i32) -> (i32, i32) {
    %c0_i32 = arith.constant 0 : i32
    %c0_i32_0 = arith.constant 0 : i32
    %c0_i32_1 = arith.constant 0 : i32
    return %c0_i32, %c0_i32_0 : i32, i32
  }
}

module attributes {stable_mosaic.version = 14 : i64} {
  func.func @body(%arg0: memref<32x1920xf32, #tpu.memory_space<vmem>>, %arg1: memref<1920x512xf32, #tpu.memory_space<vmem>>, %arg2: memref<8x512xf32, #tpu.memory_space<vmem>>, %arg3: memref<512x128xf32, #tpu.memory_space<vmem>>, %arg4: memref<8x128xf32, #tpu.memory_space<vmem>>, %arg5: memref<128x10xf32, #tpu.memory_space<vmem>>, %arg6: memref<1x10xf32, #tpu.memory_space<vmem>>, %arg7: memref<32x10xf32, #tpu.memory_space<vmem>>) attributes {dimension_semantics = [], scalar_prefetch = 0 : i64, scratch_operands = 0 : i64, tpu.core_type = #tpu.core_type<tc>} {
    %get3A = arith.constant 0 : index
    %get3A_0 = arith.constant 0 : index
    %get3A_1 = vector.load %arg0[%get3A, %get3A_0] : memref<32x1920xf32, #tpu.memory_space<vmem>>, vector<32x1920xf32>
    %eq3A = arith.constant 0xFF800000 : f32
    %eq3A_2 = vector.broadcast %eq3A : f32 to vector<32x1920xf32>
    %eq3A_3 = arith.cmpf oeq, %get3A_1, %eq3A_2 : vector<32x1920xf32>
    %jit3A = arith.constant 0.000000e+00 : f32
    %broadcast_in_dim3A = vector.broadcast %jit3A : f32 to vector<32x1920xf32>
    %select_n3A = arith.select %eq3A_3, %broadcast_in_dim3A, %get3A_1 : vector<32x1920xi1>, vector<32x1920xf32>
    %get3A_4 = arith.constant 0 : index
    %get3A_5 = arith.constant 0 : index
    %get3A_6 = vector.load %arg1[%get3A_4, %get3A_5] : memref<1920x512xf32, #tpu.memory_space<vmem>>, vector<1920x512xf32>
    %dot_general3A = arith.constant dense<0.000000e+00> : vector<32x512xf32>
    %dot_general3A_7 = tpu.matmul %select_n3A, %get3A_6, %dot_general3A {dimension_numbers = #tpu.dot_dimension_numbers<[1], [0], [0], [1], [0, 0, 1, 1], [], []>, precision = #tpu.contract_precision<fp32>, transpose_lhs_hint = false} : vector<32x1920xf32>, vector<1920x512xf32>, vector<32x512xf32> -> vector<32x512xf32>
    %reduce_sum3A = arith.constant dense<0.000000e+00> : vector<512xf32>
    %reduce_sum3A_8 = vector.multi_reduction <add>, %dot_general3A_7, %reduce_sum3A [0] : vector<32x512xf32> to vector<512xf32>
    %broadcast_in_dim3A_9 = vector.shape_cast %reduce_sum3A_8 : vector<512xf32> to vector<1x512xf32>
    %div3A = arith.constant 3.200000e+01 : f32
    %div3A_10 = vector.broadcast %div3A : f32 to vector<1x512xf32>
    %div3A_11 = arith.divf %broadcast_in_dim3A_9, %div3A_10 : vector<1x512xf32>
    %mul3A = arith.mulf %dot_general3A_7, %dot_general3A_7 : vector<32x512xf32>
    %reduce_sum3A_12 = arith.constant dense<0.000000e+00> : vector<512xf32>
    %reduce_sum3A_13 = vector.multi_reduction <add>, %mul3A, %reduce_sum3A_12 [0] : vector<32x512xf32> to vector<512xf32>
    %broadcast_in_dim3A_14 = vector.shape_cast %reduce_sum3A_13 : vector<512xf32> to vector<1x512xf32>
    %div3A_15 = arith.constant 3.200000e+01 : f32
    %div3A_16 = vector.broadcast %div3A_15 : f32 to vector<1x512xf32>
    %div3A_17 = arith.divf %broadcast_in_dim3A_14, %div3A_16 : vector<1x512xf32>
    %mul3A_18 = arith.mulf %div3A_11, %div3A_11 : vector<1x512xf32>
    %sub3A = arith.subf %div3A_17, %mul3A_18 : vector<1x512xf32>
    %get3A_19 = arith.constant 0 : index
    %get3A_20 = arith.constant 0 : index
    %get3A_21 = vector.load %arg2[%get3A_19, %get3A_20] : memref<8x512xf32, #tpu.memory_space<vmem>>, vector<1x512xf32>
    %sub3A_22 = vector.broadcast %div3A_11 : vector<1x512xf32> to vector<32x512xf32>
    %sub3A_23 = arith.subf %dot_general3A_7, %sub3A_22 : vector<32x512xf32>
    %mul3A_24 = vector.broadcast %get3A_21 : vector<1x512xf32> to vector<32x512xf32>
    %mul3A_25 = arith.mulf %mul3A_24, %sub3A_23 : vector<32x512xf32>
    %add3A = arith.constant 9.99999974E-6 : f32
    %add3A_26 = vector.broadcast %add3A : f32 to vector<1x512xf32>
    %add3A_27 = arith.addf %sub3A, %add3A_26 : vector<1x512xf32>
    %rsqrt3A = math.rsqrt %add3A_27 : vector<1x512xf32>
    %mul3A_28 = vector.broadcast %rsqrt3A : vector<1x512xf32> to vector<32x512xf32>
    %mul3A_29 = arith.mulf %mul3A_25, %mul3A_28 : vector<32x512xf32>
    %get3A_30 = arith.constant 1 : index
    %get3A_31 = arith.constant 0 : index
    %get3A_32 = vector.load %arg2[%get3A_30, %get3A_31] : memref<8x512xf32, #tpu.memory_space<vmem>>, vector<1x512xf32>
    %add3A_33 = vector.broadcast %get3A_32 : vector<1x512xf32> to vector<32x512xf32>
    %add3A_34 = arith.addf %mul3A_29, %add3A_33 : vector<32x512xf32>
    %max3A = arith.constant 0.000000e+00 : f32
    %max3A_35 = vector.broadcast %max3A : f32 to vector<32x512xf32>
    %max3A_36 = arith.maximumf %add3A_34, %max3A_35 : vector<32x512xf32>
    %get3A_37 = arith.constant 0 : index
    %get3A_38 = arith.constant 0 : index
    %get3A_39 = vector.load %arg3[%get3A_37, %get3A_38] : memref<512x128xf32, #tpu.memory_space<vmem>>, vector<512x128xf32>
    %dot_general3A_40 = arith.constant dense<0.000000e+00> : vector<32x128xf32>
    %dot_general3A_41 = tpu.matmul %max3A_36, %get3A_39, %dot_general3A_40 {dimension_numbers = #tpu.dot_dimension_numbers<[1], [0], [0], [1], [0, 0, 1, 1], [], []>, precision = #tpu.contract_precision<fp32>, transpose_lhs_hint = false} : vector<32x512xf32>, vector<512x128xf32>, vector<32x128xf32> -> vector<32x128xf32>
    %reduce_sum3A_42 = arith.constant dense<0.000000e+00> : vector<128xf32>
    %reduce_sum3A_43 = vector.multi_reduction <add>, %dot_general3A_41, %reduce_sum3A_42 [0] : vector<32x128xf32> to vector<128xf32>
    %broadcast_in_dim3A_44 = vector.shape_cast %reduce_sum3A_43 : vector<128xf32> to vector<1x128xf32>
    %div3A_45 = arith.constant 3.200000e+01 : f32
    %div3A_46 = vector.broadcast %div3A_45 : f32 to vector<1x128xf32>
    %div3A_47 = arith.divf %broadcast_in_dim3A_44, %div3A_46 : vector<1x128xf32>
    %mul3A_48 = arith.mulf %dot_general3A_41, %dot_general3A_41 : vector<32x128xf32>
    %reduce_sum3A_49 = arith.constant dense<0.000000e+00> : vector<128xf32>
    %reduce_sum3A_50 = vector.multi_reduction <add>, %mul3A_48, %reduce_sum3A_49 [0] : vector<32x128xf32> to vector<128xf32>
    %broadcast_in_dim3A_51 = vector.shape_cast %reduce_sum3A_50 : vector<128xf32> to vector<1x128xf32>
    %div3A_52 = arith.constant 3.200000e+01 : f32
    %div3A_53 = vector.broadcast %div3A_52 : f32 to vector<1x128xf32>
    %div3A_54 = arith.divf %broadcast_in_dim3A_51, %div3A_53 : vector<1x128xf32>
    %mul3A_55 = arith.mulf %div3A_47, %div3A_47 : vector<1x128xf32>
    %sub3A_56 = arith.subf %div3A_54, %mul3A_55 : vector<1x128xf32>
    %get3A_57 = arith.constant 0 : index
    %get3A_58 = arith.constant 0 : index
    %get3A_59 = vector.load %arg4[%get3A_57, %get3A_58] : memref<8x128xf32, #tpu.memory_space<vmem>>, vector<1x128xf32>
    %sub3A_60 = vector.broadcast %div3A_47 : vector<1x128xf32> to vector<32x128xf32>
    %sub3A_61 = arith.subf %dot_general3A_41, %sub3A_60 : vector<32x128xf32>
    %mul3A_62 = vector.broadcast %get3A_59 : vector<1x128xf32> to vector<32x128xf32>
    %mul3A_63 = arith.mulf %mul3A_62, %sub3A_61 : vector<32x128xf32>
    %add3A_64 = arith.constant 9.99999974E-6 : f32
    %add3A_65 = vector.broadcast %add3A_64 : f32 to vector<1x128xf32>
    %add3A_66 = arith.addf %sub3A_56, %add3A_65 : vector<1x128xf32>
    %rsqrt3A_67 = math.rsqrt %add3A_66 : vector<1x128xf32>
    %mul3A_68 = vector.broadcast %rsqrt3A_67 : vector<1x128xf32> to vector<32x128xf32>
    %mul3A_69 = arith.mulf %mul3A_63, %mul3A_68 : vector<32x128xf32>
    %get3A_70 = arith.constant 1 : index
    %get3A_71 = arith.constant 0 : index
    %get3A_72 = vector.load %arg4[%get3A_70, %get3A_71] : memref<8x128xf32, #tpu.memory_space<vmem>>, vector<1x128xf32>
    %add3A_73 = vector.broadcast %get3A_72 : vector<1x128xf32> to vector<32x128xf32>
    %add3A_74 = arith.addf %mul3A_69, %add3A_73 : vector<32x128xf32>
    %max3A_75 = arith.constant 0.000000e+00 : f32
    %max3A_76 = vector.broadcast %max3A_75 : f32 to vector<32x128xf32>
    %max3A_77 = arith.maximumf %add3A_74, %max3A_76 : vector<32x128xf32>
    %get3A_78 = arith.constant 0 : index
    %get3A_79 = arith.constant 0 : index
    %get3A_80 = vector.load %arg5[%get3A_78, %get3A_79] : memref<128x10xf32, #tpu.memory_space<vmem>>, vector<128x10xf32>
    %dot_general3A_81 = arith.constant dense<0.000000e+00> : vector<32x10xf32>
    %dot_general3A_82 = tpu.matmul %max3A_77, %get3A_80, %dot_general3A_81 {dimension_numbers = #tpu.dot_dimension_numbers<[1], [0], [0], [1], [0, 0, 1, 1], [], []>, precision = #tpu.contract_precision<fp32>, transpose_lhs_hint = false} : vector<32x128xf32>, vector<128x10xf32>, vector<32x10xf32> -> vector<32x10xf32>
    %get3A_83 = arith.constant 0 : index
    %get3A_84 = arith.constant 0 : index
    %get3A_85 = vector.load %arg6[%get3A_83, %get3A_84] : memref<1x10xf32, #tpu.memory_space<vmem>>, vector<1x10xf32>
    %add3A_86 = vector.broadcast %get3A_85 : vector<1x10xf32> to vector<32x10xf32>
    %add3A_87 = arith.addf %dot_general3A_82, %add3A_86 : vector<32x10xf32>
    %reduce_max3A = arith.constant dense<0xFF800000> : vector<32xf32>
    %reduce_max3A_88 = vector.multi_reduction <maximumf>, %add3A_87, %reduce_max3A [1] : vector<32x10xf32> to vector<32xf32>
    %broadcast_in_dim3A_89 = vector.shape_cast %reduce_max3A_88 : vector<32xf32> to vector<32x1xf32>
    %sub3A_90 = vector.broadcast %broadcast_in_dim3A_89 : vector<32x1xf32> to vector<32x10xf32>
    %sub3A_91 = arith.subf %add3A_87, %sub3A_90 : vector<32x10xf32>
    %exp3A = math.exp %sub3A_91 : vector<32x10xf32>
    %reduce_sum3A_92 = arith.constant dense<0.000000e+00> : vector<32xf32>
    %reduce_sum3A_93 = vector.multi_reduction <add>, %exp3A, %reduce_sum3A_92 [1] : vector<32x10xf32> to vector<32xf32>
    %broadcast_in_dim3A_94 = vector.shape_cast %reduce_sum3A_93 : vector<32xf32> to vector<32x1xf32>
    %log3A = math.log %broadcast_in_dim3A_94 : vector<32x1xf32>
    %add3A_95 = arith.addf %log3A, %broadcast_in_dim3A_89 : vector<32x1xf32>
    %sub3A_96 = vector.broadcast %add3A_95 : vector<32x1xf32> to vector<32x10xf32>
    %sub3A_97 = arith.subf %add3A_87, %sub3A_96 : vector<32x10xf32>
    %swap3A = arith.constant 0 : index
    %swap3A_98 = arith.constant 0 : index
    %swap3A_99 = vector.load %arg7[%swap3A, %swap3A_98] : memref<32x10xf32, #tpu.memory_space<vmem>>, vector<32x10xf32>
    tpu.vector_store %arg7[%swap3A, %swap3A_98], %sub3A_97 {strides = array<i32>} : memref<32x10xf32, #tpu.memory_space<vmem>>, vector<32x10xf32>,
    return
  }
}

</mosaic_0001>

<sc_bundles>
// kernel: kernel.25.cloned.1.call-start
scs
__scs_entry_jumppad:
0x0: {  	(pc) =	sbr.rel $0x88, $3  }
0x1: {  	(tag) =	ssettag $0x0;
	lr =	simm.s32 $0x1  }
0x2: {  	[smem:$0x3F8A] =	sst lr;
	_ =	strace $0xD0000000  }
0x3: {  	_ = 	snop  }
0x4: {  	_ = 	snop  }
0x5: {  	_ = 	snop  }
0x6: {  	_ = 	snop  }
0x7: {  	_ = 	snop  }
__scs_overlays_trampoline_lowered:
0x8: {  	[smem:$0x3F99] =	sst s0  }
0x9: {  	[smem:$0x3F9A] =	sst s1  }
0xa: {  	[smem:$0x3F9B] =	sst s2  }
0xb: {  	[smem:$0x3F9C] =	sst s3  }
0xc: {  	[smem:$0x3F9D] =	sst s4  }
0xd: {  	[smem:$0x3F9E] =	sst s5  }
0xe: {  	[smem:$0x3F9F] =	sst s6  }
0xf: {  	[smem:$0x3FA0] =	sst s7  }
0x10: {  	[smem:$0x3FA1] =	sst s8  }
0x11: {  	[smem:$0x3FA2] =	sst s9;
	s0 =	simm.s32 @!p0 $0x0  }
0x12: {  	s1 =	sld [smem:$0x3F88];
	s0 =	simm.s32 @p0 $0x1  }
0x13: {  	[smem:$0x3FA3] =	sst s0;
	s0 =	simm.s32 @!p1 $0x0  }
0x14: {  	s2 =	sld [smem:$0x3F87];
	s0 =	simm.s32 @p1 $0x1  }
0x15: {  	[smem:$0x3FA4] =	sst s0;
	s0 =	simm.s32 @!p2 $0x0  }
0x16: {  	s3 =	sld [smem:$0x3FDB];
	s0 =	simm.s32 @p2 $0x1  }
0x17: {  	s4 =	simm.s32 $0x1BF5;
	[smem:$0x3FA6] =	sst s0  }
0x18: {  	s0 =	sld [smem:$0x3F89];
	_ =	swait.ge [sflag:s4], $0x0  }
0x19: {  	s7 =	sld [smem:$0x3F8A]  }
0x1a: {  	s8 =	sadd.s32 $0xFFFFE003, lr  }
0x1b: {  	s9 =	sadd.s32 $0xFFFFFEF7, lr;
	s5 =	simm.s32 $0xFFFFFFFF;
	p2 =	slt.u32 s8, $0xFFFFF086  }
0x1c: {  	p1 =	slt.u32 s9, $0xF7A;
	s5 =	simm.s32 @!p2 $0x0  }
0x1d: {  	s5 =	simm.s32 @p1 $0x1;
	p0 =	seq.s32 s7, s2  }
0x1e: {  	s7 =	smul.u32 @!p0 $0xF7A, s2;
	p2 =	seq.s32 @!p0 s5, $0x0  }
0x1f: {  	s9 =	smul.u32 $0xF7A, s1;
	s8 =	simm.s32 @!p0 $0x1BF5;
	p2 =	por !p2, p0  }
0x20: {  	[sflag:s8] =	ssyncset.s32 @!p0 $0xFFFFF086;
	s6 =	sadd.s32 @!p0 s3, s7;
	s7 =	simm.s32 @!p0 $0x108  }
0x21: {  	s3 =	sadd.s32 s3, s9;
	s6 =	sadd.s32 @!p0 $0x88, s6;
	s7 =	simm.s32 @p2 $0x1082  }
0x22: {  	[simem:s7], [sflag:s8] =	dma.local @!p0 [hbm:s6], $0xF7A  }
0x23: {  	s9 =	sor.u32 $0xD0000000, s2;
	s6 =	simm.s32 $0x108;
	_ =	swait.ge @!p0 [sflag:s8], $0x0  }
0x24: {  	s3 =	sadd.s32 $0x88, s3;
	s6 =	simm.s32 @!p1 $0x1082;
	[sflag:s4] =	ssyncset.s32 $0xFFFFF086  }
0x25: {  	[simem:s6], [sflag:s4] =	dma.local [hbm:s3], $0xF7A  }
0x26: {  	[smem:$0x3F8A] =	sst s1;
	(tag) =	ssettag s2;
	_ =	strace s9  }
0x27: {  	s1 =	sld [smem:$0x3F9A]  }
0x28: {  	s2 =	sld [smem:$0x3F9B]  }
0x29: {  	s4 =	sld [smem:$0x3F9D]  }
0x2a: {  	p0 =	seq.s32 s5, $0x0;
	s5 =	sld [smem:$0x3F9E]  }
0x2b: {  	s6 =	sld [smem:$0x3F9F]  }
0x2c: {  	s7 =	sld [smem:$0x3FA0]  }
0x2d: {  	s3 =	simm.s32 $0x108;
	s8 =	sld [smem:$0x3FA1]  }
0x2e: {  	s3 =	simm.s32 @!p0 $0x1082;
	s9 =	sld [smem:$0x3FA2]  }
0x2f: {  	lr =	sadd.s32 s0, s3;
	s0 =	sld [smem:$0x3F99]  }
0x30: {  	s3 =	sld [smem:$0x3F9C]  }
0x31: {  	[smem:$0x3FA5] =	sst s10  }
0x32: {  	s10 =	sld [smem:$0x3FA3];
	_ =	sdelay $0x3  }
0x33: {  	p0 =	seq.s32 s10, $0x1;
	s10 =	sld [smem:$0x3FA5];
	_ =	sdelay $0x3  }
0x34: {  	[smem:$0x3FA5] =	sst s10  }
0x35: {  	s10 =	sld [smem:$0x3FA4];
	_ =	sdelay $0x3  }
0x36: {  	p1 =	seq.s32 s10, $0x1;
	s10 =	sld [smem:$0x3FA5];
	_ =	sdelay $0x3  }
0x37: {  	[smem:$0x3FA5] =	sst s10  }
0x38: {  	s10 =	sld [smem:$0x3FA6]  }
0x39: {  	_ = 	snop;
	(pc) =	sbr.ind lr, $3  }
0x3a: {  	_ = 	snop  }
0x3b: {  	_ = 	snop  }
0x3c: {  	p2 =	seq.s32 s10, $0x1;
	s10 =	sld [smem:$0x3FA5]  }
0x3d: {  	_ =	shalt  }
0x3e: {  	_ =	shalt  }
0x3f: {  	_ =	shalt  }
0x40: {  	_ =	shalt  }
0x41: {  	_ =	shalt  }
0x42: {  	_ =	shalt  }
0x43: {  	_ =	shalt  }
0x44: {  	_ =	shalt  }
0x45: {  	_ =	shalt  }
0x46: {  	_ =	shalt  }
0x47: {  	_ =	shalt  }
0x48: {  	_ =	shalt  }
0x49: {  	_ =	shalt  }
0x4a: {  	_ =	shalt  }
0x4b: {  	_ =	shalt  }
0x4c: {  	_ =	shalt  }
0x4d: {  	_ =	shalt  }
0x4e: {  	_ =	shalt  }
0x4f: {  	_ =	shalt  }
0x50: {  	_ =	shalt  }
0x51: {  	_ =	shalt  }
0x52: {  	_ =	shalt  }
0x53: {  	_ =	shalt  }
0x54: {  	_ =	shalt  }
0x55: {  	_ =	shalt  }
0x56: {  	_ =	shalt  }
0x57: {  	_ =	shalt  }
0x58: {  	_ =	shalt  }
0x59: {  	_ =	shalt  }
0x5a: {  	_ =	shalt  }
0x5b: {  	_ =	shalt  }
0x5c: {  	_ =	shalt  }
0x5d: {  	_ =	shalt  }
0x5e: {  	_ =	shalt  }
0x5f: {  	_ =	shalt  }
0x60: {  	_ =	shalt  }
0x61: {  	_ =	shalt  }
0x62: {  	_ =	shalt  }
0x63: {  	_ =	shalt  }
0x64: {  	_ =	shalt  }
0x65: {  	_ =	shalt  }
0x66: {  	_ =	shalt  }
0x67: {  	_ =	shalt  }
0x68: {  	_ =	shalt  }
0x69: {  	_ =	shalt  }
0x6a: {  	_ =	shalt  }
0x6b: {  	_ =	shalt  }
0x6c: {  	_ =	shalt  }
0x6d: {  	_ =	shalt  }
0x6e: {  	_ =	shalt  }
0x6f: {  	_ =	shalt  }
0x70: {  	_ =	shalt  }
0x71: {  	_ =	shalt  }
0x72: {  	_ =	shalt  }
0x73: {  	_ =	shalt  }
0x74: {  	_ =	shalt  }
0x75: {  	_ =	shalt  }
0x76: {  	_ =	shalt  }
0x77: {  	_ =	shalt  }
0x78: {  	_ =	shalt  }
0x79: {  	_ =	shalt  }
0x7a: {  	_ =	shalt  }
0x7b: {  	_ =	shalt  }
0x7c: {  	_ =	shalt  }
0x7d: {  	_ =	shalt  }
0x7e: {  	_ =	shalt  }
0x7f: {  	_ =	shalt  }
0x80: {  	_ =	shalt  }
0x81: {  	_ =	shalt  }
0x82: {  	_ =	shalt  }
0x83: {  	_ =	shalt  }
0x84: {  	_ =	shalt  }
0x85: {  	_ =	shalt  }
0x86: {  	_ =	shalt  }
0x87: {  	_ =	shalt  }
.Lfunc_end0:
.L_simem_size_0:
called_computation_lowered:
.L_overlay_start_0:
0x88: {  	s2 =	sld [smem:$0x3FD9]  }
0x89: {  	s3 =	sld [smem:$0x3FFE];
	_ =	sdelay $0x1  }
0x8a: {  	s1 =	srdreg.scid  }
0x8b: {  	s0 =	sand.u32 $0x1, s1  }
0x8c: {  	s16 =	sshll.u32 s0, $0xA;
	s2 =	sadd.s32 s3, s2  }
0x8d: {  	s2 =	sadd.s32 s2, s16  }
0x8e: {  	[smem:$0x3FB1] =	sst s2  }
0x8f: {  	_ = 	snop  }
0x90: {  	(tm) =	ssettm $0x1  }
0x91: {  	s17 =	sld [smem:$0x3FFB];
	_ =	sdelay $0x3  }
0x92: {  	_ =	strace s17  }
0x93: {  	s2 =	sld [smem:$0x3FFC];
	_ =	sdelay $0x3  }
0x94: {  	_ =	strace s2  }
0x95: {  	s2 =	sld [smem:$0x3FFD];
	_ =	sdelay $0x3  }
0x96: {  	_ =	strace s2  }
0x97: {  	_ =	strace $0x8FFFFFFF  }
0x98: {  	s18 =	sld [smem:$0x3FDB];
	_ =	sdelay $0x1  }
0x99: {  	s19 =	simm.s32 $_scs_section_size  }
0x9a: {  	s4 =	simm.s32 $_size__tile_overlayer_lowered;
	s5 =	simm.s32 $_tile_overlayer_lowered  }
0x9b: {  	s22 =	simm.s32 $0x1BFF;
	s21 =	sshll.u32 s5, $0x1;
	s2 =	sadd.s32 s19, s18  }
0x9c: {  	s6 =	simm.s32 $0x0;
	s20 =	sshll.u32 s4, $0x1;
	s4 =	sadd.s32 s21, s2  }
0x9d: {  	[timem:s6], [sflag:s22] =	dma.local [hbm:s4], s20  }
0x9e: {  	_ =	swait.ge [sflag:s22], s20  }
0x9f: {  	s3 =	ssub.s32 $0x0, s20;
	[sflag:s22] =	ssyncset.done $0x0  }
0xa0: {  	[sflag:s22] =	ssyncadd.s32 s3;
	_ =	sdelay $0x1  }
0xa1: {  	s23 =	simm.s32 $0x1B8B  }
0xa2: {  	_ =	swait.ge [sflag:s23], $0x1  }
0xa3: {  	[sflag:s23] =	ssyncset.done $0x0  }
0xa4: {  	s25 =	simm.s32 $0x1B8E;
	s24 =	sld [smem:$0x3FFE];
	[sflag:s23] =	ssyncadd.s32 $0xFFFFFFFF  }
0xa5: {  	s26 =	simm.s32 $execute0_lowered;
	[smem:$0x3FD2] =	sst s25  }
0xa6: {  	s4 =	sshll.u32 s26, $0x1;
	_ =	strace $0x80000046;
	[dreg:$0x1] =	wrdreg $0xFFFFFFFF  }
0xa7: {  	s28 =	simm.s32 $_size_execute0_lowered;
	s2 =	sadd.s32 s2, s4;
	[dreg:$0x0] =	wrdreg $0x0  }
0xa8: {  	s4 =	sshll.u32 s28, $0x1;
	[dreg:$0x2] =	wrdreg s2  }
0xa9: {  	[dreg:$0x3] =	wrdreg s4  }
0xaa: {  	[dreg:$0x4] =	wrdreg $0xC0  }
0xab: {  	_ =	task [dreg:s6], $0x5FFFF  }
0xac: {  	[dreg:$0x1] =	wrdreg $0xFFFFFFFF  }
0xad: {  	[dreg:$0x0] =	wrdreg $0x60  }
0xae: {  	[dreg:$0x2] =	wrdreg s24  }
0xaf: {  	[dreg:$0x3] =	wrdreg $0x68000  }
0xb0: {  	[dreg:$0x4] =	wrdreg $0x9  }
0xb1: {  	_ =	task.clear_ibuf [dreg:s6], $0x5FFFF;
	_ =	strace $0x90000046  }
0xb2: {  	s29 =	simm.s32 $0x9;
	_ =	strace $0x80000048  }
0xb3: {  	_ =	swait.ge [sflag:s29], $0x1  }
0xb4: {  	[sflag:s29] =	ssyncadd.s32 $0xFFFFFFFF  }
0xb5: {  	_ =	strace $0x90000048  }
0xb6: {  	_ =	sfence  }
0xb7: {  	s30 =	sld [smem:$0x0];
	_ =	sdelay $0x2  }
0xb8: {  	s31 =	sshll.u32 s1, $0xD;
	s1 =	sshrl.u32 s1, $0x2  }
0xb9: {  	s3 =	sand.u32 $0x4000, s31;
	s1 =	sadd.s32 s1, s30  }
0xba: {  	s0 =	sor.u32 s3, s0;
	s1 =	sshll.u32 s1, $0x11  }
0xbb: {  	s0 =	sor.u32 s1, s0  }
0xbc: {  	s0 =	sadd.s32 $0x8F2B, s0  }
0xbd: {  	[sflag:s0] =	ssyncadd.remote.s32 $0x1  }
0xbe: {  	_ =	sfence.sel $0xFFFF  }
0xbf: {  	[dreg:$0x0] =	wrdreg $0xFFFFFFFF;
	(pc) =	sbr.abs _section_cstart, $3  }
0xc0: {  	[dreg:$0x1] =	wrdreg $0xFFFFFFFF  }
0xc1: {  	_ =	task.clear_ibuf [dreg:s6], $0x2FFFF;
	_ =	strace $0x9FFFFFFF  }
0xc2: {  	(tm) =	ssettm $0x7FFFFFFF  }
0xc3: {  	_ =	shalt  }
tec
execute0_lowered:
.L_overlay_start_1:
0x0: {  	(tag) =	ssettag $0x1  }
0x1: {  	s0 =	srdreg.scid;
	s6 =	rddreg [dreg:$0x0]  }
0x2: {  	s2 =	rddreg [dreg:$0x1];
	s1 =	stileid.u32  }
0x3: {  	s3 =	simm.s32 $0x0;
	s15 =	simm.s32 $0x80;
	s16 =	simm.s32 $0x1  }
0x4: {  	s4 =	sand.u32 $0x1, s0;
	s0 =	rddreg [dreg:$0x2];
	s7 =	smul.u32 $0x4E000, s1  }
0x5: {  	s17 =	simm.s32 $0x0;
	[smem:$0x7FF] =	sst s3;
	s12 =	smul.u32 $0x13800, s1  }
0x6: {  	s13 =	sadd.s32 $0x2C800, s6;
	p0 =	seq.s32 s1, $0xF;
	s5 =	sshll.u32 s4, $0x4  }
0x7: {  	_ =	strace $0x80000047;
	s9 =	ssub.s32 $0x2, s4;
	s10 =	smul.u32 $0x138800, s4  }
0x8: {  	s4 =	sadd.s32 $0x2C000, s6;
	s5 =	sor.u32 s1, s5;
	s11 =	sshrl.u32 s9, $0x1  }
0x9: {  	s7 =	sshrl.u32 s7, $0x2;
	s5 =	smul.u32 $0x500, s5;
	s9 =	ssub.s32 s9, s11  }
0xa: {  	s29 =	sadd.s32 s12, s10;
	s14 =	sadd.s32 s7, s2;
	s31 =	sshrl.u32 s10, $0x3  }
0xb: {  	s12 =	sadd.s32 $0x124800, s2;
	s10 =	simm.s32 $0x2800;
	s11 =	simm.s32 $0x2  }
0xc: {  	s30 =	sshrl.u32 s29, $0x3;
	s9 =	smax.u32 s9, $0x1;
	s12 =	sshrl.u32 @p0 s12, $0x3  }
0xd: {  	s8 =	sadd.s32 s5, s6;
	s5 =	sadd.s32 $0x29800, s6;
	s7 =	sadd.s32 s13, s30  }
0xe: {  	s6 =	sadd.s32 $0x1F800, s8;
	s8 =	sadd.s32 s13, s31;
	s13 =	sshll.u32 @!p0 s1, $0x6  }
0xf: {  	s14 =	sshrl.u32 @!p0 s14, $0x3;
	s8 =	sadd.s32 $0x24900, s8;
	s13 =	sor.u32 @!p0 $0x1C02, s13  }
.LBB2_1:
0x10: {  	[tilespmem:s10], [sflag:$0x2] =	stream.linear.gather [hbm4b:s4+s3], $0x4000, $0x38;
	[tilespmem:$0x1A0C0] =	vst v63  }
0x11: {  	_ =	swait.ge [sflag:s11], $0x4000  }
0x12: {  	[sflag:s11] =	ssyncset.done $0x0  }
0x13: {  	[sflag:s11] =	ssyncadd.s32 $0xFFFFC000  }
0x14: {  	[tilespmem:s3], [sflag:$0x2] =	stream.linear.gather [hbm4b:s6+s3], $0x2800, $0x38;
	[tilespmem:$0x1A0C0] =	vst v63  }
0x15: {  	_ =	swait.ge [sflag:s11], $0x2800  }
0x16: {  	[sflag:s11] =	ssyncset.done $0x0  }
0x17: {  	s18 =	simm.s32 @p0 $0x1FC2;
	[sflag:s11] =	ssyncadd.s32 $0xFFFFD800  }
0x18: {  	[spmem:s12], [sflag:s18] =	dma.local @p0 [hbm:s5], $0x2800  }
0x19: {  	s18 =	simm.s32 @p0 $0x2  }
0x1a: {  	_ =	swait.ge @p0 [sflag:s18], $0x2800  }
0x1b: {  	[sflag:s18] =	ssyncset.done @p0 $0x0  }
0x1c: {  	[sflag:s18] =	ssyncadd.s32 @p0 $0xFFFFD800;
	s18 =	simm.s32 @!p0 $0x2  }
0x1d: {  	[spmem:s14], [sflag:s13] =	dma.local @!p0 [hbm:s5], $0x2700  }
0x1e: {  	_ =	swait.ge @!p0 [sflag:s18], $0x2700  }
0x1f: {  	[sflag:s18] =	ssyncset.done @!p0 $0x0  }
0x20: {  	[sflag:s18] =	ssyncadd.s32 @!p0 $0xFFFFD900  }
0x21: {  	s18 =	simm.s32 $0x0;
	[bflag:$0x0] =	sbarrier.arrive $0xFFFF  }
.LBB2_2:
0x22: {  	p1 =	sne.s32 s18, $0x9E00  }
.Ltmp0:
0x23: {  	_ = 	snop;
	(pc) =	sbr.rel @p1 .LBB2_2-.Ltmp0, $3  }
0x24: {  	_ =	sdelay $0x1  }
0x25: {  	s19 =	sshra.s32 s18, $0x2;
	s18 =	sadd.s32 $0x200, s18  }
0x26: {  	[spmem:s2] =	stream.indirect.scatter.add.f32 [tilespmem:s10], [sflag:$0x1], $0x80, s19, s15, $0xb8;
	[tilespmem:$0x1A0C0] =	vst v63  }
0x27: {  	_ =	swait.ge [sflag:s16], $0x4000  }
0x28: {  	s18 =	simm.s32 $0x4F;
	[sflag:s16] =	ssyncset.done $0x0  }
.LBB2_4:
0x29: {  	p1 =	sne.s32 s18, $0x1;
	s18 =	sadd.s32 $0xFFFFFFFF, s18;
	[sflag:s16] =	ssyncadd.s32 $0xFFFFC000  }
.Ltmp1:
0x2a: {  	(pc) =	sbr.rel @p1 .LBB2_4-.Ltmp1, $3  }
0x2b: {  	_ =	sdelay $0x1  }
0x2c: {  	_ =	swait.ge [sflag:s16], $0x4000  }
0x2d: {  	[sflag:s16] =	ssyncset.done $0x0  }
0x2e: {  	[sflag:s16] =	ssyncadd.s32 $0xFFFFC000  }
0x2f: {  	s18 =	simm.s32 @p0 $0x1FC2;
	[bflag:$0x0] =	sbarrier.arrive $0xFFFF  }
0x30: {  	[hbm:s8], [sflag:s18] =	dma.local @p0 [spmem:s12], $0x2800  }
0x31: {  	s18 =	simm.s32 @p0 $0x2  }
0x32: {  	s17 =	sadd.s32 $0x1, s17;
	_ =	swait.ge @p0 [sflag:s18], $0x2800  }
0x33: {  	p1 =	sne.s32 s17, s9;
	[sflag:s18] =	ssyncset.done @p0 $0x0  }
.Ltmp2:
0x34: {  	[sflag:s18] =	ssyncadd.s32 @p0 $0xFFFFD800;
	s18 =	simm.s32 @!p0 $0x2;
	(pc) =	sbr.rel @p1 .LBB2_1-.Ltmp2, $4  }
0x35: {  	[hbm:s7], [sflag:s13] =	dma.local @!p0 [spmem:s14], $0x2700  }
0x36: {  	_ =	swait.ge @!p0 [sflag:s18], $0x2700  }
0x37: {  	[sflag:s18] =	ssyncset.done @!p0 $0x0  }
0x38: {  	[sflag:s18] =	ssyncadd.s32 @!p0 $0xFFFFD900  }
0x39: {  	_ =	sfence.sel $0x180000  }
0x3a: {  	[bflag:$0x0] =	sbarrier.arrive $0xFFFF  }
0x3b: {  	p0 =	sne.s32 s1, $0x0;
	_ =	strace $0x90000047  }
0x3c: {  	s0 =	sadd.s32 @!p0 $0x100000, s0;
	[bflag:$0x2] =	sbarrier.arrive $0xFFFF  }
0x3d: {  	[sflag:s0] =	ssyncadd.tile.s32 @!p0 $0x1;
	_ =	shalt  }
.Lfunc_end2:
_tile_overlayer_lowered:
.L_overlay_start_2:
0x3e: {  	(tag) =	ssettag $0x2  }
0x3f: {  	s0 =	rddreg [dreg:$0x0];
	s2 =	stileid.u32  }
0x40: {  	s1 =	rddreg [dreg:$0x1];
	p0 =	sne.s32 s2, $0x0  }
0x41: {  	s3 =	rddreg [dreg:$0x2];
	[bflag:$0x3] =	sbarrier.arrive $0xFFFF;
	s2 =	simm.s32 @!p0 $0x1C02  }
0x42: {  	[timem:s3], [sflag:s2] =	dma.local @!p0 [hbm:s0], s1  }
0x43: {  	s0 =	simm.s32 @!p0 $0x2  }
0x44: {  	_ =	swait.ge @!p0 [sflag:s0], s1  }
0x45: {  	s1 =	ssub.s32 @!p0 $0x0, s1;
	[sflag:s0] =	ssyncset.done @!p0 $0x0  }
0x46: {  	[sflag:s0] =	ssyncadd.s32 @!p0 s1  }
0x47: {  	[bflag:$0x3] =	sbarrier.arrive $0xFFFF  }
0x48: {  	_ =	shalt  }

// kernel: kernel.28.cloned.1.call-start
scs
__scs_entry_jumppad:
0x0: {  	(pc) =	sbr.rel $0x88, $3  }
0x1: {  	(tag) =	ssettag $0x0;
	lr =	simm.s32 $0x1  }
0x2: {  	[smem:$0x3F8A] =	sst lr;
	_ =	strace $0xD0000000  }
0x3: {  	_ = 	snop  }
0x4: {  	_ = 	snop  }
0x5: {  	_ = 	snop  }
0x6: {  	_ = 	snop  }
0x7: {  	_ = 	snop  }
__scs_overlays_trampoline_lowered:
0x8: {  	[smem:$0x3F99] =	sst s0  }
0x9: {  	[smem:$0x3F9A] =	sst s1  }
0xa: {  	[smem:$0x3F9B] =	sst s2  }
0xb: {  	[smem:$0x3F9C] =	sst s3  }
0xc: {  	[smem:$0x3F9D] =	sst s4  }
0xd: {  	[smem:$0x3F9E] =	sst s5  }
0xe: {  	[smem:$0x3F9F] =	sst s6  }
0xf: {  	[smem:$0x3FA0] =	sst s7  }
0x10: {  	[smem:$0x3FA1] =	sst s8  }
0x11: {  	[smem:$0x3FA2] =	sst s9;
	s0 =	simm.s32 @!p0 $0x0  }
0x12: {  	s1 =	sld [smem:$0x3F88];
	s0 =	simm.s32 @p0 $0x1  }
0x13: {  	[smem:$0x3FA3] =	sst s0;
	s0 =	simm.s32 @!p1 $0x0  }
0x14: {  	s2 =	sld [smem:$0x3F87];
	s0 =	simm.s32 @p1 $0x1  }
0x15: {  	[smem:$0x3FA4] =	sst s0;
	s0 =	simm.s32 @!p2 $0x0  }
0x16: {  	s3 =	sld [smem:$0x3FDB];
	s0 =	simm.s32 @p2 $0x1  }
0x17: {  	s4 =	simm.s32 $0x1BF5;
	[smem:$0x3FA6] =	sst s0  }
0x18: {  	s0 =	sld [smem:$0x3F89];
	_ =	swait.ge [sflag:s4], $0x0  }
0x19: {  	s7 =	sld [smem:$0x3F8A]  }
0x1a: {  	s8 =	sadd.s32 $0xFFFFE003, lr  }
0x1b: {  	s9 =	sadd.s32 $0xFFFFFEF7, lr;
	s5 =	simm.s32 $0xFFFFFFFF;
	p2 =	slt.u32 s8, $0xFFFFF086  }
0x1c: {  	p1 =	slt.u32 s9, $0xF7A;
	s5 =	simm.s32 @!p2 $0x0  }
0x1d: {  	s5 =	simm.s32 @p1 $0x1;
	p0 =	seq.s32 s7, s2  }
0x1e: {  	s7 =	smul.u32 @!p0 $0xF7A, s2;
	p2 =	seq.s32 @!p0 s5, $0x0  }
0x1f: {  	s9 =	smul.u32 $0xF7A, s1;
	s8 =	simm.s32 @!p0 $0x1BF5;
	p2 =	por !p2, p0  }
0x20: {  	[sflag:s8] =	ssyncset.s32 @!p0 $0xFFFFF086;
	s6 =	sadd.s32 @!p0 s3, s7;
	s7 =	simm.s32 @!p0 $0x108  }
0x21: {  	s3 =	sadd.s32 s3, s9;
	s6 =	sadd.s32 @!p0 $0x88, s6;
	s7 =	simm.s32 @p2 $0x1082  }
0x22: {  	[simem:s7], [sflag:s8] =	dma.local @!p0 [hbm:s6], $0xF7A  }
0x23: {  	s9 =	sor.u32 $0xD0000000, s2;
	s6 =	simm.s32 $0x108;
	_ =	swait.ge @!p0 [sflag:s8], $0x0  }
0x24: {  	s3 =	sadd.s32 $0x88, s3;
	s6 =	simm.s32 @!p1 $0x1082;
	[sflag:s4] =	ssyncset.s32 $0xFFFFF086  }
0x25: {  	[simem:s6], [sflag:s4] =	dma.local [hbm:s3], $0xF7A  }
0x26: {  	[smem:$0x3F8A] =	sst s1;
	(tag) =	ssettag s2;
	_ =	strace s9  }
0x27: {  	s1 =	sld [smem:$0x3F9A]  }
0x28: {  	s2 =	sld [smem:$0x3F9B]  }
0x29: {  	s4 =	sld [smem:$0x3F9D]  }
0x2a: {  	p0 =	seq.s32 s5, $0x0;
	s5 =	sld [smem:$0x3F9E]  }
0x2b: {  	s6 =	sld [smem:$0x3F9F]  }
0x2c: {  	s7 =	sld [smem:$0x3FA0]  }
0x2d: {  	s3 =	simm.s32 $0x108;
	s8 =	sld [smem:$0x3FA1]  }
0x2e: {  	s3 =	simm.s32 @!p0 $0x1082;
	s9 =	sld [smem:$0x3FA2]  }
0x2f: {  	lr =	sadd.s32 s0, s3;
	s0 =	sld [smem:$0x3F99]  }
0x30: {  	s3 =	sld [smem:$0x3F9C]  }
0x31: {  	[smem:$0x3FA5] =	sst s10  }
0x32: {  	s10 =	sld [smem:$0x3FA3];
	_ =	sdelay $0x3  }
0x33: {  	p0 =	seq.s32 s10, $0x1;
	s10 =	sld [smem:$0x3FA5];
	_ =	sdelay $0x3  }
0x34: {  	[smem:$0x3FA5] =	sst s10  }
0x35: {  	s10 =	sld [smem:$0x3FA4];
	_ =	sdelay $0x3  }
0x36: {  	p1 =	seq.s32 s10, $0x1;
	s10 =	sld [smem:$0x3FA5];
	_ =	sdelay $0x3  }
0x37: {  	[smem:$0x3FA5] =	sst s10  }
0x38: {  	s10 =	sld [smem:$0x3FA6]  }
0x39: {  	_ = 	snop;
	(pc) =	sbr.ind lr, $3  }
0x3a: {  	_ = 	snop  }
0x3b: {  	_ = 	snop  }
0x3c: {  	p2 =	seq.s32 s10, $0x1;
	s10 =	sld [smem:$0x3FA5]  }
0x3d: {  	_ =	shalt  }
0x3e: {  	_ =	shalt  }
0x3f: {  	_ =	shalt  }
0x40: {  	_ =	shalt  }
0x41: {  	_ =	shalt  }
0x42: {  	_ =	shalt  }
0x43: {  	_ =	shalt  }
0x44: {  	_ =	shalt  }
0x45: {  	_ =	shalt  }
0x46: {  	_ =	shalt  }
0x47: {  	_ =	shalt  }
0x48: {  	_ =	shalt  }
0x49: {  	_ =	shalt  }
0x4a: {  	_ =	shalt  }
0x4b: {  	_ =	shalt  }
0x4c: {  	_ =	shalt  }
0x4d: {  	_ =	shalt  }
0x4e: {  	_ =	shalt  }
0x4f: {  	_ =	shalt  }
0x50: {  	_ =	shalt  }
0x51: {  	_ =	shalt  }
0x52: {  	_ =	shalt  }
0x53: {  	_ =	shalt  }
0x54: {  	_ =	shalt  }
0x55: {  	_ =	shalt  }
0x56: {  	_ =	shalt  }
0x57: {  	_ =	shalt  }
0x58: {  	_ =	shalt  }
0x59: {  	_ =	shalt  }
0x5a: {  	_ =	shalt  }
0x5b: {  	_ =	shalt  }
0x5c: {  	_ =	shalt  }
0x5d: {  	_ =	shalt  }
0x5e: {  	_ =	shalt  }
0x5f: {  	_ =	shalt  }
0x60: {  	_ =	shalt  }
0x61: {  	_ =	shalt  }
0x62: {  	_ =	shalt  }
0x63: {  	_ =	shalt  }
0x64: {  	_ =	shalt  }
0x65: {  	_ =	shalt  }
0x66: {  	_ =	shalt  }
0x67: {  	_ =	shalt  }
0x68: {  	_ =	shalt  }
0x69: {  	_ =	shalt  }
0x6a: {  	_ =	shalt  }
0x6b: {  	_ =	shalt  }
0x6c: {  	_ =	shalt  }
0x6d: {  	_ =	shalt  }
0x6e: {  	_ =	shalt  }
0x6f: {  	_ =	shalt  }
0x70: {  	_ =	shalt  }
0x71: {  	_ =	shalt  }
0x72: {  	_ =	shalt  }
0x73: {  	_ =	shalt  }
0x74: {  	_ =	shalt  }
0x75: {  	_ =	shalt  }
0x76: {  	_ =	shalt  }
0x77: {  	_ =	shalt  }
0x78: {  	_ =	shalt  }
0x79: {  	_ =	shalt  }
0x7a: {  	_ =	shalt  }
0x7b: {  	_ =	shalt  }
0x7c: {  	_ =	shalt  }
0x7d: {  	_ =	shalt  }
0x7e: {  	_ =	shalt  }
0x7f: {  	_ =	shalt  }
0x80: {  	_ =	shalt  }
0x81: {  	_ =	shalt  }
0x82: {  	_ =	shalt  }
0x83: {  	_ =	shalt  }
0x84: {  	_ =	shalt  }
0x85: {  	_ =	shalt  }
0x86: {  	_ =	shalt  }
0x87: {  	_ =	shalt  }
.Lfunc_end0:
.L_simem_size_0:
called_computation.1_lowered:
.L_overlay_start_0:
0x88: {  	s2 =	sld [smem:$0x3FD9]  }
0x89: {  	s3 =	sld [smem:$0x3FFE];
	_ =	sdelay $0x1  }
0x8a: {  	s1 =	srdreg.scid  }
0x8b: {  	s0 =	sand.u32 $0x1, s1  }
0x8c: {  	s16 =	sshll.u32 s0, $0xA;
	s2 =	sadd.s32 s3, s2  }
0x8d: {  	s2 =	sadd.s32 s2, s16  }
0x8e: {  	[smem:$0x3FB1] =	sst s2  }
0x8f: {  	_ = 	snop  }
0x90: {  	(tm) =	ssettm $0x1  }
0x91: {  	s17 =	sld [smem:$0x3FFB];
	_ =	sdelay $0x3  }
0x92: {  	_ =	strace s17  }
0x93: {  	s2 =	sld [smem:$0x3FFC];
	_ =	sdelay $0x3  }
0x94: {  	_ =	strace s2  }
0x95: {  	s2 =	sld [smem:$0x3FFD];
	_ =	sdelay $0x3  }
0x96: {  	_ =	strace s2  }
0x97: {  	_ =	strace $0x8FFFFFFF  }
0x98: {  	s18 =	sld [smem:$0x3FDB];
	_ =	sdelay $0x1  }
0x99: {  	s19 =	simm.s32 $_scs_section_size  }
0x9a: {  	s4 =	simm.s32 $_size__tile_overlayer_lowered;
	s5 =	simm.s32 $_tile_overlayer_lowered  }
0x9b: {  	s22 =	simm.s32 $0x1BFF;
	s21 =	sshll.u32 s5, $0x1;
	s2 =	sadd.s32 s19, s18  }
0x9c: {  	s6 =	simm.s32 $0x0;
	s20 =	sshll.u32 s4, $0x1;
	s4 =	sadd.s32 s21, s2  }
0x9d: {  	[timem:s6], [sflag:s22] =	dma.local [hbm:s4], s20  }
0x9e: {  	_ =	swait.ge [sflag:s22], s20  }
0x9f: {  	s3 =	ssub.s32 $0x0, s20;
	[sflag:s22] =	ssyncset.done $0x0  }
0xa0: {  	[sflag:s22] =	ssyncadd.s32 s3;
	_ =	sdelay $0x1  }
0xa1: {  	s23 =	simm.s32 $0x1B8B  }
0xa2: {  	_ =	swait.ge [sflag:s23], $0x1  }
0xa3: {  	[sflag:s23] =	ssyncset.done $0x0  }
0xa4: {  	s25 =	simm.s32 $0x1B8E;
	s24 =	sld [smem:$0x3FFE];
	[sflag:s23] =	ssyncadd.s32 $0xFFFFFFFF  }
0xa5: {  	s26 =	simm.s32 $execute0_lowered;
	[smem:$0x3FD2] =	sst s25  }
0xa6: {  	s4 =	sshll.u32 s26, $0x1;
	_ =	strace $0x80000049;
	[dreg:$0x1] =	wrdreg $0xFFFFFFFF  }
0xa7: {  	s28 =	simm.s32 $_size_execute0_lowered;
	s2 =	sadd.s32 s2, s4;
	[dreg:$0x0] =	wrdreg $0x0  }
0xa8: {  	s4 =	sshll.u32 s28, $0x1;
	[dreg:$0x2] =	wrdreg s2  }
0xa9: {  	[dreg:$0x3] =	wrdreg s4  }
0xaa: {  	[dreg:$0x4] =	wrdreg $0xC0  }
0xab: {  	_ =	task [dreg:s6], $0x5FFFF  }
0xac: {  	[dreg:$0x1] =	wrdreg $0xFFFFFFFF  }
0xad: {  	[dreg:$0x0] =	wrdreg $0x60  }
0xae: {  	[dreg:$0x2] =	wrdreg s24  }
0xaf: {  	[dreg:$0x3] =	wrdreg $0x29000  }
0xb0: {  	[dreg:$0x4] =	wrdreg $0x9  }
0xb1: {  	_ =	task.clear_ibuf [dreg:s6], $0x5FFFF;
	_ =	strace $0x90000049  }
0xb2: {  	s29 =	simm.s32 $0x9;
	_ =	strace $0x8000004B  }
0xb3: {  	_ =	swait.ge [sflag:s29], $0x1  }
0xb4: {  	[sflag:s29] =	ssyncadd.s32 $0xFFFFFFFF  }
0xb5: {  	_ =	strace $0x9000004B  }
0xb6: {  	_ =	sfence  }
0xb7: {  	s30 =	sld [smem:$0x0];
	_ =	sdelay $0x2  }
0xb8: {  	s31 =	sshll.u32 s1, $0xD;
	s1 =	sshrl.u32 s1, $0x2  }
0xb9: {  	s3 =	sand.u32 $0x4000, s31;
	s1 =	sadd.s32 s1, s30  }
0xba: {  	s0 =	sor.u32 s3, s0;
	s1 =	sshll.u32 s1, $0x11  }
0xbb: {  	s0 =	sor.u32 s1, s0  }
0xbc: {  	s0 =	sadd.s32 $0x8F2B, s0  }
0xbd: {  	[sflag:s0] =	ssyncadd.remote.s32 $0x1  }
0xbe: {  	_ =	sfence.sel $0xFFFF  }
0xbf: {  	[dreg:$0x0] =	wrdreg $0xFFFFFFFF;
	(pc) =	sbr.abs _section_cstart, $3  }
0xc0: {  	[dreg:$0x1] =	wrdreg $0xFFFFFFFF  }
0xc1: {  	_ =	task.clear_ibuf [dreg:s6], $0x2FFFF;
	_ =	strace $0x9FFFFFFF  }
0xc2: {  	(tm) =	ssettm $0x7FFFFFFF  }
0xc3: {  	_ =	shalt  }
tec
execute0_lowered:
.L_overlay_start_1:
0x0: {  	(tag) =	ssettag $0x1  }
0x1: {  	s6 =	rddreg [dreg:$0x0]  }
0x2: {  	s2 =	rddreg [dreg:$0x1]  }
0x3: {  	s0 =	srdreg.scid;
	s1 =	rddreg [dreg:$0x2]  }
0x4: {  	s3 =	simm.s32 $0x0;
	s14 =	simm.s32 $0x2;
	s5 =	sand.u32 $0x1, s0  }
0x5: {  	s15 =	simm.s32 $0x80;
	s0 =	stileid.u32;
	s4 =	smul.u32 $0x27100, s5  }
0x6: {  	s16 =	simm.s32 $0x50;
	s17 =	simm.s32 $0x100;
	s7 =	smul.u32 $0x2710, s0  }
0x7: {  	s18 =	simm.s32 $0x1;
	s19 =	simm.s32 $0x0;
	s25 =	smul.u32 $0x4E000, s0  }
0x8: {  	[smem:$0x7FF] =	sst s3;
	s12 =	sadd.s32 $0x7A400, s6;
	s8 =	smul.u32 $0x138800, s5  }
0x9: {  	_ =	strace $0x8000004A;
	s9 =	ssub.s32 $0x2, s5;
	s11 =	smul.u32 $0x13800, s0  }
0xa: {  	s5 =	sadd.s32 $0x2C000, s6;
	p0 =	seq.s32 s0, $0xF;
	s26 =	sshrl.u32 s9, $0x1  }
0xb: {  	s4 =	sadd.s32 s7, s4;
	s9 =	ssub.s32 s9, s26;
	s28 =	sshrl.u32 s25, $0x2  }
0xc: {  	s29 =	sadd.s32 s11, s8;
	s31 =	sshrl.u32 s8, $0x3;
	s11 =	sadd.s32 $0x124800, s2  }
0xd: {  	s4 =	sshrl.u32 s4, $0x3;
	s13 =	sadd.s32 s28, s2;
	s30 =	sshrl.u32 s29, $0x3  }
0xe: {  	s7 =	sadd.s32 s12, s31;
	s8 =	smax.u32 s9, $0x1;
	s11 =	sshrl.u32 @p0 s11, $0x3  }
0xf: {  	s10 =	sadd.s32 s4, s6;
	s4 =	sadd.s32 $0x29800, s6;
	s6 =	sadd.s32 s12, s30  }
0x10: {  	s7 =	sadd.s32 $0x24900, s7;
	s12 =	sshll.u32 @!p0 s0, $0x6;
	s13 =	sshrl.u32 @!p0 s13, $0x3  }
0x11: {  	s9 =	sadd.s32 $0x15A00, s10;
	s10 =	sadd.s32 $0xBC00, s10;
	s12 =	sor.u32 @!p0 $0x1C02, s12  }
.LBB2_1:
0x12: {  	s20 =	simm.s32 @p0 $0x1FC2  }
0x13: {  	[spmem:s11], [sflag:s20] =	dma.local @p0 [hbm:s4], $0x2800  }
0x14: {  	s20 =	simm.s32 @p0 $0x2  }
0x15: {  	_ =	swait.ge @p0 [sflag:s20], $0x2800  }
0x16: {  	[sflag:s20] =	ssyncset.done @p0 $0x0  }
0x17: {  	[sflag:s20] =	ssyncadd.s32 @p0 $0xFFFFD800;
	s20 =	simm.s32 @!p0 $0x2  }
0x18: {  	[spmem:s13], [sflag:s12] =	dma.local @!p0 [hbm:s4], $0x2700  }
0x19: {  	_ =	swait.ge @!p0 [sflag:s20], $0x2700  }
0x1a: {  	[sflag:s20] =	ssyncset.done @!p0 $0x0  }
0x1b: {  	[sflag:s20] =	ssyncadd.s32 @!p0 $0xFFFFD900  }
0x1c: {  	s30 =	sadd.s32 $0x0, s10;
	[bflag:$0x0] =	sbarrier.arrive $0xFFFF  }
0x1d: {  	[tilespmem:s3], [sflag:$0x2] =	stream.linear.gather [hbm4b:s30+s3], $0x50, $0x38;
	[tilespmem:$0x16180] =	vst v63  }
0x1e: {  	_ =	swait.ge [sflag:s14], $0x50  }
0x1f: {  	[sflag:s14] =	ssyncset.done $0x0  }
0x20: {  	s31 =	sadd.s32 $0x0, s9;
	[sflag:s14] =	ssyncadd.s32 $0xFFFFFFB0  }
0x21: {  	[tilespmem:s15], [sflag:$0x2] =	stream.linear.gather [hbm4b:s31+s3], $0x50, $0x38;
	[tilespmem:$0x16180] =	vst v63  }
0x22: {  	_ =	swait.ge [sflag:s14], $0x50  }
0x23: {  	[sflag:s14] =	ssyncset.done $0x0  }
0x24: {  	[sflag:s14] =	ssyncadd.s32 $0xFFFFFFB0  }
0x25: {  	[tilespmem:s17], [sflag:$0x1] =	stream.indirect.gather [hbm4b:s5+s16], $0x80, s3, s16, $0xb8;
	[tilespmem:$0x16180] =	vst v63  }
0x26: {  	_ =	swait.ge [sflag:s18], $0x2800  }
0x27: {  	[sflag:s18] =	ssyncset.done $0x0  }
0x28: {  	[sflag:s18] =	ssyncadd.s32 $0xFFFFD800  }
0x29: {  	[spmem:s2] =	stream.indirect.scatter.add.f32 [tilespmem:s17], [sflag:$0x2], $0x80, s15, s16, $0xb8;
	[tilespmem:$0x16180] =	vst v63  }
0x2a: {  	_ =	swait.ge [sflag:s14], $0x2800  }
0x2b: {  	s21 =	simm.s32 $0x14;
	s20 =	simm.s32 $0xA;
	[sflag:s14] =	ssyncset.done $0x0  }
.LBB2_2:
0x2c: {  	s22 =	sadd.s32 s20, s10  }
0x2d: {  	[sflag:s14] =	ssyncadd.s32 $0xFFFFD800;
	s23 =	smov.u32 s21;
	s24 =	sadd.s32 $0xA, s21  }
0x2e: {  	[tilespmem:s3], [sflag:$0x2] =	stream.linear.gather [hbm4b:s22+s3], $0x50, $0x38;
	[tilespmem:$0x16180] =	vst v63  }
0x2f: {  	p1 =	sne.s32 s21, $0x4D8;
	_ =	swait.ge [sflag:s14], $0x50  }
0x30: {  	[sflag:s14] =	ssyncset.done $0x0  }
0x31: {  	s21 =	sadd.s32 s20, s9;
	s20 =	smov.u32 s23;
	[sflag:s14] =	ssyncadd.s32 $0xFFFFFFB0  }
0x32: {  	[tilespmem:s15], [sflag:$0x2] =	stream.linear.gather [hbm4b:s21+s3], $0x50, $0x38;
	[tilespmem:$0x16180] =	vst v63  }
0x33: {  	_ =	swait.ge [sflag:s14], $0x50  }
0x34: {  	[sflag:s14] =	ssyncset.done $0x0  }
0x35: {  	[sflag:s14] =	ssyncadd.s32 $0xFFFFFFB0  }
0x36: {  	[tilespmem:s17], [sflag:$0x1] =	stream.indirect.gather [hbm4b:s5+s16], $0x80, s3, s16, $0xb8;
	[tilespmem:$0x16180] =	vst v63  }
0x37: {  	_ =	swait.ge [sflag:s18], $0x2800  }
.Ltmp0:
0x38: {  	[sflag:s18] =	ssyncset.done $0x0;
	(pc) =	sbr.rel @p1 .LBB2_2-.Ltmp0, $4  }
0x39: {  	[sflag:s18] =	ssyncadd.s32 $0xFFFFD800  }
0x3a: {  	[spmem:s2] =	stream.indirect.scatter.add.f32 [tilespmem:s17], [sflag:$0x2], $0x80, s15, s16, $0xb8;
	[tilespmem:$0x16180] =	vst v63  }
0x3b: {  	_ =	swait.ge [sflag:s14], $0x2800  }
0x3c: {  	s21 =	smov.u32 s24;
	[sflag:s14] =	ssyncset.done $0x0  }
0x3d: {  	s21 =	sadd.s32 s20, s10;
	[sflag:s14] =	ssyncadd.s32 $0xFFFFD800  }
0x3e: {  	[tilespmem:s3], [sflag:$0x2] =	stream.linear.gather [hbm4b:s21+s3], $0x50, $0x38;
	[tilespmem:$0x16180] =	vst v63  }
0x3f: {  	_ =	swait.ge [sflag:s14], $0x50  }
0x40: {  	[sflag:s14] =	ssyncset.done $0x0  }
0x41: {  	s31 =	sadd.s32 s20, s9;
	[sflag:s14] =	ssyncadd.s32 $0xFFFFFFB0  }
0x42: {  	[tilespmem:s15], [sflag:$0x2] =	stream.linear.gather [hbm4b:s31+s3], $0x50, $0x38;
	[tilespmem:$0x16180] =	vst v63  }
0x43: {  	_ =	swait.ge [sflag:s14], $0x50  }
0x44: {  	[sflag:s14] =	ssyncset.done $0x0  }
0x45: {  	[sflag:s14] =	ssyncadd.s32 $0xFFFFFFB0  }
0x46: {  	[tilespmem:s17], [sflag:$0x1] =	stream.indirect.gather [hbm4b:s5+s16], $0x80, s3, s16, $0xb8;
	[tilespmem:$0x16180] =	vst v63  }
0x47: {  	_ =	swait.ge [sflag:s18], $0x2800  }
0x48: {  	[sflag:s18] =	ssyncset.done $0x0  }
0x49: {  	[sflag:s18] =	ssyncadd.s32 $0xFFFFD800  }
0x4a: {  	[spmem:s2] =	stream.indirect.scatter.add.f32 [tilespmem:s17], [sflag:$0x2], $0x80, s15, s16, $0xb8;
	[tilespmem:$0x16180] =	vst v63  }
0x4b: {  	_ =	swait.ge [sflag:s14], $0x2800  }
0x4c: {  	[sflag:s14] =	ssyncset.done $0x0  }
0x4d: {  	[sflag:s14] =	ssyncadd.s32 $0xFFFFD800  }
0x4e: {  	s20 =	simm.s32 @p0 $0x1FC2;
	[bflag:$0x0] =	sbarrier.arrive $0xFFFF  }
0x4f: {  	[hbm:s7], [sflag:s20] =	dma.local @p0 [spmem:s11], $0x2800  }
0x50: {  	s20 =	simm.s32 @p0 $0x2  }
0x51: {  	_ =	swait.ge @p0 [sflag:s20], $0x2800  }
0x52: {  	s19 =	sadd.s32 $0x1, s19;
	[sflag:s20] =	ssyncset.done @p0 $0x0  }
0x53: {  	p1 =	sne.s32 s19, s8;
	[sflag:s20] =	ssyncadd.s32 @p0 $0xFFFFD800;
	s20 =	simm.s32 @!p0 $0x2  }
0x54: {  	[hbm:s6], [sflag:s12] =	dma.local @!p0 [spmem:s13], $0x2700  }
.Ltmp1:
0x55: {  	_ =	swait.ge @!p0 [sflag:s20], $0x2700;
	(pc) =	sbr.rel @p1 .LBB2_1-.Ltmp1, $3  }
0x56: {  	[sflag:s20] =	ssyncset.done @!p0 $0x0  }
0x57: {  	[sflag:s20] =	ssyncadd.s32 @!p0 $0xFFFFD900  }
0x58: {  	[bflag:$0x0] =	sbarrier.arrive $0xFFFF;
	_ =	sdelay $0x1  }
0x59: {  	_ =	sfence.sel $0x180000  }
0x5a: {  	[bflag:$0x0] =	sbarrier.arrive $0xFFFF  }
0x5b: {  	p0 =	sne.s32 s0, $0x0;
	_ =	strace $0x9000004A  }
0x5c: {  	s0 =	sadd.s32 @!p0 $0x100000, s1;
	[bflag:$0x2] =	sbarrier.arrive $0xFFFF  }
0x5d: {  	[sflag:s0] =	ssyncadd.tile.s32 @!p0 $0x1;
	_ =	shalt  }
.Lfunc_end2:
_tile_overlayer_lowered:
.L_overlay_start_2:
0x5e: {  	(tag) =	ssettag $0x2  }
0x5f: {  	s0 =	rddreg [dreg:$0x0];
	s2 =	stileid.u32  }
0x60: {  	s1 =	rddreg [dreg:$0x1];
	p0 =	sne.s32 s2, $0x0  }
0x61: {  	s3 =	rddreg [dreg:$0x2];
	[bflag:$0x3] =	sbarrier.arrive $0xFFFF;
	s2 =	simm.s32 @!p0 $0x1C02  }
0x62: {  	[timem:s3], [sflag:s2] =	dma.local @!p0 [hbm:s0], s1  }
0x63: {  	s0 =	simm.s32 @!p0 $0x2  }
0x64: {  	_ =	swait.ge @!p0 [sflag:s0], s1  }
0x65: {  	s1 =	ssub.s32 @!p0 $0x0, s1;
	[sflag:s0] =	ssyncset.done @!p0 $0x0  }
0x66: {  	[sflag:s0] =	ssyncadd.s32 @!p0 s1  }
0x67: {  	[bflag:$0x3] =	sbarrier.arrive $0xFFFF  }
0x68: {  	_ =	shalt  }

// kernel: kernel.31.cloned.1.call-start
scs
__scs_entry_jumppad:
0x0: {  	(pc) =	sbr.rel $0x88, $3  }
0x1: {  	(tag) =	ssettag $0x0;
	lr =	simm.s32 $0x1  }
0x2: {  	[smem:$0x3F8A] =	sst lr;
	_ =	strace $0xD0000000  }
0x3: {  	_ = 	snop  }
0x4: {  	_ = 	snop  }
0x5: {  	_ = 	snop  }
0x6: {  	_ = 	snop  }
0x7: {  	_ = 	snop  }
__scs_overlays_trampoline_lowered:
0x8: {  	[smem:$0x3F99] =	sst s0  }
0x9: {  	[smem:$0x3F9A] =	sst s1  }
0xa: {  	[smem:$0x3F9B] =	sst s2  }
0xb: {  	[smem:$0x3F9C] =	sst s3  }
0xc: {  	[smem:$0x3F9D] =	sst s4  }
0xd: {  	[smem:$0x3F9E] =	sst s5  }
0xe: {  	[smem:$0x3F9F] =	sst s6  }
0xf: {  	[smem:$0x3FA0] =	sst s7  }
0x10: {  	[smem:$0x3FA1] =	sst s8  }
0x11: {  	[smem:$0x3FA2] =	sst s9;
	s0 =	simm.s32 @!p0 $0x0  }
0x12: {  	s1 =	sld [smem:$0x3F88];
	s0 =	simm.s32 @p0 $0x1  }
0x13: {  	[smem:$0x3FA3] =	sst s0;
	s0 =	simm.s32 @!p1 $0x0  }
0x14: {  	s2 =	sld [smem:$0x3F87];
	s0 =	simm.s32 @p1 $0x1  }
0x15: {  	[smem:$0x3FA4] =	sst s0;
	s0 =	simm.s32 @!p2 $0x0  }
0x16: {  	s3 =	sld [smem:$0x3FDB];
	s0 =	simm.s32 @p2 $0x1  }
0x17: {  	s4 =	simm.s32 $0x1BF5;
	[smem:$0x3FA6] =	sst s0  }
0x18: {  	s0 =	sld [smem:$0x3F89];
	_ =	swait.ge [sflag:s4], $0x0  }
0x19: {  	s7 =	sld [smem:$0x3F8A]  }
0x1a: {  	s8 =	sadd.s32 $0xFFFFE003, lr  }
0x1b: {  	s9 =	sadd.s32 $0xFFFFFEF7, lr;
	s5 =	simm.s32 $0xFFFFFFFF;
	p2 =	slt.u32 s8, $0xFFFFF086  }
0x1c: {  	p1 =	slt.u32 s9, $0xF7A;
	s5 =	simm.s32 @!p2 $0x0  }
0x1d: {  	s5 =	simm.s32 @p1 $0x1;
	p0 =	seq.s32 s7, s2  }
0x1e: {  	s7 =	smul.u32 @!p0 $0xF7A, s2;
	p2 =	seq.s32 @!p0 s5, $0x0  }
0x1f: {  	s9 =	smul.u32 $0xF7A, s1;
	s8 =	simm.s32 @!p0 $0x1BF5;
	p2 =	por !p2, p0  }
0x20: {  	[sflag:s8] =	ssyncset.s32 @!p0 $0xFFFFF086;
	s6 =	sadd.s32 @!p0 s3, s7;
	s7 =	simm.s32 @!p0 $0x108  }
0x21: {  	s3 =	sadd.s32 s3, s9;
	s6 =	sadd.s32 @!p0 $0x88, s6;
	s7 =	simm.s32 @p2 $0x1082  }
0x22: {  	[simem:s7], [sflag:s8] =	dma.local @!p0 [hbm:s6], $0xF7A  }
0x23: {  	s9 =	sor.u32 $0xD0000000, s2;
	s6 =	simm.s32 $0x108;
	_ =	swait.ge @!p0 [sflag:s8], $0x0  }
0x24: {  	s3 =	sadd.s32 $0x88, s3;
	s6 =	simm.s32 @!p1 $0x1082;
	[sflag:s4] =	ssyncset.s32 $0xFFFFF086  }
0x25: {  	[simem:s6], [sflag:s4] =	dma.local [hbm:s3], $0xF7A  }
0x26: {  	[smem:$0x3F8A] =	sst s1;
	(tag) =	ssettag s2;
	_ =	strace s9  }
0x27: {  	s1 =	sld [smem:$0x3F9A]  }
0x28: {  	s2 =	sld [smem:$0x3F9B]  }
0x29: {  	s4 =	sld [smem:$0x3F9D]  }
0x2a: {  	p0 =	seq.s32 s5, $0x0;
	s5 =	sld [smem:$0x3F9E]  }
0x2b: {  	s6 =	sld [smem:$0x3F9F]  }
0x2c: {  	s7 =	sld [smem:$0x3FA0]  }
0x2d: {  	s3 =	simm.s32 $0x108;
	s8 =	sld [smem:$0x3FA1]  }
0x2e: {  	s3 =	simm.s32 @!p0 $0x1082;
	s9 =	sld [smem:$0x3FA2]  }
0x2f: {  	lr =	sadd.s32 s0, s3;
	s0 =	sld [smem:$0x3F99]  }
0x30: {  	s3 =	sld [smem:$0x3F9C]  }
0x31: {  	[smem:$0x3FA5] =	sst s10  }
0x32: {  	s10 =	sld [smem:$0x3FA3];
	_ =	sdelay $0x3  }
0x33: {  	p0 =	seq.s32 s10, $0x1;
	s10 =	sld [smem:$0x3FA5];
	_ =	sdelay $0x3  }
0x34: {  	[smem:$0x3FA5] =	sst s10  }
0x35: {  	s10 =	sld [smem:$0x3FA4];
	_ =	sdelay $0x3  }
0x36: {  	p1 =	seq.s32 s10, $0x1;
	s10 =	sld [smem:$0x3FA5];
	_ =	sdelay $0x3  }
0x37: {  	[smem:$0x3FA5] =	sst s10  }
0x38: {  	s10 =	sld [smem:$0x3FA6]  }
0x39: {  	_ = 	snop;
	(pc) =	sbr.ind lr, $3  }
0x3a: {  	_ = 	snop  }
0x3b: {  	_ = 	snop  }
0x3c: {  	p2 =	seq.s32 s10, $0x1;
	s10 =	sld [smem:$0x3FA5]  }
0x3d: {  	_ =	shalt  }
0x3e: {  	_ =	shalt  }
0x3f: {  	_ =	shalt  }
0x40: {  	_ =	shalt  }
0x41: {  	_ =	shalt  }
0x42: {  	_ =	shalt  }
0x43: {  	_ =	shalt  }
0x44: {  	_ =	shalt  }
0x45: {  	_ =	shalt  }
0x46: {  	_ =	shalt  }
0x47: {  	_ =	shalt  }
0x48: {  	_ =	shalt  }
0x49: {  	_ =	shalt  }
0x4a: {  	_ =	shalt  }
0x4b: {  	_ =	shalt  }
0x4c: {  	_ =	shalt  }
0x4d: {  	_ =	shalt  }
0x4e: {  	_ =	shalt  }
0x4f: {  	_ =	shalt  }
0x50: {  	_ =	shalt  }
0x51: {  	_ =	shalt  }
0x52: {  	_ =	shalt  }
0x53: {  	_ =	shalt  }
0x54: {  	_ =	shalt  }
0x55: {  	_ =	shalt  }
0x56: {  	_ =	shalt  }
0x57: {  	_ =	shalt  }
0x58: {  	_ =	shalt  }
0x59: {  	_ =	shalt  }
0x5a: {  	_ =	shalt  }
0x5b: {  	_ =	shalt  }
0x5c: {  	_ =	shalt  }
0x5d: {  	_ =	shalt  }
0x5e: {  	_ =	shalt  }
0x5f: {  	_ =	shalt  }
0x60: {  	_ =	shalt  }
0x61: {  	_ =	shalt  }
0x62: {  	_ =	shalt  }
0x63: {  	_ =	shalt  }
0x64: {  	_ =	shalt  }
0x65: {  	_ =	shalt  }
0x66: {  	_ =	shalt  }
0x67: {  	_ =	shalt  }
0x68: {  	_ =	shalt  }
0x69: {  	_ =	shalt  }
0x6a: {  	_ =	shalt  }
0x6b: {  	_ =	shalt  }
0x6c: {  	_ =	shalt  }
0x6d: {  	_ =	shalt  }
0x6e: {  	_ =	shalt  }
0x6f: {  	_ =	shalt  }
0x70: {  	_ =	shalt  }
0x71: {  	_ =	shalt  }
0x72: {  	_ =	shalt  }
0x73: {  	_ =	shalt  }
0x74: {  	_ =	shalt  }
0x75: {  	_ =	shalt  }
0x76: {  	_ =	shalt  }
0x77: {  	_ =	shalt  }
0x78: {  	_ =	shalt  }
0x79: {  	_ =	shalt  }
0x7a: {  	_ =	shalt  }
0x7b: {  	_ =	shalt  }
0x7c: {  	_ =	shalt  }
0x7d: {  	_ =	shalt  }
0x7e: {  	_ =	shalt  }
0x7f: {  	_ =	shalt  }
0x80: {  	_ =	shalt  }
0x81: {  	_ =	shalt  }
0x82: {  	_ =	shalt  }
0x83: {  	_ =	shalt  }
0x84: {  	_ =	shalt  }
0x85: {  	_ =	shalt  }
0x86: {  	_ =	shalt  }
0x87: {  	_ =	shalt  }
.Lfunc_end0:
.L_simem_size_0:
called_computation.2_lowered:
.L_overlay_start_0:
0x88: {  	s2 =	sld [smem:$0x3FD9]  }
0x89: {  	s3 =	sld [smem:$0x3FFE];
	_ =	sdelay $0x1  }
0x8a: {  	s1 =	srdreg.scid  }
0x8b: {  	s0 =	sand.u32 $0x1, s1  }
0x8c: {  	s16 =	sshll.u32 s0, $0xA;
	s2 =	sadd.s32 s3, s2  }
0x8d: {  	s2 =	sadd.s32 s2, s16  }
0x8e: {  	[smem:$0x3FB1] =	sst s2  }
0x8f: {  	_ = 	snop  }
0x90: {  	(tm) =	ssettm $0x1  }
0x91: {  	s17 =	sld [smem:$0x3FFB];
	_ =	sdelay $0x3  }
0x92: {  	_ =	strace s17  }
0x93: {  	s2 =	sld [smem:$0x3FFC];
	_ =	sdelay $0x3  }
0x94: {  	_ =	strace s2  }
0x95: {  	s2 =	sld [smem:$0x3FFD];
	_ =	sdelay $0x3  }
0x96: {  	_ =	strace s2  }
0x97: {  	_ =	strace $0x8FFFFFFF  }
0x98: {  	s18 =	sld [smem:$0x3FDB];
	_ =	sdelay $0x1  }
0x99: {  	s19 =	simm.s32 $_scs_section_size  }
0x9a: {  	s4 =	simm.s32 $_size__tile_overlayer_lowered;
	s5 =	simm.s32 $_tile_overlayer_lowered  }
0x9b: {  	s22 =	simm.s32 $0x1BFF;
	s21 =	sshll.u32 s5, $0x1;
	s2 =	sadd.s32 s19, s18  }
0x9c: {  	s6 =	simm.s32 $0x0;
	s20 =	sshll.u32 s4, $0x1;
	s4 =	sadd.s32 s21, s2  }
0x9d: {  	[timem:s6], [sflag:s22] =	dma.local [hbm:s4], s20  }
0x9e: {  	_ =	swait.ge [sflag:s22], s20  }
0x9f: {  	s3 =	ssub.s32 $0x0, s20;
	[sflag:s22] =	ssyncset.done $0x0  }
0xa0: {  	[sflag:s22] =	ssyncadd.s32 s3;
	_ =	sdelay $0x1  }
0xa1: {  	s23 =	simm.s32 $0x1B8B  }
0xa2: {  	_ =	swait.ge [sflag:s23], $0x1  }
0xa3: {  	[sflag:s23] =	ssyncset.done $0x0  }
0xa4: {  	s25 =	simm.s32 $0x1B8E;
	s24 =	sld [smem:$0x3FFE];
	[sflag:s23] =	ssyncadd.s32 $0xFFFFFFFF  }
0xa5: {  	s26 =	simm.s32 $execute0_lowered;
	[smem:$0x3FD2] =	sst s25  }
0xa6: {  	s4 =	sshll.u32 s26, $0x1;
	_ =	strace $0x8000004C;
	[dreg:$0x1] =	wrdreg $0xFFFFFFFF  }
0xa7: {  	s28 =	simm.s32 $_size_execute0_lowered;
	s2 =	sadd.s32 s2, s4;
	[dreg:$0x0] =	wrdreg $0x0  }
0xa8: {  	s4 =	sshll.u32 s28, $0x1;
	[dreg:$0x2] =	wrdreg s2  }
0xa9: {  	[dreg:$0x3] =	wrdreg s4  }
0xaa: {  	[dreg:$0x4] =	wrdreg $0xC0  }
0xab: {  	_ =	task [dreg:s6], $0x5FFFF  }
0xac: {  	[dreg:$0x1] =	wrdreg $0xFFFFFFFF  }
0xad: {  	[dreg:$0x0] =	wrdreg $0x60  }
0xae: {  	[dreg:$0x2] =	wrdreg s24  }
0xaf: {  	[dreg:$0x3] =	wrdreg $0x29000  }
0xb0: {  	[dreg:$0x4] =	wrdreg $0x9  }
0xb1: {  	_ =	task.clear_ibuf [dreg:s6], $0x5FFFF;
	_ =	strace $0x9000004C  }
0xb2: {  	s29 =	simm.s32 $0x9;
	_ =	strace $0x8000004E  }
0xb3: {  	_ =	swait.ge [sflag:s29], $0x1  }
0xb4: {  	[sflag:s29] =	ssyncadd.s32 $0xFFFFFFFF  }
0xb5: {  	_ =	strace $0x9000004E  }
0xb6: {  	_ =	sfence  }
0xb7: {  	s30 =	sld [smem:$0x0];
	_ =	sdelay $0x2  }
0xb8: {  	s31 =	sshll.u32 s1, $0xD;
	s1 =	sshrl.u32 s1, $0x2  }
0xb9: {  	s3 =	sand.u32 $0x4000, s31;
	s1 =	sadd.s32 s1, s30  }
0xba: {  	s0 =	sor.u32 s3, s0;
	s1 =	sshll.u32 s1, $0x11  }
0xbb: {  	s0 =	sor.u32 s1, s0  }
0xbc: {  	s0 =	sadd.s32 $0x8F2B, s0  }
0xbd: {  	[sflag:s0] =	ssyncadd.remote.s32 $0x1  }
0xbe: {  	_ =	sfence.sel $0xFFFF  }
0xbf: {  	[dreg:$0x0] =	wrdreg $0xFFFFFFFF;
	(pc) =	sbr.abs _section_cstart, $3  }
0xc0: {  	[dreg:$0x1] =	wrdreg $0xFFFFFFFF  }
0xc1: {  	_ =	task.clear_ibuf [dreg:s6], $0x2FFFF;
	_ =	strace $0x9FFFFFFF  }
0xc2: {  	(tm) =	ssettm $0x7FFFFFFF  }
0xc3: {  	_ =	shalt  }
tec
execute0_lowered:
.L_overlay_start_1:
0x0: {  	(tag) =	ssettag $0x1  }
0x1: {  	s6 =	rddreg [dreg:$0x0]  }
0x2: {  	s2 =	rddreg [dreg:$0x1]  }
0x3: {  	s0 =	srdreg.scid;
	s1 =	rddreg [dreg:$0x2]  }
0x4: {  	s3 =	simm.s32 $0x0;
	s14 =	simm.s32 $0x2;
	s5 =	sand.u32 $0x1, s0  }
0x5: {  	s15 =	simm.s32 $0x80;
	s0 =	stileid.u32;
	s4 =	smul.u32 $0x27100, s5  }
0x6: {  	s16 =	simm.s32 $0x50;
	s17 =	simm.s32 $0x100;
	s7 =	smul.u32 $0x2710, s0  }
0x7: {  	s18 =	simm.s32 $0x1;
	s19 =	simm.s32 $0x0;
	s25 =	smul.u32 $0x4E000, s0  }
0x8: {  	[smem:$0x7FF] =	sst s3;
	s12 =	sadd.s32 $0xEF800, s6;
	s8 =	smul.u32 $0x138800, s5  }
0x9: {  	_ =	strace $0x8000004D;
	s9 =	ssub.s32 $0x2, s5;
	s11 =	smul.u32 $0x13800, s0  }
0xa: {  	s5 =	sadd.s32 $0x7A400, s6;
	p0 =	seq.s32 s0, $0xF;
	s26 =	sshrl.u32 s9, $0x1  }
0xb: {  	s4 =	sadd.s32 s7, s4;
	s9 =	ssub.s32 s9, s26;
	s28 =	sshrl.u32 s25, $0x2  }
0xc: {  	s29 =	sadd.s32 s11, s8;
	s31 =	sshrl.u32 s8, $0x3;
	s11 =	sadd.s32 $0x124800, s2  }
0xd: {  	s4 =	sshrl.u32 s4, $0x3;
	s13 =	sadd.s32 s28, s2;
	s30 =	sshrl.u32 s29, $0x3  }
0xe: {  	s7 =	sadd.s32 s12, s31;
	s8 =	smax.u32 s9, $0x1;
	s11 =	sshrl.u32 @p0 s11, $0x3  }
0xf: {  	s10 =	sadd.s32 s4, s6;
	s4 =	sadd.s32 $0x29800, s6;
	s6 =	sadd.s32 s12, s30  }
0x10: {  	s7 =	sadd.s32 $0x24900, s7;
	s12 =	sshll.u32 @!p0 s0, $0x6;
	s13 =	sshrl.u32 @!p0 s13, $0x3  }
0x11: {  	s9 =	sadd.s32 $0x15A00, s10;
	s10 =	sadd.s32 $0xBC00, s10;
	s12 =	sor.u32 @!p0 $0x1C02, s12  }
.LBB2_1:
0x12: {  	s20 =	simm.s32 @p0 $0x1FC2  }
0x13: {  	[spmem:s11], [sflag:s20] =	dma.local @p0 [hbm:s4], $0x2800  }
0x14: {  	s20 =	simm.s32 @p0 $0x2  }
0x15: {  	_ =	swait.ge @p0 [sflag:s20], $0x2800  }
0x16: {  	[sflag:s20] =	ssyncset.done @p0 $0x0  }
0x17: {  	[sflag:s20] =	ssyncadd.s32 @p0 $0xFFFFD800;
	s20 =	simm.s32 @!p0 $0x2  }
0x18: {  	[spmem:s13], [sflag:s12] =	dma.local @!p0 [hbm:s4], $0x2700  }
0x19: {  	_ =	swait.ge @!p0 [sflag:s20], $0x2700  }
0x1a: {  	[sflag:s20] =	ssyncset.done @!p0 $0x0  }
0x1b: {  	[sflag:s20] =	ssyncadd.s32 @!p0 $0xFFFFD900  }
0x1c: {  	s30 =	sadd.s32 $0x0, s10;
	[bflag:$0x0] =	sbarrier.arrive $0xFFFF  }
0x1d: {  	[tilespmem:s3], [sflag:$0x2] =	stream.linear.gather [hbm4b:s30+s3], $0x50, $0x38;
	[tilespmem:$0x16180] =	vst v63  }
0x1e: {  	_ =	swait.ge [sflag:s14], $0x50  }
0x1f: {  	[sflag:s14] =	ssyncset.done $0x0  }
0x20: {  	s31 =	sadd.s32 $0x0, s9;
	[sflag:s14] =	ssyncadd.s32 $0xFFFFFFB0  }
0x21: {  	[tilespmem:s15], [sflag:$0x2] =	stream.linear.gather [hbm4b:s31+s3], $0x50, $0x38;
	[tilespmem:$0x16180] =	vst v63  }
0x22: {  	_ =	swait.ge [sflag:s14], $0x50  }
0x23: {  	[sflag:s14] =	ssyncset.done $0x0  }
0x24: {  	[sflag:s14] =	ssyncadd.s32 $0xFFFFFFB0  }
0x25: {  	[tilespmem:s17], [sflag:$0x1] =	stream.indirect.gather [hbm4b:s5+s16], $0x80, s3, s16, $0xb8;
	[tilespmem:$0x16180] =	vst v63  }
0x26: {  	_ =	swait.ge [sflag:s18], $0x2800  }
0x27: {  	[sflag:s18] =	ssyncset.done $0x0  }
0x28: {  	[sflag:s18] =	ssyncadd.s32 $0xFFFFD800  }
0x29: {  	[spmem:s2] =	stream.indirect.scatter.add.f32 [tilespmem:s17], [sflag:$0x2], $0x80, s15, s16, $0xb8;
	[tilespmem:$0x16180] =	vst v63  }
0x2a: {  	_ =	swait.ge [sflag:s14], $0x2800  }
0x2b: {  	s21 =	simm.s32 $0x14;
	s20 =	simm.s32 $0xA;
	[sflag:s14] =	ssyncset.done $0x0  }
.LBB2_2:
0x2c: {  	s22 =	sadd.s32 s20, s10  }
0x2d: {  	[sflag:s14] =	ssyncadd.s32 $0xFFFFD800;
	s23 =	smov.u32 s21;
	s24 =	sadd.s32 $0xA, s21  }
0x2e: {  	[tilespmem:s3], [sflag:$0x2] =	stream.linear.gather [hbm4b:s22+s3], $0x50, $0x38;
	[tilespmem:$0x16180] =	vst v63  }
0x2f: {  	p1 =	sne.s32 s21, $0x4D8;
	_ =	swait.ge [sflag:s14], $0x50  }
0x30: {  	[sflag:s14] =	ssyncset.done $0x0  }
0x31: {  	s21 =	sadd.s32 s20, s9;
	s20 =	smov.u32 s23;
	[sflag:s14] =	ssyncadd.s32 $0xFFFFFFB0  }
0x32: {  	[tilespmem:s15], [sflag:$0x2] =	stream.linear.gather [hbm4b:s21+s3], $0x50, $0x38;
	[tilespmem:$0x16180] =	vst v63  }
0x33: {  	_ =	swait.ge [sflag:s14], $0x50  }
0x34: {  	[sflag:s14] =	ssyncset.done $0x0  }
0x35: {  	[sflag:s14] =	ssyncadd.s32 $0xFFFFFFB0  }
0x36: {  	[tilespmem:s17], [sflag:$0x1] =	stream.indirect.gather [hbm4b:s5+s16], $0x80, s3, s16, $0xb8;
	[tilespmem:$0x16180] =	vst v63  }
0x37: {  	_ =	swait.ge [sflag:s18], $0x2800  }
.Ltmp0:
0x38: {  	[sflag:s18] =	ssyncset.done $0x0;
	(pc) =	sbr.rel @p1 .LBB2_2-.Ltmp0, $4  }
0x39: {  	[sflag:s18] =	ssyncadd.s32 $0xFFFFD800  }
0x3a: {  	[spmem:s2] =	stream.indirect.scatter.add.f32 [tilespmem:s17], [sflag:$0x2], $0x80, s15, s16, $0xb8;
	[tilespmem:$0x16180] =	vst v63  }
0x3b: {  	_ =	swait.ge [sflag:s14], $0x2800  }
0x3c: {  	s21 =	smov.u32 s24;
	[sflag:s14] =	ssyncset.done $0x0  }
0x3d: {  	s21 =	sadd.s32 s20, s10;
	[sflag:s14] =	ssyncadd.s32 $0xFFFFD800  }
0x3e: {  	[tilespmem:s3], [sflag:$0x2] =	stream.linear.gather [hbm4b:s21+s3], $0x50, $0x38;
	[tilespmem:$0x16180] =	vst v63  }
0x3f: {  	_ =	swait.ge [sflag:s14], $0x50  }
0x40: {  	[sflag:s14] =	ssyncset.done $0x0  }
0x41: {  	s31 =	sadd.s32 s20, s9;
	[sflag:s14] =	ssyncadd.s32 $0xFFFFFFB0  }
0x42: {  	[tilespmem:s15], [sflag:$0x2] =	stream.linear.gather [hbm4b:s31+s3], $0x50, $0x38;
	[tilespmem:$0x16180] =	vst v63  }
0x43: {  	_ =	swait.ge [sflag:s14], $0x50  }
0x44: {  	[sflag:s14] =	ssyncset.done $0x0  }
0x45: {  	[sflag:s14] =	ssyncadd.s32 $0xFFFFFFB0  }
0x46: {  	[tilespmem:s17], [sflag:$0x1] =	stream.indirect.gather [hbm4b:s5+s16], $0x80, s3, s16, $0xb8;
	[tilespmem:$0x16180] =	vst v63  }
0x47: {  	_ =	swait.ge [sflag:s18], $0x2800  }
0x48: {  	[sflag:s18] =	ssyncset.done $0x0  }
0x49: {  	[sflag:s18] =	ssyncadd.s32 $0xFFFFD800  }
0x4a: {  	[spmem:s2] =	stream.indirect.scatter.add.f32 [tilespmem:s17], [sflag:$0x2], $0x80, s15, s16, $0xb8;
	[tilespmem:$0x16180] =	vst v63  }
0x4b: {  	_ =	swait.ge [sflag:s14], $0x2800  }
0x4c: {  	[sflag:s14] =	ssyncset.done $0x0  }
0x4d: {  	[sflag:s14] =	ssyncadd.s32 $0xFFFFD800  }
0x4e: {  	s20 =	simm.s32 @p0 $0x1FC2;
	[bflag:$0x0] =	sbarrier.arrive $0xFFFF  }
0x4f: {  	[hbm:s7], [sflag:s20] =	dma.local @p0 [spmem:s11], $0x2800  }
0x50: {  	s20 =	simm.s32 @p0 $0x2  }
0x51: {  	_ =	swait.ge @p0 [sflag:s20], $0x2800  }
0x52: {  	s19 =	sadd.s32 $0x1, s19;
	[sflag:s20] =	ssyncset.done @p0 $0x0  }
0x53: {  	p1 =	sne.s32 s19, s8;
	[sflag:s20] =	ssyncadd.s32 @p0 $0xFFFFD800;
	s20 =	simm.s32 @!p0 $0x2  }
0x54: {  	[hbm:s6], [sflag:s12] =	dma.local @!p0 [spmem:s13], $0x2700  }
.Ltmp1:
0x55: {  	_ =	swait.ge @!p0 [sflag:s20], $0x2700;
	(pc) =	sbr.rel @p1 .LBB2_1-.Ltmp1, $3  }
0x56: {  	[sflag:s20] =	ssyncset.done @!p0 $0x0  }
0x57: {  	[sflag:s20] =	ssyncadd.s32 @!p0 $0xFFFFD900  }
0x58: {  	[bflag:$0x0] =	sbarrier.arrive $0xFFFF;
	_ =	sdelay $0x1  }
0x59: {  	_ =	sfence.sel $0x180000  }
0x5a: {  	[bflag:$0x0] =	sbarrier.arrive $0xFFFF  }
0x5b: {  	p0 =	sne.s32 s0, $0x0;
	_ =	strace $0x9000004D  }
0x5c: {  	s0 =	sadd.s32 @!p0 $0x100000, s1;
	[bflag:$0x2] =	sbarrier.arrive $0xFFFF  }
0x5d: {  	[sflag:s0] =	ssyncadd.tile.s32 @!p0 $0x1;
	_ =	shalt  }
.Lfunc_end2:
_tile_overlayer_lowered:
.L_overlay_start_2:
0x5e: {  	(tag) =	ssettag $0x2  }
0x5f: {  	s0 =	rddreg [dreg:$0x0];
	s2 =	stileid.u32  }
0x60: {  	s1 =	rddreg [dreg:$0x1];
	p0 =	sne.s32 s2, $0x0  }
0x61: {  	s3 =	rddreg [dreg:$0x2];
	[bflag:$0x3] =	sbarrier.arrive $0xFFFF;
	s2 =	simm.s32 @!p0 $0x1C02  }
0x62: {  	[timem:s3], [sflag:s2] =	dma.local @!p0 [hbm:s0], s1  }
0x63: {  	s0 =	simm.s32 @!p0 $0x2  }
0x64: {  	_ =	swait.ge @!p0 [sflag:s0], s1  }
0x65: {  	s1 =	ssub.s32 @!p0 $0x0, s1;
	[sflag:s0] =	ssyncset.done @!p0 $0x0  }
0x66: {  	[sflag:s0] =	ssyncadd.s32 @!p0 s1  }
0x67: {  	[bflag:$0x3] =	sbarrier.arrive $0xFFFF  }
0x68: {  	_ =	shalt  }

// kernel: kernel.34.cloned.1.call-start
scs
__scs_entry_jumppad:
0x0: {  	(pc) =	sbr.rel $0x88, $3  }
0x1: {  	(tag) =	ssettag $0x0;
	lr =	simm.s32 $0x1  }
0x2: {  	[smem:$0x3F8A] =	sst lr;
	_ =	strace $0xD0000000  }
0x3: {  	_ = 	snop  }
0x4: {  	_ = 	snop  }
0x5: {  	_ = 	snop  }
0x6: {  	_ = 	snop  }
0x7: {  	_ = 	snop  }
__scs_overlays_trampoline_lowered:
0x8: {  	[smem:$0x3F99] =	sst s0  }
0x9: {  	[smem:$0x3F9A] =	sst s1  }
0xa: {  	[smem:$0x3F9B] =	sst s2  }
0xb: {  	[smem:$0x3F9C] =	sst s3  }
0xc: {  	[smem:$0x3F9D] =	sst s4  }
0xd: {  	[smem:$0x3F9E] =	sst s5  }
0xe: {  	[smem:$0x3F9F] =	sst s6  }
0xf: {  	[smem:$0x3FA0] =	sst s7  }
0x10: {  	[smem:$0x3FA1] =	sst s8  }
0x11: {  	[smem:$0x3FA2] =	sst s9;
	s0 =	simm.s32 @!p0 $0x0  }
0x12: {  	s1 =	sld [smem:$0x3F88];
	s0 =	simm.s32 @p0 $0x1  }
0x13: {  	[smem:$0x3FA3] =	sst s0;
	s0 =	simm.s32 @!p1 $0x0  }
0x14: {  	s2 =	sld [smem:$0x3F87];
	s0 =	simm.s32 @p1 $0x1  }
0x15: {  	[smem:$0x3FA4] =	sst s0;
	s0 =	simm.s32 @!p2 $0x0  }
0x16: {  	s3 =	sld [smem:$0x3FDB];
	s0 =	simm.s32 @p2 $0x1  }
0x17: {  	s4 =	simm.s32 $0x1BF5;
	[smem:$0x3FA6] =	sst s0  }
0x18: {  	s0 =	sld [smem:$0x3F89];
	_ =	swait.ge [sflag:s4], $0x0  }
0x19: {  	s7 =	sld [smem:$0x3F8A]  }
0x1a: {  	s8 =	sadd.s32 $0xFFFFE003, lr  }
0x1b: {  	s9 =	sadd.s32 $0xFFFFFEF7, lr;
	s5 =	simm.s32 $0xFFFFFFFF;
	p2 =	slt.u32 s8, $0xFFFFF086  }
0x1c: {  	p1 =	slt.u32 s9, $0xF7A;
	s5 =	simm.s32 @!p2 $0x0  }
0x1d: {  	s5 =	simm.s32 @p1 $0x1;
	p0 =	seq.s32 s7, s2  }
0x1e: {  	s7 =	smul.u32 @!p0 $0xF7A, s2;
	p2 =	seq.s32 @!p0 s5, $0x0  }
0x1f: {  	s9 =	smul.u32 $0xF7A, s1;
	s8 =	simm.s32 @!p0 $0x1BF5;
	p2 =	por !p2, p0  }
0x20: {  	[sflag:s8] =	ssyncset.s32 @!p0 $0xFFFFF086;
	s6 =	sadd.s32 @!p0 s3, s7;
	s7 =	simm.s32 @!p0 $0x108  }
0x21: {  	s3 =	sadd.s32 s3, s9;
	s6 =	sadd.s32 @!p0 $0x88, s6;
	s7 =	simm.s32 @p2 $0x1082  }
0x22: {  	[simem:s7], [sflag:s8] =	dma.local @!p0 [hbm:s6], $0xF7A  }
0x23: {  	s9 =	sor.u32 $0xD0000000, s2;
	s6 =	simm.s32 $0x108;
	_ =	swait.ge @!p0 [sflag:s8], $0x0  }
0x24: {  	s3 =	sadd.s32 $0x88, s3;
	s6 =	simm.s32 @!p1 $0x1082;
	[sflag:s4] =	ssyncset.s32 $0xFFFFF086  }
0x25: {  	[simem:s6], [sflag:s4] =	dma.local [hbm:s3], $0xF7A  }
0x26: {  	[smem:$0x3F8A] =	sst s1;
	(tag) =	ssettag s2;
	_ =	strace s9  }
0x27: {  	s1 =	sld [smem:$0x3F9A]  }
0x28: {  	s2 =	sld [smem:$0x3F9B]  }
0x29: {  	s4 =	sld [smem:$0x3F9D]  }
0x2a: {  	p0 =	seq.s32 s5, $0x0;
	s5 =	sld [smem:$0x3F9E]  }
0x2b: {  	s6 =	sld [smem:$0x3F9F]  }
0x2c: {  	s7 =	sld [smem:$0x3FA0]  }
0x2d: {  	s3 =	simm.s32 $0x108;
	s8 =	sld [smem:$0x3FA1]  }
0x2e: {  	s3 =	simm.s32 @!p0 $0x1082;
	s9 =	sld [smem:$0x3FA2]  }
0x2f: {  	lr =	sadd.s32 s0, s3;
	s0 =	sld [smem:$0x3F99]  }
0x30: {  	s3 =	sld [smem:$0x3F9C]  }
0x31: {  	[smem:$0x3FA5] =	sst s10  }
0x32: {  	s10 =	sld [smem:$0x3FA3];
	_ =	sdelay $0x3  }
0x33: {  	p0 =	seq.s32 s10, $0x1;
	s10 =	sld [smem:$0x3FA5];
	_ =	sdelay $0x3  }
0x34: {  	[smem:$0x3FA5] =	sst s10  }
0x35: {  	s10 =	sld [smem:$0x3FA4];
	_ =	sdelay $0x3  }
0x36: {  	p1 =	seq.s32 s10, $0x1;
	s10 =	sld [smem:$0x3FA5];
	_ =	sdelay $0x3  }
0x37: {  	[smem:$0x3FA5] =	sst s10  }
0x38: {  	s10 =	sld [smem:$0x3FA6]  }
0x39: {  	_ = 	snop;
	(pc) =	sbr.ind lr, $3  }
0x3a: {  	_ = 	snop  }
0x3b: {  	_ = 	snop  }
0x3c: {  	p2 =	seq.s32 s10, $0x1;
	s10 =	sld [smem:$0x3FA5]  }
0x3d: {  	_ =	shalt  }
0x3e: {  	_ =	shalt  }
0x3f: {  	_ =	shalt  }
0x40: {  	_ =	shalt  }
0x41: {  	_ =	shalt  }
0x42: {  	_ =	shalt  }
0x43: {  	_ =	shalt  }
0x44: {  	_ =	shalt  }
0x45: {  	_ =	shalt  }
0x46: {  	_ =	shalt  }
0x47: {  	_ =	shalt  }
0x48: {  	_ =	shalt  }
0x49: {  	_ =	shalt  }
0x4a: {  	_ =	shalt  }
0x4b: {  	_ =	shalt  }
0x4c: {  	_ =	shalt  }
0x4d: {  	_ =	shalt  }
0x4e: {  	_ =	shalt  }
0x4f: {  	_ =	shalt  }
0x50: {  	_ =	shalt  }
0x51: {  	_ =	shalt  }
0x52: {  	_ =	shalt  }
0x53: {  	_ =	shalt  }
0x54: {  	_ =	shalt  }
0x55: {  	_ =	shalt  }
0x56: {  	_ =	shalt  }
0x57: {  	_ =	shalt  }
0x58: {  	_ =	shalt  }
0x59: {  	_ =	shalt  }
0x5a: {  	_ =	shalt  }
0x5b: {  	_ =	shalt  }
0x5c: {  	_ =	shalt  }
0x5d: {  	_ =	shalt  }
0x5e: {  	_ =	shalt  }
0x5f: {  	_ =	shalt  }
0x60: {  	_ =	shalt  }
0x61: {  	_ =	shalt  }
0x62: {  	_ =	shalt  }
0x63: {  	_ =	shalt  }
0x64: {  	_ =	shalt  }
0x65: {  	_ =	shalt  }
0x66: {  	_ =	shalt  }
0x67: {  	_ =	shalt  }
0x68: {  	_ =	shalt  }
0x69: {  	_ =	shalt  }
0x6a: {  	_ =	shalt  }
0x6b: {  	_ =	shalt  }
0x6c: {  	_ =	shalt  }
0x6d: {  	_ =	shalt  }
0x6e: {  	_ =	shalt  }
0x6f: {  	_ =	shalt  }
0x70: {  	_ =	shalt  }
0x71: {  	_ =	shalt  }
0x72: {  	_ =	shalt  }
0x73: {  	_ =	shalt  }
0x74: {  	_ =	shalt  }
0x75: {  	_ =	shalt  }
0x76: {  	_ =	shalt  }
0x77: {  	_ =	shalt  }
0x78: {  	_ =	shalt  }
0x79: {  	_ =	shalt  }
0x7a: {  	_ =	shalt  }
0x7b: {  	_ =	shalt  }
0x7c: {  	_ =	shalt  }
0x7d: {  	_ =	shalt  }
0x7e: {  	_ =	shalt  }
0x7f: {  	_ =	shalt  }
0x80: {  	_ =	shalt  }
0x81: {  	_ =	shalt  }
0x82: {  	_ =	shalt  }
0x83: {  	_ =	shalt  }
0x84: {  	_ =	shalt  }
0x85: {  	_ =	shalt  }
0x86: {  	_ =	shalt  }
0x87: {  	_ =	shalt  }
.Lfunc_end0:
.L_simem_size_0:
called_computation.3_lowered:
.L_overlay_start_0:
0x88: {  	s2 =	sld [smem:$0x3FD9]  }
0x89: {  	s3 =	sld [smem:$0x3FFE];
	_ =	sdelay $0x1  }
0x8a: {  	s1 =	srdreg.scid  }
0x8b: {  	s0 =	sand.u32 $0x1, s1  }
0x8c: {  	s16 =	sshll.u32 s0, $0xA;
	s2 =	sadd.s32 s3, s2  }
0x8d: {  	s2 =	sadd.s32 s2, s16  }
0x8e: {  	[smem:$0x3FB1] =	sst s2  }
0x8f: {  	_ = 	snop  }
0x90: {  	(tm) =	ssettm $0x1  }
0x91: {  	s17 =	sld [smem:$0x3FFB];
	_ =	sdelay $0x3  }
0x92: {  	_ =	strace s17  }
0x93: {  	s2 =	sld [smem:$0x3FFC];
	_ =	sdelay $0x3  }
0x94: {  	_ =	strace s2  }
0x95: {  	s2 =	sld [smem:$0x3FFD];
	_ =	sdelay $0x3  }
0x96: {  	_ =	strace s2  }
0x97: {  	_ =	strace $0x8FFFFFFF  }
0x98: {  	s18 =	sld [smem:$0x3FDB];
	_ =	sdelay $0x1  }
0x99: {  	s19 =	simm.s32 $_scs_section_size  }
0x9a: {  	s4 =	simm.s32 $_size__tile_overlayer_lowered;
	s5 =	simm.s32 $_tile_overlayer_lowered  }
0x9b: {  	s22 =	simm.s32 $0x1BFF;
	s21 =	sshll.u32 s5, $0x1;
	s2 =	sadd.s32 s19, s18  }
0x9c: {  	s6 =	simm.s32 $0x0;
	s20 =	sshll.u32 s4, $0x1;
	s4 =	sadd.s32 s21, s2  }
0x9d: {  	[timem:s6], [sflag:s22] =	dma.local [hbm:s4], s20  }
0x9e: {  	_ =	swait.ge [sflag:s22], s20  }
0x9f: {  	s3 =	ssub.s32 $0x0, s20;
	[sflag:s22] =	ssyncset.done $0x0  }
0xa0: {  	[sflag:s22] =	ssyncadd.s32 s3;
	_ =	sdelay $0x1  }
0xa1: {  	s23 =	simm.s32 $0x1B8B  }
0xa2: {  	_ =	swait.ge [sflag:s23], $0x1  }
0xa3: {  	[sflag:s23] =	ssyncset.done $0x0  }
0xa4: {  	s25 =	simm.s32 $0x1B8E;
	s24 =	sld [smem:$0x3FFE];
	[sflag:s23] =	ssyncadd.s32 $0xFFFFFFFF  }
0xa5: {  	s26 =	simm.s32 $execute0_lowered;
	[smem:$0x3FD2] =	sst s25  }
0xa6: {  	s4 =	sshll.u32 s26, $0x1;
	_ =	strace $0x8000004F;
	[dreg:$0x1] =	wrdreg $0xFFFFFFFF  }
0xa7: {  	s28 =	simm.s32 $_size_execute0_lowered;
	s2 =	sadd.s32 s2, s4;
	[dreg:$0x0] =	wrdreg $0x0  }
0xa8: {  	s4 =	sshll.u32 s28, $0x1;
	[dreg:$0x2] =	wrdreg s2  }
0xa9: {  	[dreg:$0x3] =	wrdreg s4  }
0xaa: {  	[dreg:$0x4] =	wrdreg $0xC0  }
0xab: {  	_ =	task [dreg:s6], $0x5FFFF  }
0xac: {  	[dreg:$0x1] =	wrdreg $0xFFFFFFFF  }
0xad: {  	[dreg:$0x0] =	wrdreg $0x60  }
0xae: {  	[dreg:$0x2] =	wrdreg s24  }
0xaf: {  	[dreg:$0x3] =	wrdreg $0x29000  }
0xb0: {  	[dreg:$0x4] =	wrdreg $0x9  }
0xb1: {  	_ =	task.clear_ibuf [dreg:s6], $0x5FFFF;
	_ =	strace $0x9000004F  }
0xb2: {  	s29 =	simm.s32 $0x9;
	_ =	strace $0x80000051  }
0xb3: {  	_ =	swait.ge [sflag:s29], $0x1  }
0xb4: {  	[sflag:s29] =	ssyncadd.s32 $0xFFFFFFFF  }
0xb5: {  	_ =	strace $0x90000051  }
0xb6: {  	_ =	sfence  }
0xb7: {  	s30 =	sld [smem:$0x0];
	_ =	sdelay $0x2  }
0xb8: {  	s31 =	sshll.u32 s1, $0xD;
	s1 =	sshrl.u32 s1, $0x2  }
0xb9: {  	s3 =	sand.u32 $0x4000, s31;
	s1 =	sadd.s32 s1, s30  }
0xba: {  	s0 =	sor.u32 s3, s0;
	s1 =	sshll.u32 s1, $0x11  }
0xbb: {  	s0 =	sor.u32 s1, s0  }
0xbc: {  	s0 =	sadd.s32 $0x8F2B, s0  }
0xbd: {  	[sflag:s0] =	ssyncadd.remote.s32 $0x1  }
0xbe: {  	_ =	sfence.sel $0xFFFF  }
0xbf: {  	[dreg:$0x0] =	wrdreg $0xFFFFFFFF;
	(pc) =	sbr.abs _section_cstart, $3  }
0xc0: {  	[dreg:$0x1] =	wrdreg $0xFFFFFFFF  }
0xc1: {  	_ =	task.clear_ibuf [dreg:s6], $0x2FFFF;
	_ =	strace $0x9FFFFFFF  }
0xc2: {  	(tm) =	ssettm $0x7FFFFFFF  }
0xc3: {  	_ =	shalt  }
tec
execute0_lowered:
.L_overlay_start_1:
0x0: {  	(tag) =	ssettag $0x1  }
0x1: {  	s6 =	rddreg [dreg:$0x0]  }
0x2: {  	s2 =	rddreg [dreg:$0x1]  }
0x3: {  	s0 =	srdreg.scid;
	s1 =	rddreg [dreg:$0x2]  }
0x4: {  	s3 =	simm.s32 $0x0;
	s14 =	simm.s32 $0x2;
	s5 =	sand.u32 $0x1, s0  }
0x5: {  	s15 =	simm.s32 $0x80;
	s0 =	stileid.u32;
	s4 =	smul.u32 $0x27100, s5  }
0x6: {  	s16 =	simm.s32 $0x50;
	s17 =	simm.s32 $0x100;
	s7 =	smul.u32 $0x2710, s0  }
0x7: {  	s18 =	simm.s32 $0x1;
	[smem:$0x7FF] =	sst s3;
	s25 =	smul.u32 $0x4E000, s0  }
0x8: {  	s19 =	simm.s32 $0x0;
	s12 =	sadd.s32 $0x116A00, s6;
	s8 =	smul.u32 $0x138800, s5  }
0x9: {  	_ =	strace $0x80000050;
	s9 =	ssub.s32 $0x2, s5;
	s11 =	smul.u32 $0x13800, s0  }
0xa: {  	s5 =	sadd.s32 $0xEF800, s6;
	p0 =	seq.s32 s0, $0xF;
	s26 =	sshrl.u32 s9, $0x1  }
0xb: {  	s4 =	sadd.s32 s7, s4;
	s9 =	ssub.s32 s9, s26;
	s28 =	sshrl.u32 s25, $0x2  }
0xc: {  	s29 =	sadd.s32 s11, s8;
	s31 =	sshrl.u32 s8, $0x3;
	s11 =	sadd.s32 $0x124800, s2  }
0xd: {  	s4 =	sshrl.u32 s4, $0x3;
	s13 =	sadd.s32 s28, s2;
	s30 =	sshrl.u32 s29, $0x3  }
0xe: {  	s7 =	sadd.s32 s12, s31;
	s8 =	smax.u32 s9, $0x1;
	s11 =	sshrl.u32 @p0 s11, $0x3  }
0xf: {  	s10 =	sadd.s32 s4, s6;
	s4 =	sadd.s32 $0x29800, s6;
	s6 =	sadd.s32 s12, s30  }
0x10: {  	s7 =	sadd.s32 $0x24900, s7;
	s12 =	sshll.u32 @!p0 s0, $0x6;
	s13 =	sshrl.u32 @!p0 s13, $0x3  }
0x11: {  	s9 =	sadd.s32 $0x15A00, s10;
	s10 =	sadd.s32 $0xBC00, s10;
	s12 =	sor.u32 @!p0 $0x1C02, s12  }
.LBB2_1:
0x12: {  	s20 =	simm.s32 @p0 $0x1FC2  }
0x13: {  	[spmem:s11], [sflag:s20] =	dma.local @p0 [hbm:s4], $0x2800  }
0x14: {  	s20 =	simm.s32 @p0 $0x2  }
0x15: {  	_ =	swait.ge @p0 [sflag:s20], $0x2800  }
0x16: {  	[sflag:s20] =	ssyncset.done @p0 $0x0  }
0x17: {  	[sflag:s20] =	ssyncadd.s32 @p0 $0xFFFFD800;
	s20 =	simm.s32 @!p0 $0x2  }
0x18: {  	[spmem:s13], [sflag:s12] =	dma.local @!p0 [hbm:s4], $0x2700  }
0x19: {  	_ =	swait.ge @!p0 [sflag:s20], $0x2700  }
0x1a: {  	[sflag:s20] =	ssyncset.done @!p0 $0x0  }
0x1b: {  	[sflag:s20] =	ssyncadd.s32 @!p0 $0xFFFFD900  }
0x1c: {  	s30 =	sadd.s32 $0x0, s10;
	[bflag:$0x0] =	sbarrier.arrive $0xFFFF  }
0x1d: {  	[tilespmem:s3], [sflag:$0x2] =	stream.linear.gather [hbm4b:s30+s3], $0x50, $0x38;
	[tilespmem:$0x16180] =	vst v63  }
0x1e: {  	_ =	swait.ge [sflag:s14], $0x50  }
0x1f: {  	[sflag:s14] =	ssyncset.done $0x0  }
0x20: {  	s31 =	sadd.s32 $0x0, s9;
	[sflag:s14] =	ssyncadd.s32 $0xFFFFFFB0  }
0x21: {  	[tilespmem:s15], [sflag:$0x2] =	stream.linear.gather [hbm4b:s31+s3], $0x50, $0x38;
	[tilespmem:$0x16180] =	vst v63  }
0x22: {  	_ =	swait.ge [sflag:s14], $0x50  }
0x23: {  	[sflag:s14] =	ssyncset.done $0x0  }
0x24: {  	[sflag:s14] =	ssyncadd.s32 $0xFFFFFFB0  }
0x25: {  	[tilespmem:s17], [sflag:$0x1] =	stream.indirect.gather [hbm4b:s5+s16], $0x80, s3, s16, $0xb8;
	[tilespmem:$0x16180] =	vst v63  }
0x26: {  	_ =	swait.ge [sflag:s18], $0x2800  }
0x27: {  	[sflag:s18] =	ssyncset.done $0x0  }
0x28: {  	[sflag:s18] =	ssyncadd.s32 $0xFFFFD800  }
0x29: {  	[spmem:s2] =	stream.indirect.scatter.add.f32 [tilespmem:s17], [sflag:$0x2], $0x80, s15, s16, $0xb8;
	[tilespmem:$0x16180] =	vst v63  }
0x2a: {  	_ =	swait.ge [sflag:s14], $0x2800  }
0x2b: {  	s21 =	simm.s32 $0x14;
	s20 =	simm.s32 $0xA;
	[sflag:s14] =	ssyncset.done $0x0  }
.LBB2_2:
0x2c: {  	s22 =	sadd.s32 s20, s10  }
0x2d: {  	[sflag:s14] =	ssyncadd.s32 $0xFFFFD800;
	s23 =	smov.u32 s21;
	s24 =	sadd.s32 $0xA, s21  }
0x2e: {  	[tilespmem:s3], [sflag:$0x2] =	stream.linear.gather [hbm4b:s22+s3], $0x50, $0x38;
	[tilespmem:$0x16180] =	vst v63  }
0x2f: {  	p1 =	sne.s32 s21, $0x4D8;
	_ =	swait.ge [sflag:s14], $0x50  }
0x30: {  	[sflag:s14] =	ssyncset.done $0x0  }
0x31: {  	s21 =	sadd.s32 s20, s9;
	s20 =	smov.u32 s23;
	[sflag:s14] =	ssyncadd.s32 $0xFFFFFFB0  }
0x32: {  	[tilespmem:s15], [sflag:$0x2] =	stream.linear.gather [hbm4b:s21+s3], $0x50, $0x38;
	[tilespmem:$0x16180] =	vst v63  }
0x33: {  	_ =	swait.ge [sflag:s14], $0x50  }
0x34: {  	[sflag:s14] =	ssyncset.done $0x0  }
0x35: {  	[sflag:s14] =	ssyncadd.s32 $0xFFFFFFB0  }
0x36: {  	[tilespmem:s17], [sflag:$0x1] =	stream.indirect.gather [hbm4b:s5+s16], $0x80, s3, s16, $0xb8;
	[tilespmem:$0x16180] =	vst v63  }
0x37: {  	_ =	swait.ge [sflag:s18], $0x2800  }
.Ltmp0:
0x38: {  	[sflag:s18] =	ssyncset.done $0x0;
	(pc) =	sbr.rel @p1 .LBB2_2-.Ltmp0, $4  }
0x39: {  	[sflag:s18] =	ssyncadd.s32 $0xFFFFD800  }
0x3a: {  	[spmem:s2] =	stream.indirect.scatter.add.f32 [tilespmem:s17], [sflag:$0x2], $0x80, s15, s16, $0xb8;
	[tilespmem:$0x16180] =	vst v63  }
0x3b: {  	_ =	swait.ge [sflag:s14], $0x2800  }
0x3c: {  	s21 =	smov.u32 s24;
	[sflag:s14] =	ssyncset.done $0x0  }
0x3d: {  	s21 =	sadd.s32 s20, s10;
	[sflag:s14] =	ssyncadd.s32 $0xFFFFD800  }
0x3e: {  	[tilespmem:s3], [sflag:$0x2] =	stream.linear.gather [hbm4b:s21+s3], $0x50, $0x38;
	[tilespmem:$0x16180] =	vst v63  }
0x3f: {  	_ =	swait.ge [sflag:s14], $0x50  }
0x40: {  	[sflag:s14] =	ssyncset.done $0x0  }
0x41: {  	s31 =	sadd.s32 s20, s9;
	[sflag:s14] =	ssyncadd.s32 $0xFFFFFFB0  }
0x42: {  	[tilespmem:s15], [sflag:$0x2] =	stream.linear.gather [hbm4b:s31+s3], $0x50, $0x38;
	[tilespmem:$0x16180] =	vst v63  }
0x43: {  	_ =	swait.ge [sflag:s14], $0x50  }
0x44: {  	[sflag:s14] =	ssyncset.done $0x0  }
0x45: {  	[sflag:s14] =	ssyncadd.s32 $0xFFFFFFB0  }
0x46: {  	[tilespmem:s17], [sflag:$0x1] =	stream.indirect.gather [hbm4b:s5+s16], $0x80, s3, s16, $0xb8;
	[tilespmem:$0x16180] =	vst v63  }
0x47: {  	_ =	swait.ge [sflag:s18], $0x2800  }
0x48: {  	[sflag:s18] =	ssyncset.done $0x0  }
0x49: {  	[sflag:s18] =	ssyncadd.s32 $0xFFFFD800  }
0x4a: {  	[spmem:s2] =	stream.indirect.scatter.add.f32 [tilespmem:s17], [sflag:$0x2], $0x80, s15, s16, $0xb8;
	[tilespmem:$0x16180] =	vst v63  }
0x4b: {  	_ =	swait.ge [sflag:s14], $0x2800  }
0x4c: {  	[sflag:s14] =	ssyncset.done $0x0  }
0x4d: {  	[sflag:s14] =	ssyncadd.s32 $0xFFFFD800  }
0x4e: {  	s20 =	simm.s32 @p0 $0x1FC2;
	[bflag:$0x0] =	sbarrier.arrive $0xFFFF  }
0x4f: {  	[hbm:s7], [sflag:s20] =	dma.local @p0 [spmem:s11], $0x2800  }
0x50: {  	s20 =	simm.s32 @p0 $0x2  }
0x51: {  	_ =	swait.ge @p0 [sflag:s20], $0x2800  }
0x52: {  	s19 =	sadd.s32 $0x1, s19;
	[sflag:s20] =	ssyncset.done @p0 $0x0  }
0x53: {  	p1 =	sne.s32 s19, s8;
	[sflag:s20] =	ssyncadd.s32 @p0 $0xFFFFD800;
	s20 =	simm.s32 @!p0 $0x2  }
0x54: {  	[hbm:s6], [sflag:s12] =	dma.local @!p0 [spmem:s13], $0x2700  }
.Ltmp1:
0x55: {  	_ =	swait.ge @!p0 [sflag:s20], $0x2700;
	(pc) =	sbr.rel @p1 .LBB2_1-.Ltmp1, $3  }
0x56: {  	[sflag:s20] =	ssyncset.done @!p0 $0x0  }
0x57: {  	[sflag:s20] =	ssyncadd.s32 @!p0 $0xFFFFD900  }
0x58: {  	[bflag:$0x0] =	sbarrier.arrive $0xFFFF;
	_ =	sdelay $0x1  }
0x59: {  	_ =	sfence.sel $0x180000  }
0x5a: {  	[bflag:$0x0] =	sbarrier.arrive $0xFFFF  }
0x5b: {  	p0 =	sne.s32 s0, $0x0;
	_ =	strace $0x90000050  }
0x5c: {  	s0 =	sadd.s32 @!p0 $0x100000, s1;
	[bflag:$0x2] =	sbarrier.arrive $0xFFFF  }
0x5d: {  	[sflag:s0] =	ssyncadd.tile.s32 @!p0 $0x1;
	_ =	shalt  }
.Lfunc_end2:
_tile_overlayer_lowered:
.L_overlay_start_2:
0x5e: {  	(tag) =	ssettag $0x2  }
0x5f: {  	s0 =	rddreg [dreg:$0x0];
	s2 =	stileid.u32  }
0x60: {  	s1 =	rddreg [dreg:$0x1];
	p0 =	sne.s32 s2, $0x0  }
0x61: {  	s3 =	rddreg [dreg:$0x2];
	[bflag:$0x3] =	sbarrier.arrive $0xFFFF;
	s2 =	simm.s32 @!p0 $0x1C02  }
0x62: {  	[timem:s3], [sflag:s2] =	dma.local @!p0 [hbm:s0], s1  }
0x63: {  	s0 =	simm.s32 @!p0 $0x2  }
0x64: {  	_ =	swait.ge @!p0 [sflag:s0], s1  }
0x65: {  	s1 =	ssub.s32 @!p0 $0x0, s1;
	[sflag:s0] =	ssyncset.done @!p0 $0x0  }
0x66: {  	[sflag:s0] =	ssyncadd.s32 @!p0 s1  }
0x67: {  	[bflag:$0x3] =	sbarrier.arrive $0xFFFF  }
0x68: {  	_ =	shalt  }

// kernel: kernel.37.cloned.1.call-start
scs
__scs_entry_jumppad:
0x0: {  	(pc) =	sbr.rel $0x88, $3  }
0x1: {  	(tag) =	ssettag $0x0;
	lr =	simm.s32 $0x1  }
0x2: {  	[smem:$0x3F8A] =	sst lr;
	_ =	strace $0xD0000000  }
0x3: {  	_ = 	snop  }
0x4: {  	_ = 	snop  }
0x5: {  	_ = 	snop  }
0x6: {  	_ = 	snop  }
0x7: {  	_ = 	snop  }
__scs_overlays_trampoline_lowered:
0x8: {  	[smem:$0x3F99] =	sst s0  }
0x9: {  	[smem:$0x3F9A] =	sst s1  }
0xa: {  	[smem:$0x3F9B] =	sst s2  }
0xb: {  	[smem:$0x3F9C] =	sst s3  }
0xc: {  	[smem:$0x3F9D] =	sst s4  }
0xd: {  	[smem:$0x3F9E] =	sst s5  }
0xe: {  	[smem:$0x3F9F] =	sst s6  }
0xf: {  	[smem:$0x3FA0] =	sst s7  }
0x10: {  	[smem:$0x3FA1] =	sst s8  }
0x11: {  	[smem:$0x3FA2] =	sst s9;
	s0 =	simm.s32 @!p0 $0x0  }
0x12: {  	s1 =	sld [smem:$0x3F88];
	s0 =	simm.s32 @p0 $0x1  }
0x13: {  	[smem:$0x3FA3] =	sst s0;
	s0 =	simm.s32 @!p1 $0x0  }
0x14: {  	s2 =	sld [smem:$0x3F87];
	s0 =	simm.s32 @p1 $0x1  }
0x15: {  	[smem:$0x3FA4] =	sst s0;
	s0 =	simm.s32 @!p2 $0x0  }
0x16: {  	s3 =	sld [smem:$0x3FDB];
	s0 =	simm.s32 @p2 $0x1  }
0x17: {  	s4 =	simm.s32 $0x1BF5;
	[smem:$0x3FA6] =	sst s0  }
0x18: {  	s0 =	sld [smem:$0x3F89];
	_ =	swait.ge [sflag:s4], $0x0  }
0x19: {  	s7 =	sld [smem:$0x3F8A]  }
0x1a: {  	s8 =	sadd.s32 $0xFFFFE003, lr  }
0x1b: {  	s9 =	sadd.s32 $0xFFFFFEF7, lr;
	s5 =	simm.s32 $0xFFFFFFFF;
	p2 =	slt.u32 s8, $0xFFFFF086  }
0x1c: {  	p1 =	slt.u32 s9, $0xF7A;
	s5 =	simm.s32 @!p2 $0x0  }
0x1d: {  	s5 =	simm.s32 @p1 $0x1;
	p0 =	seq.s32 s7, s2  }
0x1e: {  	s7 =	smul.u32 @!p0 $0xF7A, s2;
	p2 =	seq.s32 @!p0 s5, $0x0  }
0x1f: {  	s9 =	smul.u32 $0xF7A, s1;
	s8 =	simm.s32 @!p0 $0x1BF5;
	p2 =	por !p2, p0  }
0x20: {  	[sflag:s8] =	ssyncset.s32 @!p0 $0xFFFFF086;
	s6 =	sadd.s32 @!p0 s3, s7;
	s7 =	simm.s32 @!p0 $0x108  }
0x21: {  	s3 =	sadd.s32 s3, s9;
	s6 =	sadd.s32 @!p0 $0x88, s6;
	s7 =	simm.s32 @p2 $0x1082  }
0x22: {  	[simem:s7], [sflag:s8] =	dma.local @!p0 [hbm:s6], $0xF7A  }
0x23: {  	s9 =	sor.u32 $0xD0000000, s2;
	s6 =	simm.s32 $0x108;
	_ =	swait.ge @!p0 [sflag:s8], $0x0  }
0x24: {  	s3 =	sadd.s32 $0x88, s3;
	s6 =	simm.s32 @!p1 $0x1082;
	[sflag:s4] =	ssyncset.s32 $0xFFFFF086  }
0x25: {  	[simem:s6], [sflag:s4] =	dma.local [hbm:s3], $0xF7A  }
0x26: {  	[smem:$0x3F8A] =	sst s1;
	(tag) =	ssettag s2;
	_ =	strace s9  }
0x27: {  	s1 =	sld [smem:$0x3F9A]  }
0x28: {  	s2 =	sld [smem:$0x3F9B]  }
0x29: {  	s4 =	sld [smem:$0x3F9D]  }
0x2a: {  	p0 =	seq.s32 s5, $0x0;
	s5 =	sld [smem:$0x3F9E]  }
0x2b: {  	s6 =	sld [smem:$0x3F9F]  }
0x2c: {  	s7 =	sld [smem:$0x3FA0]  }
0x2d: {  	s3 =	simm.s32 $0x108;
	s8 =	sld [smem:$0x3FA1]  }
0x2e: {  	s3 =	simm.s32 @!p0 $0x1082;
	s9 =	sld [smem:$0x3FA2]  }
0x2f: {  	lr =	sadd.s32 s0, s3;
	s0 =	sld [smem:$0x3F99]  }
0x30: {  	s3 =	sld [smem:$0x3F9C]  }
0x31: {  	[smem:$0x3FA5] =	sst s10  }
0x32: {  	s10 =	sld [smem:$0x3FA3];
	_ =	sdelay $0x3  }
0x33: {  	p0 =	seq.s32 s10, $0x1;
	s10 =	sld [smem:$0x3FA5];
	_ =	sdelay $0x3  }
0x34: {  	[smem:$0x3FA5] =	sst s10  }
0x35: {  	s10 =	sld [smem:$0x3FA4];
	_ =	sdelay $0x3  }
0x36: {  	p1 =	seq.s32 s10, $0x1;
	s10 =	sld [smem:$0x3FA5];
	_ =	sdelay $0x3  }
0x37: {  	[smem:$0x3FA5] =	sst s10  }
0x38: {  	s10 =	sld [smem:$0x3FA6]  }
0x39: {  	_ = 	snop;
	(pc) =	sbr.ind lr, $3  }
0x3a: {  	_ = 	snop  }
0x3b: {  	_ = 	snop  }
0x3c: {  	p2 =	seq.s32 s10, $0x1;
	s10 =	sld [smem:$0x3FA5]  }
0x3d: {  	_ =	shalt  }
0x3e: {  	_ =	shalt  }
0x3f: {  	_ =	shalt  }
0x40: {  	_ =	shalt  }
0x41: {  	_ =	shalt  }
0x42: {  	_ =	shalt  }
0x43: {  	_ =	shalt  }
0x44: {  	_ =	shalt  }
0x45: {  	_ =	shalt  }
0x46: {  	_ =	shalt  }
0x47: {  	_ =	shalt  }
0x48: {  	_ =	shalt  }
0x49: {  	_ =	shalt  }
0x4a: {  	_ =	shalt  }
0x4b: {  	_ =	shalt  }
0x4c: {  	_ =	shalt  }
0x4d: {  	_ =	shalt  }
0x4e: {  	_ =	shalt  }
0x4f: {  	_ =	shalt  }
0x50: {  	_ =	shalt  }
0x51: {  	_ =	shalt  }
0x52: {  	_ =	shalt  }
0x53: {  	_ =	shalt  }
0x54: {  	_ =	shalt  }
0x55: {  	_ =	shalt  }
0x56: {  	_ =	shalt  }
0x57: {  	_ =	shalt  }
0x58: {  	_ =	shalt  }
0x59: {  	_ =	shalt  }
0x5a: {  	_ =	shalt  }
0x5b: {  	_ =	shalt  }
0x5c: {  	_ =	shalt  }
0x5d: {  	_ =	shalt  }
0x5e: {  	_ =	shalt  }
0x5f: {  	_ =	shalt  }
0x60: {  	_ =	shalt  }
0x61: {  	_ =	shalt  }
0x62: {  	_ =	shalt  }
0x63: {  	_ =	shalt  }
0x64: {  	_ =	shalt  }
0x65: {  	_ =	shalt  }
0x66: {  	_ =	shalt  }
0x67: {  	_ =	shalt  }
0x68: {  	_ =	shalt  }
0x69: {  	_ =	shalt  }
0x6a: {  	_ =	shalt  }
0x6b: {  	_ =	shalt  }
0x6c: {  	_ =	shalt  }
0x6d: {  	_ =	shalt  }
0x6e: {  	_ =	shalt  }
0x6f: {  	_ =	shalt  }
0x70: {  	_ =	shalt  }
0x71: {  	_ =	shalt  }
0x72: {  	_ =	shalt  }
0x73: {  	_ =	shalt  }
0x74: {  	_ =	shalt  }
0x75: {  	_ =	shalt  }
0x76: {  	_ =	shalt  }
0x77: {  	_ =	shalt  }
0x78: {  	_ =	shalt  }
0x79: {  	_ =	shalt  }
0x7a: {  	_ =	shalt  }
0x7b: {  	_ =	shalt  }
0x7c: {  	_ =	shalt  }
0x7d: {  	_ =	shalt  }
0x7e: {  	_ =	shalt  }
0x7f: {  	_ =	shalt  }
0x80: {  	_ =	shalt  }
0x81: {  	_ =	shalt  }
0x82: {  	_ =	shalt  }
0x83: {  	_ =	shalt  }
0x84: {  	_ =	shalt  }
0x85: {  	_ =	shalt  }
0x86: {  	_ =	shalt  }
0x87: {  	_ =	shalt  }
.Lfunc_end0:
.L_simem_size_0:
called_computation.4_lowered:
.L_overlay_start_0:
0x88: {  	s2 =	sld [smem:$0x3FD9]  }
0x89: {  	s3 =	sld [smem:$0x3FFE];
	_ =	sdelay $0x1  }
0x8a: {  	s1 =	srdreg.scid  }
0x8b: {  	s0 =	sand.u32 $0x1, s1  }
0x8c: {  	s16 =	sshll.u32 s0, $0xA;
	s2 =	sadd.s32 s3, s2  }
0x8d: {  	s2 =	sadd.s32 s2, s16  }
0x8e: {  	[smem:$0x3FB1] =	sst s2  }
0x8f: {  	_ = 	snop  }
0x90: {  	(tm) =	ssettm $0x1  }
0x91: {  	s17 =	sld [smem:$0x3FFB];
	_ =	sdelay $0x3  }
0x92: {  	_ =	strace s17  }
0x93: {  	s2 =	sld [smem:$0x3FFC];
	_ =	sdelay $0x3  }
0x94: {  	_ =	strace s2  }
0x95: {  	s2 =	sld [smem:$0x3FFD];
	_ =	sdelay $0x3  }
0x96: {  	_ =	strace s2  }
0x97: {  	_ =	strace $0x8FFFFFFF  }
0x98: {  	s18 =	sld [smem:$0x3FDB];
	_ =	sdelay $0x1  }
0x99: {  	s19 =	simm.s32 $_scs_section_size  }
0x9a: {  	s4 =	simm.s32 $_size__tile_overlayer_lowered;
	s5 =	simm.s32 $_tile_overlayer_lowered  }
0x9b: {  	s22 =	simm.s32 $0x1BFF;
	s21 =	sshll.u32 s5, $0x1;
	s2 =	sadd.s32 s19, s18  }
0x9c: {  	s6 =	simm.s32 $0x0;
	s20 =	sshll.u32 s4, $0x1;
	s4 =	sadd.s32 s21, s2  }
0x9d: {  	[timem:s6], [sflag:s22] =	dma.local [hbm:s4], s20  }
0x9e: {  	_ =	swait.ge [sflag:s22], s20  }
0x9f: {  	s3 =	ssub.s32 $0x0, s20;
	[sflag:s22] =	ssyncset.done $0x0  }
0xa0: {  	[sflag:s22] =	ssyncadd.s32 s3;
	_ =	sdelay $0x1  }
0xa1: {  	s23 =	simm.s32 $0x1B8B  }
0xa2: {  	_ =	swait.ge [sflag:s23], $0x1  }
0xa3: {  	[sflag:s23] =	ssyncset.done $0x0  }
0xa4: {  	s25 =	simm.s32 $0x1B8E;
	s24 =	sld [smem:$0x3FFE];
	[sflag:s23] =	ssyncadd.s32 $0xFFFFFFFF  }
0xa5: {  	s26 =	simm.s32 $execute0_lowered;
	[smem:$0x3FD2] =	sst s25  }
0xa6: {  	s4 =	sshll.u32 s26, $0x1;
	_ =	strace $0x80000052;
	[dreg:$0x1] =	wrdreg $0xFFFFFFFF  }
0xa7: {  	s28 =	simm.s32 $_size_execute0_lowered;
	s2 =	sadd.s32 s2, s4;
	[dreg:$0x0] =	wrdreg $0x0  }
0xa8: {  	s4 =	sshll.u32 s28, $0x1;
	[dreg:$0x2] =	wrdreg s2  }
0xa9: {  	[dreg:$0x3] =	wrdreg s4  }
0xaa: {  	[dreg:$0x4] =	wrdreg $0xC0  }
0xab: {  	_ =	task [dreg:s6], $0x5FFFF  }
0xac: {  	[dreg:$0x1] =	wrdreg $0xFFFFFFFF  }
0xad: {  	[dreg:$0x0] =	wrdreg $0x60  }
0xae: {  	[dreg:$0x2] =	wrdreg s24  }
0xaf: {  	[dreg:$0x3] =	wrdreg $0x29000  }
0xb0: {  	[dreg:$0x4] =	wrdreg $0x9  }
0xb1: {  	_ =	task.clear_ibuf [dreg:s6], $0x5FFFF;
	_ =	strace $0x90000052  }
0xb2: {  	s29 =	simm.s32 $0x9;
	_ =	strace $0x80000054  }
0xb3: {  	_ =	swait.ge [sflag:s29], $0x1  }
0xb4: {  	[sflag:s29] =	ssyncadd.s32 $0xFFFFFFFF  }
0xb5: {  	_ =	strace $0x90000054  }
0xb6: {  	_ =	sfence  }
0xb7: {  	s30 =	sld [smem:$0x0];
	_ =	sdelay $0x2  }
0xb8: {  	s31 =	sshll.u32 s1, $0xD;
	s1 =	sshrl.u32 s1, $0x2  }
0xb9: {  	s3 =	sand.u32 $0x4000, s31;
	s1 =	sadd.s32 s1, s30  }
0xba: {  	s0 =	sor.u32 s3, s0;
	s1 =	sshll.u32 s1, $0x11  }
0xbb: {  	s0 =	sor.u32 s1, s0  }
0xbc: {  	s0 =	sadd.s32 $0x8F2B, s0  }
0xbd: {  	[sflag:s0] =	ssyncadd.remote.s32 $0x1  }
0xbe: {  	_ =	sfence.sel $0xFFFF  }
0xbf: {  	[dreg:$0x0] =	wrdreg $0xFFFFFFFF;
	(pc) =	sbr.abs _section_cstart, $3  }
0xc0: {  	[dreg:$0x1] =	wrdreg $0xFFFFFFFF  }
0xc1: {  	_ =	task.clear_ibuf [dreg:s6], $0x2FFFF;
	_ =	strace $0x9FFFFFFF  }
0xc2: {  	(tm) =	ssettm $0x7FFFFFFF  }
0xc3: {  	_ =	shalt  }
tec
execute0_lowered:
.L_overlay_start_1:
0x0: {  	(tag) =	ssettag $0x1  }
0x1: {  	s0 =	rddreg [dreg:$0x0];
	s1 =	srdreg.scid  }
0x2: {  	s2 =	rddreg [dreg:$0x1];
	s22 =	stileid.u32;
	s3 =	simm.s32 $0x0  }
0x3: {  	s23 =	simm.s32 $0x80;
	s24 =	simm.s32 $0x50;
	s25 =	simm.s32 $0x100  }
0x4: {  	s26 =	simm.s32 $0x1;
	s28 =	simm.s32 $0x0;
	s5 =	smul.u32 $0x2710, s22  }
0x5: {  	s1 =	sand.u32 $0x1, s1;
	s7 =	sadd.s32 $0x164E00, s0;
	s12 =	sadd.s32 $0x29D800, s0  }
0x6: {  	[smem:$0x7FF] =	sst s3;
	s9 =	smul.u32 $0x4E000, s22;
	s14 =	sadd.s32 $0x24F600, s0  }
0x7: {  	s8 =	sadd.s32 $0x18C000, s0;
	s16 =	sadd.s32 $0x201400, s0;
	s13 =	smul.u32 $0x13800, s22  }
0x8: {  	s30 =	sadd.s32 $0x124800, s2;
	p0 =	seq.s32 s22, $0xF;
	s22 =	simm.s32 $0x2  }
0x9: {  	s4 =	smul.u32 $0x27100, s1;
	_ =	strace $0x80000053;
	s10 =	ssub.s32 $0x2, s1  }
0xa: {  	s1 =	smul.u32 $0x138800, s1;
	[dreg:$0x4] =	wrdreg s30;
	s11 =	sshrl.u32 s10, $0x1  }
0xb: {  	s9 =	sshrl.u32 s9, $0x2;
	s4 =	sadd.s32 s5, s4;
	s5 =	sadd.s32 $0x116A00, s0  }
0xc: {  	s19 =	ssub.s32 s10, s11;
	s9 =	sadd.s32 s9, s2;
	s29 =	sadd.s32 s13, s1  }
0xd: {  	s1 =	sshrl.u32 s1, $0x3;
	s6 =	sshrl.u32 s4, $0x3;
	s4 =	sadd.s32 $0x29800, s0  }
0xe: {  	[dreg:$0x3] =	wrdreg s9;
	s17 =	sshrl.u32 s29, $0x3;
	s1 =	sadd.s32 $0x24900, s1  }
0xf: {  	s19 =	smax.u32 s19, $0x1;
	s21 =	sadd.s32 s6, s0;
	s6 =	sadd.s32 $0x13DC00, s0  }
0x10: {  	s0 =	sadd.s32 $0x1B3200, s0;
	s31 =	sadd.s32 s12, s17;
	s12 =	sadd.s32 s12, s1  }
0x11: {  	s13 =	sadd.s32 s14, s17;
	s14 =	sadd.s32 s14, s1;
	s15 =	sadd.s32 s16, s17  }
0x12: {  	s16 =	sadd.s32 s16, s1;
	[dreg:$0x5] =	wrdreg s31;
	s17 =	sadd.s32 s0, s17  }
0x13: {  	s18 =	sadd.s32 s0, s1;
	s20 =	sadd.s32 $0x15A00, s21;
	s21 =	sadd.s32 $0xBC00, s21  }
.LBB2_1:
0x14: {  	s0 =	rddreg [dreg:$0x4]  }
0x15: {  	s29 =	sshrl.u32 @p0 s0, $0x3;
	s0 =	simm.s32 @p0 $0x1FC2  }
0x16: {  	[spmem:s29], [sflag:s0] =	dma.local @p0 [hbm:s4], $0x2800  }
0x17: {  	s0 =	simm.s32 @p0 $0x2  }
0x18: {  	_ =	swait.ge @p0 [sflag:s0], $0x2800  }
0x19: {  	s1 =	stileid.u32;
	[sflag:s0] =	ssyncset.done @p0 $0x0  }
0x1a: {  	s1 =	sshll.u32 @!p0 s1, $0x6;
	[sflag:s0] =	ssyncadd.s32 @p0 $0xFFFFD800;
	s0 =	rddreg [dreg:$0x3]  }
0x1b: {  	s30 =	sor.u32 @!p0 $0x1C02, s1;
	s31 =	sshrl.u32 @!p0 s0, $0x3;
	s0 =	simm.s32 @!p0 $0x2  }
0x1c: {  	[spmem:s31], [sflag:s30] =	dma.local @!p0 [hbm:s4], $0x2700  }
0x1d: {  	_ =	swait.ge @!p0 [sflag:s0], $0x2700  }
0x1e: {  	[sflag:s0] =	ssyncset.done @!p0 $0x0  }
0x1f: {  	[sflag:s0] =	ssyncadd.s32 @!p0 $0xFFFFD900  }
0x20: {  	s10 =	sadd.s32 $0x0, s21;
	[bflag:$0x0] =	sbarrier.arrive $0xFFFF  }
0x21: {  	[tilespmem:s3], [sflag:$0x2] =	stream.linear.gather [hbm4b:s10+s3], $0x50, $0x38;
	[tilespmem:$0x16180] =	vst v63  }
0x22: {  	_ =	swait.ge [sflag:s22], $0x50  }
0x23: {  	[sflag:s22] =	ssyncset.done $0x0  }
0x24: {  	s11 =	sadd.s32 $0x0, s20;
	[sflag:s22] =	ssyncadd.s32 $0xFFFFFFB0  }
0x25: {  	[tilespmem:s23], [sflag:$0x2] =	stream.linear.gather [hbm4b:s11+s3], $0x50, $0x38;
	[tilespmem:$0x16180] =	vst v63  }
0x26: {  	_ =	swait.ge [sflag:s22], $0x50  }
0x27: {  	[sflag:s22] =	ssyncset.done $0x0  }
0x28: {  	[sflag:s22] =	ssyncadd.s32 $0xFFFFFFB0  }
0x29: {  	[tilespmem:s25], [sflag:$0x1] =	stream.indirect.gather [hbm4b:s5+s24], $0x80, s3, s24, $0xb8;
	[tilespmem:$0x16180] =	vst v63  }
0x2a: {  	_ =	swait.ge [sflag:s26], $0x2800  }
0x2b: {  	[sflag:s26] =	ssyncset.done $0x0  }
0x2c: {  	[sflag:s26] =	ssyncadd.s32 $0xFFFFD800  }
0x2d: {  	[spmem:s2] =	stream.indirect.scatter.add.f32 [tilespmem:s25], [sflag:$0x2], $0x80, s23, s24, $0xb8;
	[tilespmem:$0x16180] =	vst v63  }
0x2e: {  	_ =	swait.ge [sflag:s22], $0x2800  }
0x2f: {  	s1 =	simm.s32 $0x14;
	s0 =	simm.s32 $0xA;
	[sflag:s22] =	ssyncset.done $0x0  }
.LBB2_2:
0x30: {  	s9 =	sadd.s32 s0, s21  }
0x31: {  	[sflag:s22] =	ssyncadd.s32 $0xFFFFD800;
	s10 =	smov.u32 s1;
	s11 =	sadd.s32 $0xA, s1  }
0x32: {  	[tilespmem:s3], [sflag:$0x2] =	stream.linear.gather [hbm4b:s9+s3], $0x50, $0x38;
	[tilespmem:$0x16180] =	vst v63  }
0x33: {  	p1 =	sne.s32 s1, $0x4D8;
	_ =	swait.ge [sflag:s22], $0x50  }
0x34: {  	[sflag:s22] =	ssyncset.done $0x0  }
0x35: {  	s1 =	sadd.s32 s0, s20;
	s0 =	smov.u32 s10;
	[sflag:s22] =	ssyncadd.s32 $0xFFFFFFB0  }
0x36: {  	[tilespmem:s23], [sflag:$0x2] =	stream.linear.gather [hbm4b:s1+s3], $0x50, $0x38;
	[tilespmem:$0x16180] =	vst v63  }
0x37: {  	_ =	swait.ge [sflag:s22], $0x50  }
0x38: {  	[sflag:s22] =	ssyncset.done $0x0  }
0x39: {  	[sflag:s22] =	ssyncadd.s32 $0xFFFFFFB0  }
0x3a: {  	[tilespmem:s25], [sflag:$0x1] =	stream.indirect.gather [hbm4b:s5+s24], $0x80, s3, s24, $0xb8;
	[tilespmem:$0x16180] =	vst v63  }
0x3b: {  	_ =	swait.ge [sflag:s26], $0x2800  }
.Ltmp0:
0x3c: {  	[sflag:s26] =	ssyncset.done $0x0;
	(pc) =	sbr.rel @p1 .LBB2_2-.Ltmp0, $4  }
0x3d: {  	[sflag:s26] =	ssyncadd.s32 $0xFFFFD800  }
0x3e: {  	[spmem:s2] =	stream.indirect.scatter.add.f32 [tilespmem:s25], [sflag:$0x2], $0x80, s23, s24, $0xb8;
	[tilespmem:$0x16180] =	vst v63  }
0x3f: {  	_ =	swait.ge [sflag:s22], $0x2800  }
0x40: {  	s1 =	smov.u32 s11;
	[sflag:s22] =	ssyncset.done $0x0  }
0x41: {  	s1 =	sadd.s32 s0, s21;
	[sflag:s22] =	ssyncadd.s32 $0xFFFFD800  }
0x42: {  	[tilespmem:s3], [sflag:$0x2] =	stream.linear.gather [hbm4b:s1+s3], $0x50, $0x38;
	[tilespmem:$0x16180] =	vst v63  }
0x43: {  	_ =	swait.ge [sflag:s22], $0x50  }
0x44: {  	[sflag:s22] =	ssyncset.done $0x0  }
0x45: {  	s9 =	sadd.s32 s0, s20;
	[sflag:s22] =	ssyncadd.s32 $0xFFFFFFB0  }
0x46: {  	[tilespmem:s23], [sflag:$0x2] =	stream.linear.gather [hbm4b:s9+s3], $0x50, $0x38;
	[tilespmem:$0x16180] =	vst v63  }
0x47: {  	_ =	swait.ge [sflag:s22], $0x50  }
0x48: {  	[sflag:s22] =	ssyncset.done $0x0  }
0x49: {  	[sflag:s22] =	ssyncadd.s32 $0xFFFFFFB0  }
0x4a: {  	[tilespmem:s25], [sflag:$0x1] =	stream.indirect.gather [hbm4b:s5+s24], $0x80, s3, s24, $0xb8;
	[tilespmem:$0x16180] =	vst v63  }
0x4b: {  	_ =	swait.ge [sflag:s26], $0x2800  }
0x4c: {  	[sflag:s26] =	ssyncset.done $0x0  }
0x4d: {  	[sflag:s26] =	ssyncadd.s32 $0xFFFFD800  }
0x4e: {  	[spmem:s2] =	stream.indirect.scatter.add.f32 [tilespmem:s25], [sflag:$0x2], $0x80, s23, s24, $0xb8;
	[tilespmem:$0x16180] =	vst v63  }
0x4f: {  	_ =	swait.ge [sflag:s22], $0x2800  }
0x50: {  	[sflag:s22] =	ssyncset.done $0x0  }
0x51: {  	[sflag:s22] =	ssyncadd.s32 $0xFFFFD800  }
0x52: {  	s0 =	simm.s32 @p0 $0x1FC2;
	s1 =	simm.s32 @p0 $0x2;
	[bflag:$0x0] =	sbarrier.arrive $0xFFFF  }
0x53: {  	[hbm:s12], [sflag:s0] =	dma.local @p0 [spmem:s29], $0x2800  }
0x54: {  	_ =	swait.ge @p0 [sflag:s1], $0x2800  }
0x55: {  	[sflag:s1] =	ssyncset.done @p0 $0x0  }
0x56: {  	[sflag:s1] =	ssyncadd.s32 @p0 $0xFFFFD800  }
0x57: {  	[bflag:$0x0] =	sbarrier.arrive @p0 $0xFFFF  }
0x58: {  	[spmem:s29], [sflag:s0] =	dma.local @p0 [hbm:s4], $0x2800  }
0x59: {  	_ =	swait.ge @p0 [sflag:s1], $0x2800  }
0x5a: {  	[sflag:s1] =	ssyncset.done @p0 $0x0  }
0x5b: {  	s0 =	rddreg [dreg:$0x5];
	[sflag:s1] =	ssyncadd.s32 @p0 $0xFFFFD800  }
0x5c: {  	[hbm:s0], [sflag:s30] =	dma.local @!p0 [spmem:s31], $0x2700  }
0x5d: {  	s0 =	simm.s32 @!p0 $0x2  }
0x5e: {  	_ =	swait.ge @!p0 [sflag:s0], $0x2700  }
0x5f: {  	[sflag:s0] =	ssyncset.done @!p0 $0x0  }
0x60: {  	[sflag:s0] =	ssyncadd.s32 @!p0 $0xFFFFD900  }
0x61: {  	[bflag:$0x0] =	sbarrier.arrive @!p0 $0xFFFF  }
0x62: {  	[spmem:s31], [sflag:s30] =	dma.local @!p0 [hbm:s4], $0x2700  }
0x63: {  	_ =	swait.ge @!p0 [sflag:s0], $0x2700  }
0x64: {  	[sflag:s0] =	ssyncset.done @!p0 $0x0  }
0x65: {  	[sflag:s0] =	ssyncadd.s32 @!p0 $0xFFFFD900  }
0x66: {  	s10 =	sadd.s32 $0x0, s21;
	[bflag:$0x0] =	sbarrier.arrive $0xFFFF  }
0x67: {  	[tilespmem:s3], [sflag:$0x2] =	stream.linear.gather [hbm4b:s10+s3], $0x50, $0x38;
	[tilespmem:$0x16180] =	vst v63  }
0x68: {  	_ =	swait.ge [sflag:s22], $0x50  }
0x69: {  	[sflag:s22] =	ssyncset.done $0x0  }
0x6a: {  	s11 =	sadd.s32 $0x0, s20;
	[sflag:s22] =	ssyncadd.s32 $0xFFFFFFB0  }
0x6b: {  	[tilespmem:s23], [sflag:$0x2] =	stream.linear.gather [hbm4b:s11+s3], $0x50, $0x38;
	[tilespmem:$0x16180] =	vst v63  }
0x6c: {  	_ =	swait.ge [sflag:s22], $0x50  }
0x6d: {  	[sflag:s22] =	ssyncset.done $0x0  }
0x6e: {  	[sflag:s22] =	ssyncadd.s32 $0xFFFFFFB0  }
0x6f: {  	[tilespmem:s25], [sflag:$0x1] =	stream.indirect.gather [hbm4b:s6+s24], $0x80, s3, s24, $0xb8;
	[tilespmem:$0x16180] =	vst v63  }
0x70: {  	_ =	swait.ge [sflag:s26], $0x2800  }
0x71: {  	[sflag:s26] =	ssyncset.done $0x0  }
0x72: {  	[sflag:s26] =	ssyncadd.s32 $0xFFFFD800  }
0x73: {  	[spmem:s2] =	stream.indirect.scatter.add.f32 [tilespmem:s25], [sflag:$0x2], $0x80, s23, s24, $0xb8;
	[tilespmem:$0x16180] =	vst v63  }
0x74: {  	_ =	swait.ge [sflag:s22], $0x2800  }
0x75: {  	s1 =	simm.s32 $0x14;
	s0 =	simm.s32 $0xA;
	[sflag:s22] =	ssyncset.done $0x0  }
.LBB2_4:
0x76: {  	s9 =	sadd.s32 s0, s21  }
0x77: {  	[sflag:s22] =	ssyncadd.s32 $0xFFFFD800;
	s10 =	smov.u32 s1;
	s11 =	sadd.s32 $0xA, s1  }
0x78: {  	[tilespmem:s3], [sflag:$0x2] =	stream.linear.gather [hbm4b:s9+s3], $0x50, $0x38;
	[tilespmem:$0x16180] =	vst v63  }
0x79: {  	p1 =	sne.s32 s1, $0x4D8;
	_ =	swait.ge [sflag:s22], $0x50  }
0x7a: {  	[sflag:s22] =	ssyncset.done $0x0  }
0x7b: {  	s1 =	sadd.s32 s0, s20;
	s0 =	smov.u32 s10;
	[sflag:s22] =	ssyncadd.s32 $0xFFFFFFB0  }
0x7c: {  	[tilespmem:s23], [sflag:$0x2] =	stream.linear.gather [hbm4b:s1+s3], $0x50, $0x38;
	[tilespmem:$0x16180] =	vst v63  }
0x7d: {  	_ =	swait.ge [sflag:s22], $0x50  }
0x7e: {  	[sflag:s22] =	ssyncset.done $0x0  }
0x7f: {  	[sflag:s22] =	ssyncadd.s32 $0xFFFFFFB0  }
0x80: {  	[tilespmem:s25], [sflag:$0x1] =	stream.indirect.gather [hbm4b:s6+s24], $0x80, s3, s24, $0xb8;
	[tilespmem:$0x16180] =	vst v63  }
0x81: {  	_ =	swait.ge [sflag:s26], $0x2800  }
.Ltmp1:
0x82: {  	[sflag:s26] =	ssyncset.done $0x0;
	(pc) =	sbr.rel @p1 .LBB2_4-.Ltmp1, $4  }
0x83: {  	[sflag:s26] =	ssyncadd.s32 $0xFFFFD800  }
0x84: {  	[spmem:s2] =	stream.indirect.scatter.add.f32 [tilespmem:s25], [sflag:$0x2], $0x80, s23, s24, $0xb8;
	[tilespmem:$0x16180] =	vst v63  }
0x85: {  	_ =	swait.ge [sflag:s22], $0x2800  }
0x86: {  	s1 =	smov.u32 s11;
	[sflag:s22] =	ssyncset.done $0x0  }
0x87: {  	s1 =	sadd.s32 s0, s21;
	[sflag:s22] =	ssyncadd.s32 $0xFFFFD800  }
0x88: {  	[tilespmem:s3], [sflag:$0x2] =	stream.linear.gather [hbm4b:s1+s3], $0x50, $0x38;
	[tilespmem:$0x16180] =	vst v63  }
0x89: {  	_ =	swait.ge [sflag:s22], $0x50  }
0x8a: {  	[sflag:s22] =	ssyncset.done $0x0  }
0x8b: {  	s9 =	sadd.s32 s0, s20;
	[sflag:s22] =	ssyncadd.s32 $0xFFFFFFB0  }
0x8c: {  	[tilespmem:s23], [sflag:$0x2] =	stream.linear.gather [hbm4b:s9+s3], $0x50, $0x38;
	[tilespmem:$0x16180] =	vst v63  }
0x8d: {  	_ =	swait.ge [sflag:s22], $0x50  }
0x8e: {  	[sflag:s22] =	ssyncset.done $0x0  }
0x8f: {  	[sflag:s22] =	ssyncadd.s32 $0xFFFFFFB0  }
0x90: {  	[tilespmem:s25], [sflag:$0x1] =	stream.indirect.gather [hbm4b:s6+s24], $0x80, s3, s24, $0xb8;
	[tilespmem:$0x16180] =	vst v63  }
0x91: {  	_ =	swait.ge [sflag:s26], $0x2800  }
0x92: {  	[sflag:s26] =	ssyncset.done $0x0  }
0x93: {  	[sflag:s26] =	ssyncadd.s32 $0xFFFFD800  }
0x94: {  	[spmem:s2] =	stream.indirect.scatter.add.f32 [tilespmem:s25], [sflag:$0x2], $0x80, s23, s24, $0xb8;
	[tilespmem:$0x16180] =	vst v63  }
0x95: {  	_ =	swait.ge [sflag:s22], $0x2800  }
0x96: {  	[sflag:s22] =	ssyncset.done $0x0  }
0x97: {  	[sflag:s22] =	ssyncadd.s32 $0xFFFFD800  }
0x98: {  	s0 =	simm.s32 @p0 $0x1FC2;
	s1 =	simm.s32 @p0 $0x2;
	[bflag:$0x0] =	sbarrier.arrive $0xFFFF  }
0x99: {  	[hbm:s14], [sflag:s0] =	dma.local @p0 [spmem:s29], $0x2800  }
0x9a: {  	_ =	swait.ge @p0 [sflag:s1], $0x2800  }
0x9b: {  	[sflag:s1] =	ssyncset.done @p0 $0x0  }
0x9c: {  	[sflag:s1] =	ssyncadd.s32 @p0 $0xFFFFD800  }
0x9d: {  	[bflag:$0x0] =	sbarrier.arrive @p0 $0xFFFF  }
0x9e: {  	[spmem:s29], [sflag:s0] =	dma.local @p0 [hbm:s4], $0x2800  }
0x9f: {  	_ =	swait.ge @p0 [sflag:s1], $0x2800  }
0xa0: {  	[sflag:s1] =	ssyncset.done @p0 $0x0  }
0xa1: {  	s0 =	simm.s32 @!p0 $0x2;
	[sflag:s1] =	ssyncadd.s32 @p0 $0xFFFFD800  }
0xa2: {  	[hbm:s13], [sflag:s30] =	dma.local @!p0 [spmem:s31], $0x2700  }
0xa3: {  	_ =	swait.ge @!p0 [sflag:s0], $0x2700  }
0xa4: {  	[sflag:s0] =	ssyncset.done @!p0 $0x0  }
0xa5: {  	[sflag:s0] =	ssyncadd.s32 @!p0 $0xFFFFD900  }
0xa6: {  	[bflag:$0x0] =	sbarrier.arrive @!p0 $0xFFFF  }
0xa7: {  	[spmem:s31], [sflag:s30] =	dma.local @!p0 [hbm:s4], $0x2700  }
0xa8: {  	_ =	swait.ge @!p0 [sflag:s0], $0x2700  }
0xa9: {  	[sflag:s0] =	ssyncset.done @!p0 $0x0  }
0xaa: {  	[sflag:s0] =	ssyncadd.s32 @!p0 $0xFFFFD900  }
0xab: {  	s10 =	sadd.s32 $0x0, s21;
	[bflag:$0x0] =	sbarrier.arrive $0xFFFF  }
0xac: {  	[tilespmem:s3], [sflag:$0x2] =	stream.linear.gather [hbm4b:s10+s3], $0x50, $0x38;
	[tilespmem:$0x16180] =	vst v63  }
0xad: {  	_ =	swait.ge [sflag:s22], $0x50  }
0xae: {  	[sflag:s22] =	ssyncset.done $0x0  }
0xaf: {  	s11 =	sadd.s32 $0x0, s20;
	[sflag:s22] =	ssyncadd.s32 $0xFFFFFFB0  }
0xb0: {  	[tilespmem:s23], [sflag:$0x2] =	stream.linear.gather [hbm4b:s11+s3], $0x50, $0x38;
	[tilespmem:$0x16180] =	vst v63  }
0xb1: {  	_ =	swait.ge [sflag:s22], $0x50  }
0xb2: {  	[sflag:s22] =	ssyncset.done $0x0  }
0xb3: {  	[sflag:s22] =	ssyncadd.s32 $0xFFFFFFB0  }
0xb4: {  	[tilespmem:s25], [sflag:$0x1] =	stream.indirect.gather [hbm4b:s7+s24], $0x80, s3, s24, $0xb8;
	[tilespmem:$0x16180] =	vst v63  }
0xb5: {  	_ =	swait.ge [sflag:s26], $0x2800  }
0xb6: {  	[sflag:s26] =	ssyncset.done $0x0  }
0xb7: {  	[sflag:s26] =	ssyncadd.s32 $0xFFFFD800  }
0xb8: {  	[spmem:s2] =	stream.indirect.scatter.add.f32 [tilespmem:s25], [sflag:$0x2], $0x80, s23, s24, $0xb8;
	[tilespmem:$0x16180] =	vst v63  }
0xb9: {  	_ =	swait.ge [sflag:s22], $0x2800  }
0xba: {  	s1 =	simm.s32 $0x14;
	s0 =	simm.s32 $0xA;
	[sflag:s22] =	ssyncset.done $0x0  }
.LBB2_6:
0xbb: {  	s9 =	sadd.s32 s0, s21  }
0xbc: {  	[sflag:s22] =	ssyncadd.s32 $0xFFFFD800;
	s10 =	smov.u32 s1;
	s11 =	sadd.s32 $0xA, s1  }
0xbd: {  	[tilespmem:s3], [sflag:$0x2] =	stream.linear.gather [hbm4b:s9+s3], $0x50, $0x38;
	[tilespmem:$0x16180] =	vst v63  }
0xbe: {  	p1 =	sne.s32 s1, $0x4D8;
	_ =	swait.ge [sflag:s22], $0x50  }
0xbf: {  	[sflag:s22] =	ssyncset.done $0x0  }
0xc0: {  	s1 =	sadd.s32 s0, s20;
	s0 =	smov.u32 s10;
	[sflag:s22] =	ssyncadd.s32 $0xFFFFFFB0  }
0xc1: {  	[tilespmem:s23], [sflag:$0x2] =	stream.linear.gather [hbm4b:s1+s3], $0x50, $0x38;
	[tilespmem:$0x16180] =	vst v63  }
0xc2: {  	_ =	swait.ge [sflag:s22], $0x50  }
0xc3: {  	[sflag:s22] =	ssyncset.done $0x0  }
0xc4: {  	[sflag:s22] =	ssyncadd.s32 $0xFFFFFFB0  }
0xc5: {  	[tilespmem:s25], [sflag:$0x1] =	stream.indirect.gather [hbm4b:s7+s24], $0x80, s3, s24, $0xb8;
	[tilespmem:$0x16180] =	vst v63  }
0xc6: {  	_ =	swait.ge [sflag:s26], $0x2800  }
.Ltmp2:
0xc7: {  	[sflag:s26] =	ssyncset.done $0x0;
	(pc) =	sbr.rel @p1 .LBB2_6-.Ltmp2, $4  }
0xc8: {  	[sflag:s26] =	ssyncadd.s32 $0xFFFFD800  }
0xc9: {  	[spmem:s2] =	stream.indirect.scatter.add.f32 [tilespmem:s25], [sflag:$0x2], $0x80, s23, s24, $0xb8;
	[tilespmem:$0x16180] =	vst v63  }
0xca: {  	_ =	swait.ge [sflag:s22], $0x2800  }
0xcb: {  	s1 =	smov.u32 s11;
	[sflag:s22] =	ssyncset.done $0x0  }
0xcc: {  	s1 =	sadd.s32 s0, s21;
	[sflag:s22] =	ssyncadd.s32 $0xFFFFD800  }
0xcd: {  	[tilespmem:s3], [sflag:$0x2] =	stream.linear.gather [hbm4b:s1+s3], $0x50, $0x38;
	[tilespmem:$0x16180] =	vst v63  }
0xce: {  	_ =	swait.ge [sflag:s22], $0x50  }
0xcf: {  	[sflag:s22] =	ssyncset.done $0x0  }
0xd0: {  	s9 =	sadd.s32 s0, s20;
	[sflag:s22] =	ssyncadd.s32 $0xFFFFFFB0  }
0xd1: {  	[tilespmem:s23], [sflag:$0x2] =	stream.linear.gather [hbm4b:s9+s3], $0x50, $0x38;
	[tilespmem:$0x16180] =	vst v63  }
0xd2: {  	_ =	swait.ge [sflag:s22], $0x50  }
0xd3: {  	[sflag:s22] =	ssyncset.done $0x0  }
0xd4: {  	[sflag:s22] =	ssyncadd.s32 $0xFFFFFFB0  }
0xd5: {  	[tilespmem:s25], [sflag:$0x1] =	stream.indirect.gather [hbm4b:s7+s24], $0x80, s3, s24, $0xb8;
	[tilespmem:$0x16180] =	vst v63  }
0xd6: {  	_ =	swait.ge [sflag:s26], $0x2800  }
0xd7: {  	[sflag:s26] =	ssyncset.done $0x0  }
0xd8: {  	[sflag:s26] =	ssyncadd.s32 $0xFFFFD800  }
0xd9: {  	[spmem:s2] =	stream.indirect.scatter.add.f32 [tilespmem:s25], [sflag:$0x2], $0x80, s23, s24, $0xb8;
	[tilespmem:$0x16180] =	vst v63  }
0xda: {  	_ =	swait.ge [sflag:s22], $0x2800  }
0xdb: {  	[sflag:s22] =	ssyncset.done $0x0  }
0xdc: {  	[sflag:s22] =	ssyncadd.s32 $0xFFFFD800  }
0xdd: {  	s0 =	simm.s32 @p0 $0x1FC2;
	s1 =	simm.s32 @p0 $0x2;
	[bflag:$0x0] =	sbarrier.arrive $0xFFFF  }
0xde: {  	[hbm:s16], [sflag:s0] =	dma.local @p0 [spmem:s29], $0x2800  }
0xdf: {  	_ =	swait.ge @p0 [sflag:s1], $0x2800  }
0xe0: {  	[sflag:s1] =	ssyncset.done @p0 $0x0  }
0xe1: {  	[sflag:s1] =	ssyncadd.s32 @p0 $0xFFFFD800  }
0xe2: {  	[bflag:$0x0] =	sbarrier.arrive @p0 $0xFFFF  }
0xe3: {  	[spmem:s29], [sflag:s0] =	dma.local @p0 [hbm:s4], $0x2800  }
0xe4: {  	_ =	swait.ge @p0 [sflag:s1], $0x2800  }
0xe5: {  	[sflag:s1] =	ssyncset.done @p0 $0x0  }
0xe6: {  	s0 =	simm.s32 @!p0 $0x2;
	[sflag:s1] =	ssyncadd.s32 @p0 $0xFFFFD800  }
0xe7: {  	[hbm:s15], [sflag:s30] =	dma.local @!p0 [spmem:s31], $0x2700  }
0xe8: {  	_ =	swait.ge @!p0 [sflag:s0], $0x2700  }
0xe9: {  	[sflag:s0] =	ssyncset.done @!p0 $0x0  }
0xea: {  	[sflag:s0] =	ssyncadd.s32 @!p0 $0xFFFFD900  }
0xeb: {  	[bflag:$0x0] =	sbarrier.arrive @!p0 $0xFFFF  }
0xec: {  	[spmem:s31], [sflag:s30] =	dma.local @!p0 [hbm:s4], $0x2700  }
0xed: {  	_ =	swait.ge @!p0 [sflag:s0], $0x2700  }
0xee: {  	[sflag:s0] =	ssyncset.done @!p0 $0x0  }
0xef: {  	[sflag:s0] =	ssyncadd.s32 @!p0 $0xFFFFD900  }
0xf0: {  	s10 =	sadd.s32 $0x0, s21;
	[bflag:$0x0] =	sbarrier.arrive $0xFFFF  }
0xf1: {  	[tilespmem:s3], [sflag:$0x2] =	stream.linear.gather [hbm4b:s10+s3], $0x50, $0x38;
	[tilespmem:$0x16180] =	vst v63  }
0xf2: {  	_ =	swait.ge [sflag:s22], $0x50  }
0xf3: {  	[sflag:s22] =	ssyncset.done $0x0  }
0xf4: {  	s11 =	sadd.s32 $0x0, s20;
	[sflag:s22] =	ssyncadd.s32 $0xFFFFFFB0  }
0xf5: {  	[tilespmem:s23], [sflag:$0x2] =	stream.linear.gather [hbm4b:s11+s3], $0x50, $0x38;
	[tilespmem:$0x16180] =	vst v63  }
0xf6: {  	_ =	swait.ge [sflag:s22], $0x50  }
0xf7: {  	[sflag:s22] =	ssyncset.done $0x0  }
0xf8: {  	[sflag:s22] =	ssyncadd.s32 $0xFFFFFFB0  }
0xf9: {  	[tilespmem:s25], [sflag:$0x1] =	stream.indirect.gather [hbm4b:s8+s24], $0x80, s3, s24, $0xb8;
	[tilespmem:$0x16180] =	vst v63  }
0xfa: {  	_ =	swait.ge [sflag:s26], $0x2800  }
0xfb: {  	[sflag:s26] =	ssyncset.done $0x0  }
0xfc: {  	[sflag:s26] =	ssyncadd.s32 $0xFFFFD800  }
0xfd: {  	[spmem:s2] =	stream.indirect.scatter.add.f32 [tilespmem:s25], [sflag:$0x2], $0x80, s23, s24, $0xb8;
	[tilespmem:$0x16180] =	vst v63  }
0xfe: {  	_ =	swait.ge [sflag:s22], $0x2800  }
0xff: {  	s1 =	simm.s32 $0x14;
	s0 =	simm.s32 $0xA;
	[sflag:s22] =	ssyncset.done $0x0  }
.LBB2_8:
0x100: {  	s9 =	sadd.s32 s0, s21  }
0x101: {  	[sflag:s22] =	ssyncadd.s32 $0xFFFFD800;
	s10 =	smov.u32 s1;
	s11 =	sadd.s32 $0xA, s1  }
0x102: {  	[tilespmem:s3], [sflag:$0x2] =	stream.linear.gather [hbm4b:s9+s3], $0x50, $0x38;
	[tilespmem:$0x16180] =	vst v63  }
0x103: {  	p1 =	sne.s32 s1, $0x4D8;
	_ =	swait.ge [sflag:s22], $0x50  }
0x104: {  	[sflag:s22] =	ssyncset.done $0x0  }
0x105: {  	s1 =	sadd.s32 s0, s20;
	s0 =	smov.u32 s10;
	[sflag:s22] =	ssyncadd.s32 $0xFFFFFFB0  }
0x106: {  	[tilespmem:s23], [sflag:$0x2] =	stream.linear.gather [hbm4b:s1+s3], $0x50, $0x38;
	[tilespmem:$0x16180] =	vst v63  }
0x107: {  	_ =	swait.ge [sflag:s22], $0x50  }
0x108: {  	[sflag:s22] =	ssyncset.done $0x0  }
0x109: {  	[sflag:s22] =	ssyncadd.s32 $0xFFFFFFB0  }
0x10a: {  	[tilespmem:s25], [sflag:$0x1] =	stream.indirect.gather [hbm4b:s8+s24], $0x80, s3, s24, $0xb8;
	[tilespmem:$0x16180] =	vst v63  }
0x10b: {  	_ =	swait.ge [sflag:s26], $0x2800  }
.Ltmp3:
0x10c: {  	[sflag:s26] =	ssyncset.done $0x0;
	(pc) =	sbr.rel @p1 .LBB2_8-.Ltmp3, $4  }
0x10d: {  	[sflag:s26] =	ssyncadd.s32 $0xFFFFD800  }
0x10e: {  	[spmem:s2] =	stream.indirect.scatter.add.f32 [tilespmem:s25], [sflag:$0x2], $0x80, s23, s24, $0xb8;
	[tilespmem:$0x16180] =	vst v63  }
0x10f: {  	_ =	swait.ge [sflag:s22], $0x2800  }
0x110: {  	s1 =	smov.u32 s11;
	[sflag:s22] =	ssyncset.done $0x0  }
0x111: {  	s1 =	sadd.s32 s0, s21;
	[sflag:s22] =	ssyncadd.s32 $0xFFFFD800  }
0x112: {  	[tilespmem:s3], [sflag:$0x2] =	stream.linear.gather [hbm4b:s1+s3], $0x50, $0x38;
	[tilespmem:$0x16180] =	vst v63  }
0x113: {  	_ =	swait.ge [sflag:s22], $0x50  }
0x114: {  	[sflag:s22] =	ssyncset.done $0x0  }
0x115: {  	s11 =	sadd.s32 s0, s20;
	[sflag:s22] =	ssyncadd.s32 $0xFFFFFFB0  }
0x116: {  	[tilespmem:s23], [sflag:$0x2] =	stream.linear.gather [hbm4b:s11+s3], $0x50, $0x38;
	[tilespmem:$0x16180] =	vst v63  }
0x117: {  	_ =	swait.ge [sflag:s22], $0x50  }
0x118: {  	[sflag:s22] =	ssyncset.done $0x0  }
0x119: {  	[sflag:s22] =	ssyncadd.s32 $0xFFFFFFB0  }
0x11a: {  	[tilespmem:s25], [sflag:$0x1] =	stream.indirect.gather [hbm4b:s8+s24], $0x80, s3, s24, $0xb8;
	[tilespmem:$0x16180] =	vst v63  }
0x11b: {  	_ =	swait.ge [sflag:s26], $0x2800  }
0x11c: {  	[sflag:s26] =	ssyncset.done $0x0  }
0x11d: {  	[sflag:s26] =	ssyncadd.s32 $0xFFFFD800  }
0x11e: {  	[spmem:s2] =	stream.indirect.scatter.add.f32 [tilespmem:s25], [sflag:$0x2], $0x80, s23, s24, $0xb8;
	[tilespmem:$0x16180] =	vst v63  }
0x11f: {  	_ =	swait.ge [sflag:s22], $0x2800  }
0x120: {  	[sflag:s22] =	ssyncset.done $0x0  }
0x121: {  	[sflag:s22] =	ssyncadd.s32 $0xFFFFD800  }
0x122: {  	s0 =	simm.s32 @p0 $0x1FC2;
	[bflag:$0x0] =	sbarrier.arrive $0xFFFF  }
0x123: {  	[hbm:s18], [sflag:s0] =	dma.local @p0 [spmem:s29], $0x2800  }
0x124: {  	s0 =	simm.s32 @p0 $0x2  }
0x125: {  	_ =	swait.ge @p0 [sflag:s0], $0x2800  }
0x126: {  	s28 =	sadd.s32 $0x1, s28;
	[sflag:s0] =	ssyncset.done @p0 $0x0  }
0x127: {  	p1 =	sne.s32 s28, s19;
	[sflag:s0] =	ssyncadd.s32 @p0 $0xFFFFD800;
	s0 =	simm.s32 @!p0 $0x2  }
0x128: {  	[hbm:s17], [sflag:s30] =	dma.local @!p0 [spmem:s31], $0x2700  }
.Ltmp4:
0x129: {  	_ =	swait.ge @!p0 [sflag:s0], $0x2700;
	(pc) =	sbr.rel @p1 .LBB2_1-.Ltmp4, $3  }
0x12a: {  	[sflag:s0] =	ssyncset.done @!p0 $0x0  }
0x12b: {  	[sflag:s0] =	ssyncadd.s32 @!p0 $0xFFFFD900  }
0x12c: {  	[bflag:$0x0] =	sbarrier.arrive $0xFFFF;
	_ =	sdelay $0x1  }
0x12d: {  	_ =	sfence.sel $0x180000  }
0x12e: {  	[bflag:$0x0] =	sbarrier.arrive $0xFFFF  }
0x12f: {  	_ =	strace $0x90000053  }
0x130: {  	s0 =	stileid.u32;
	[bflag:$0x2] =	sbarrier.arrive $0xFFFF  }
0x131: {  	p0 =	sne.s32 s0, $0x0;
	s0 =	rddreg [dreg:$0x2]  }
0x132: {  	s0 =	sadd.s32 @!p0 $0x100000, s0  }
0x133: {  	[sflag:s0] =	ssyncadd.tile.s32 @!p0 $0x1;
	_ =	shalt  }
.Lfunc_end2:
_tile_overlayer_lowered:
.L_overlay_start_2:
0x134: {  	(tag) =	ssettag $0x2  }
0x135: {  	s0 =	rddreg [dreg:$0x0];
	s2 =	stileid.u32  }
0x136: {  	s1 =	rddreg [dreg:$0x1];
	p0 =	sne.s32 s2, $0x0  }
0x137: {  	s3 =	rddreg [dreg:$0x2];
	[bflag:$0x3] =	sbarrier.arrive $0xFFFF;
	s2 =	simm.s32 @!p0 $0x1C02  }
0x138: {  	[timem:s3], [sflag:s2] =	dma.local @!p0 [hbm:s0], s1  }
0x139: {  	s0 =	simm.s32 @!p0 $0x2  }
0x13a: {  	_ =	swait.ge @!p0 [sflag:s0], s1  }
0x13b: {  	s1 =	ssub.s32 @!p0 $0x0, s1;
	[sflag:s0] =	ssyncset.done @!p0 $0x0  }
0x13c: {  	[sflag:s0] =	ssyncadd.s32 @!p0 s1  }
0x13d: {  	[bflag:$0x3] =	sbarrier.arrive $0xFFFF  }
0x13e: {  	_ =	shalt  }

</sc_bundles>
